<compile_context>
chip_gen: v7x
topology: tpu7x:2x2x1
jax: 0.10.2.dev20260603
libtpu: 0.0.44.dev20260713+nightly
codegen_flags: <defaults>
</compile_context>

<pallas_src>
import functools

import jax
import jax.numpy as jnp
from jax import lax
from jax.experimental import pallas as pl
from jax.experimental.pallas import tpu as pltpu
from jax.experimental.pallas import tpu_sc as plsc

B, L, D, V = 1024, 512, 640, 5
VPAD = 8
K2 = 16
BB = 8
NSB = B // BB

NC, NS = 2, 16
NW = NC * NS
SB_W = NSB // NW
TOK_W = SB_W * L * BB


def _ptable_body(et_ref, w_ref, b_ref, pt_ref, t2_ref):
    et = et_ref[...]
    w = w_ref[...]
    proj = lax.dot_general(
        et, w, (((1,), (1,)), ((), ())), preferred_element_type=jnp.float32
    )
    pt = proj + b_ref[...][None, :]
    hi = pt.astype(jnp.bfloat16)
    lo = (pt - hi.astype(jnp.float32)).astype(jnp.bfloat16)
    pt_ref[...] = pt
    t2_ref[...] = jnp.concatenate([hi, lo], axis=0)


def _lookup_body(tokT_ref, t2_ref, out_ref):
    tb = tokT_ref[0]
    t2 = t2_ref[...]
    iota = lax.broadcasted_iota(jnp.int32, (1, K2), 1) & 7
    for bb in range(BB):
        col = tb[:, bb : bb + 1]
        oh = (col == iota)
        emb_bb = lax.dot_general(
            oh.astype(jnp.bfloat16), t2,
            (((1,), (0,)), ((), ())), preferred_element_type=jnp.float32,
        )
        out_ref[bb] = emb_bb


def _pooled_sc_body(tok_hbm, pt_hbm, out_hbm, tok_v, pt_v, out_v):
    wid = lax.axis_index("s") * NC + lax.axis_index("c")
    pltpu.sync_copy(tok_hbm.at[pl.ds(wid * TOK_W, TOK_W)], tok_v)
    pltpu.sync_copy(pt_hbm, pt_v)
    swap_idx = (lax.iota(jnp.int32, 16) + 8) & 15
    for s in range(SB_W):
        def step(i, accs):
            tv = tok_v[pl.ds(s * (L * BB) + i * 16, 16)]
            return tuple(
                a + jnp.where(tv == v, 1.0, 0.0)
                for v, a in enumerate(accs)
            )

        accs = lax.fori_loop(
            0, L * BB // 16, step,
            tuple(jnp.zeros((16,), jnp.float32) for _ in range(V)),
        )
        folded = [a + jnp.take(a, swap_idx, axis=0) for a in accs]
        for r in range(BB):
            ridx = jnp.full((16,), r, jnp.int32)
            cnts = [
                jnp.take(f, ridx, axis=0) * (1.0 / L) for f in folded
            ]
            base = (s * BB + r) * D

            def d_body(d, c, cnts=cnts):
                vec = cnts[0] * pt_v[pl.ds(d * 16, 16)]
                for v in range(1, V):
                    vec = vec + cnts[v] * pt_v[pl.ds(v * D + d * 16, 16)]
                out_v[pl.ds(base + d * 16, 16)] = vec
                return c

            lax.fori_loop(0, D // 16, d_body, 0)
    pltpu.sync_copy(out_v, out_hbm.at[pl.ds(wid * (32 * D), 32 * D)])


_pooled_sc = functools.partial(
    pl.kernel,
    mesh=plsc.VectorSubcoreMesh(core_axis_name="c", subcore_axis_name="s"),
    out_type=jax.ShapeDtypeStruct((B * D,), jnp.float32),
    scratch_types=[
        pltpu.VMEM((TOK_W,), jnp.int32),
        pltpu.VMEM((VPAD * D,), jnp.float32),
        pltpu.VMEM((32 * D,), jnp.float32),
    ],
)(_pooled_sc_body)


@jax.jit
def kernel(tokens, embed_table, W, b):
    et_pad = jnp.zeros((VPAD, D), jnp.float32).at[:V].set(embed_table)
    ptable, table2 = pl.pallas_call(
        _ptable_body,
        out_shape=[
            jax.ShapeDtypeStruct((VPAD, D), jnp.float32),
            jax.ShapeDtypeStruct((K2, D), jnp.bfloat16),
        ],
    )(et_pad, W, b)

    tokens_T = tokens.reshape(NSB, BB, L).transpose(0, 2, 1)

    pooled = _pooled_sc(tokens_T.reshape(-1), ptable.reshape(-1)).reshape(B, D)

    emb = pl.pallas_call(
        _lookup_body,
        grid=(NSB,),
        in_specs=[
            pl.BlockSpec((1, L, BB), lambda i: (i, 0, 0)),
            pl.BlockSpec((K2, D), lambda i: (0, 0)),
        ],
        out_specs=pl.BlockSpec((BB, L, D), lambda i: (i, 0, 0)),
        out_shape=jax.ShapeDtypeStruct((B, L, D), jnp.float32),
    )(tokens_T, table2)
    return (emb, pooled, tokens)

# --- scband reference (transcript-rebuilt; emitter-appended) ---
"""Pipeline reference for scband-mock-rnaencoder-62423054680147 (READ-ONLY COPY).

The authoritative reference and input builder live on the scoring server;
editing this copy changes nothing except your own understanding.
"""

import jax, jax.numpy as jnp
import numpy as np

B, L, D, V = 1024, 512, 640, 5

def setup_inputs(seed: int = 0) -> dict:
    key = jax.random.key(seed)
    k1, k2, k3 = jax.random.split(key, 3)
    tokens = jax.random.randint(k1, (B, L), 0, V, dtype=jnp.int32)
    embed_table = jax.random.normal(k2, (V, D), dtype=jnp.float32)
    W = jax.random.normal(k3, (D, D), dtype=jnp.float32) * (1.0 / np.sqrt(D))
    b = jnp.zeros((D,), dtype=jnp.float32)
    return {"tokens": tokens, "embed_table": embed_table, "W": W, "b": b}

def reference(tokens, embed_table, W, b):
    # emb = self.embed(tokens)
    emb = jnp.take(embed_table, tokens, axis=0)  # [B, L, D]
    # emb = self.proj(emb)  (nn.Linear: x @ W.T + b)
    emb = emb @ W.T + b
    # pooled = emb.mean(dim=1)
    pooled = emb.mean(axis=1)  # [B, D]
    return (emb, pooled, tokens)

if __name__ == "__main__":
    import jax
    _d = setup_inputs()
    print(jax.jit(kernel)(*tuple(_d.values())))

</pallas_src>

<mosaic_0001>
#map = affine_map<(d0, d1) -> (0)>
module attributes {stable_mosaic.version = 14 : i64} {
  func.func @_pooled_sc_body(%arg0: i32, %arg1: i32, %arg2: memref<524288xi32, #tpu.memory_space<hbm>>, %arg3: memref<5120xf32, #tpu.memory_space<hbm>>, %arg4: memref<655360xf32, #tpu.memory_space<hbm>>, %arg5: memref<16384xi32, #tpu.memory_space<vmem>>, %arg6: memref<5120xf32, #tpu.memory_space<vmem>>, %arg7: memref<20480xf32, #tpu.memory_space<vmem>>) attributes {dimension_semantics = [#tpu.dimension_semantics<core_parallel>, #tpu.dimension_semantics<subcore_parallel>], iteration_bounds = array<i64: 2, 16>, scalar_prefetch = 0 : i64, scratch_operands = 3 : i64, tpu.core_type = #tpu.core_type<sc_vector_subcore>, window_params = [{transform_indices = #map}, {transform_indices = #map}, {transform_indices = #map}]} {
    %mul3A = arith.constant 2 : i32
    %mul3A_0 = arith.muli %arg1, %mul3A : i32
    %add3A = arith.addi %mul3A_0, %arg0 : i32
    %mul3A_1 = arith.constant 16384 : i32
    %mul3A_2 = arith.muli %add3A, %mul3A_1 : i32
    "tpu.region"() ({
      %run_scoped3A = tpu.sem_alloc : memref<!tpu.dma_semaphore, #tpu.memory_space<semaphore_mem>>
      %dma_start3A = tpu.memref_slice %arg2[%mul3A_2] : memref<524288xi32, #tpu.memory_space<hbm>> -> memref<16384xi32, #tpu.memory_space<hbm>>
      %dma_start3A_2625 = tpu.memref_slice %arg2[%mul3A_2] : memref<524288xi32, #tpu.memory_space<hbm>> -> memref<16384xi32, #tpu.memory_space<hbm>>
      tpu.enqueue_dma source(%dma_start3A_2625 : memref<16384xi32, #tpu.memory_space<hbm>>) target(%arg5 : memref<16384xi32, #tpu.memory_space<vmem>>) target_semaphore(%run_scoped3A : memref<!tpu.dma_semaphore, #tpu.memory_space<semaphore_mem>>)
      %dma_wait3A = tpu.memref_slice %arg2[%mul3A_2] : memref<524288xi32, #tpu.memory_space<hbm>> -> memref<16384xi32, #tpu.memory_space<hbm>>
      %dma_wait3A_2626 = tpu.memref_slice %arg2[%mul3A_2] : memref<524288xi32, #tpu.memory_space<hbm>> -> memref<16384xi32, #tpu.memory_space<hbm>>
      tpu.wait_dma2 semaphore(%run_scoped3A : memref<!tpu.dma_semaphore, #tpu.memory_space<semaphore_mem>>) src(%dma_wait3A_2626 : memref<16384xi32, #tpu.memory_space<hbm>>) dst(%arg5 : memref<16384xi32, #tpu.memory_space<vmem>>)
      tpu.yield
    }) : () -> ()
    "tpu.region"() ({
      %run_scoped3A = tpu.sem_alloc : memref<!tpu.dma_semaphore, #tpu.memory_space<semaphore_mem>>
      tpu.enqueue_dma source(%arg3 : memref<5120xf32, #tpu.memory_space<hbm>>) target(%arg6 : memref<5120xf32, #tpu.memory_space<vmem>>) target_semaphore(%run_scoped3A : memref<!tpu.dma_semaphore, #tpu.memory_space<semaphore_mem>>)
      tpu.wait_dma2 semaphore(%run_scoped3A : memref<!tpu.dma_semaphore, #tpu.memory_space<semaphore_mem>>) src(%arg3 : memref<5120xf32, #tpu.memory_space<hbm>>) dst(%arg6 : memref<5120xf32, #tpu.memory_space<vmem>>)
      tpu.yield
    }) : () -> ()
    %iota3A = tpu.iota {dimensions = array<i32: 0>} : vector<16xi32>
    %add3A_3 = arith.constant 8 : i32
    %add3A_4 = vector.broadcast %add3A_3 : i32 to vector<16xi32>
    %add3A_5 = arith.addi %iota3A, %add3A_4 : vector<16xi32>
    %and3A = arith.constant 15 : i32
    %and3A_6 = vector.broadcast %and3A : i32 to vector<16xi32>
    %and3A_7 = arith.andi %add3A_5, %and3A_6 : vector<16xi32>
    %broadcast_in_dim3A = arith.constant 0.000000e+00 : f32
    %broadcast_in_dim3A_8 = vector.broadcast %broadcast_in_dim3A : f32 to vector<16xf32>
    %broadcast_in_dim3A_9 = arith.constant 0.000000e+00 : f32
    %broadcast_in_dim3A_10 = vector.broadcast %broadcast_in_dim3A_9 : f32 to vector<16xf32>
    %broadcast_in_dim3A_11 = arith.constant 0.000000e+00 : f32
    %broadcast_in_dim3A_12 = vector.broadcast %broadcast_in_dim3A_11 : f32 to vector<16xf32>
    %broadcast_in_dim3A_13 = arith.constant 0.000000e+00 : f32
    %broadcast_in_dim3A_14 = vector.broadcast %broadcast_in_dim3A_13 : f32 to vector<16xf32>
    %broadcast_in_dim3A_15 = arith.constant 0.000000e+00 : f32
    %broadcast_in_dim3A_16 = vector.broadcast %broadcast_in_dim3A_15 : f32 to vector<16xf32>
    %scan3A = arith.constant 0 : i32
    %scan3A_17 = arith.constant 256 : i32
    %scan3A_18 = arith.addi %scan3A, %scan3A_17 : i32
    %scan3A_19 = arith.constant 1 : i32
    %scan3A_20:5 = scf.for %scan3A_2625 = %scan3A to %scan3A_18 step %scan3A_19 iter_args(%scan3A_2626 = %broadcast_in_dim3A_8, %scan3A_2627 = %broadcast_in_dim3A_10, %scan3A_2628 = %broadcast_in_dim3A_12, %scan3A_2629 = %broadcast_in_dim3A_14, %scan3A_2630 = %broadcast_in_dim3A_16) -> (vector<16xf32>, vector<16xf32>, vector<16xf32>, vector<16xf32>, vector<16xf32>)  : i32 {
      %mul3A_2631 = arith.constant 16 : i32
      %mul3A_2632 = arith.muli %scan3A_2625, %mul3A_2631 : i32
      %add3A_2633 = arith.constant 0 : i32
      %add3A_2634 = arith.addi %add3A_2633, %mul3A_2632 : i32
      %get3A = arith.index_cast %add3A_2634 : i32 to index
      %get3A_2635 = tpu.vector_load %arg5[%get3A] {strides = array<i32>} : memref<16384xi32, #tpu.memory_space<vmem>>, vector<16xi32>,
      %get3A_2636 = vector.shape_cast %get3A_2635 : vector<16xi32> to vector<16xi32>
      %eq3A = arith.constant 0 : i32
      %eq3A_2637 = vector.broadcast %eq3A : i32 to vector<16xi32>
      %eq3A_2638 = arith.cmpi eq, %get3A_2636, %eq3A_2637 : vector<16xi32>
      %jit3A = arith.constant 1.000000e+00 : f32
      %jit3A_2639 = arith.constant 0.000000e+00 : f32
      %broadcast_in_dim3A_2640 = vector.broadcast %jit3A : f32 to vector<16xf32>
      %broadcast_in_dim3A_2641 = vector.broadcast %jit3A_2639 : f32 to vector<16xf32>
      %select_n3A_2642 = arith.select %eq3A_2638, %broadcast_in_dim3A_2640, %broadcast_in_dim3A_2641 : vector<16xi1>, vector<16xf32>
      %add3A_2643 = arith.addf %scan3A_2626, %select_n3A_2642 : vector<16xf32>
      %eq3A_2644 = arith.constant 1 : i32
      %eq3A_2645 = vector.broadcast %eq3A_2644 : i32 to vector<16xi32>
      %eq3A_2646 = arith.cmpi eq, %get3A_2636, %eq3A_2645 : vector<16xi32>
      %jit3A_2647 = arith.constant 1.000000e+00 : f32
      %jit3A_2648 = arith.constant 0.000000e+00 : f32
      %broadcast_in_dim3A_2649 = vector.broadcast %jit3A_2647 : f32 to vector<16xf32>
      %broadcast_in_dim3A_2650 = vector.broadcast %jit3A_2648 : f32 to vector<16xf32>
      %select_n3A_2651 = arith.select %eq3A_2646, %broadcast_in_dim3A_2649, %broadcast_in_dim3A_2650 : vector<16xi1>, vector<16xf32>
      %add3A_2652 = arith.addf %scan3A_2627, %select_n3A_2651 : vector<16xf32>
      %eq3A_2653 = arith.constant 2 : i32
      %eq3A_2654 = vector.broadcast %eq3A_2653 : i32 to vector<16xi32>
      %eq3A_2655 = arith.cmpi eq, %get3A_2636, %eq3A_2654 : vector<16xi32>
      %jit3A_2656 = arith.constant 1.000000e+00 : f32
      %jit3A_2657 = arith.constant 0.000000e+00 : f32
      %broadcast_in_dim3A_2658 = vector.broadcast %jit3A_2656 : f32 to vector<16xf32>
      %broadcast_in_dim3A_2659 = vector.broadcast %jit3A_2657 : f32 to vector<16xf32>
      %select_n3A_2660 = arith.select %eq3A_2655, %broadcast_in_dim3A_2658, %broadcast_in_dim3A_2659 : vector<16xi1>, vector<16xf32>
      %add3A_2661 = arith.addf %scan3A_2628, %select_n3A_2660 : vector<16xf32>
      %eq3A_2662 = arith.constant 3 : i32
      %eq3A_2663 = vector.broadcast %eq3A_2662 : i32 to vector<16xi32>
      %eq3A_2664 = arith.cmpi eq, %get3A_2636, %eq3A_2663 : vector<16xi32>
      %jit3A_2665 = arith.constant 1.000000e+00 : f32
      %jit3A_2666 = arith.constant 0.000000e+00 : f32
      %broadcast_in_dim3A_2667 = vector.broadcast %jit3A_2665 : f32 to vector<16xf32>
      %broadcast_in_dim3A_2668 = vector.broadcast %jit3A_2666 : f32 to vector<16xf32>
      %select_n3A_2669 = arith.select %eq3A_2664, %broadcast_in_dim3A_2667, %broadcast_in_dim3A_2668 : vector<16xi1>, vector<16xf32>
      %add3A_2670 = arith.addf %scan3A_2629, %select_n3A_2669 : vector<16xf32>
      %eq3A_2671 = arith.constant 4 : i32
      %eq3A_2672 = vector.broadcast %eq3A_2671 : i32 to vector<16xi32>
      %eq3A_2673 = arith.cmpi eq, %get3A_2636, %eq3A_2672 : vector<16xi32>
      %jit3A_2674 = arith.constant 1.000000e+00 : f32
      %jit3A_2675 = arith.constant 0.000000e+00 : f32
      %broadcast_in_dim3A_2676 = vector.broadcast %jit3A_2674 : f32 to vector<16xf32>
      %broadcast_in_dim3A_2677 = vector.broadcast %jit3A_2675 : f32 to vector<16xf32>
      %select_n3A_2678 = arith.select %eq3A_2673, %broadcast_in_dim3A_2676, %broadcast_in_dim3A_2677 : vector<16xi1>, vector<16xf32>
      %add3A_2679 = arith.addf %scan3A_2630, %select_n3A_2678 : vector<16xf32>
      scf.yield %add3A_2643, %add3A_2652, %add3A_2661, %add3A_2670, %add3A_2679 : vector<16xf32>, vector<16xf32>, vector<16xf32>, vector<16xf32>, vector<16xf32>
    }
    %scan3A_21 = arith.constant 256 : i32
    %lt3A = arith.constant 0 : i32
    %lt3A_22 = vector.broadcast %lt3A : i32 to vector<16xi32>
    %lt3A_23 = arith.cmpi slt, %and3A_7, %lt3A_22 : vector<16xi32>
    %add3A_24 = arith.constant 16 : i32
    %add3A_25 = vector.broadcast %add3A_24 : i32 to vector<16xi32>
    %add3A_26 = arith.addi %and3A_7, %add3A_25 : vector<16xi32>
    %select_n3A = arith.select %lt3A_23, %add3A_26, %and3A_7 : vector<16xi1>, vector<16xi32>
    %broadcast_in_dim3A_27 = vector.shape_cast %select_n3A : vector<16xi32> to vector<16x1xi32>
    %gather3A = vector.shape_cast %broadcast_in_dim3A_27 : vector<16x1xi32> to vector<16xi32>
    %gather3A_28 = tpu.dynamic_gather %scan3A_20#0[%gather3A] in [0] : vector<16xf32>, vector<16xi32> -> vector<16xf32>
    %add3A_29 = arith.addf %scan3A_20#0, %gather3A_28 : vector<16xf32>
    %lt3A_30 = arith.constant 0 : i32
    %lt3A_31 = vector.broadcast %lt3A_30 : i32 to vector<16xi32>
    %lt3A_32 = arith.cmpi slt, %and3A_7, %lt3A_31 : vector<16xi32>
    %add3A_33 = arith.constant 16 : i32
    %add3A_34 = vector.broadcast %add3A_33 : i32 to vector<16xi32>
    %add3A_35 = arith.addi %and3A_7, %add3A_34 : vector<16xi32>
    %select_n3A_36 = arith.select %lt3A_32, %add3A_35, %and3A_7 : vector<16xi1>, vector<16xi32>
    %broadcast_in_dim3A_37 = vector.shape_cast %select_n3A_36 : vector<16xi32> to vector<16x1xi32>
    %gather3A_38 = vector.shape_cast %broadcast_in_dim3A_37 : vector<16x1xi32> to vector<16xi32>
    %gather3A_39 = tpu.dynamic_gather %scan3A_20#1[%gather3A_38] in [0] : vector<16xf32>, vector<16xi32> -> vector<16xf32>
    %add3A_40 = arith.addf %scan3A_20#1, %gather3A_39 : vector<16xf32>
    %lt3A_41 = arith.constant 0 : i32
    %lt3A_42 = vector.broadcast %lt3A_41 : i32 to vector<16xi32>
    %lt3A_43 = arith.cmpi slt, %and3A_7, %lt3A_42 : vector<16xi32>
    %add3A_44 = arith.constant 16 : i32
    %add3A_45 = vector.broadcast %add3A_44 : i32 to vector<16xi32>
    %add3A_46 = arith.addi %and3A_7, %add3A_45 : vector<16xi32>
    %select_n3A_47 = arith.select %lt3A_43, %add3A_46, %and3A_7 : vector<16xi1>, vector<16xi32>
    %broadcast_in_dim3A_48 = vector.shape_cast %select_n3A_47 : vector<16xi32> to vector<16x1xi32>
    %gather3A_49 = vector.shape_cast %broadcast_in_dim3A_48 : vector<16x1xi32> to vector<16xi32>
    %gather3A_50 = tpu.dynamic_gather %scan3A_20#2[%gather3A_49] in [0] : vector<16xf32>, vector<16xi32> -> vector<16xf32>
    %add3A_51 = arith.addf %scan3A_20#2, %gather3A_50 : vector<16xf32>
    %lt3A_52 = arith.constant 0 : i32
    %lt3A_53 = vector.broadcast %lt3A_52 : i32 to vector<16xi32>
    %lt3A_54 = arith.cmpi slt, %and3A_7, %lt3A_53 : vector<16xi32>
    %add3A_55 = arith.constant 16 : i32
    %add3A_56 = vector.broadcast %add3A_55 : i32 to vector<16xi32>
    %add3A_57 = arith.addi %and3A_7, %add3A_56 : vector<16xi32>
    %select_n3A_58 = arith.select %lt3A_54, %add3A_57, %and3A_7 : vector<16xi1>, vector<16xi32>
    %broadcast_in_dim3A_59 = vector.shape_cast %select_n3A_58 : vector<16xi32> to vector<16x1xi32>
    %gather3A_60 = vector.shape_cast %broadcast_in_dim3A_59 : vector<16x1xi32> to vector<16xi32>
    %gather3A_61 = tpu.dynamic_gather %scan3A_20#3[%gather3A_60] in [0] : vector<16xf32>, vector<16xi32> -> vector<16xf32>
    %add3A_62 = arith.addf %scan3A_20#3, %gather3A_61 : vector<16xf32>
    %lt3A_63 = arith.constant 0 : i32
    %lt3A_64 = vector.broadcast %lt3A_63 : i32 to vector<16xi32>
    %lt3A_65 = arith.cmpi slt, %and3A_7, %lt3A_64 : vector<16xi32>
    %add3A_66 = arith.constant 16 : i32
    %add3A_67 = vector.broadcast %add3A_66 : i32 to vector<16xi32>
    %add3A_68 = arith.addi %and3A_7, %add3A_67 : vector<16xi32>
    %select_n3A_69 = arith.select %lt3A_65, %add3A_68, %and3A_7 : vector<16xi1>, vector<16xi32>
    %broadcast_in_dim3A_70 = vector.shape_cast %select_n3A_69 : vector<16xi32> to vector<16x1xi32>
    %gather3A_71 = vector.shape_cast %broadcast_in_dim3A_70 : vector<16x1xi32> to vector<16xi32>
    %gather3A_72 = tpu.dynamic_gather %scan3A_20#4[%gather3A_71] in [0] : vector<16xf32>, vector<16xi32> -> vector<16xf32>
    %add3A_73 = arith.addf %scan3A_20#4, %gather3A_72 : vector<16xf32>
    %broadcast_in_dim3A_74 = arith.constant 0 : i32
    %broadcast_in_dim3A_75 = vector.broadcast %broadcast_in_dim3A_74 : i32 to vector<16xi32>
    %lt3A_76 = arith.constant 0 : i32
    %lt3A_77 = vector.broadcast %lt3A_76 : i32 to vector<16xi32>
    %lt3A_78 = arith.cmpi slt, %broadcast_in_dim3A_75, %lt3A_77 : vector<16xi32>
    %add3A_79 = arith.constant 16 : i32
    %add3A_80 = vector.broadcast %add3A_79 : i32 to vector<16xi32>
    %add3A_81 = arith.addi %broadcast_in_dim3A_75, %add3A_80 : vector<16xi32>
    %select_n3A_82 = arith.select %lt3A_78, %add3A_81, %broadcast_in_dim3A_75 : vector<16xi1>, vector<16xi32>
    %broadcast_in_dim3A_83 = vector.shape_cast %select_n3A_82 : vector<16xi32> to vector<16x1xi32>
    %gather3A_84 = vector.shape_cast %broadcast_in_dim3A_83 : vector<16x1xi32> to vector<16xi32>
    %gather3A_85 = tpu.dynamic_gather %add3A_29[%gather3A_84] in [0] : vector<16xf32>, vector<16xi32> -> vector<16xf32>
    %mul3A_86 = arith.constant 0.001953125 : f32
    %mul3A_87 = vector.broadcast %mul3A_86 : f32 to vector<16xf32>
    %mul3A_88 = arith.mulf %gather3A_85, %mul3A_87 : vector<16xf32>
    %lt3A_89 = arith.constant 0 : i32
    %lt3A_90 = vector.broadcast %lt3A_89 : i32 to vector<16xi32>
    %lt3A_91 = arith.cmpi slt, %broadcast_in_dim3A_75, %lt3A_90 : vector<16xi32>
    %add3A_92 = arith.constant 16 : i32
    %add3A_93 = vector.broadcast %add3A_92 : i32 to vector<16xi32>
    %add3A_94 = arith.addi %broadcast_in_dim3A_75, %add3A_93 : vector<16xi32>
    %select_n3A_95 = arith.select %lt3A_91, %add3A_94, %broadcast_in_dim3A_75 : vector<16xi1>, vector<16xi32>
    %broadcast_in_dim3A_96 = vector.shape_cast %select_n3A_95 : vector<16xi32> to vector<16x1xi32>
    %gather3A_97 = vector.shape_cast %broadcast_in_dim3A_96 : vector<16x1xi32> to vector<16xi32>
    %gather3A_98 = tpu.dynamic_gather %add3A_40[%gather3A_97] in [0] : vector<16xf32>, vector<16xi32> -> vector<16xf32>
    %mul3A_99 = arith.constant 0.001953125 : f32
    %mul3A_100 = vector.broadcast %mul3A_99 : f32 to vector<16xf32>
    %mul3A_101 = arith.mulf %gather3A_98, %mul3A_100 : vector<16xf32>
    %lt3A_102 = arith.constant 0 : i32
    %lt3A_103 = vector.broadcast %lt3A_102 : i32 to vector<16xi32>
    %lt3A_104 = arith.cmpi slt, %broadcast_in_dim3A_75, %lt3A_103 : vector<16xi32>
    %add3A_105 = arith.constant 16 : i32
    %add3A_106 = vector.broadcast %add3A_105 : i32 to vector<16xi32>
    %add3A_107 = arith.addi %broadcast_in_dim3A_75, %add3A_106 : vector<16xi32>
    %select_n3A_108 = arith.select %lt3A_104, %add3A_107, %broadcast_in_dim3A_75 : vector<16xi1>, vector<16xi32>
    %broadcast_in_dim3A_109 = vector.shape_cast %select_n3A_108 : vector<16xi32> to vector<16x1xi32>
    %gather3A_110 = vector.shape_cast %broadcast_in_dim3A_109 : vector<16x1xi32> to vector<16xi32>
    %gather3A_111 = tpu.dynamic_gather %add3A_51[%gather3A_110] in [0] : vector<16xf32>, vector<16xi32> -> vector<16xf32>
    %mul3A_112 = arith.constant 0.001953125 : f32
    %mul3A_113 = vector.broadcast %mul3A_112 : f32 to vector<16xf32>
    %mul3A_114 = arith.mulf %gather3A_111, %mul3A_113 : vector<16xf32>
    %lt3A_115 = arith.constant 0 : i32
    %lt3A_116 = vector.broadcast %lt3A_115 : i32 to vector<16xi32>
    %lt3A_117 = arith.cmpi slt, %broadcast_in_dim3A_75, %lt3A_116 : vector<16xi32>
    %add3A_118 = arith.constant 16 : i32
    %add3A_119 = vector.broadcast %add3A_118 : i32 to vector<16xi32>
    %add3A_120 = arith.addi %broadcast_in_dim3A_75, %add3A_119 : vector<16xi32>
    %select_n3A_121 = arith.select %lt3A_117, %add3A_120, %broadcast_in_dim3A_75 : vector<16xi1>, vector<16xi32>
    %broadcast_in_dim3A_122 = vector.shape_cast %select_n3A_121 : vector<16xi32> to vector<16x1xi32>
    %gather3A_123 = vector.shape_cast %broadcast_in_dim3A_122 : vector<16x1xi32> to vector<16xi32>
    %gather3A_124 = tpu.dynamic_gather %add3A_62[%gather3A_123] in [0] : vector<16xf32>, vector<16xi32> -> vector<16xf32>
    %mul3A_125 = arith.constant 0.001953125 : f32
    %mul3A_126 = vector.broadcast %mul3A_125 : f32 to vector<16xf32>
    %mul3A_127 = arith.mulf %gather3A_124, %mul3A_126 : vector<16xf32>
    %lt3A_128 = arith.constant 0 : i32
    %lt3A_129 = vector.broadcast %lt3A_128 : i32 to vector<16xi32>
    %lt3A_130 = arith.cmpi slt, %broadcast_in_dim3A_75, %lt3A_129 : vector<16xi32>
    %add3A_131 = arith.constant 16 : i32
    %add3A_132 = vector.broadcast %add3A_131 : i32 to vector<16xi32>
    %add3A_133 = arith.addi %broadcast_in_dim3A_75, %add3A_132 : vector<16xi32>
    %select_n3A_134 = arith.select %lt3A_130, %add3A_133, %broadcast_in_dim3A_75 : vector<16xi1>, vector<16xi32>
    %broadcast_in_dim3A_135 = vector.shape_cast %select_n3A_134 : vector<16xi32> to vector<16x1xi32>
    %gather3A_136 = vector.shape_cast %broadcast_in_dim3A_135 : vector<16x1xi32> to vector<16xi32>
    %gather3A_137 = tpu.dynamic_gather %add3A_73[%gather3A_136] in [0] : vector<16xf32>, vector<16xi32> -> vector<16xf32>
    %mul3A_138 = arith.constant 0.001953125 : f32
    %mul3A_139 = vector.broadcast %mul3A_138 : f32 to vector<16xf32>
    %mul3A_140 = arith.mulf %gather3A_137, %mul3A_139 : vector<16xf32>
    %scan3A_141 = arith.constant 0 : i32
    %scan3A_142 = arith.constant 0 : i32
    %scan3A_143 = arith.constant 40 : i32
    %scan3A_144 = arith.addi %scan3A_142, %scan3A_143 : i32
    %scan3A_145 = arith.constant 1 : i32
    scf.for %scan3A_2625 = %scan3A_142 to %scan3A_144 step %scan3A_145  : i32 {
      %mul3A_2626 = arith.constant 16 : i32
      %mul3A_2627 = arith.muli %scan3A_2625, %mul3A_2626 : i32
      %get3A = arith.index_cast %mul3A_2627 : i32 to index
      %get3A_2628 = tpu.vector_load %arg6[%get3A] {strides = array<i32>} : memref<5120xf32, #tpu.memory_space<vmem>>, vector<16xf32>,
      %get3A_2629 = vector.shape_cast %get3A_2628 : vector<16xf32> to vector<16xf32>
      %mul3A_2630 = arith.mulf %mul3A_88, %get3A_2629 : vector<16xf32>
      %mul3A_2631 = arith.constant 16 : i32
      %mul3A_2632 = arith.muli %scan3A_2625, %mul3A_2631 : i32
      %add3A_2633 = arith.constant 640 : i32
      %add3A_2634 = arith.addi %add3A_2633, %mul3A_2632 : i32
      %get3A_2635 = arith.index_cast %add3A_2634 : i32 to index
      %get3A_2636 = tpu.vector_load %arg6[%get3A_2635] {strides = array<i32>} : memref<5120xf32, #tpu.memory_space<vmem>>, vector<16xf32>,
      %get3A_2637 = vector.shape_cast %get3A_2636 : vector<16xf32> to vector<16xf32>
      %mul3A_2638 = arith.mulf %mul3A_101, %get3A_2637 : vector<16xf32>
      %add3A_2639 = arith.addf %mul3A_2630, %mul3A_2638 : vector<16xf32>
      %mul3A_2640 = arith.constant 16 : i32
      %mul3A_2641 = arith.muli %scan3A_2625, %mul3A_2640 : i32
      %add3A_2642 = arith.constant 1280 : i32
      %add3A_2643 = arith.addi %add3A_2642, %mul3A_2641 : i32
      %get3A_2644 = arith.index_cast %add3A_2643 : i32 to index
      %get3A_2645 = tpu.vector_load %arg6[%get3A_2644] {strides = array<i32>} : memref<5120xf32, #tpu.memory_space<vmem>>, vector<16xf32>,
      %get3A_2646 = vector.shape_cast %get3A_2645 : vector<16xf32> to vector<16xf32>
      %mul3A_2647 = arith.mulf %mul3A_114, %get3A_2646 : vector<16xf32>
      %add3A_2648 = arith.addf %add3A_2639, %mul3A_2647 : vector<16xf32>
      %mul3A_2649 = arith.constant 16 : i32
      %mul3A_2650 = arith.muli %scan3A_2625, %mul3A_2649 : i32
      %add3A_2651 = arith.constant 1920 : i32
      %add3A_2652 = arith.addi %add3A_2651, %mul3A_2650 : i32
      %get3A_2653 = arith.index_cast %add3A_2652 : i32 to index
      %get3A_2654 = tpu.vector_load %arg6[%get3A_2653] {strides = array<i32>} : memref<5120xf32, #tpu.memory_space<vmem>>, vector<16xf32>,
      %get3A_2655 = vector.shape_cast %get3A_2654 : vector<16xf32> to vector<16xf32>
      %mul3A_2656 = arith.mulf %mul3A_127, %get3A_2655 : vector<16xf32>
      %add3A_2657 = arith.addf %add3A_2648, %mul3A_2656 : vector<16xf32>
      %mul3A_2658 = arith.constant 16 : i32
      %mul3A_2659 = arith.muli %scan3A_2625, %mul3A_2658 : i32
      %add3A_2660 = arith.constant 2560 : i32
      %add3A_2661 = arith.addi %add3A_2660, %mul3A_2659 : i32
      %get3A_2662 = arith.index_cast %add3A_2661 : i32 to index
      %get3A_2663 = tpu.vector_load %arg6[%get3A_2662] {strides = array<i32>} : memref<5120xf32, #tpu.memory_space<vmem>>, vector<16xf32>,
      %get3A_2664 = vector.shape_cast %get3A_2663 : vector<16xf32> to vector<16xf32>
      %mul3A_2665 = arith.mulf %mul3A_140, %get3A_2664 : vector<16xf32>
      %add3A_2666 = arith.addf %add3A_2657, %mul3A_2665 : vector<16xf32>
      %mul3A_2667 = arith.constant 16 : i32
      %mul3A_2668 = arith.muli %scan3A_2625, %mul3A_2667 : i32
      %add3A_2669 = arith.constant 0 : i32
      %add3A_2670 = arith.addi %add3A_2669, %mul3A_2668 : i32
      %swap3A = arith.index_cast %add3A_2670 : i32 to index
      %swap3A_2671 = tpu.vector_load %arg7[%swap3A] {strides = array<i32>} : memref<20480xf32, #tpu.memory_space<vmem>>, vector<16xf32>,
      %swap3A_2672 = vector.shape_cast %swap3A_2671 : vector<16xf32> to vector<16xf32>
      %swap3A_2673 = vector.shape_cast %add3A_2666 : vector<16xf32> to vector<16xf32>
      tpu.vector_store %arg7[%swap3A], %swap3A_2673 {strides = array<i32>} : memref<20480xf32, #tpu.memory_space<vmem>>, vector<16xf32>,
    }
    %scan3A_146 = arith.constant 40 : i32
    %broadcast_in_dim3A_147 = arith.constant 1 : i32
    %broadcast_in_dim3A_148 = vector.broadcast %broadcast_in_dim3A_147 : i32 to vector<16xi32>
    %lt3A_149 = arith.constant 0 : i32
    %lt3A_150 = vector.broadcast %lt3A_149 : i32 to vector<16xi32>
    %lt3A_151 = arith.cmpi slt, %broadcast_in_dim3A_148, %lt3A_150 : vector<16xi32>
    %add3A_152 = arith.constant 16 : i32
    %add3A_153 = vector.broadcast %add3A_152 : i32 to vector<16xi32>
    %add3A_154 = arith.addi %broadcast_in_dim3A_148, %add3A_153 : vector<16xi32>
    %select_n3A_155 = arith.select %lt3A_151, %add3A_154, %broadcast_in_dim3A_148 : vector<16xi1>, vector<16xi32>
    %broadcast_in_dim3A_156 = vector.shape_cast %select_n3A_155 : vector<16xi32> to vector<16x1xi32>
    %gather3A_157 = vector.shape_cast %broadcast_in_dim3A_156 : vector<16x1xi32> to vector<16xi32>
    %gather3A_158 = tpu.dynamic_gather %add3A_29[%gather3A_157] in [0] : vector<16xf32>, vector<16xi32> -> vector<16xf32>
    %mul3A_159 = arith.constant 0.001953125 : f32
    %mul3A_160 = vector.broadcast %mul3A_159 : f32 to vector<16xf32>
    %mul3A_161 = arith.mulf %gather3A_158, %mul3A_160 : vector<16xf32>
    %lt3A_162 = arith.constant 0 : i32
    %lt3A_163 = vector.broadcast %lt3A_162 : i32 to vector<16xi32>
    %lt3A_164 = arith.cmpi slt, %broadcast_in_dim3A_148, %lt3A_163 : vector<16xi32>
    %add3A_165 = arith.constant 16 : i32
    %add3A_166 = vector.broadcast %add3A_165 : i32 to vector<16xi32>
    %add3A_167 = arith.addi %broadcast_in_dim3A_148, %add3A_166 : vector<16xi32>
    %select_n3A_168 = arith.select %lt3A_164, %add3A_167, %broadcast_in_dim3A_148 : vector<16xi1>, vector<16xi32>
    %broadcast_in_dim3A_169 = vector.shape_cast %select_n3A_168 : vector<16xi32> to vector<16x1xi32>
    %gather3A_170 = vector.shape_cast %broadcast_in_dim3A_169 : vector<16x1xi32> to vector<16xi32>
    %gather3A_171 = tpu.dynamic_gather %add3A_40[%gather3A_170] in [0] : vector<16xf32>, vector<16xi32> -> vector<16xf32>
    %mul3A_172 = arith.constant 0.001953125 : f32
    %mul3A_173 = vector.broadcast %mul3A_172 : f32 to vector<16xf32>
    %mul3A_174 = arith.mulf %gather3A_171, %mul3A_173 : vector<16xf32>
    %lt3A_175 = arith.constant 0 : i32
    %lt3A_176 = vector.broadcast %lt3A_175 : i32 to vector<16xi32>
    %lt3A_177 = arith.cmpi slt, %broadcast_in_dim3A_148, %lt3A_176 : vector<16xi32>
    %add3A_178 = arith.constant 16 : i32
    %add3A_179 = vector.broadcast %add3A_178 : i32 to vector<16xi32>
    %add3A_180 = arith.addi %broadcast_in_dim3A_148, %add3A_179 : vector<16xi32>
    %select_n3A_181 = arith.select %lt3A_177, %add3A_180, %broadcast_in_dim3A_148 : vector<16xi1>, vector<16xi32>
    %broadcast_in_dim3A_182 = vector.shape_cast %select_n3A_181 : vector<16xi32> to vector<16x1xi32>
    %gather3A_183 = vector.shape_cast %broadcast_in_dim3A_182 : vector<16x1xi32> to vector<16xi32>
    %gather3A_184 = tpu.dynamic_gather %add3A_51[%gather3A_183] in [0] : vector<16xf32>, vector<16xi32> -> vector<16xf32>
    %mul3A_185 = arith.constant 0.001953125 : f32
    %mul3A_186 = vector.broadcast %mul3A_185 : f32 to vector<16xf32>
    %mul3A_187 = arith.mulf %gather3A_184, %mul3A_186 : vector<16xf32>
    %lt3A_188 = arith.constant 0 : i32
    %lt3A_189 = vector.broadcast %lt3A_188 : i32 to vector<16xi32>
    %lt3A_190 = arith.cmpi slt, %broadcast_in_dim3A_148, %lt3A_189 : vector<16xi32>
    %add3A_191 = arith.constant 16 : i32
    %add3A_192 = vector.broadcast %add3A_191 : i32 to vector<16xi32>
    %add3A_193 = arith.addi %broadcast_in_dim3A_148, %add3A_192 : vector<16xi32>
    %select_n3A_194 = arith.select %lt3A_190, %add3A_193, %broadcast_in_dim3A_148 : vector<16xi1>, vector<16xi32>
    %broadcast_in_dim3A_195 = vector.shape_cast %select_n3A_194 : vector<16xi32> to vector<16x1xi32>
    %gather3A_196 = vector.shape_cast %broadcast_in_dim3A_195 : vector<16x1xi32> to vector<16xi32>
    %gather3A_197 = tpu.dynamic_gather %add3A_62[%gather3A_196] in [0] : vector<16xf32>, vector<16xi32> -> vector<16xf32>
    %mul3A_198 = arith.constant 0.001953125 : f32
    %mul3A_199 = vector.broadcast %mul3A_198 : f32 to vector<16xf32>
    %mul3A_200 = arith.mulf %gather3A_197, %mul3A_199 : vector<16xf32>
    %lt3A_201 = arith.constant 0 : i32
    %lt3A_202 = vector.broadcast %lt3A_201 : i32 to vector<16xi32>
    %lt3A_203 = arith.cmpi slt, %broadcast_in_dim3A_148, %lt3A_202 : vector<16xi32>
    %add3A_204 = arith.constant 16 : i32
    %add3A_205 = vector.broadcast %add3A_204 : i32 to vector<16xi32>
    %add3A_206 = arith.addi %broadcast_in_dim3A_148, %add3A_205 : vector<16xi32>
    %select_n3A_207 = arith.select %lt3A_203, %add3A_206, %broadcast_in_dim3A_148 : vector<16xi1>, vector<16xi32>
    %broadcast_in_dim3A_208 = vector.shape_cast %select_n3A_207 : vector<16xi32> to vector<16x1xi32>
    %gather3A_209 = vector.shape_cast %broadcast_in_dim3A_208 : vector<16x1xi32> to vector<16xi32>
    %gather3A_210 = tpu.dynamic_gather %add3A_73[%gather3A_209] in [0] : vector<16xf32>, vector<16xi32> -> vector<16xf32>
    %mul3A_211 = arith.constant 0.001953125 : f32
    %mul3A_212 = vector.broadcast %mul3A_211 : f32 to vector<16xf32>
    %mul3A_213 = arith.mulf %gather3A_210, %mul3A_212 : vector<16xf32>
    %scan3A_214 = arith.constant 0 : i32
    %scan3A_215 = arith.constant 0 : i32
    %scan3A_216 = arith.constant 40 : i32
    %scan3A_217 = arith.addi %scan3A_215, %scan3A_216 : i32
    %scan3A_218 = arith.constant 1 : i32
    scf.for %scan3A_2625 = %scan3A_215 to %scan3A_217 step %scan3A_218  : i32 {
      %mul3A_2626 = arith.constant 16 : i32
      %mul3A_2627 = arith.muli %scan3A_2625, %mul3A_2626 : i32
      %get3A = arith.index_cast %mul3A_2627 : i32 to index
      %get3A_2628 = tpu.vector_load %arg6[%get3A] {strides = array<i32>} : memref<5120xf32, #tpu.memory_space<vmem>>, vector<16xf32>,
      %get3A_2629 = vector.shape_cast %get3A_2628 : vector<16xf32> to vector<16xf32>
      %mul3A_2630 = arith.mulf %mul3A_161, %get3A_2629 : vector<16xf32>
      %mul3A_2631 = arith.constant 16 : i32
      %mul3A_2632 = arith.muli %scan3A_2625, %mul3A_2631 : i32
      %add3A_2633 = arith.constant 640 : i32
      %add3A_2634 = arith.addi %add3A_2633, %mul3A_2632 : i32
      %get3A_2635 = arith.index_cast %add3A_2634 : i32 to index
      %get3A_2636 = tpu.vector_load %arg6[%get3A_2635] {strides = array<i32>} : memref<5120xf32, #tpu.memory_space<vmem>>, vector<16xf32>,
      %get3A_2637 = vector.shape_cast %get3A_2636 : vector<16xf32> to vector<16xf32>
      %mul3A_2638 = arith.mulf %mul3A_174, %get3A_2637 : vector<16xf32>
      %add3A_2639 = arith.addf %mul3A_2630, %mul3A_2638 : vector<16xf32>
      %mul3A_2640 = arith.constant 16 : i32
      %mul3A_2641 = arith.muli %scan3A_2625, %mul3A_2640 : i32
      %add3A_2642 = arith.constant 1280 : i32
      %add3A_2643 = arith.addi %add3A_2642, %mul3A_2641 : i32
      %get3A_2644 = arith.index_cast %add3A_2643 : i32 to index
      %get3A_2645 = tpu.vector_load %arg6[%get3A_2644] {strides = array<i32>} : memref<5120xf32, #tpu.memory_space<vmem>>, vector<16xf32>,
      %get3A_2646 = vector.shape_cast %get3A_2645 : vector<16xf32> to vector<16xf32>
      %mul3A_2647 = arith.mulf %mul3A_187, %get3A_2646 : vector<16xf32>
      %add3A_2648 = arith.addf %add3A_2639, %mul3A_2647 : vector<16xf32>
      %mul3A_2649 = arith.constant 16 : i32
      %mul3A_2650 = arith.muli %scan3A_2625, %mul3A_2649 : i32
      %add3A_2651 = arith.constant 1920 : i32
      %add3A_2652 = arith.addi %add3A_2651, %mul3A_2650 : i32
      %get3A_2653 = arith.index_cast %add3A_2652 : i32 to index
      %get3A_2654 = tpu.vector_load %arg6[%get3A_2653] {strides = array<i32>} : memref<5120xf32, #tpu.memory_space<vmem>>, vector<16xf32>,
      %get3A_2655 = vector.shape_cast %get3A_2654 : vector<16xf32> to vector<16xf32>
      %mul3A_2656 = arith.mulf %mul3A_200, %get3A_2655 : vector<16xf32>
      %add3A_2657 = arith.addf %add3A_2648, %mul3A_2656 : vector<16xf32>
      %mul3A_2658 = arith.constant 16 : i32
      %mul3A_2659 = arith.muli %scan3A_2625, %mul3A_2658 : i32
      %add3A_2660 = arith.constant 2560 : i32
      %add3A_2661 = arith.addi %add3A_2660, %mul3A_2659 : i32
      %get3A_2662 = arith.index_cast %add3A_2661 : i32 to index
      %get3A_2663 = tpu.vector_load %arg6[%get3A_2662] {strides = array<i32>} : memref<5120xf32, #tpu.memory_space<vmem>>, vector<16xf32>,
      %get3A_2664 = vector.shape_cast %get3A_2663 : vector<16xf32> to vector<16xf32>
      %mul3A_2665 = arith.mulf %mul3A_213, %get3A_2664 : vector<16xf32>
      %add3A_2666 = arith.addf %add3A_2657, %mul3A_2665 : vector<16xf32>
      %mul3A_2667 = arith.constant 16 : i32
      %mul3A_2668 = arith.muli %scan3A_2625, %mul3A_2667 : i32
      %add3A_2669 = arith.constant 640 : i32
      %add3A_2670 = arith.addi %add3A_2669, %mul3A_2668 : i32
      %swap3A = arith.index_cast %add3A_2670 : i32 to index
      %swap3A_2671 = tpu.vector_load %arg7[%swap3A] {strides = array<i32>} : memref<20480xf32, #tpu.memory_space<vmem>>, vector<16xf32>,
      %swap3A_2672 = vector.shape_cast %swap3A_2671 : vector<16xf32> to vector<16xf32>
      %swap3A_2673 = vector.shape_cast %add3A_2666 : vector<16xf32> to vector<16xf32>
      tpu.vector_store %arg7[%swap3A], %swap3A_2673 {strides = array<i32>} : memref<20480xf32, #tpu.memory_space<vmem>>, vector<16xf32>,
    }
    %scan3A_219 = arith.constant 40 : i32
    %broadcast_in_dim3A_220 = arith.constant 2 : i32
    %broadcast_in_dim3A_221 = vector.broadcast %broadcast_in_dim3A_220 : i32 to vector<16xi32>
    %lt3A_222 = arith.constant 0 : i32
    %lt3A_223 = vector.broadcast %lt3A_222 : i32 to vector<16xi32>
    %lt3A_224 = arith.cmpi slt, %broadcast_in_dim3A_221, %lt3A_223 : vector<16xi32>
    %add3A_225 = arith.constant 16 : i32
    %add3A_226 = vector.broadcast %add3A_225 : i32 to vector<16xi32>
    %add3A_227 = arith.addi %broadcast_in_dim3A_221, %add3A_226 : vector<16xi32>
    %select_n3A_228 = arith.select %lt3A_224, %add3A_227, %broadcast_in_dim3A_221 : vector<16xi1>, vector<16xi32>
    %broadcast_in_dim3A_229 = vector.shape_cast %select_n3A_228 : vector<16xi32> to vector<16x1xi32>
    %gather3A_230 = vector.shape_cast %broadcast_in_dim3A_229 : vector<16x1xi32> to vector<16xi32>
    %gather3A_231 = tpu.dynamic_gather %add3A_29[%gather3A_230] in [0] : vector<16xf32>, vector<16xi32> -> vector<16xf32>
    %mul3A_232 = arith.constant 0.001953125 : f32
    %mul3A_233 = vector.broadcast %mul3A_232 : f32 to vector<16xf32>
    %mul3A_234 = arith.mulf %gather3A_231, %mul3A_233 : vector<16xf32>
    %lt3A_235 = arith.constant 0 : i32
    %lt3A_236 = vector.broadcast %lt3A_235 : i32 to vector<16xi32>
    %lt3A_237 = arith.cmpi slt, %broadcast_in_dim3A_221, %lt3A_236 : vector<16xi32>
    %add3A_238 = arith.constant 16 : i32
    %add3A_239 = vector.broadcast %add3A_238 : i32 to vector<16xi32>
    %add3A_240 = arith.addi %broadcast_in_dim3A_221, %add3A_239 : vector<16xi32>
    %select_n3A_241 = arith.select %lt3A_237, %add3A_240, %broadcast_in_dim3A_221 : vector<16xi1>, vector<16xi32>
    %broadcast_in_dim3A_242 = vector.shape_cast %select_n3A_241 : vector<16xi32> to vector<16x1xi32>
    %gather3A_243 = vector.shape_cast %broadcast_in_dim3A_242 : vector<16x1xi32> to vector<16xi32>
    %gather3A_244 = tpu.dynamic_gather %add3A_40[%gather3A_243] in [0] : vector<16xf32>, vector<16xi32> -> vector<16xf32>
    %mul3A_245 = arith.constant 0.001953125 : f32
    %mul3A_246 = vector.broadcast %mul3A_245 : f32 to vector<16xf32>
    %mul3A_247 = arith.mulf %gather3A_244, %mul3A_246 : vector<16xf32>
    %lt3A_248 = arith.constant 0 : i32
    %lt3A_249 = vector.broadcast %lt3A_248 : i32 to vector<16xi32>
    %lt3A_250 = arith.cmpi slt, %broadcast_in_dim3A_221, %lt3A_249 : vector<16xi32>
    %add3A_251 = arith.constant 16 : i32
    %add3A_252 = vector.broadcast %add3A_251 : i32 to vector<16xi32>
    %add3A_253 = arith.addi %broadcast_in_dim3A_221, %add3A_252 : vector<16xi32>
    %select_n3A_254 = arith.select %lt3A_250, %add3A_253, %broadcast_in_dim3A_221 : vector<16xi1>, vector<16xi32>
    %broadcast_in_dim3A_255 = vector.shape_cast %select_n3A_254 : vector<16xi32> to vector<16x1xi32>
    %gather3A_256 = vector.shape_cast %broadcast_in_dim3A_255 : vector<16x1xi32> to vector<16xi32>
    %gather3A_257 = tpu.dynamic_gather %add3A_51[%gather3A_256] in [0] : vector<16xf32>, vector<16xi32> -> vector<16xf32>
    %mul3A_258 = arith.constant 0.001953125 : f32
    %mul3A_259 = vector.broadcast %mul3A_258 : f32 to vector<16xf32>
    %mul3A_260 = arith.mulf %gather3A_257, %mul3A_259 : vector<16xf32>
    %lt3A_261 = arith.constant 0 : i32
    %lt3A_262 = vector.broadcast %lt3A_261 : i32 to vector<16xi32>
    %lt3A_263 = arith.cmpi slt, %broadcast_in_dim3A_221, %lt3A_262 : vector<16xi32>
    %add3A_264 = arith.constant 16 : i32
    %add3A_265 = vector.broadcast %add3A_264 : i32 to vector<16xi32>
    %add3A_266 = arith.addi %broadcast_in_dim3A_221, %add3A_265 : vector<16xi32>
    %select_n3A_267 = arith.select %lt3A_263, %add3A_266, %broadcast_in_dim3A_221 : vector<16xi1>, vector<16xi32>
    %broadcast_in_dim3A_268 = vector.shape_cast %select_n3A_267 : vector<16xi32> to vector<16x1xi32>
    %gather3A_269 = vector.shape_cast %broadcast_in_dim3A_268 : vector<16x1xi32> to vector<16xi32>
    %gather3A_270 = tpu.dynamic_gather %add3A_62[%gather3A_269] in [0] : vector<16xf32>, vector<16xi32> -> vector<16xf32>
    %mul3A_271 = arith.constant 0.001953125 : f32
    %mul3A_272 = vector.broadcast %mul3A_271 : f32 to vector<16xf32>
    %mul3A_273 = arith.mulf %gather3A_270, %mul3A_272 : vector<16xf32>
    %lt3A_274 = arith.constant 0 : i32
    %lt3A_275 = vector.broadcast %lt3A_274 : i32 to vector<16xi32>
    %lt3A_276 = arith.cmpi slt, %broadcast_in_dim3A_221, %lt3A_275 : vector<16xi32>
    %add3A_277 = arith.constant 16 : i32
    %add3A_278 = vector.broadcast %add3A_277 : i32 to vector<16xi32>
    %add3A_279 = arith.addi %broadcast_in_dim3A_221, %add3A_278 : vector<16xi32>
    %select_n3A_280 = arith.select %lt3A_276, %add3A_279, %broadcast_in_dim3A_221 : vector<16xi1>, vector<16xi32>
    %broadcast_in_dim3A_281 = vector.shape_cast %select_n3A_280 : vector<16xi32> to vector<16x1xi32>
    %gather3A_282 = vector.shape_cast %broadcast_in_dim3A_281 : vector<16x1xi32> to vector<16xi32>
    %gather3A_283 = tpu.dynamic_gather %add3A_73[%gather3A_282] in [0] : vector<16xf32>, vector<16xi32> -> vector<16xf32>
    %mul3A_284 = arith.constant 0.001953125 : f32
    %mul3A_285 = vector.broadcast %mul3A_284 : f32 to vector<16xf32>
    %mul3A_286 = arith.mulf %gather3A_283, %mul3A_285 : vector<16xf32>
    %scan3A_287 = arith.constant 0 : i32
    %scan3A_288 = arith.constant 0 : i32
    %scan3A_289 = arith.constant 40 : i32
    %scan3A_290 = arith.addi %scan3A_288, %scan3A_289 : i32
    %scan3A_291 = arith.constant 1 : i32
    scf.for %scan3A_2625 = %scan3A_288 to %scan3A_290 step %scan3A_291  : i32 {
      %mul3A_2626 = arith.constant 16 : i32
      %mul3A_2627 = arith.muli %scan3A_2625, %mul3A_2626 : i32
      %get3A = arith.index_cast %mul3A_2627 : i32 to index
      %get3A_2628 = tpu.vector_load %arg6[%get3A] {strides = array<i32>} : memref<5120xf32, #tpu.memory_space<vmem>>, vector<16xf32>,
      %get3A_2629 = vector.shape_cast %get3A_2628 : vector<16xf32> to vector<16xf32>
      %mul3A_2630 = arith.mulf %mul3A_234, %get3A_2629 : vector<16xf32>
      %mul3A_2631 = arith.constant 16 : i32
      %mul3A_2632 = arith.muli %scan3A_2625, %mul3A_2631 : i32
      %add3A_2633 = arith.constant 640 : i32
      %add3A_2634 = arith.addi %add3A_2633, %mul3A_2632 : i32
      %get3A_2635 = arith.index_cast %add3A_2634 : i32 to index
      %get3A_2636 = tpu.vector_load %arg6[%get3A_2635] {strides = array<i32>} : memref<5120xf32, #tpu.memory_space<vmem>>, vector<16xf32>,
      %get3A_2637 = vector.shape_cast %get3A_2636 : vector<16xf32> to vector<16xf32>
      %mul3A_2638 = arith.mulf %mul3A_247, %get3A_2637 : vector<16xf32>
      %add3A_2639 = arith.addf %mul3A_2630, %mul3A_2638 : vector<16xf32>
      %mul3A_2640 = arith.constant 16 : i32
      %mul3A_2641 = arith.muli %scan3A_2625, %mul3A_2640 : i32
      %add3A_2642 = arith.constant 1280 : i32
      %add3A_2643 = arith.addi %add3A_2642, %mul3A_2641 : i32
      %get3A_2644 = arith.index_cast %add3A_2643 : i32 to index
      %get3A_2645 = tpu.vector_load %arg6[%get3A_2644] {strides = array<i32>} : memref<5120xf32, #tpu.memory_space<vmem>>, vector<16xf32>,
      %get3A_2646 = vector.shape_cast %get3A_2645 : vector<16xf32> to vector<16xf32>
      %mul3A_2647 = arith.mulf %mul3A_260, %get3A_2646 : vector<16xf32>
      %add3A_2648 = arith.addf %add3A_2639, %mul3A_2647 : vector<16xf32>
      %mul3A_2649 = arith.constant 16 : i32
      %mul3A_2650 = arith.muli %scan3A_2625, %mul3A_2649 : i32
      %add3A_2651 = arith.constant 1920 : i32
      %add3A_2652 = arith.addi %add3A_2651, %mul3A_2650 : i32
      %get3A_2653 = arith.index_cast %add3A_2652 : i32 to index
      %get3A_2654 = tpu.vector_load %arg6[%get3A_2653] {strides = array<i32>} : memref<5120xf32, #tpu.memory_space<vmem>>, vector<16xf32>,
      %get3A_2655 = vector.shape_cast %get3A_2654 : vector<16xf32> to vector<16xf32>
      %mul3A_2656 = arith.mulf %mul3A_273, %get3A_2655 : vector<16xf32>
      %add3A_2657 = arith.addf %add3A_2648, %mul3A_2656 : vector<16xf32>
      %mul3A_2658 = arith.constant 16 : i32
      %mul3A_2659 = arith.muli %scan3A_2625, %mul3A_2658 : i32
      %add3A_2660 = arith.constant 2560 : i32
      %add3A_2661 = arith.addi %add3A_2660, %mul3A_2659 : i32
      %get3A_2662 = arith.index_cast %add3A_2661 : i32 to index
      %get3A_2663 = tpu.vector_load %arg6[%get3A_2662] {strides = array<i32>} : memref<5120xf32, #tpu.memory_space<vmem>>, vector<16xf32>,
      %get3A_2664 = vector.shape_cast %get3A_2663 : vector<16xf32> to vector<16xf32>
      %mul3A_2665 = arith.mulf %mul3A_286, %get3A_2664 : vector<16xf32>
      %add3A_2666 = arith.addf %add3A_2657, %mul3A_2665 : vector<16xf32>
      %mul3A_2667 = arith.constant 16 : i32
      %mul3A_2668 = arith.muli %scan3A_2625, %mul3A_2667 : i32
      %add3A_2669 = arith.constant 1280 : i32
      %add3A_2670 = arith.addi %add3A_2669, %mul3A_2668 : i32
      %swap3A = arith.index_cast %add3A_2670 : i32 to index
      %swap3A_2671 = tpu.vector_load %arg7[%swap3A] {strides = array<i32>} : memref<20480xf32, #tpu.memory_space<vmem>>, vector<16xf32>,
      %swap3A_2672 = vector.shape_cast %swap3A_2671 : vector<16xf32> to vector<16xf32>
      %swap3A_2673 = vector.shape_cast %add3A_2666 : vector<16xf32> to vector<16xf32>
      tpu.vector_store %arg7[%swap3A], %swap3A_2673 {strides = array<i32>} : memref<20480xf32, #tpu.memory_space<vmem>>, vector<16xf32>,
    }
    %scan3A_292 = arith.constant 40 : i32
    %broadcast_in_dim3A_293 = arith.constant 3 : i32
    %broadcast_in_dim3A_294 = vector.broadcast %broadcast_in_dim3A_293 : i32 to vector<16xi32>
    %lt3A_295 = arith.constant 0 : i32
    %lt3A_296 = vector.broadcast %lt3A_295 : i32 to vector<16xi32>
    %lt3A_297 = arith.cmpi slt, %broadcast_in_dim3A_294, %lt3A_296 : vector<16xi32>
    %add3A_298 = arith.constant 16 : i32
    %add3A_299 = vector.broadcast %add3A_298 : i32 to vector<16xi32>
    %add3A_300 = arith.addi %broadcast_in_dim3A_294, %add3A_299 : vector<16xi32>
    %select_n3A_301 = arith.select %lt3A_297, %add3A_300, %broadcast_in_dim3A_294 : vector<16xi1>, vector<16xi32>
    %broadcast_in_dim3A_302 = vector.shape_cast %select_n3A_301 : vector<16xi32> to vector<16x1xi32>
    %gather3A_303 = vector.shape_cast %broadcast_in_dim3A_302 : vector<16x1xi32> to vector<16xi32>
    %gather3A_304 = tpu.dynamic_gather %add3A_29[%gather3A_303] in [0] : vector<16xf32>, vector<16xi32> -> vector<16xf32>
    %mul3A_305 = arith.constant 0.001953125 : f32
    %mul3A_306 = vector.broadcast %mul3A_305 : f32 to vector<16xf32>
    %mul3A_307 = arith.mulf %gather3A_304, %mul3A_306 : vector<16xf32>
    %lt3A_308 = arith.constant 0 : i32
    %lt3A_309 = vector.broadcast %lt3A_308 : i32 to vector<16xi32>
    %lt3A_310 = arith.cmpi slt, %broadcast_in_dim3A_294, %lt3A_309 : vector<16xi32>
    %add3A_311 = arith.constant 16 : i32
    %add3A_312 = vector.broadcast %add3A_311 : i32 to vector<16xi32>
    %add3A_313 = arith.addi %broadcast_in_dim3A_294, %add3A_312 : vector<16xi32>
    %select_n3A_314 = arith.select %lt3A_310, %add3A_313, %broadcast_in_dim3A_294 : vector<16xi1>, vector<16xi32>
    %broadcast_in_dim3A_315 = vector.shape_cast %select_n3A_314 : vector<16xi32> to vector<16x1xi32>
    %gather3A_316 = vector.shape_cast %broadcast_in_dim3A_315 : vector<16x1xi32> to vector<16xi32>
    %gather3A_317 = tpu.dynamic_gather %add3A_40[%gather3A_316] in [0] : vector<16xf32>, vector<16xi32> -> vector<16xf32>
    %mul3A_318 = arith.constant 0.001953125 : f32
    %mul3A_319 = vector.broadcast %mul3A_318 : f32 to vector<16xf32>
    %mul3A_320 = arith.mulf %gather3A_317, %mul3A_319 : vector<16xf32>
    %lt3A_321 = arith.constant 0 : i32
    %lt3A_322 = vector.broadcast %lt3A_321 : i32 to vector<16xi32>
    %lt3A_323 = arith.cmpi slt, %broadcast_in_dim3A_294, %lt3A_322 : vector<16xi32>
    %add3A_324 = arith.constant 16 : i32
    %add3A_325 = vector.broadcast %add3A_324 : i32 to vector<16xi32>
    %add3A_326 = arith.addi %broadcast_in_dim3A_294, %add3A_325 : vector<16xi32>
    %select_n3A_327 = arith.select %lt3A_323, %add3A_326, %broadcast_in_dim3A_294 : vector<16xi1>, vector<16xi32>
    %broadcast_in_dim3A_328 = vector.shape_cast %select_n3A_327 : vector<16xi32> to vector<16x1xi32>
    %gather3A_329 = vector.shape_cast %broadcast_in_dim3A_328 : vector<16x1xi32> to vector<16xi32>
    %gather3A_330 = tpu.dynamic_gather %add3A_51[%gather3A_329] in [0] : vector<16xf32>, vector<16xi32> -> vector<16xf32>
    %mul3A_331 = arith.constant 0.001953125 : f32
    %mul3A_332 = vector.broadcast %mul3A_331 : f32 to vector<16xf32>
    %mul3A_333 = arith.mulf %gather3A_330, %mul3A_332 : vector<16xf32>
    %lt3A_334 = arith.constant 0 : i32
    %lt3A_335 = vector.broadcast %lt3A_334 : i32 to vector<16xi32>
    %lt3A_336 = arith.cmpi slt, %broadcast_in_dim3A_294, %lt3A_335 : vector<16xi32>
    %add3A_337 = arith.constant 16 : i32
    %add3A_338 = vector.broadcast %add3A_337 : i32 to vector<16xi32>
    %add3A_339 = arith.addi %broadcast_in_dim3A_294, %add3A_338 : vector<16xi32>
    %select_n3A_340 = arith.select %lt3A_336, %add3A_339, %broadcast_in_dim3A_294 : vector<16xi1>, vector<16xi32>
    %broadcast_in_dim3A_341 = vector.shape_cast %select_n3A_340 : vector<16xi32> to vector<16x1xi32>
    %gather3A_342 = vector.shape_cast %broadcast_in_dim3A_341 : vector<16x1xi32> to vector<16xi32>
    %gather3A_343 = tpu.dynamic_gather %add3A_62[%gather3A_342] in [0] : vector<16xf32>, vector<16xi32> -> vector<16xf32>
    %mul3A_344 = arith.constant 0.001953125 : f32
    %mul3A_345 = vector.broadcast %mul3A_344 : f32 to vector<16xf32>
    %mul3A_346 = arith.mulf %gather3A_343, %mul3A_345 : vector<16xf32>
    %lt3A_347 = arith.constant 0 : i32
    %lt3A_348 = vector.broadcast %lt3A_347 : i32 to vector<16xi32>
    %lt3A_349 = arith.cmpi slt, %broadcast_in_dim3A_294, %lt3A_348 : vector<16xi32>
    %add3A_350 = arith.constant 16 : i32
    %add3A_351 = vector.broadcast %add3A_350 : i32 to vector<16xi32>
    %add3A_352 = arith.addi %broadcast_in_dim3A_294, %add3A_351 : vector<16xi32>
    %select_n3A_353 = arith.select %lt3A_349, %add3A_352, %broadcast_in_dim3A_294 : vector<16xi1>, vector<16xi32>
    %broadcast_in_dim3A_354 = vector.shape_cast %select_n3A_353 : vector<16xi32> to vector<16x1xi32>
    %gather3A_355 = vector.shape_cast %broadcast_in_dim3A_354 : vector<16x1xi32> to vector<16xi32>
    %gather3A_356 = tpu.dynamic_gather %add3A_73[%gather3A_355] in [0] : vector<16xf32>, vector<16xi32> -> vector<16xf32>
    %mul3A_357 = arith.constant 0.001953125 : f32
    %mul3A_358 = vector.broadcast %mul3A_357 : f32 to vector<16xf32>
    %mul3A_359 = arith.mulf %gather3A_356, %mul3A_358 : vector<16xf32>
    %scan3A_360 = arith.constant 0 : i32
    %scan3A_361 = arith.constant 0 : i32
    %scan3A_362 = arith.constant 40 : i32
    %scan3A_363 = arith.addi %scan3A_361, %scan3A_362 : i32
    %scan3A_364 = arith.constant 1 : i32
    scf.for %scan3A_2625 = %scan3A_361 to %scan3A_363 step %scan3A_364  : i32 {
      %mul3A_2626 = arith.constant 16 : i32
      %mul3A_2627 = arith.muli %scan3A_2625, %mul3A_2626 : i32
      %get3A = arith.index_cast %mul3A_2627 : i32 to index
      %get3A_2628 = tpu.vector_load %arg6[%get3A] {strides = array<i32>} : memref<5120xf32, #tpu.memory_space<vmem>>, vector<16xf32>,
      %get3A_2629 = vector.shape_cast %get3A_2628 : vector<16xf32> to vector<16xf32>
      %mul3A_2630 = arith.mulf %mul3A_307, %get3A_2629 : vector<16xf32>
      %mul3A_2631 = arith.constant 16 : i32
      %mul3A_2632 = arith.muli %scan3A_2625, %mul3A_2631 : i32
      %add3A_2633 = arith.constant 640 : i32
      %add3A_2634 = arith.addi %add3A_2633, %mul3A_2632 : i32
      %get3A_2635 = arith.index_cast %add3A_2634 : i32 to index
      %get3A_2636 = tpu.vector_load %arg6[%get3A_2635] {strides = array<i32>} : memref<5120xf32, #tpu.memory_space<vmem>>, vector<16xf32>,
      %get3A_2637 = vector.shape_cast %get3A_2636 : vector<16xf32> to vector<16xf32>
      %mul3A_2638 = arith.mulf %mul3A_320, %get3A_2637 : vector<16xf32>
      %add3A_2639 = arith.addf %mul3A_2630, %mul3A_2638 : vector<16xf32>
      %mul3A_2640 = arith.constant 16 : i32
      %mul3A_2641 = arith.muli %scan3A_2625, %mul3A_2640 : i32
      %add3A_2642 = arith.constant 1280 : i32
      %add3A_2643 = arith.addi %add3A_2642, %mul3A_2641 : i32
      %get3A_2644 = arith.index_cast %add3A_2643 : i32 to index
      %get3A_2645 = tpu.vector_load %arg6[%get3A_2644] {strides = array<i32>} : memref<5120xf32, #tpu.memory_space<vmem>>, vector<16xf32>,
      %get3A_2646 = vector.shape_cast %get3A_2645 : vector<16xf32> to vector<16xf32>
      %mul3A_2647 = arith.mulf %mul3A_333, %get3A_2646 : vector<16xf32>
      %add3A_2648 = arith.addf %add3A_2639, %mul3A_2647 : vector<16xf32>
      %mul3A_2649 = arith.constant 16 : i32
      %mul3A_2650 = arith.muli %scan3A_2625, %mul3A_2649 : i32
      %add3A_2651 = arith.constant 1920 : i32
      %add3A_2652 = arith.addi %add3A_2651, %mul3A_2650 : i32
      %get3A_2653 = arith.index_cast %add3A_2652 : i32 to index
      %get3A_2654 = tpu.vector_load %arg6[%get3A_2653] {strides = array<i32>} : memref<5120xf32, #tpu.memory_space<vmem>>, vector<16xf32>,
      %get3A_2655 = vector.shape_cast %get3A_2654 : vector<16xf32> to vector<16xf32>
      %mul3A_2656 = arith.mulf %mul3A_346, %get3A_2655 : vector<16xf32>
      %add3A_2657 = arith.addf %add3A_2648, %mul3A_2656 : vector<16xf32>
      %mul3A_2658 = arith.constant 16 : i32
      %mul3A_2659 = arith.muli %scan3A_2625, %mul3A_2658 : i32
      %add3A_2660 = arith.constant 2560 : i32
      %add3A_2661 = arith.addi %add3A_2660, %mul3A_2659 : i32
      %get3A_2662 = arith.index_cast %add3A_2661 : i32 to index
      %get3A_2663 = tpu.vector_load %arg6[%get3A_2662] {strides = array<i32>} : memref<5120xf32, #tpu.memory_space<vmem>>, vector<16xf32>,
      %get3A_2664 = vector.shape_cast %get3A_2663 : vector<16xf32> to vector<16xf32>
      %mul3A_2665 = arith.mulf %mul3A_359, %get3A_2664 : vector<16xf32>
      %add3A_2666 = arith.addf %add3A_2657, %mul3A_2665 : vector<16xf32>
      %mul3A_2667 = arith.constant 16 : i32
      %mul3A_2668 = arith.muli %scan3A_2625, %mul3A_2667 : i32
      %add3A_2669 = arith.constant 1920 : i32
      %add3A_2670 = arith.addi %add3A_2669, %mul3A_2668 : i32
      %swap3A = arith.index_cast %add3A_2670 : i32 to index
      %swap3A_2671 = tpu.vector_load %arg7[%swap3A] {strides = array<i32>} : memref<20480xf32, #tpu.memory_space<vmem>>, vector<16xf32>,
      %swap3A_2672 = vector.shape_cast %swap3A_2671 : vector<16xf32> to vector<16xf32>
      %swap3A_2673 = vector.shape_cast %add3A_2666 : vector<16xf32> to vector<16xf32>
      tpu.vector_store %arg7[%swap3A], %swap3A_2673 {strides = array<i32>} : memref<20480xf32, #tpu.memory_space<vmem>>, vector<16xf32>,
    }
    %scan3A_365 = arith.constant 40 : i32
    %broadcast_in_dim3A_366 = arith.constant 4 : i32
    %broadcast_in_dim3A_367 = vector.broadcast %broadcast_in_dim3A_366 : i32 to vector<16xi32>
    %lt3A_368 = arith.constant 0 : i32
    %lt3A_369 = vector.broadcast %lt3A_368 : i32 to vector<16xi32>
    %lt3A_370 = arith.cmpi slt, %broadcast_in_dim3A_367, %lt3A_369 : vector<16xi32>
    %add3A_371 = arith.constant 16 : i32
    %add3A_372 = vector.broadcast %add3A_371 : i32 to vector<16xi32>
    %add3A_373 = arith.addi %broadcast_in_dim3A_367, %add3A_372 : vector<16xi32>
    %select_n3A_374 = arith.select %lt3A_370, %add3A_373, %broadcast_in_dim3A_367 : vector<16xi1>, vector<16xi32>
    %broadcast_in_dim3A_375 = vector.shape_cast %select_n3A_374 : vector<16xi32> to vector<16x1xi32>
    %gather3A_376 = vector.shape_cast %broadcast_in_dim3A_375 : vector<16x1xi32> to vector<16xi32>
    %gather3A_377 = tpu.dynamic_gather %add3A_29[%gather3A_376] in [0] : vector<16xf32>, vector<16xi32> -> vector<16xf32>
    %mul3A_378 = arith.constant 0.001953125 : f32
    %mul3A_379 = vector.broadcast %mul3A_378 : f32 to vector<16xf32>
    %mul3A_380 = arith.mulf %gather3A_377, %mul3A_379 : vector<16xf32>
    %lt3A_381 = arith.constant 0 : i32
    %lt3A_382 = vector.broadcast %lt3A_381 : i32 to vector<16xi32>
    %lt3A_383 = arith.cmpi slt, %broadcast_in_dim3A_367, %lt3A_382 : vector<16xi32>
    %add3A_384 = arith.constant 16 : i32
    %add3A_385 = vector.broadcast %add3A_384 : i32 to vector<16xi32>
    %add3A_386 = arith.addi %broadcast_in_dim3A_367, %add3A_385 : vector<16xi32>
    %select_n3A_387 = arith.select %lt3A_383, %add3A_386, %broadcast_in_dim3A_367 : vector<16xi1>, vector<16xi32>
    %broadcast_in_dim3A_388 = vector.shape_cast %select_n3A_387 : vector<16xi32> to vector<16x1xi32>
    %gather3A_389 = vector.shape_cast %broadcast_in_dim3A_388 : vector<16x1xi32> to vector<16xi32>
    %gather3A_390 = tpu.dynamic_gather %add3A_40[%gather3A_389] in [0] : vector<16xf32>, vector<16xi32> -> vector<16xf32>
    %mul3A_391 = arith.constant 0.001953125 : f32
    %mul3A_392 = vector.broadcast %mul3A_391 : f32 to vector<16xf32>
    %mul3A_393 = arith.mulf %gather3A_390, %mul3A_392 : vector<16xf32>
    %lt3A_394 = arith.constant 0 : i32
    %lt3A_395 = vector.broadcast %lt3A_394 : i32 to vector<16xi32>
    %lt3A_396 = arith.cmpi slt, %broadcast_in_dim3A_367, %lt3A_395 : vector<16xi32>
    %add3A_397 = arith.constant 16 : i32
    %add3A_398 = vector.broadcast %add3A_397 : i32 to vector<16xi32>
    %add3A_399 = arith.addi %broadcast_in_dim3A_367, %add3A_398 : vector<16xi32>
    %select_n3A_400 = arith.select %lt3A_396, %add3A_399, %broadcast_in_dim3A_367 : vector<16xi1>, vector<16xi32>
    %broadcast_in_dim3A_401 = vector.shape_cast %select_n3A_400 : vector<16xi32> to vector<16x1xi32>
    %gather3A_402 = vector.shape_cast %broadcast_in_dim3A_401 : vector<16x1xi32> to vector<16xi32>
    %gather3A_403 = tpu.dynamic_gather %add3A_51[%gather3A_402] in [0] : vector<16xf32>, vector<16xi32> -> vector<16xf32>
    %mul3A_404 = arith.constant 0.001953125 : f32
    %mul3A_405 = vector.broadcast %mul3A_404 : f32 to vector<16xf32>
    %mul3A_406 = arith.mulf %gather3A_403, %mul3A_405 : vector<16xf32>
    %lt3A_407 = arith.constant 0 : i32
    %lt3A_408 = vector.broadcast %lt3A_407 : i32 to vector<16xi32>
    %lt3A_409 = arith.cmpi slt, %broadcast_in_dim3A_367, %lt3A_408 : vector<16xi32>
    %add3A_410 = arith.constant 16 : i32
    %add3A_411 = vector.broadcast %add3A_410 : i32 to vector<16xi32>
    %add3A_412 = arith.addi %broadcast_in_dim3A_367, %add3A_411 : vector<16xi32>
    %select_n3A_413 = arith.select %lt3A_409, %add3A_412, %broadcast_in_dim3A_367 : vector<16xi1>, vector<16xi32>
    %broadcast_in_dim3A_414 = vector.shape_cast %select_n3A_413 : vector<16xi32> to vector<16x1xi32>
    %gather3A_415 = vector.shape_cast %broadcast_in_dim3A_414 : vector<16x1xi32> to vector<16xi32>
    %gather3A_416 = tpu.dynamic_gather %add3A_62[%gather3A_415] in [0] : vector<16xf32>, vector<16xi32> -> vector<16xf32>
    %mul3A_417 = arith.constant 0.001953125 : f32
    %mul3A_418 = vector.broadcast %mul3A_417 : f32 to vector<16xf32>
    %mul3A_419 = arith.mulf %gather3A_416, %mul3A_418 : vector<16xf32>
    %lt3A_420 = arith.constant 0 : i32
    %lt3A_421 = vector.broadcast %lt3A_420 : i32 to vector<16xi32>
    %lt3A_422 = arith.cmpi slt, %broadcast_in_dim3A_367, %lt3A_421 : vector<16xi32>
    %add3A_423 = arith.constant 16 : i32
    %add3A_424 = vector.broadcast %add3A_423 : i32 to vector<16xi32>
    %add3A_425 = arith.addi %broadcast_in_dim3A_367, %add3A_424 : vector<16xi32>
    %select_n3A_426 = arith.select %lt3A_422, %add3A_425, %broadcast_in_dim3A_367 : vector<16xi1>, vector<16xi32>
    %broadcast_in_dim3A_427 = vector.shape_cast %select_n3A_426 : vector<16xi32> to vector<16x1xi32>
    %gather3A_428 = vector.shape_cast %broadcast_in_dim3A_427 : vector<16x1xi32> to vector<16xi32>
    %gather3A_429 = tpu.dynamic_gather %add3A_73[%gather3A_428] in [0] : vector<16xf32>, vector<16xi32> -> vector<16xf32>
    %mul3A_430 = arith.constant 0.001953125 : f32
    %mul3A_431 = vector.broadcast %mul3A_430 : f32 to vector<16xf32>
    %mul3A_432 = arith.mulf %gather3A_429, %mul3A_431 : vector<16xf32>
    %scan3A_433 = arith.constant 0 : i32
    %scan3A_434 = arith.constant 0 : i32
    %scan3A_435 = arith.constant 40 : i32
    %scan3A_436 = arith.addi %scan3A_434, %scan3A_435 : i32
    %scan3A_437 = arith.constant 1 : i32
    scf.for %scan3A_2625 = %scan3A_434 to %scan3A_436 step %scan3A_437  : i32 {
      %mul3A_2626 = arith.constant 16 : i32
      %mul3A_2627 = arith.muli %scan3A_2625, %mul3A_2626 : i32
      %get3A = arith.index_cast %mul3A_2627 : i32 to index
      %get3A_2628 = tpu.vector_load %arg6[%get3A] {strides = array<i32>} : memref<5120xf32, #tpu.memory_space<vmem>>, vector<16xf32>,
      %get3A_2629 = vector.shape_cast %get3A_2628 : vector<16xf32> to vector<16xf32>
      %mul3A_2630 = arith.mulf %mul3A_380, %get3A_2629 : vector<16xf32>
      %mul3A_2631 = arith.constant 16 : i32
      %mul3A_2632 = arith.muli %scan3A_2625, %mul3A_2631 : i32
      %add3A_2633 = arith.constant 640 : i32
      %add3A_2634 = arith.addi %add3A_2633, %mul3A_2632 : i32
      %get3A_2635 = arith.index_cast %add3A_2634 : i32 to index
      %get3A_2636 = tpu.vector_load %arg6[%get3A_2635] {strides = array<i32>} : memref<5120xf32, #tpu.memory_space<vmem>>, vector<16xf32>,
      %get3A_2637 = vector.shape_cast %get3A_2636 : vector<16xf32> to vector<16xf32>
      %mul3A_2638 = arith.mulf %mul3A_393, %get3A_2637 : vector<16xf32>
      %add3A_2639 = arith.addf %mul3A_2630, %mul3A_2638 : vector<16xf32>
      %mul3A_2640 = arith.constant 16 : i32
      %mul3A_2641 = arith.muli %scan3A_2625, %mul3A_2640 : i32
      %add3A_2642 = arith.constant 1280 : i32
      %add3A_2643 = arith.addi %add3A_2642, %mul3A_2641 : i32
      %get3A_2644 = arith.index_cast %add3A_2643 : i32 to index
      %get3A_2645 = tpu.vector_load %arg6[%get3A_2644] {strides = array<i32>} : memref<5120xf32, #tpu.memory_space<vmem>>, vector<16xf32>,
      %get3A_2646 = vector.shape_cast %get3A_2645 : vector<16xf32> to vector<16xf32>
      %mul3A_2647 = arith.mulf %mul3A_406, %get3A_2646 : vector<16xf32>
      %add3A_2648 = arith.addf %add3A_2639, %mul3A_2647 : vector<16xf32>
      %mul3A_2649 = arith.constant 16 : i32
      %mul3A_2650 = arith.muli %scan3A_2625, %mul3A_2649 : i32
      %add3A_2651 = arith.constant 1920 : i32
      %add3A_2652 = arith.addi %add3A_2651, %mul3A_2650 : i32
      %get3A_2653 = arith.index_cast %add3A_2652 : i32 to index
      %get3A_2654 = tpu.vector_load %arg6[%get3A_2653] {strides = array<i32>} : memref<5120xf32, #tpu.memory_space<vmem>>, vector<16xf32>,
      %get3A_2655 = vector.shape_cast %get3A_2654 : vector<16xf32> to vector<16xf32>
      %mul3A_2656 = arith.mulf %mul3A_419, %get3A_2655 : vector<16xf32>
      %add3A_2657 = arith.addf %add3A_2648, %mul3A_2656 : vector<16xf32>
      %mul3A_2658 = arith.constant 16 : i32
      %mul3A_2659 = arith.muli %scan3A_2625, %mul3A_2658 : i32
      %add3A_2660 = arith.constant 2560 : i32
      %add3A_2661 = arith.addi %add3A_2660, %mul3A_2659 : i32
      %get3A_2662 = arith.index_cast %add3A_2661 : i32 to index
      %get3A_2663 = tpu.vector_load %arg6[%get3A_2662] {strides = array<i32>} : memref<5120xf32, #tpu.memory_space<vmem>>, vector<16xf32>,
      %get3A_2664 = vector.shape_cast %get3A_2663 : vector<16xf32> to vector<16xf32>
      %mul3A_2665 = arith.mulf %mul3A_432, %get3A_2664 : vector<16xf32>
      %add3A_2666 = arith.addf %add3A_2657, %mul3A_2665 : vector<16xf32>
      %mul3A_2667 = arith.constant 16 : i32
      %mul3A_2668 = arith.muli %scan3A_2625, %mul3A_2667 : i32
      %add3A_2669 = arith.constant 2560 : i32
      %add3A_2670 = arith.addi %add3A_2669, %mul3A_2668 : i32
      %swap3A = arith.index_cast %add3A_2670 : i32 to index
      %swap3A_2671 = tpu.vector_load %arg7[%swap3A] {strides = array<i32>} : memref<20480xf32, #tpu.memory_space<vmem>>, vector<16xf32>,
      %swap3A_2672 = vector.shape_cast %swap3A_2671 : vector<16xf32> to vector<16xf32>
      %swap3A_2673 = vector.shape_cast %add3A_2666 : vector<16xf32> to vector<16xf32>
      tpu.vector_store %arg7[%swap3A], %swap3A_2673 {strides = array<i32>} : memref<20480xf32, #tpu.memory_space<vmem>>, vector<16xf32>,
    }
    %scan3A_438 = arith.constant 40 : i32
    %broadcast_in_dim3A_439 = arith.constant 5 : i32
    %broadcast_in_dim3A_440 = vector.broadcast %broadcast_in_dim3A_439 : i32 to vector<16xi32>
    %lt3A_441 = arith.constant 0 : i32
    %lt3A_442 = vector.broadcast %lt3A_441 : i32 to vector<16xi32>
    %lt3A_443 = arith.cmpi slt, %broadcast_in_dim3A_440, %lt3A_442 : vector<16xi32>
    %add3A_444 = arith.constant 16 : i32
    %add3A_445 = vector.broadcast %add3A_444 : i32 to vector<16xi32>
    %add3A_446 = arith.addi %broadcast_in_dim3A_440, %add3A_445 : vector<16xi32>
    %select_n3A_447 = arith.select %lt3A_443, %add3A_446, %broadcast_in_dim3A_440 : vector<16xi1>, vector<16xi32>
    %broadcast_in_dim3A_448 = vector.shape_cast %select_n3A_447 : vector<16xi32> to vector<16x1xi32>
    %gather3A_449 = vector.shape_cast %broadcast_in_dim3A_448 : vector<16x1xi32> to vector<16xi32>
    %gather3A_450 = tpu.dynamic_gather %add3A_29[%gather3A_449] in [0] : vector<16xf32>, vector<16xi32> -> vector<16xf32>
    %mul3A_451 = arith.constant 0.001953125 : f32
    %mul3A_452 = vector.broadcast %mul3A_451 : f32 to vector<16xf32>
    %mul3A_453 = arith.mulf %gather3A_450, %mul3A_452 : vector<16xf32>
    %lt3A_454 = arith.constant 0 : i32
    %lt3A_455 = vector.broadcast %lt3A_454 : i32 to vector<16xi32>
    %lt3A_456 = arith.cmpi slt, %broadcast_in_dim3A_440, %lt3A_455 : vector<16xi32>
    %add3A_457 = arith.constant 16 : i32
    %add3A_458 = vector.broadcast %add3A_457 : i32 to vector<16xi32>
    %add3A_459 = arith.addi %broadcast_in_dim3A_440, %add3A_458 : vector<16xi32>
    %select_n3A_460 = arith.select %lt3A_456, %add3A_459, %broadcast_in_dim3A_440 : vector<16xi1>, vector<16xi32>
    %broadcast_in_dim3A_461 = vector.shape_cast %select_n3A_460 : vector<16xi32> to vector<16x1xi32>
    %gather3A_462 = vector.shape_cast %broadcast_in_dim3A_461 : vector<16x1xi32> to vector<16xi32>
    %gather3A_463 = tpu.dynamic_gather %add3A_40[%gather3A_462] in [0] : vector<16xf32>, vector<16xi32> -> vector<16xf32>
    %mul3A_464 = arith.constant 0.001953125 : f32
    %mul3A_465 = vector.broadcast %mul3A_464 : f32 to vector<16xf32>
    %mul3A_466 = arith.mulf %gather3A_463, %mul3A_465 : vector<16xf32>
    %lt3A_467 = arith.constant 0 : i32
    %lt3A_468 = vector.broadcast %lt3A_467 : i32 to vector<16xi32>
    %lt3A_469 = arith.cmpi slt, %broadcast_in_dim3A_440, %lt3A_468 : vector<16xi32>
    %add3A_470 = arith.constant 16 : i32
    %add3A_471 = vector.broadcast %add3A_470 : i32 to vector<16xi32>
    %add3A_472 = arith.addi %broadcast_in_dim3A_440, %add3A_471 : vector<16xi32>
    %select_n3A_473 = arith.select %lt3A_469, %add3A_472, %broadcast_in_dim3A_440 : vector<16xi1>, vector<16xi32>
    %broadcast_in_dim3A_474 = vector.shape_cast %select_n3A_473 : vector<16xi32> to vector<16x1xi32>
    %gather3A_475 = vector.shape_cast %broadcast_in_dim3A_474 : vector<16x1xi32> to vector<16xi32>
    %gather3A_476 = tpu.dynamic_gather %add3A_51[%gather3A_475] in [0] : vector<16xf32>, vector<16xi32> -> vector<16xf32>
    %mul3A_477 = arith.constant 0.001953125 : f32
    %mul3A_478 = vector.broadcast %mul3A_477 : f32 to vector<16xf32>
    %mul3A_479 = arith.mulf %gather3A_476, %mul3A_478 : vector<16xf32>
    %lt3A_480 = arith.constant 0 : i32
    %lt3A_481 = vector.broadcast %lt3A_480 : i32 to vector<16xi32>
    %lt3A_482 = arith.cmpi slt, %broadcast_in_dim3A_440, %lt3A_481 : vector<16xi32>
    %add3A_483 = arith.constant 16 : i32
    %add3A_484 = vector.broadcast %add3A_483 : i32 to vector<16xi32>
    %add3A_485 = arith.addi %broadcast_in_dim3A_440, %add3A_484 : vector<16xi32>
    %select_n3A_486 = arith.select %lt3A_482, %add3A_485, %broadcast_in_dim3A_440 : vector<16xi1>, vector<16xi32>
    %broadcast_in_dim3A_487 = vector.shape_cast %select_n3A_486 : vector<16xi32> to vector<16x1xi32>
    %gather3A_488 = vector.shape_cast %broadcast_in_dim3A_487 : vector<16x1xi32> to vector<16xi32>
    %gather3A_489 = tpu.dynamic_gather %add3A_62[%gather3A_488] in [0] : vector<16xf32>, vector<16xi32> -> vector<16xf32>
    %mul3A_490 = arith.constant 0.001953125 : f32
    %mul3A_491 = vector.broadcast %mul3A_490 : f32 to vector<16xf32>
    %mul3A_492 = arith.mulf %gather3A_489, %mul3A_491 : vector<16xf32>
    %lt3A_493 = arith.constant 0 : i32
    %lt3A_494 = vector.broadcast %lt3A_493 : i32 to vector<16xi32>
    %lt3A_495 = arith.cmpi slt, %broadcast_in_dim3A_440, %lt3A_494 : vector<16xi32>
    %add3A_496 = arith.constant 16 : i32
    %add3A_497 = vector.broadcast %add3A_496 : i32 to vector<16xi32>
    %add3A_498 = arith.addi %broadcast_in_dim3A_440, %add3A_497 : vector<16xi32>
    %select_n3A_499 = arith.select %lt3A_495, %add3A_498, %broadcast_in_dim3A_440 : vector<16xi1>, vector<16xi32>
    %broadcast_in_dim3A_500 = vector.shape_cast %select_n3A_499 : vector<16xi32> to vector<16x1xi32>
    %gather3A_501 = vector.shape_cast %broadcast_in_dim3A_500 : vector<16x1xi32> to vector<16xi32>
    %gather3A_502 = tpu.dynamic_gather %add3A_73[%gather3A_501] in [0] : vector<16xf32>, vector<16xi32> -> vector<16xf32>
    %mul3A_503 = arith.constant 0.001953125 : f32
    %mul3A_504 = vector.broadcast %mul3A_503 : f32 to vector<16xf32>
    %mul3A_505 = arith.mulf %gather3A_502, %mul3A_504 : vector<16xf32>
    %scan3A_506 = arith.constant 0 : i32
    %scan3A_507 = arith.constant 0 : i32
    %scan3A_508 = arith.constant 40 : i32
    %scan3A_509 = arith.addi %scan3A_507, %scan3A_508 : i32
    %scan3A_510 = arith.constant 1 : i32
    scf.for %scan3A_2625 = %scan3A_507 to %scan3A_509 step %scan3A_510  : i32 {
      %mul3A_2626 = arith.constant 16 : i32
      %mul3A_2627 = arith.muli %scan3A_2625, %mul3A_2626 : i32
      %get3A = arith.index_cast %mul3A_2627 : i32 to index
      %get3A_2628 = tpu.vector_load %arg6[%get3A] {strides = array<i32>} : memref<5120xf32, #tpu.memory_space<vmem>>, vector<16xf32>,
      %get3A_2629 = vector.shape_cast %get3A_2628 : vector<16xf32> to vector<16xf32>
      %mul3A_2630 = arith.mulf %mul3A_453, %get3A_2629 : vector<16xf32>
      %mul3A_2631 = arith.constant 16 : i32
      %mul3A_2632 = arith.muli %scan3A_2625, %mul3A_2631 : i32
      %add3A_2633 = arith.constant 640 : i32
      %add3A_2634 = arith.addi %add3A_2633, %mul3A_2632 : i32
      %get3A_2635 = arith.index_cast %add3A_2634 : i32 to index
      %get3A_2636 = tpu.vector_load %arg6[%get3A_2635] {strides = array<i32>} : memref<5120xf32, #tpu.memory_space<vmem>>, vector<16xf32>,
      %get3A_2637 = vector.shape_cast %get3A_2636 : vector<16xf32> to vector<16xf32>
      %mul3A_2638 = arith.mulf %mul3A_466, %get3A_2637 : vector<16xf32>
      %add3A_2639 = arith.addf %mul3A_2630, %mul3A_2638 : vector<16xf32>
      %mul3A_2640 = arith.constant 16 : i32
      %mul3A_2641 = arith.muli %scan3A_2625, %mul3A_2640 : i32
      %add3A_2642 = arith.constant 1280 : i32
      %add3A_2643 = arith.addi %add3A_2642, %mul3A_2641 : i32
      %get3A_2644 = arith.index_cast %add3A_2643 : i32 to index
      %get3A_2645 = tpu.vector_load %arg6[%get3A_2644] {strides = array<i32>} : memref<5120xf32, #tpu.memory_space<vmem>>, vector<16xf32>,
      %get3A_2646 = vector.shape_cast %get3A_2645 : vector<16xf32> to vector<16xf32>
      %mul3A_2647 = arith.mulf %mul3A_479, %get3A_2646 : vector<16xf32>
      %add3A_2648 = arith.addf %add3A_2639, %mul3A_2647 : vector<16xf32>
      %mul3A_2649 = arith.constant 16 : i32
      %mul3A_2650 = arith.muli %scan3A_2625, %mul3A_2649 : i32
      %add3A_2651 = arith.constant 1920 : i32
      %add3A_2652 = arith.addi %add3A_2651, %mul3A_2650 : i32
      %get3A_2653 = arith.index_cast %add3A_2652 : i32 to index
      %get3A_2654 = tpu.vector_load %arg6[%get3A_2653] {strides = array<i32>} : memref<5120xf32, #tpu.memory_space<vmem>>, vector<16xf32>,
      %get3A_2655 = vector.shape_cast %get3A_2654 : vector<16xf32> to vector<16xf32>
      %mul3A_2656 = arith.mulf %mul3A_492, %get3A_2655 : vector<16xf32>
      %add3A_2657 = arith.addf %add3A_2648, %mul3A_2656 : vector<16xf32>
      %mul3A_2658 = arith.constant 16 : i32
      %mul3A_2659 = arith.muli %scan3A_2625, %mul3A_2658 : i32
      %add3A_2660 = arith.constant 2560 : i32
      %add3A_2661 = arith.addi %add3A_2660, %mul3A_2659 : i32
      %get3A_2662 = arith.index_cast %add3A_2661 : i32 to index
      %get3A_2663 = tpu.vector_load %arg6[%get3A_2662] {strides = array<i32>} : memref<5120xf32, #tpu.memory_space<vmem>>, vector<16xf32>,
      %get3A_2664 = vector.shape_cast %get3A_2663 : vector<16xf32> to vector<16xf32>
      %mul3A_2665 = arith.mulf %mul3A_505, %get3A_2664 : vector<16xf32>
      %add3A_2666 = arith.addf %add3A_2657, %mul3A_2665 : vector<16xf32>
      %mul3A_2667 = arith.constant 16 : i32
      %mul3A_2668 = arith.muli %scan3A_2625, %mul3A_2667 : i32
      %add3A_2669 = arith.constant 3200 : i32
      %add3A_2670 = arith.addi %add3A_2669, %mul3A_2668 : i32
      %swap3A = arith.index_cast %add3A_2670 : i32 to index
      %swap3A_2671 = tpu.vector_load %arg7[%swap3A] {strides = array<i32>} : memref<20480xf32, #tpu.memory_space<vmem>>, vector<16xf32>,
      %swap3A_2672 = vector.shape_cast %swap3A_2671 : vector<16xf32> to vector<16xf32>
      %swap3A_2673 = vector.shape_cast %add3A_2666 : vector<16xf32> to vector<16xf32>
      tpu.vector_store %arg7[%swap3A], %swap3A_2673 {strides = array<i32>} : memref<20480xf32, #tpu.memory_space<vmem>>, vector<16xf32>,
    }
    %scan3A_511 = arith.constant 40 : i32
    %broadcast_in_dim3A_512 = arith.constant 6 : i32
    %broadcast_in_dim3A_513 = vector.broadcast %broadcast_in_dim3A_512 : i32 to vector<16xi32>
    %lt3A_514 = arith.constant 0 : i32
    %lt3A_515 = vector.broadcast %lt3A_514 : i32 to vector<16xi32>
    %lt3A_516 = arith.cmpi slt, %broadcast_in_dim3A_513, %lt3A_515 : vector<16xi32>
    %add3A_517 = arith.constant 16 : i32
    %add3A_518 = vector.broadcast %add3A_517 : i32 to vector<16xi32>
    %add3A_519 = arith.addi %broadcast_in_dim3A_513, %add3A_518 : vector<16xi32>
    %select_n3A_520 = arith.select %lt3A_516, %add3A_519, %broadcast_in_dim3A_513 : vector<16xi1>, vector<16xi32>
    %broadcast_in_dim3A_521 = vector.shape_cast %select_n3A_520 : vector<16xi32> to vector<16x1xi32>
    %gather3A_522 = vector.shape_cast %broadcast_in_dim3A_521 : vector<16x1xi32> to vector<16xi32>
    %gather3A_523 = tpu.dynamic_gather %add3A_29[%gather3A_522] in [0] : vector<16xf32>, vector<16xi32> -> vector<16xf32>
    %mul3A_524 = arith.constant 0.001953125 : f32
    %mul3A_525 = vector.broadcast %mul3A_524 : f32 to vector<16xf32>
    %mul3A_526 = arith.mulf %gather3A_523, %mul3A_525 : vector<16xf32>
    %lt3A_527 = arith.constant 0 : i32
    %lt3A_528 = vector.broadcast %lt3A_527 : i32 to vector<16xi32>
    %lt3A_529 = arith.cmpi slt, %broadcast_in_dim3A_513, %lt3A_528 : vector<16xi32>
    %add3A_530 = arith.constant 16 : i32
    %add3A_531 = vector.broadcast %add3A_530 : i32 to vector<16xi32>
    %add3A_532 = arith.addi %broadcast_in_dim3A_513, %add3A_531 : vector<16xi32>
    %select_n3A_533 = arith.select %lt3A_529, %add3A_532, %broadcast_in_dim3A_513 : vector<16xi1>, vector<16xi32>
    %broadcast_in_dim3A_534 = vector.shape_cast %select_n3A_533 : vector<16xi32> to vector<16x1xi32>
    %gather3A_535 = vector.shape_cast %broadcast_in_dim3A_534 : vector<16x1xi32> to vector<16xi32>
    %gather3A_536 = tpu.dynamic_gather %add3A_40[%gather3A_535] in [0] : vector<16xf32>, vector<16xi32> -> vector<16xf32>
    %mul3A_537 = arith.constant 0.001953125 : f32
    %mul3A_538 = vector.broadcast %mul3A_537 : f32 to vector<16xf32>
    %mul3A_539 = arith.mulf %gather3A_536, %mul3A_538 : vector<16xf32>
    %lt3A_540 = arith.constant 0 : i32
    %lt3A_541 = vector.broadcast %lt3A_540 : i32 to vector<16xi32>
    %lt3A_542 = arith.cmpi slt, %broadcast_in_dim3A_513, %lt3A_541 : vector<16xi32>
    %add3A_543 = arith.constant 16 : i32
    %add3A_544 = vector.broadcast %add3A_543 : i32 to vector<16xi32>
    %add3A_545 = arith.addi %broadcast_in_dim3A_513, %add3A_544 : vector<16xi32>
    %select_n3A_546 = arith.select %lt3A_542, %add3A_545, %broadcast_in_dim3A_513 : vector<16xi1>, vector<16xi32>
    %broadcast_in_dim3A_547 = vector.shape_cast %select_n3A_546 : vector<16xi32> to vector<16x1xi32>
    %gather3A_548 = vector.shape_cast %broadcast_in_dim3A_547 : vector<16x1xi32> to vector<16xi32>
    %gather3A_549 = tpu.dynamic_gather %add3A_51[%gather3A_548] in [0] : vector<16xf32>, vector<16xi32> -> vector<16xf32>
    %mul3A_550 = arith.constant 0.001953125 : f32
    %mul3A_551 = vector.broadcast %mul3A_550 : f32 to vector<16xf32>
    %mul3A_552 = arith.mulf %gather3A_549, %mul3A_551 : vector<16xf32>
    %lt3A_553 = arith.constant 0 : i32
    %lt3A_554 = vector.broadcast %lt3A_553 : i32 to vector<16xi32>
    %lt3A_555 = arith.cmpi slt, %broadcast_in_dim3A_513, %lt3A_554 : vector<16xi32>
    %add3A_556 = arith.constant 16 : i32
    %add3A_557 = vector.broadcast %add3A_556 : i32 to vector<16xi32>
    %add3A_558 = arith.addi %broadcast_in_dim3A_513, %add3A_557 : vector<16xi32>
    %select_n3A_559 = arith.select %lt3A_555, %add3A_558, %broadcast_in_dim3A_513 : vector<16xi1>, vector<16xi32>
    %broadcast_in_dim3A_560 = vector.shape_cast %select_n3A_559 : vector<16xi32> to vector<16x1xi32>
    %gather3A_561 = vector.shape_cast %broadcast_in_dim3A_560 : vector<16x1xi32> to vector<16xi32>
    %gather3A_562 = tpu.dynamic_gather %add3A_62[%gather3A_561] in [0] : vector<16xf32>, vector<16xi32> -> vector<16xf32>
    %mul3A_563 = arith.constant 0.001953125 : f32
    %mul3A_564 = vector.broadcast %mul3A_563 : f32 to vector<16xf32>
    %mul3A_565 = arith.mulf %gather3A_562, %mul3A_564 : vector<16xf32>
    %lt3A_566 = arith.constant 0 : i32
    %lt3A_567 = vector.broadcast %lt3A_566 : i32 to vector<16xi32>
    %lt3A_568 = arith.cmpi slt, %broadcast_in_dim3A_513, %lt3A_567 : vector<16xi32>
    %add3A_569 = arith.constant 16 : i32
    %add3A_570 = vector.broadcast %add3A_569 : i32 to vector<16xi32>
    %add3A_571 = arith.addi %broadcast_in_dim3A_513, %add3A_570 : vector<16xi32>
    %select_n3A_572 = arith.select %lt3A_568, %add3A_571, %broadcast_in_dim3A_513 : vector<16xi1>, vector<16xi32>
    %broadcast_in_dim3A_573 = vector.shape_cast %select_n3A_572 : vector<16xi32> to vector<16x1xi32>
    %gather3A_574 = vector.shape_cast %broadcast_in_dim3A_573 : vector<16x1xi32> to vector<16xi32>
    %gather3A_575 = tpu.dynamic_gather %add3A_73[%gather3A_574] in [0] : vector<16xf32>, vector<16xi32> -> vector<16xf32>
    %mul3A_576 = arith.constant 0.001953125 : f32
    %mul3A_577 = vector.broadcast %mul3A_576 : f32 to vector<16xf32>
    %mul3A_578 = arith.mulf %gather3A_575, %mul3A_577 : vector<16xf32>
    %scan3A_579 = arith.constant 0 : i32
    %scan3A_580 = arith.constant 0 : i32
    %scan3A_581 = arith.constant 40 : i32
    %scan3A_582 = arith.addi %scan3A_580, %scan3A_581 : i32
    %scan3A_583 = arith.constant 1 : i32
    scf.for %scan3A_2625 = %scan3A_580 to %scan3A_582 step %scan3A_583  : i32 {
      %mul3A_2626 = arith.constant 16 : i32
      %mul3A_2627 = arith.muli %scan3A_2625, %mul3A_2626 : i32
      %get3A = arith.index_cast %mul3A_2627 : i32 to index
      %get3A_2628 = tpu.vector_load %arg6[%get3A] {strides = array<i32>} : memref<5120xf32, #tpu.memory_space<vmem>>, vector<16xf32>,
      %get3A_2629 = vector.shape_cast %get3A_2628 : vector<16xf32> to vector<16xf32>
      %mul3A_2630 = arith.mulf %mul3A_526, %get3A_2629 : vector<16xf32>
      %mul3A_2631 = arith.constant 16 : i32
      %mul3A_2632 = arith.muli %scan3A_2625, %mul3A_2631 : i32
      %add3A_2633 = arith.constant 640 : i32
      %add3A_2634 = arith.addi %add3A_2633, %mul3A_2632 : i32
      %get3A_2635 = arith.index_cast %add3A_2634 : i32 to index
      %get3A_2636 = tpu.vector_load %arg6[%get3A_2635] {strides = array<i32>} : memref<5120xf32, #tpu.memory_space<vmem>>, vector<16xf32>,
      %get3A_2637 = vector.shape_cast %get3A_2636 : vector<16xf32> to vector<16xf32>
      %mul3A_2638 = arith.mulf %mul3A_539, %get3A_2637 : vector<16xf32>
      %add3A_2639 = arith.addf %mul3A_2630, %mul3A_2638 : vector<16xf32>
      %mul3A_2640 = arith.constant 16 : i32
      %mul3A_2641 = arith.muli %scan3A_2625, %mul3A_2640 : i32
      %add3A_2642 = arith.constant 1280 : i32
      %add3A_2643 = arith.addi %add3A_2642, %mul3A_2641 : i32
      %get3A_2644 = arith.index_cast %add3A_2643 : i32 to index
      %get3A_2645 = tpu.vector_load %arg6[%get3A_2644] {strides = array<i32>} : memref<5120xf32, #tpu.memory_space<vmem>>, vector<16xf32>,
      %get3A_2646 = vector.shape_cast %get3A_2645 : vector<16xf32> to vector<16xf32>
      %mul3A_2647 = arith.mulf %mul3A_552, %get3A_2646 : vector<16xf32>
      %add3A_2648 = arith.addf %add3A_2639, %mul3A_2647 : vector<16xf32>
      %mul3A_2649 = arith.constant 16 : i32
      %mul3A_2650 = arith.muli %scan3A_2625, %mul3A_2649 : i32
      %add3A_2651 = arith.constant 1920 : i32
      %add3A_2652 = arith.addi %add3A_2651, %mul3A_2650 : i32
      %get3A_2653 = arith.index_cast %add3A_2652 : i32 to index
      %get3A_2654 = tpu.vector_load %arg6[%get3A_2653] {strides = array<i32>} : memref<5120xf32, #tpu.memory_space<vmem>>, vector<16xf32>,
      %get3A_2655 = vector.shape_cast %get3A_2654 : vector<16xf32> to vector<16xf32>
      %mul3A_2656 = arith.mulf %mul3A_565, %get3A_2655 : vector<16xf32>
      %add3A_2657 = arith.addf %add3A_2648, %mul3A_2656 : vector<16xf32>
      %mul3A_2658 = arith.constant 16 : i32
      %mul3A_2659 = arith.muli %scan3A_2625, %mul3A_2658 : i32
      %add3A_2660 = arith.constant 2560 : i32
      %add3A_2661 = arith.addi %add3A_2660, %mul3A_2659 : i32
      %get3A_2662 = arith.index_cast %add3A_2661 : i32 to index
      %get3A_2663 = tpu.vector_load %arg6[%get3A_2662] {strides = array<i32>} : memref<5120xf32, #tpu.memory_space<vmem>>, vector<16xf32>,
      %get3A_2664 = vector.shape_cast %get3A_2663 : vector<16xf32> to vector<16xf32>
      %mul3A_2665 = arith.mulf %mul3A_578, %get3A_2664 : vector<16xf32>
      %add3A_2666 = arith.addf %add3A_2657, %mul3A_2665 : vector<16xf32>
      %mul3A_2667 = arith.constant 16 : i32
      %mul3A_2668 = arith.muli %scan3A_2625, %mul3A_2667 : i32
      %add3A_2669 = arith.constant 3840 : i32
      %add3A_2670 = arith.addi %add3A_2669, %mul3A_2668 : i32
      %swap3A = arith.index_cast %add3A_2670 : i32 to index
      %swap3A_2671 = tpu.vector_load %arg7[%swap3A] {strides = array<i32>} : memref<20480xf32, #tpu.memory_space<vmem>>, vector<16xf32>,
      %swap3A_2672 = vector.shape_cast %swap3A_2671 : vector<16xf32> to vector<16xf32>
      %swap3A_2673 = vector.shape_cast %add3A_2666 : vector<16xf32> to vector<16xf32>
      tpu.vector_store %arg7[%swap3A], %swap3A_2673 {strides = array<i32>} : memref<20480xf32, #tpu.memory_space<vmem>>, vector<16xf32>,
    }
    %scan3A_584 = arith.constant 40 : i32
    %broadcast_in_dim3A_585 = arith.constant 7 : i32
    %broadcast_in_dim3A_586 = vector.broadcast %broadcast_in_dim3A_585 : i32 to vector<16xi32>
    %lt3A_587 = arith.constant 0 : i32
    %lt3A_588 = vector.broadcast %lt3A_587 : i32 to vector<16xi32>
    %lt3A_589 = arith.cmpi slt, %broadcast_in_dim3A_586, %lt3A_588 : vector<16xi32>
    %add3A_590 = arith.constant 16 : i32
    %add3A_591 = vector.broadcast %add3A_590 : i32 to vector<16xi32>
    %add3A_592 = arith.addi %broadcast_in_dim3A_586, %add3A_591 : vector<16xi32>
    %select_n3A_593 = arith.select %lt3A_589, %add3A_592, %broadcast_in_dim3A_586 : vector<16xi1>, vector<16xi32>
    %broadcast_in_dim3A_594 = vector.shape_cast %select_n3A_593 : vector<16xi32> to vector<16x1xi32>
    %gather3A_595 = vector.shape_cast %broadcast_in_dim3A_594 : vector<16x1xi32> to vector<16xi32>
    %gather3A_596 = tpu.dynamic_gather %add3A_29[%gather3A_595] in [0] : vector<16xf32>, vector<16xi32> -> vector<16xf32>
    %mul3A_597 = arith.constant 0.001953125 : f32
    %mul3A_598 = vector.broadcast %mul3A_597 : f32 to vector<16xf32>
    %mul3A_599 = arith.mulf %gather3A_596, %mul3A_598 : vector<16xf32>
    %lt3A_600 = arith.constant 0 : i32
    %lt3A_601 = vector.broadcast %lt3A_600 : i32 to vector<16xi32>
    %lt3A_602 = arith.cmpi slt, %broadcast_in_dim3A_586, %lt3A_601 : vector<16xi32>
    %add3A_603 = arith.constant 16 : i32
    %add3A_604 = vector.broadcast %add3A_603 : i32 to vector<16xi32>
    %add3A_605 = arith.addi %broadcast_in_dim3A_586, %add3A_604 : vector<16xi32>
    %select_n3A_606 = arith.select %lt3A_602, %add3A_605, %broadcast_in_dim3A_586 : vector<16xi1>, vector<16xi32>
    %broadcast_in_dim3A_607 = vector.shape_cast %select_n3A_606 : vector<16xi32> to vector<16x1xi32>
    %gather3A_608 = vector.shape_cast %broadcast_in_dim3A_607 : vector<16x1xi32> to vector<16xi32>
    %gather3A_609 = tpu.dynamic_gather %add3A_40[%gather3A_608] in [0] : vector<16xf32>, vector<16xi32> -> vector<16xf32>
    %mul3A_610 = arith.constant 0.001953125 : f32
    %mul3A_611 = vector.broadcast %mul3A_610 : f32 to vector<16xf32>
    %mul3A_612 = arith.mulf %gather3A_609, %mul3A_611 : vector<16xf32>
    %lt3A_613 = arith.constant 0 : i32
    %lt3A_614 = vector.broadcast %lt3A_613 : i32 to vector<16xi32>
    %lt3A_615 = arith.cmpi slt, %broadcast_in_dim3A_586, %lt3A_614 : vector<16xi32>
    %add3A_616 = arith.constant 16 : i32
    %add3A_617 = vector.broadcast %add3A_616 : i32 to vector<16xi32>
    %add3A_618 = arith.addi %broadcast_in_dim3A_586, %add3A_617 : vector<16xi32>
    %select_n3A_619 = arith.select %lt3A_615, %add3A_618, %broadcast_in_dim3A_586 : vector<16xi1>, vector<16xi32>
    %broadcast_in_dim3A_620 = vector.shape_cast %select_n3A_619 : vector<16xi32> to vector<16x1xi32>
    %gather3A_621 = vector.shape_cast %broadcast_in_dim3A_620 : vector<16x1xi32> to vector<16xi32>
    %gather3A_622 = tpu.dynamic_gather %add3A_51[%gather3A_621] in [0] : vector<16xf32>, vector<16xi32> -> vector<16xf32>
    %mul3A_623 = arith.constant 0.001953125 : f32
    %mul3A_624 = vector.broadcast %mul3A_623 : f32 to vector<16xf32>
    %mul3A_625 = arith.mulf %gather3A_622, %mul3A_624 : vector<16xf32>
    %lt3A_626 = arith.constant 0 : i32
    %lt3A_627 = vector.broadcast %lt3A_626 : i32 to vector<16xi32>
    %lt3A_628 = arith.cmpi slt, %broadcast_in_dim3A_586, %lt3A_627 : vector<16xi32>
    %add3A_629 = arith.constant 16 : i32
    %add3A_630 = vector.broadcast %add3A_629 : i32 to vector<16xi32>
    %add3A_631 = arith.addi %broadcast_in_dim3A_586, %add3A_630 : vector<16xi32>
    %select_n3A_632 = arith.select %lt3A_628, %add3A_631, %broadcast_in_dim3A_586 : vector<16xi1>, vector<16xi32>
    %broadcast_in_dim3A_633 = vector.shape_cast %select_n3A_632 : vector<16xi32> to vector<16x1xi32>
    %gather3A_634 = vector.shape_cast %broadcast_in_dim3A_633 : vector<16x1xi32> to vector<16xi32>
    %gather3A_635 = tpu.dynamic_gather %add3A_62[%gather3A_634] in [0] : vector<16xf32>, vector<16xi32> -> vector<16xf32>
    %mul3A_636 = arith.constant 0.001953125 : f32
    %mul3A_637 = vector.broadcast %mul3A_636 : f32 to vector<16xf32>
    %mul3A_638 = arith.mulf %gather3A_635, %mul3A_637 : vector<16xf32>
    %lt3A_639 = arith.constant 0 : i32
    %lt3A_640 = vector.broadcast %lt3A_639 : i32 to vector<16xi32>
    %lt3A_641 = arith.cmpi slt, %broadcast_in_dim3A_586, %lt3A_640 : vector<16xi32>
    %add3A_642 = arith.constant 16 : i32
    %add3A_643 = vector.broadcast %add3A_642 : i32 to vector<16xi32>
    %add3A_644 = arith.addi %broadcast_in_dim3A_586, %add3A_643 : vector<16xi32>
    %select_n3A_645 = arith.select %lt3A_641, %add3A_644, %broadcast_in_dim3A_586 : vector<16xi1>, vector<16xi32>
    %broadcast_in_dim3A_646 = vector.shape_cast %select_n3A_645 : vector<16xi32> to vector<16x1xi32>
    %gather3A_647 = vector.shape_cast %broadcast_in_dim3A_646 : vector<16x1xi32> to vector<16xi32>
    %gather3A_648 = tpu.dynamic_gather %add3A_73[%gather3A_647] in [0] : vector<16xf32>, vector<16xi32> -> vector<16xf32>
    %mul3A_649 = arith.constant 0.001953125 : f32
    %mul3A_650 = vector.broadcast %mul3A_649 : f32 to vector<16xf32>
    %mul3A_651 = arith.mulf %gather3A_648, %mul3A_650 : vector<16xf32>
    %scan3A_652 = arith.constant 0 : i32
    %scan3A_653 = arith.constant 0 : i32
    %scan3A_654 = arith.constant 40 : i32
    %scan3A_655 = arith.addi %scan3A_653, %scan3A_654 : i32
    %scan3A_656 = arith.constant 1 : i32
    scf.for %scan3A_2625 = %scan3A_653 to %scan3A_655 step %scan3A_656  : i32 {
      %mul3A_2626 = arith.constant 16 : i32
      %mul3A_2627 = arith.muli %scan3A_2625, %mul3A_2626 : i32
      %get3A = arith.index_cast %mul3A_2627 : i32 to index
      %get3A_2628 = tpu.vector_load %arg6[%get3A] {strides = array<i32>} : memref<5120xf32, #tpu.memory_space<vmem>>, vector<16xf32>,
      %get3A_2629 = vector.shape_cast %get3A_2628 : vector<16xf32> to vector<16xf32>
      %mul3A_2630 = arith.mulf %mul3A_599, %get3A_2629 : vector<16xf32>
      %mul3A_2631 = arith.constant 16 : i32
      %mul3A_2632 = arith.muli %scan3A_2625, %mul3A_2631 : i32
      %add3A_2633 = arith.constant 640 : i32
      %add3A_2634 = arith.addi %add3A_2633, %mul3A_2632 : i32
      %get3A_2635 = arith.index_cast %add3A_2634 : i32 to index
      %get3A_2636 = tpu.vector_load %arg6[%get3A_2635] {strides = array<i32>} : memref<5120xf32, #tpu.memory_space<vmem>>, vector<16xf32>,
      %get3A_2637 = vector.shape_cast %get3A_2636 : vector<16xf32> to vector<16xf32>
      %mul3A_2638 = arith.mulf %mul3A_612, %get3A_2637 : vector<16xf32>
      %add3A_2639 = arith.addf %mul3A_2630, %mul3A_2638 : vector<16xf32>
      %mul3A_2640 = arith.constant 16 : i32
      %mul3A_2641 = arith.muli %scan3A_2625, %mul3A_2640 : i32
      %add3A_2642 = arith.constant 1280 : i32
      %add3A_2643 = arith.addi %add3A_2642, %mul3A_2641 : i32
      %get3A_2644 = arith.index_cast %add3A_2643 : i32 to index
      %get3A_2645 = tpu.vector_load %arg6[%get3A_2644] {strides = array<i32>} : memref<5120xf32, #tpu.memory_space<vmem>>, vector<16xf32>,
      %get3A_2646 = vector.shape_cast %get3A_2645 : vector<16xf32> to vector<16xf32>
      %mul3A_2647 = arith.mulf %mul3A_625, %get3A_2646 : vector<16xf32>
      %add3A_2648 = arith.addf %add3A_2639, %mul3A_2647 : vector<16xf32>
      %mul3A_2649 = arith.constant 16 : i32
      %mul3A_2650 = arith.muli %scan3A_2625, %mul3A_2649 : i32
      %add3A_2651 = arith.constant 1920 : i32
      %add3A_2652 = arith.addi %add3A_2651, %mul3A_2650 : i32
      %get3A_2653 = arith.index_cast %add3A_2652 : i32 to index
      %get3A_2654 = tpu.vector_load %arg6[%get3A_2653] {strides = array<i32>} : memref<5120xf32, #tpu.memory_space<vmem>>, vector<16xf32>,
      %get3A_2655 = vector.shape_cast %get3A_2654 : vector<16xf32> to vector<16xf32>
      %mul3A_2656 = arith.mulf %mul3A_638, %get3A_2655 : vector<16xf32>
      %add3A_2657 = arith.addf %add3A_2648, %mul3A_2656 : vector<16xf32>
      %mul3A_2658 = arith.constant 16 : i32
      %mul3A_2659 = arith.muli %scan3A_2625, %mul3A_2658 : i32
      %add3A_2660 = arith.constant 2560 : i32
      %add3A_2661 = arith.addi %add3A_2660, %mul3A_2659 : i32
      %get3A_2662 = arith.index_cast %add3A_2661 : i32 to index
      %get3A_2663 = tpu.vector_load %arg6[%get3A_2662] {strides = array<i32>} : memref<5120xf32, #tpu.memory_space<vmem>>, vector<16xf32>,
      %get3A_2664 = vector.shape_cast %get3A_2663 : vector<16xf32> to vector<16xf32>
      %mul3A_2665 = arith.mulf %mul3A_651, %get3A_2664 : vector<16xf32>
      %add3A_2666 = arith.addf %add3A_2657, %mul3A_2665 : vector<16xf32>
      %mul3A_2667 = arith.constant 16 : i32
      %mul3A_2668 = arith.muli %scan3A_2625, %mul3A_2667 : i32
      %add3A_2669 = arith.constant 4480 : i32
      %add3A_2670 = arith.addi %add3A_2669, %mul3A_2668 : i32
      %swap3A = arith.index_cast %add3A_2670 : i32 to index
      %swap3A_2671 = tpu.vector_load %arg7[%swap3A] {strides = array<i32>} : memref<20480xf32, #tpu.memory_space<vmem>>, vector<16xf32>,
      %swap3A_2672 = vector.shape_cast %swap3A_2671 : vector<16xf32> to vector<16xf32>
      %swap3A_2673 = vector.shape_cast %add3A_2666 : vector<16xf32> to vector<16xf32>
      tpu.vector_store %arg7[%swap3A], %swap3A_2673 {strides = array<i32>} : memref<20480xf32, #tpu.memory_space<vmem>>, vector<16xf32>,
    }
    %scan3A_657 = arith.constant 40 : i32
    %broadcast_in_dim3A_658 = arith.constant 0.000000e+00 : f32
    %broadcast_in_dim3A_659 = vector.broadcast %broadcast_in_dim3A_658 : f32 to vector<16xf32>
    %broadcast_in_dim3A_660 = arith.constant 0.000000e+00 : f32
    %broadcast_in_dim3A_661 = vector.broadcast %broadcast_in_dim3A_660 : f32 to vector<16xf32>
    %broadcast_in_dim3A_662 = arith.constant 0.000000e+00 : f32
    %broadcast_in_dim3A_663 = vector.broadcast %broadcast_in_dim3A_662 : f32 to vector<16xf32>
    %broadcast_in_dim3A_664 = arith.constant 0.000000e+00 : f32
    %broadcast_in_dim3A_665 = vector.broadcast %broadcast_in_dim3A_664 : f32 to vector<16xf32>
    %broadcast_in_dim3A_666 = arith.constant 0.000000e+00 : f32
    %broadcast_in_dim3A_667 = vector.broadcast %broadcast_in_dim3A_666 : f32 to vector<16xf32>
    %scan3A_668 = arith.constant 0 : i32
    %scan3A_669 = arith.constant 256 : i32
    %scan3A_670 = arith.addi %scan3A_668, %scan3A_669 : i32
    %scan3A_671 = arith.constant 1 : i32
    %scan3A_672:5 = scf.for %scan3A_2625 = %scan3A_668 to %scan3A_670 step %scan3A_671 iter_args(%scan3A_2626 = %broadcast_in_dim3A_659, %scan3A_2627 = %broadcast_in_dim3A_661, %scan3A_2628 = %broadcast_in_dim3A_663, %scan3A_2629 = %broadcast_in_dim3A_665, %scan3A_2630 = %broadcast_in_dim3A_667) -> (vector<16xf32>, vector<16xf32>, vector<16xf32>, vector<16xf32>, vector<16xf32>)  : i32 {
      %mul3A_2631 = arith.constant 16 : i32
      %mul3A_2632 = arith.muli %scan3A_2625, %mul3A_2631 : i32
      %add3A_2633 = arith.constant 4096 : i32
      %add3A_2634 = arith.addi %add3A_2633, %mul3A_2632 : i32
      %get3A = arith.index_cast %add3A_2634 : i32 to index
      %get3A_2635 = tpu.vector_load %arg5[%get3A] {strides = array<i32>} : memref<16384xi32, #tpu.memory_space<vmem>>, vector<16xi32>,
      %get3A_2636 = vector.shape_cast %get3A_2635 : vector<16xi32> to vector<16xi32>
      %eq3A = arith.constant 0 : i32
      %eq3A_2637 = vector.broadcast %eq3A : i32 to vector<16xi32>
      %eq3A_2638 = arith.cmpi eq, %get3A_2636, %eq3A_2637 : vector<16xi32>
      %jit3A = arith.constant 1.000000e+00 : f32
      %jit3A_2639 = arith.constant 0.000000e+00 : f32
      %broadcast_in_dim3A_2640 = vector.broadcast %jit3A : f32 to vector<16xf32>
      %broadcast_in_dim3A_2641 = vector.broadcast %jit3A_2639 : f32 to vector<16xf32>
      %select_n3A_2642 = arith.select %eq3A_2638, %broadcast_in_dim3A_2640, %broadcast_in_dim3A_2641 : vector<16xi1>, vector<16xf32>
      %add3A_2643 = arith.addf %scan3A_2626, %select_n3A_2642 : vector<16xf32>
      %eq3A_2644 = arith.constant 1 : i32
      %eq3A_2645 = vector.broadcast %eq3A_2644 : i32 to vector<16xi32>
      %eq3A_2646 = arith.cmpi eq, %get3A_2636, %eq3A_2645 : vector<16xi32>
      %jit3A_2647 = arith.constant 1.000000e+00 : f32
      %jit3A_2648 = arith.constant 0.000000e+00 : f32
      %broadcast_in_dim3A_2649 = vector.broadcast %jit3A_2647 : f32 to vector<16xf32>
      %broadcast_in_dim3A_2650 = vector.broadcast %jit3A_2648 : f32 to vector<16xf32>
      %select_n3A_2651 = arith.select %eq3A_2646, %broadcast_in_dim3A_2649, %broadcast_in_dim3A_2650 : vector<16xi1>, vector<16xf32>
      %add3A_2652 = arith.addf %scan3A_2627, %select_n3A_2651 : vector<16xf32>
      %eq3A_2653 = arith.constant 2 : i32
      %eq3A_2654 = vector.broadcast %eq3A_2653 : i32 to vector<16xi32>
      %eq3A_2655 = arith.cmpi eq, %get3A_2636, %eq3A_2654 : vector<16xi32>
      %jit3A_2656 = arith.constant 1.000000e+00 : f32
      %jit3A_2657 = arith.constant 0.000000e+00 : f32
      %broadcast_in_dim3A_2658 = vector.broadcast %jit3A_2656 : f32 to vector<16xf32>
      %broadcast_in_dim3A_2659 = vector.broadcast %jit3A_2657 : f32 to vector<16xf32>
      %select_n3A_2660 = arith.select %eq3A_2655, %broadcast_in_dim3A_2658, %broadcast_in_dim3A_2659 : vector<16xi1>, vector<16xf32>
      %add3A_2661 = arith.addf %scan3A_2628, %select_n3A_2660 : vector<16xf32>
      %eq3A_2662 = arith.constant 3 : i32
      %eq3A_2663 = vector.broadcast %eq3A_2662 : i32 to vector<16xi32>
      %eq3A_2664 = arith.cmpi eq, %get3A_2636, %eq3A_2663 : vector<16xi32>
      %jit3A_2665 = arith.constant 1.000000e+00 : f32
      %jit3A_2666 = arith.constant 0.000000e+00 : f32
      %broadcast_in_dim3A_2667 = vector.broadcast %jit3A_2665 : f32 to vector<16xf32>
      %broadcast_in_dim3A_2668 = vector.broadcast %jit3A_2666 : f32 to vector<16xf32>
      %select_n3A_2669 = arith.select %eq3A_2664, %broadcast_in_dim3A_2667, %broadcast_in_dim3A_2668 : vector<16xi1>, vector<16xf32>
      %add3A_2670 = arith.addf %scan3A_2629, %select_n3A_2669 : vector<16xf32>
      %eq3A_2671 = arith.constant 4 : i32
      %eq3A_2672 = vector.broadcast %eq3A_2671 : i32 to vector<16xi32>
      %eq3A_2673 = arith.cmpi eq, %get3A_2636, %eq3A_2672 : vector<16xi32>
      %jit3A_2674 = arith.constant 1.000000e+00 : f32
      %jit3A_2675 = arith.constant 0.000000e+00 : f32
      %broadcast_in_dim3A_2676 = vector.broadcast %jit3A_2674 : f32 to vector<16xf32>
      %broadcast_in_dim3A_2677 = vector.broadcast %jit3A_2675 : f32 to vector<16xf32>
      %select_n3A_2678 = arith.select %eq3A_2673, %broadcast_in_dim3A_2676, %broadcast_in_dim3A_2677 : vector<16xi1>, vector<16xf32>
      %add3A_2679 = arith.addf %scan3A_2630, %select_n3A_2678 : vector<16xf32>
      scf.yield %add3A_2643, %add3A_2652, %add3A_2661, %add3A_2670, %add3A_2679 : vector<16xf32>, vector<16xf32>, vector<16xf32>, vector<16xf32>, vector<16xf32>
    }
    %scan3A_673 = arith.constant 256 : i32
    %lt3A_674 = arith.constant 0 : i32
    %lt3A_675 = vector.broadcast %lt3A_674 : i32 to vector<16xi32>
    %lt3A_676 = arith.cmpi slt, %and3A_7, %lt3A_675 : vector<16xi32>
    %add3A_677 = arith.constant 16 : i32
    %add3A_678 = vector.broadcast %add3A_677 : i32 to vector<16xi32>
    %add3A_679 = arith.addi %and3A_7, %add3A_678 : vector<16xi32>
    %select_n3A_680 = arith.select %lt3A_676, %add3A_679, %and3A_7 : vector<16xi1>, vector<16xi32>
    %broadcast_in_dim3A_681 = vector.shape_cast %select_n3A_680 : vector<16xi32> to vector<16x1xi32>
    %gather3A_682 = vector.shape_cast %broadcast_in_dim3A_681 : vector<16x1xi32> to vector<16xi32>
    %gather3A_683 = tpu.dynamic_gather %scan3A_672#0[%gather3A_682] in [0] : vector<16xf32>, vector<16xi32> -> vector<16xf32>
    %add3A_684 = arith.addf %scan3A_672#0, %gather3A_683 : vector<16xf32>
    %lt3A_685 = arith.constant 0 : i32
    %lt3A_686 = vector.broadcast %lt3A_685 : i32 to vector<16xi32>
    %lt3A_687 = arith.cmpi slt, %and3A_7, %lt3A_686 : vector<16xi32>
    %add3A_688 = arith.constant 16 : i32
    %add3A_689 = vector.broadcast %add3A_688 : i32 to vector<16xi32>
    %add3A_690 = arith.addi %and3A_7, %add3A_689 : vector<16xi32>
    %select_n3A_691 = arith.select %lt3A_687, %add3A_690, %and3A_7 : vector<16xi1>, vector<16xi32>
    %broadcast_in_dim3A_692 = vector.shape_cast %select_n3A_691 : vector<16xi32> to vector<16x1xi32>
    %gather3A_693 = vector.shape_cast %broadcast_in_dim3A_692 : vector<16x1xi32> to vector<16xi32>
    %gather3A_694 = tpu.dynamic_gather %scan3A_672#1[%gather3A_693] in [0] : vector<16xf32>, vector<16xi32> -> vector<16xf32>
    %add3A_695 = arith.addf %scan3A_672#1, %gather3A_694 : vector<16xf32>
    %lt3A_696 = arith.constant 0 : i32
    %lt3A_697 = vector.broadcast %lt3A_696 : i32 to vector<16xi32>
    %lt3A_698 = arith.cmpi slt, %and3A_7, %lt3A_697 : vector<16xi32>
    %add3A_699 = arith.constant 16 : i32
    %add3A_700 = vector.broadcast %add3A_699 : i32 to vector<16xi32>
    %add3A_701 = arith.addi %and3A_7, %add3A_700 : vector<16xi32>
    %select_n3A_702 = arith.select %lt3A_698, %add3A_701, %and3A_7 : vector<16xi1>, vector<16xi32>
    %broadcast_in_dim3A_703 = vector.shape_cast %select_n3A_702 : vector<16xi32> to vector<16x1xi32>
    %gather3A_704 = vector.shape_cast %broadcast_in_dim3A_703 : vector<16x1xi32> to vector<16xi32>
    %gather3A_705 = tpu.dynamic_gather %scan3A_672#2[%gather3A_704] in [0] : vector<16xf32>, vector<16xi32> -> vector<16xf32>
    %add3A_706 = arith.addf %scan3A_672#2, %gather3A_705 : vector<16xf32>
    %lt3A_707 = arith.constant 0 : i32
    %lt3A_708 = vector.broadcast %lt3A_707 : i32 to vector<16xi32>
    %lt3A_709 = arith.cmpi slt, %and3A_7, %lt3A_708 : vector<16xi32>
    %add3A_710 = arith.constant 16 : i32
    %add3A_711 = vector.broadcast %add3A_710 : i32 to vector<16xi32>
    %add3A_712 = arith.addi %and3A_7, %add3A_711 : vector<16xi32>
    %select_n3A_713 = arith.select %lt3A_709, %add3A_712, %and3A_7 : vector<16xi1>, vector<16xi32>
    %broadcast_in_dim3A_714 = vector.shape_cast %select_n3A_713 : vector<16xi32> to vector<16x1xi32>
    %gather3A_715 = vector.shape_cast %broadcast_in_dim3A_714 : vector<16x1xi32> to vector<16xi32>
    %gather3A_716 = tpu.dynamic_gather %scan3A_672#3[%gather3A_715] in [0] : vector<16xf32>, vector<16xi32> -> vector<16xf32>
    %add3A_717 = arith.addf %scan3A_672#3, %gather3A_716 : vector<16xf32>
    %lt3A_718 = arith.constant 0 : i32
    %lt3A_719 = vector.broadcast %lt3A_718 : i32 to vector<16xi32>
    %lt3A_720 = arith.cmpi slt, %and3A_7, %lt3A_719 : vector<16xi32>
    %add3A_721 = arith.constant 16 : i32
    %add3A_722 = vector.broadcast %add3A_721 : i32 to vector<16xi32>
    %add3A_723 = arith.addi %and3A_7, %add3A_722 : vector<16xi32>
    %select_n3A_724 = arith.select %lt3A_720, %add3A_723, %and3A_7 : vector<16xi1>, vector<16xi32>
    %broadcast_in_dim3A_725 = vector.shape_cast %select_n3A_724 : vector<16xi32> to vector<16x1xi32>
    %gather3A_726 = vector.shape_cast %broadcast_in_dim3A_725 : vector<16x1xi32> to vector<16xi32>
    %gather3A_727 = tpu.dynamic_gather %scan3A_672#4[%gather3A_726] in [0] : vector<16xf32>, vector<16xi32> -> vector<16xf32>
    %add3A_728 = arith.addf %scan3A_672#4, %gather3A_727 : vector<16xf32>
    %broadcast_in_dim3A_729 = arith.constant 0 : i32
    %broadcast_in_dim3A_730 = vector.broadcast %broadcast_in_dim3A_729 : i32 to vector<16xi32>
    %lt3A_731 = arith.constant 0 : i32
    %lt3A_732 = vector.broadcast %lt3A_731 : i32 to vector<16xi32>
    %lt3A_733 = arith.cmpi slt, %broadcast_in_dim3A_730, %lt3A_732 : vector<16xi32>
    %add3A_734 = arith.constant 16 : i32
    %add3A_735 = vector.broadcast %add3A_734 : i32 to vector<16xi32>
    %add3A_736 = arith.addi %broadcast_in_dim3A_730, %add3A_735 : vector<16xi32>
    %select_n3A_737 = arith.select %lt3A_733, %add3A_736, %broadcast_in_dim3A_730 : vector<16xi1>, vector<16xi32>
    %broadcast_in_dim3A_738 = vector.shape_cast %select_n3A_737 : vector<16xi32> to vector<16x1xi32>
    %gather3A_739 = vector.shape_cast %broadcast_in_dim3A_738 : vector<16x1xi32> to vector<16xi32>
    %gather3A_740 = tpu.dynamic_gather %add3A_684[%gather3A_739] in [0] : vector<16xf32>, vector<16xi32> -> vector<16xf32>
    %mul3A_741 = arith.constant 0.001953125 : f32
    %mul3A_742 = vector.broadcast %mul3A_741 : f32 to vector<16xf32>
    %mul3A_743 = arith.mulf %gather3A_740, %mul3A_742 : vector<16xf32>
    %lt3A_744 = arith.constant 0 : i32
    %lt3A_745 = vector.broadcast %lt3A_744 : i32 to vector<16xi32>
    %lt3A_746 = arith.cmpi slt, %broadcast_in_dim3A_730, %lt3A_745 : vector<16xi32>
    %add3A_747 = arith.constant 16 : i32
    %add3A_748 = vector.broadcast %add3A_747 : i32 to vector<16xi32>
    %add3A_749 = arith.addi %broadcast_in_dim3A_730, %add3A_748 : vector<16xi32>
    %select_n3A_750 = arith.select %lt3A_746, %add3A_749, %broadcast_in_dim3A_730 : vector<16xi1>, vector<16xi32>
    %broadcast_in_dim3A_751 = vector.shape_cast %select_n3A_750 : vector<16xi32> to vector<16x1xi32>
    %gather3A_752 = vector.shape_cast %broadcast_in_dim3A_751 : vector<16x1xi32> to vector<16xi32>
    %gather3A_753 = tpu.dynamic_gather %add3A_695[%gather3A_752] in [0] : vector<16xf32>, vector<16xi32> -> vector<16xf32>
    %mul3A_754 = arith.constant 0.001953125 : f32
    %mul3A_755 = vector.broadcast %mul3A_754 : f32 to vector<16xf32>
    %mul3A_756 = arith.mulf %gather3A_753, %mul3A_755 : vector<16xf32>
    %lt3A_757 = arith.constant 0 : i32
    %lt3A_758 = vector.broadcast %lt3A_757 : i32 to vector<16xi32>
    %lt3A_759 = arith.cmpi slt, %broadcast_in_dim3A_730, %lt3A_758 : vector<16xi32>
    %add3A_760 = arith.constant 16 : i32
    %add3A_761 = vector.broadcast %add3A_760 : i32 to vector<16xi32>
    %add3A_762 = arith.addi %broadcast_in_dim3A_730, %add3A_761 : vector<16xi32>
    %select_n3A_763 = arith.select %lt3A_759, %add3A_762, %broadcast_in_dim3A_730 : vector<16xi1>, vector<16xi32>
    %broadcast_in_dim3A_764 = vector.shape_cast %select_n3A_763 : vector<16xi32> to vector<16x1xi32>
    %gather3A_765 = vector.shape_cast %broadcast_in_dim3A_764 : vector<16x1xi32> to vector<16xi32>
    %gather3A_766 = tpu.dynamic_gather %add3A_706[%gather3A_765] in [0] : vector<16xf32>, vector<16xi32> -> vector<16xf32>
    %mul3A_767 = arith.constant 0.001953125 : f32
    %mul3A_768 = vector.broadcast %mul3A_767 : f32 to vector<16xf32>
    %mul3A_769 = arith.mulf %gather3A_766, %mul3A_768 : vector<16xf32>
    %lt3A_770 = arith.constant 0 : i32
    %lt3A_771 = vector.broadcast %lt3A_770 : i32 to vector<16xi32>
    %lt3A_772 = arith.cmpi slt, %broadcast_in_dim3A_730, %lt3A_771 : vector<16xi32>
    %add3A_773 = arith.constant 16 : i32
    %add3A_774 = vector.broadcast %add3A_773 : i32 to vector<16xi32>
    %add3A_775 = arith.addi %broadcast_in_dim3A_730, %add3A_774 : vector<16xi32>
    %select_n3A_776 = arith.select %lt3A_772, %add3A_775, %broadcast_in_dim3A_730 : vector<16xi1>, vector<16xi32>
    %broadcast_in_dim3A_777 = vector.shape_cast %select_n3A_776 : vector<16xi32> to vector<16x1xi32>
    %gather3A_778 = vector.shape_cast %broadcast_in_dim3A_777 : vector<16x1xi32> to vector<16xi32>
    %gather3A_779 = tpu.dynamic_gather %add3A_717[%gather3A_778] in [0] : vector<16xf32>, vector<16xi32> -> vector<16xf32>
    %mul3A_780 = arith.constant 0.001953125 : f32
    %mul3A_781 = vector.broadcast %mul3A_780 : f32 to vector<16xf32>
    %mul3A_782 = arith.mulf %gather3A_779, %mul3A_781 : vector<16xf32>
    %lt3A_783 = arith.constant 0 : i32
    %lt3A_784 = vector.broadcast %lt3A_783 : i32 to vector<16xi32>
    %lt3A_785 = arith.cmpi slt, %broadcast_in_dim3A_730, %lt3A_784 : vector<16xi32>
    %add3A_786 = arith.constant 16 : i32
    %add3A_787 = vector.broadcast %add3A_786 : i32 to vector<16xi32>
    %add3A_788 = arith.addi %broadcast_in_dim3A_730, %add3A_787 : vector<16xi32>
    %select_n3A_789 = arith.select %lt3A_785, %add3A_788, %broadcast_in_dim3A_730 : vector<16xi1>, vector<16xi32>
    %broadcast_in_dim3A_790 = vector.shape_cast %select_n3A_789 : vector<16xi32> to vector<16x1xi32>
    %gather3A_791 = vector.shape_cast %broadcast_in_dim3A_790 : vector<16x1xi32> to vector<16xi32>
    %gather3A_792 = tpu.dynamic_gather %add3A_728[%gather3A_791] in [0] : vector<16xf32>, vector<16xi32> -> vector<16xf32>
    %mul3A_793 = arith.constant 0.001953125 : f32
    %mul3A_794 = vector.broadcast %mul3A_793 : f32 to vector<16xf32>
    %mul3A_795 = arith.mulf %gather3A_792, %mul3A_794 : vector<16xf32>
    %scan3A_796 = arith.constant 0 : i32
    %scan3A_797 = arith.constant 0 : i32
    %scan3A_798 = arith.constant 40 : i32
    %scan3A_799 = arith.addi %scan3A_797, %scan3A_798 : i32
    %scan3A_800 = arith.constant 1 : i32
    scf.for %scan3A_2625 = %scan3A_797 to %scan3A_799 step %scan3A_800  : i32 {
      %mul3A_2626 = arith.constant 16 : i32
      %mul3A_2627 = arith.muli %scan3A_2625, %mul3A_2626 : i32
      %get3A = arith.index_cast %mul3A_2627 : i32 to index
      %get3A_2628 = tpu.vector_load %arg6[%get3A] {strides = array<i32>} : memref<5120xf32, #tpu.memory_space<vmem>>, vector<16xf32>,
      %get3A_2629 = vector.shape_cast %get3A_2628 : vector<16xf32> to vector<16xf32>
      %mul3A_2630 = arith.mulf %mul3A_743, %get3A_2629 : vector<16xf32>
      %mul3A_2631 = arith.constant 16 : i32
      %mul3A_2632 = arith.muli %scan3A_2625, %mul3A_2631 : i32
      %add3A_2633 = arith.constant 640 : i32
      %add3A_2634 = arith.addi %add3A_2633, %mul3A_2632 : i32
      %get3A_2635 = arith.index_cast %add3A_2634 : i32 to index
      %get3A_2636 = tpu.vector_load %arg6[%get3A_2635] {strides = array<i32>} : memref<5120xf32, #tpu.memory_space<vmem>>, vector<16xf32>,
      %get3A_2637 = vector.shape_cast %get3A_2636 : vector<16xf32> to vector<16xf32>
      %mul3A_2638 = arith.mulf %mul3A_756, %get3A_2637 : vector<16xf32>
      %add3A_2639 = arith.addf %mul3A_2630, %mul3A_2638 : vector<16xf32>
      %mul3A_2640 = arith.constant 16 : i32
      %mul3A_2641 = arith.muli %scan3A_2625, %mul3A_2640 : i32
      %add3A_2642 = arith.constant 1280 : i32
      %add3A_2643 = arith.addi %add3A_2642, %mul3A_2641 : i32
      %get3A_2644 = arith.index_cast %add3A_2643 : i32 to index
      %get3A_2645 = tpu.vector_load %arg6[%get3A_2644] {strides = array<i32>} : memref<5120xf32, #tpu.memory_space<vmem>>, vector<16xf32>,
      %get3A_2646 = vector.shape_cast %get3A_2645 : vector<16xf32> to vector<16xf32>
      %mul3A_2647 = arith.mulf %mul3A_769, %get3A_2646 : vector<16xf32>
      %add3A_2648 = arith.addf %add3A_2639, %mul3A_2647 : vector<16xf32>
      %mul3A_2649 = arith.constant 16 : i32
      %mul3A_2650 = arith.muli %scan3A_2625, %mul3A_2649 : i32
      %add3A_2651 = arith.constant 1920 : i32
      %add3A_2652 = arith.addi %add3A_2651, %mul3A_2650 : i32
      %get3A_2653 = arith.index_cast %add3A_2652 : i32 to index
      %get3A_2654 = tpu.vector_load %arg6[%get3A_2653] {strides = array<i32>} : memref<5120xf32, #tpu.memory_space<vmem>>, vector<16xf32>,
      %get3A_2655 = vector.shape_cast %get3A_2654 : vector<16xf32> to vector<16xf32>
      %mul3A_2656 = arith.mulf %mul3A_782, %get3A_2655 : vector<16xf32>
      %add3A_2657 = arith.addf %add3A_2648, %mul3A_2656 : vector<16xf32>
      %mul3A_2658 = arith.constant 16 : i32
      %mul3A_2659 = arith.muli %scan3A_2625, %mul3A_2658 : i32
      %add3A_2660 = arith.constant 2560 : i32
      %add3A_2661 = arith.addi %add3A_2660, %mul3A_2659 : i32
      %get3A_2662 = arith.index_cast %add3A_2661 : i32 to index
      %get3A_2663 = tpu.vector_load %arg6[%get3A_2662] {strides = array<i32>} : memref<5120xf32, #tpu.memory_space<vmem>>, vector<16xf32>,
      %get3A_2664 = vector.shape_cast %get3A_2663 : vector<16xf32> to vector<16xf32>
      %mul3A_2665 = arith.mulf %mul3A_795, %get3A_2664 : vector<16xf32>
      %add3A_2666 = arith.addf %add3A_2657, %mul3A_2665 : vector<16xf32>
      %mul3A_2667 = arith.constant 16 : i32
      %mul3A_2668 = arith.muli %scan3A_2625, %mul3A_2667 : i32
      %add3A_2669 = arith.constant 5120 : i32
      %add3A_2670 = arith.addi %add3A_2669, %mul3A_2668 : i32
      %swap3A = arith.index_cast %add3A_2670 : i32 to index
      %swap3A_2671 = tpu.vector_load %arg7[%swap3A] {strides = array<i32>} : memref<20480xf32, #tpu.memory_space<vmem>>, vector<16xf32>,
      %swap3A_2672 = vector.shape_cast %swap3A_2671 : vector<16xf32> to vector<16xf32>
      %swap3A_2673 = vector.shape_cast %add3A_2666 : vector<16xf32> to vector<16xf32>
      tpu.vector_store %arg7[%swap3A], %swap3A_2673 {strides = array<i32>} : memref<20480xf32, #tpu.memory_space<vmem>>, vector<16xf32>,
    }
    %scan3A_801 = arith.constant 40 : i32
    %broadcast_in_dim3A_802 = arith.constant 1 : i32
    %broadcast_in_dim3A_803 = vector.broadcast %broadcast_in_dim3A_802 : i32 to vector<16xi32>
    %lt3A_804 = arith.constant 0 : i32
    %lt3A_805 = vector.broadcast %lt3A_804 : i32 to vector<16xi32>
    %lt3A_806 = arith.cmpi slt, %broadcast_in_dim3A_803, %lt3A_805 : vector<16xi32>
    %add3A_807 = arith.constant 16 : i32
    %add3A_808 = vector.broadcast %add3A_807 : i32 to vector<16xi32>
    %add3A_809 = arith.addi %broadcast_in_dim3A_803, %add3A_808 : vector<16xi32>
    %select_n3A_810 = arith.select %lt3A_806, %add3A_809, %broadcast_in_dim3A_803 : vector<16xi1>, vector<16xi32>
    %broadcast_in_dim3A_811 = vector.shape_cast %select_n3A_810 : vector<16xi32> to vector<16x1xi32>
    %gather3A_812 = vector.shape_cast %broadcast_in_dim3A_811 : vector<16x1xi32> to vector<16xi32>
    %gather3A_813 = tpu.dynamic_gather %add3A_684[%gather3A_812] in [0] : vector<16xf32>, vector<16xi32> -> vector<16xf32>
    %mul3A_814 = arith.constant 0.001953125 : f32
    %mul3A_815 = vector.broadcast %mul3A_814 : f32 to vector<16xf32>
    %mul3A_816 = arith.mulf %gather3A_813, %mul3A_815 : vector<16xf32>
    %lt3A_817 = arith.constant 0 : i32
    %lt3A_818 = vector.broadcast %lt3A_817 : i32 to vector<16xi32>
    %lt3A_819 = arith.cmpi slt, %broadcast_in_dim3A_803, %lt3A_818 : vector<16xi32>
    %add3A_820 = arith.constant 16 : i32
    %add3A_821 = vector.broadcast %add3A_820 : i32 to vector<16xi32>
    %add3A_822 = arith.addi %broadcast_in_dim3A_803, %add3A_821 : vector<16xi32>
    %select_n3A_823 = arith.select %lt3A_819, %add3A_822, %broadcast_in_dim3A_803 : vector<16xi1>, vector<16xi32>
    %broadcast_in_dim3A_824 = vector.shape_cast %select_n3A_823 : vector<16xi32> to vector<16x1xi32>
    %gather3A_825 = vector.shape_cast %broadcast_in_dim3A_824 : vector<16x1xi32> to vector<16xi32>
    %gather3A_826 = tpu.dynamic_gather %add3A_695[%gather3A_825] in [0] : vector<16xf32>, vector<16xi32> -> vector<16xf32>
    %mul3A_827 = arith.constant 0.001953125 : f32
    %mul3A_828 = vector.broadcast %mul3A_827 : f32 to vector<16xf32>
    %mul3A_829 = arith.mulf %gather3A_826, %mul3A_828 : vector<16xf32>
    %lt3A_830 = arith.constant 0 : i32
    %lt3A_831 = vector.broadcast %lt3A_830 : i32 to vector<16xi32>
    %lt3A_832 = arith.cmpi slt, %broadcast_in_dim3A_803, %lt3A_831 : vector<16xi32>
    %add3A_833 = arith.constant 16 : i32
    %add3A_834 = vector.broadcast %add3A_833 : i32 to vector<16xi32>
    %add3A_835 = arith.addi %broadcast_in_dim3A_803, %add3A_834 : vector<16xi32>
    %select_n3A_836 = arith.select %lt3A_832, %add3A_835, %broadcast_in_dim3A_803 : vector<16xi1>, vector<16xi32>
    %broadcast_in_dim3A_837 = vector.shape_cast %select_n3A_836 : vector<16xi32> to vector<16x1xi32>
    %gather3A_838 = vector.shape_cast %broadcast_in_dim3A_837 : vector<16x1xi32> to vector<16xi32>
    %gather3A_839 = tpu.dynamic_gather %add3A_706[%gather3A_838] in [0] : vector<16xf32>, vector<16xi32> -> vector<16xf32>
    %mul3A_840 = arith.constant 0.001953125 : f32
    %mul3A_841 = vector.broadcast %mul3A_840 : f32 to vector<16xf32>
    %mul3A_842 = arith.mulf %gather3A_839, %mul3A_841 : vector<16xf32>
    %lt3A_843 = arith.constant 0 : i32
    %lt3A_844 = vector.broadcast %lt3A_843 : i32 to vector<16xi32>
    %lt3A_845 = arith.cmpi slt, %broadcast_in_dim3A_803, %lt3A_844 : vector<16xi32>
    %add3A_846 = arith.constant 16 : i32
    %add3A_847 = vector.broadcast %add3A_846 : i32 to vector<16xi32>
    %add3A_848 = arith.addi %broadcast_in_dim3A_803, %add3A_847 : vector<16xi32>
    %select_n3A_849 = arith.select %lt3A_845, %add3A_848, %broadcast_in_dim3A_803 : vector<16xi1>, vector<16xi32>
    %broadcast_in_dim3A_850 = vector.shape_cast %select_n3A_849 : vector<16xi32> to vector<16x1xi32>
    %gather3A_851 = vector.shape_cast %broadcast_in_dim3A_850 : vector<16x1xi32> to vector<16xi32>
    %gather3A_852 = tpu.dynamic_gather %add3A_717[%gather3A_851] in [0] : vector<16xf32>, vector<16xi32> -> vector<16xf32>
    %mul3A_853 = arith.constant 0.001953125 : f32
    %mul3A_854 = vector.broadcast %mul3A_853 : f32 to vector<16xf32>
    %mul3A_855 = arith.mulf %gather3A_852, %mul3A_854 : vector<16xf32>
    %lt3A_856 = arith.constant 0 : i32
    %lt3A_857 = vector.broadcast %lt3A_856 : i32 to vector<16xi32>
    %lt3A_858 = arith.cmpi slt, %broadcast_in_dim3A_803, %lt3A_857 : vector<16xi32>
    %add3A_859 = arith.constant 16 : i32
    %add3A_860 = vector.broadcast %add3A_859 : i32 to vector<16xi32>
    %add3A_861 = arith.addi %broadcast_in_dim3A_803, %add3A_860 : vector<16xi32>
    %select_n3A_862 = arith.select %lt3A_858, %add3A_861, %broadcast_in_dim3A_803 : vector<16xi1>, vector<16xi32>
    %broadcast_in_dim3A_863 = vector.shape_cast %select_n3A_862 : vector<16xi32> to vector<16x1xi32>
    %gather3A_864 = vector.shape_cast %broadcast_in_dim3A_863 : vector<16x1xi32> to vector<16xi32>
    %gather3A_865 = tpu.dynamic_gather %add3A_728[%gather3A_864] in [0] : vector<16xf32>, vector<16xi32> -> vector<16xf32>
    %mul3A_866 = arith.constant 0.001953125 : f32
    %mul3A_867 = vector.broadcast %mul3A_866 : f32 to vector<16xf32>
    %mul3A_868 = arith.mulf %gather3A_865, %mul3A_867 : vector<16xf32>
    %scan3A_869 = arith.constant 0 : i32
    %scan3A_870 = arith.constant 0 : i32
    %scan3A_871 = arith.constant 40 : i32
    %scan3A_872 = arith.addi %scan3A_870, %scan3A_871 : i32
    %scan3A_873 = arith.constant 1 : i32
    scf.for %scan3A_2625 = %scan3A_870 to %scan3A_872 step %scan3A_873  : i32 {
      %mul3A_2626 = arith.constant 16 : i32
      %mul3A_2627 = arith.muli %scan3A_2625, %mul3A_2626 : i32
      %get3A = arith.index_cast %mul3A_2627 : i32 to index
      %get3A_2628 = tpu.vector_load %arg6[%get3A] {strides = array<i32>} : memref<5120xf32, #tpu.memory_space<vmem>>, vector<16xf32>,
      %get3A_2629 = vector.shape_cast %get3A_2628 : vector<16xf32> to vector<16xf32>
      %mul3A_2630 = arith.mulf %mul3A_816, %get3A_2629 : vector<16xf32>
      %mul3A_2631 = arith.constant 16 : i32
      %mul3A_2632 = arith.muli %scan3A_2625, %mul3A_2631 : i32
      %add3A_2633 = arith.constant 640 : i32
      %add3A_2634 = arith.addi %add3A_2633, %mul3A_2632 : i32
      %get3A_2635 = arith.index_cast %add3A_2634 : i32 to index
      %get3A_2636 = tpu.vector_load %arg6[%get3A_2635] {strides = array<i32>} : memref<5120xf32, #tpu.memory_space<vmem>>, vector<16xf32>,
      %get3A_2637 = vector.shape_cast %get3A_2636 : vector<16xf32> to vector<16xf32>
      %mul3A_2638 = arith.mulf %mul3A_829, %get3A_2637 : vector<16xf32>
      %add3A_2639 = arith.addf %mul3A_2630, %mul3A_2638 : vector<16xf32>
      %mul3A_2640 = arith.constant 16 : i32
      %mul3A_2641 = arith.muli %scan3A_2625, %mul3A_2640 : i32
      %add3A_2642 = arith.constant 1280 : i32
      %add3A_2643 = arith.addi %add3A_2642, %mul3A_2641 : i32
      %get3A_2644 = arith.index_cast %add3A_2643 : i32 to index
      %get3A_2645 = tpu.vector_load %arg6[%get3A_2644] {strides = array<i32>} : memref<5120xf32, #tpu.memory_space<vmem>>, vector<16xf32>,
      %get3A_2646 = vector.shape_cast %get3A_2645 : vector<16xf32> to vector<16xf32>
      %mul3A_2647 = arith.mulf %mul3A_842, %get3A_2646 : vector<16xf32>
      %add3A_2648 = arith.addf %add3A_2639, %mul3A_2647 : vector<16xf32>
      %mul3A_2649 = arith.constant 16 : i32
      %mul3A_2650 = arith.muli %scan3A_2625, %mul3A_2649 : i32
      %add3A_2651 = arith.constant 1920 : i32
      %add3A_2652 = arith.addi %add3A_2651, %mul3A_2650 : i32
      %get3A_2653 = arith.index_cast %add3A_2652 : i32 to index
      %get3A_2654 = tpu.vector_load %arg6[%get3A_2653] {strides = array<i32>} : memref<5120xf32, #tpu.memory_space<vmem>>, vector<16xf32>,
      %get3A_2655 = vector.shape_cast %get3A_2654 : vector<16xf32> to vector<16xf32>
      %mul3A_2656 = arith.mulf %mul3A_855, %get3A_2655 : vector<16xf32>
      %add3A_2657 = arith.addf %add3A_2648, %mul3A_2656 : vector<16xf32>
      %mul3A_2658 = arith.constant 16 : i32
      %mul3A_2659 = arith.muli %scan3A_2625, %mul3A_2658 : i32
      %add3A_2660 = arith.constant 2560 : i32
      %add3A_2661 = arith.addi %add3A_2660, %mul3A_2659 : i32
      %get3A_2662 = arith.index_cast %add3A_2661 : i32 to index
      %get3A_2663 = tpu.vector_load %arg6[%get3A_2662] {strides = array<i32>} : memref<5120xf32, #tpu.memory_space<vmem>>, vector<16xf32>,
      %get3A_2664 = vector.shape_cast %get3A_2663 : vector<16xf32> to vector<16xf32>
      %mul3A_2665 = arith.mulf %mul3A_868, %get3A_2664 : vector<16xf32>
      %add3A_2666 = arith.addf %add3A_2657, %mul3A_2665 : vector<16xf32>
      %mul3A_2667 = arith.constant 16 : i32
      %mul3A_2668 = arith.muli %scan3A_2625, %mul3A_2667 : i32
      %add3A_2669 = arith.constant 5760 : i32
      %add3A_2670 = arith.addi %add3A_2669, %mul3A_2668 : i32
      %swap3A = arith.index_cast %add3A_2670 : i32 to index
      %swap3A_2671 = tpu.vector_load %arg7[%swap3A] {strides = array<i32>} : memref<20480xf32, #tpu.memory_space<vmem>>, vector<16xf32>,
      %swap3A_2672 = vector.shape_cast %swap3A_2671 : vector<16xf32> to vector<16xf32>
      %swap3A_2673 = vector.shape_cast %add3A_2666 : vector<16xf32> to vector<16xf32>
      tpu.vector_store %arg7[%swap3A], %swap3A_2673 {strides = array<i32>} : memref<20480xf32, #tpu.memory_space<vmem>>, vector<16xf32>,
    }
    %scan3A_874 = arith.constant 40 : i32
    %broadcast_in_dim3A_875 = arith.constant 2 : i32
    %broadcast_in_dim3A_876 = vector.broadcast %broadcast_in_dim3A_875 : i32 to vector<16xi32>
    %lt3A_877 = arith.constant 0 : i32
    %lt3A_878 = vector.broadcast %lt3A_877 : i32 to vector<16xi32>
    %lt3A_879 = arith.cmpi slt, %broadcast_in_dim3A_876, %lt3A_878 : vector<16xi32>
    %add3A_880 = arith.constant 16 : i32
    %add3A_881 = vector.broadcast %add3A_880 : i32 to vector<16xi32>
    %add3A_882 = arith.addi %broadcast_in_dim3A_876, %add3A_881 : vector<16xi32>
    %select_n3A_883 = arith.select %lt3A_879, %add3A_882, %broadcast_in_dim3A_876 : vector<16xi1>, vector<16xi32>
    %broadcast_in_dim3A_884 = vector.shape_cast %select_n3A_883 : vector<16xi32> to vector<16x1xi32>
    %gather3A_885 = vector.shape_cast %broadcast_in_dim3A_884 : vector<16x1xi32> to vector<16xi32>
    %gather3A_886 = tpu.dynamic_gather %add3A_684[%gather3A_885] in [0] : vector<16xf32>, vector<16xi32> -> vector<16xf32>
    %mul3A_887 = arith.constant 0.001953125 : f32
    %mul3A_888 = vector.broadcast %mul3A_887 : f32 to vector<16xf32>
    %mul3A_889 = arith.mulf %gather3A_886, %mul3A_888 : vector<16xf32>
    %lt3A_890 = arith.constant 0 : i32
    %lt3A_891 = vector.broadcast %lt3A_890 : i32 to vector<16xi32>
    %lt3A_892 = arith.cmpi slt, %broadcast_in_dim3A_876, %lt3A_891 : vector<16xi32>
    %add3A_893 = arith.constant 16 : i32
    %add3A_894 = vector.broadcast %add3A_893 : i32 to vector<16xi32>
    %add3A_895 = arith.addi %broadcast_in_dim3A_876, %add3A_894 : vector<16xi32>
    %select_n3A_896 = arith.select %lt3A_892, %add3A_895, %broadcast_in_dim3A_876 : vector<16xi1>, vector<16xi32>
    %broadcast_in_dim3A_897 = vector.shape_cast %select_n3A_896 : vector<16xi32> to vector<16x1xi32>
    %gather3A_898 = vector.shape_cast %broadcast_in_dim3A_897 : vector<16x1xi32> to vector<16xi32>
    %gather3A_899 = tpu.dynamic_gather %add3A_695[%gather3A_898] in [0] : vector<16xf32>, vector<16xi32> -> vector<16xf32>
    %mul3A_900 = arith.constant 0.001953125 : f32
    %mul3A_901 = vector.broadcast %mul3A_900 : f32 to vector<16xf32>
    %mul3A_902 = arith.mulf %gather3A_899, %mul3A_901 : vector<16xf32>
    %lt3A_903 = arith.constant 0 : i32
    %lt3A_904 = vector.broadcast %lt3A_903 : i32 to vector<16xi32>
    %lt3A_905 = arith.cmpi slt, %broadcast_in_dim3A_876, %lt3A_904 : vector<16xi32>
    %add3A_906 = arith.constant 16 : i32
    %add3A_907 = vector.broadcast %add3A_906 : i32 to vector<16xi32>
    %add3A_908 = arith.addi %broadcast_in_dim3A_876, %add3A_907 : vector<16xi32>
    %select_n3A_909 = arith.select %lt3A_905, %add3A_908, %broadcast_in_dim3A_876 : vector<16xi1>, vector<16xi32>
    %broadcast_in_dim3A_910 = vector.shape_cast %select_n3A_909 : vector<16xi32> to vector<16x1xi32>
    %gather3A_911 = vector.shape_cast %broadcast_in_dim3A_910 : vector<16x1xi32> to vector<16xi32>
    %gather3A_912 = tpu.dynamic_gather %add3A_706[%gather3A_911] in [0] : vector<16xf32>, vector<16xi32> -> vector<16xf32>
    %mul3A_913 = arith.constant 0.001953125 : f32
    %mul3A_914 = vector.broadcast %mul3A_913 : f32 to vector<16xf32>
    %mul3A_915 = arith.mulf %gather3A_912, %mul3A_914 : vector<16xf32>
    %lt3A_916 = arith.constant 0 : i32
    %lt3A_917 = vector.broadcast %lt3A_916 : i32 to vector<16xi32>
    %lt3A_918 = arith.cmpi slt, %broadcast_in_dim3A_876, %lt3A_917 : vector<16xi32>
    %add3A_919 = arith.constant 16 : i32
    %add3A_920 = vector.broadcast %add3A_919 : i32 to vector<16xi32>
    %add3A_921 = arith.addi %broadcast_in_dim3A_876, %add3A_920 : vector<16xi32>
    %select_n3A_922 = arith.select %lt3A_918, %add3A_921, %broadcast_in_dim3A_876 : vector<16xi1>, vector<16xi32>
    %broadcast_in_dim3A_923 = vector.shape_cast %select_n3A_922 : vector<16xi32> to vector<16x1xi32>
    %gather3A_924 = vector.shape_cast %broadcast_in_dim3A_923 : vector<16x1xi32> to vector<16xi32>
    %gather3A_925 = tpu.dynamic_gather %add3A_717[%gather3A_924] in [0] : vector<16xf32>, vector<16xi32> -> vector<16xf32>
    %mul3A_926 = arith.constant 0.001953125 : f32
    %mul3A_927 = vector.broadcast %mul3A_926 : f32 to vector<16xf32>
    %mul3A_928 = arith.mulf %gather3A_925, %mul3A_927 : vector<16xf32>
    %lt3A_929 = arith.constant 0 : i32
    %lt3A_930 = vector.broadcast %lt3A_929 : i32 to vector<16xi32>
    %lt3A_931 = arith.cmpi slt, %broadcast_in_dim3A_876, %lt3A_930 : vector<16xi32>
    %add3A_932 = arith.constant 16 : i32
    %add3A_933 = vector.broadcast %add3A_932 : i32 to vector<16xi32>
    %add3A_934 = arith.addi %broadcast_in_dim3A_876, %add3A_933 : vector<16xi32>
    %select_n3A_935 = arith.select %lt3A_931, %add3A_934, %broadcast_in_dim3A_876 : vector<16xi1>, vector<16xi32>
    %broadcast_in_dim3A_936 = vector.shape_cast %select_n3A_935 : vector<16xi32> to vector<16x1xi32>
    %gather3A_937 = vector.shape_cast %broadcast_in_dim3A_936 : vector<16x1xi32> to vector<16xi32>
    %gather3A_938 = tpu.dynamic_gather %add3A_728[%gather3A_937] in [0] : vector<16xf32>, vector<16xi32> -> vector<16xf32>
    %mul3A_939 = arith.constant 0.001953125 : f32
    %mul3A_940 = vector.broadcast %mul3A_939 : f32 to vector<16xf32>
    %mul3A_941 = arith.mulf %gather3A_938, %mul3A_940 : vector<16xf32>
    %scan3A_942 = arith.constant 0 : i32
    %scan3A_943 = arith.constant 0 : i32
    %scan3A_944 = arith.constant 40 : i32
    %scan3A_945 = arith.addi %scan3A_943, %scan3A_944 : i32
    %scan3A_946 = arith.constant 1 : i32
    scf.for %scan3A_2625 = %scan3A_943 to %scan3A_945 step %scan3A_946  : i32 {
      %mul3A_2626 = arith.constant 16 : i32
      %mul3A_2627 = arith.muli %scan3A_2625, %mul3A_2626 : i32
      %get3A = arith.index_cast %mul3A_2627 : i32 to index
      %get3A_2628 = tpu.vector_load %arg6[%get3A] {strides = array<i32>} : memref<5120xf32, #tpu.memory_space<vmem>>, vector<16xf32>,
      %get3A_2629 = vector.shape_cast %get3A_2628 : vector<16xf32> to vector<16xf32>
      %mul3A_2630 = arith.mulf %mul3A_889, %get3A_2629 : vector<16xf32>
      %mul3A_2631 = arith.constant 16 : i32
      %mul3A_2632 = arith.muli %scan3A_2625, %mul3A_2631 : i32
      %add3A_2633 = arith.constant 640 : i32
      %add3A_2634 = arith.addi %add3A_2633, %mul3A_2632 : i32
      %get3A_2635 = arith.index_cast %add3A_2634 : i32 to index
      %get3A_2636 = tpu.vector_load %arg6[%get3A_2635] {strides = array<i32>} : memref<5120xf32, #tpu.memory_space<vmem>>, vector<16xf32>,
      %get3A_2637 = vector.shape_cast %get3A_2636 : vector<16xf32> to vector<16xf32>
      %mul3A_2638 = arith.mulf %mul3A_902, %get3A_2637 : vector<16xf32>
      %add3A_2639 = arith.addf %mul3A_2630, %mul3A_2638 : vector<16xf32>
      %mul3A_2640 = arith.constant 16 : i32
      %mul3A_2641 = arith.muli %scan3A_2625, %mul3A_2640 : i32
      %add3A_2642 = arith.constant 1280 : i32
      %add3A_2643 = arith.addi %add3A_2642, %mul3A_2641 : i32
      %get3A_2644 = arith.index_cast %add3A_2643 : i32 to index
      %get3A_2645 = tpu.vector_load %arg6[%get3A_2644] {strides = array<i32>} : memref<5120xf32, #tpu.memory_space<vmem>>, vector<16xf32>,
      %get3A_2646 = vector.shape_cast %get3A_2645 : vector<16xf32> to vector<16xf32>
      %mul3A_2647 = arith.mulf %mul3A_915, %get3A_2646 : vector<16xf32>
      %add3A_2648 = arith.addf %add3A_2639, %mul3A_2647 : vector<16xf32>
      %mul3A_2649 = arith.constant 16 : i32
      %mul3A_2650 = arith.muli %scan3A_2625, %mul3A_2649 : i32
      %add3A_2651 = arith.constant 1920 : i32
      %add3A_2652 = arith.addi %add3A_2651, %mul3A_2650 : i32
      %get3A_2653 = arith.index_cast %add3A_2652 : i32 to index
      %get3A_2654 = tpu.vector_load %arg6[%get3A_2653] {strides = array<i32>} : memref<5120xf32, #tpu.memory_space<vmem>>, vector<16xf32>,
      %get3A_2655 = vector.shape_cast %get3A_2654 : vector<16xf32> to vector<16xf32>
      %mul3A_2656 = arith.mulf %mul3A_928, %get3A_2655 : vector<16xf32>
      %add3A_2657 = arith.addf %add3A_2648, %mul3A_2656 : vector<16xf32>
      %mul3A_2658 = arith.constant 16 : i32
      %mul3A_2659 = arith.muli %scan3A_2625, %mul3A_2658 : i32
      %add3A_2660 = arith.constant 2560 : i32
      %add3A_2661 = arith.addi %add3A_2660, %mul3A_2659 : i32
      %get3A_2662 = arith.index_cast %add3A_2661 : i32 to index
      %get3A_2663 = tpu.vector_load %arg6[%get3A_2662] {strides = array<i32>} : memref<5120xf32, #tpu.memory_space<vmem>>, vector<16xf32>,
      %get3A_2664 = vector.shape_cast %get3A_2663 : vector<16xf32> to vector<16xf32>
      %mul3A_2665 = arith.mulf %mul3A_941, %get3A_2664 : vector<16xf32>
      %add3A_2666 = arith.addf %add3A_2657, %mul3A_2665 : vector<16xf32>
      %mul3A_2667 = arith.constant 16 : i32
      %mul3A_2668 = arith.muli %scan3A_2625, %mul3A_2667 : i32
      %add3A_2669 = arith.constant 6400 : i32
      %add3A_2670 = arith.addi %add3A_2669, %mul3A_2668 : i32
      %swap3A = arith.index_cast %add3A_2670 : i32 to index
      %swap3A_2671 = tpu.vector_load %arg7[%swap3A] {strides = array<i32>} : memref<20480xf32, #tpu.memory_space<vmem>>, vector<16xf32>,
      %swap3A_2672 = vector.shape_cast %swap3A_2671 : vector<16xf32> to vector<16xf32>
      %swap3A_2673 = vector.shape_cast %add3A_2666 : vector<16xf32> to vector<16xf32>
      tpu.vector_store %arg7[%swap3A], %swap3A_2673 {strides = array<i32>} : memref<20480xf32, #tpu.memory_space<vmem>>, vector<16xf32>,
    }
    %scan3A_947 = arith.constant 40 : i32
    %broadcast_in_dim3A_948 = arith.constant 3 : i32
    %broadcast_in_dim3A_949 = vector.broadcast %broadcast_in_dim3A_948 : i32 to vector<16xi32>
    %lt3A_950 = arith.constant 0 : i32
    %lt3A_951 = vector.broadcast %lt3A_950 : i32 to vector<16xi32>
    %lt3A_952 = arith.cmpi slt, %broadcast_in_dim3A_949, %lt3A_951 : vector<16xi32>
    %add3A_953 = arith.constant 16 : i32
    %add3A_954 = vector.broadcast %add3A_953 : i32 to vector<16xi32>
    %add3A_955 = arith.addi %broadcast_in_dim3A_949, %add3A_954 : vector<16xi32>
    %select_n3A_956 = arith.select %lt3A_952, %add3A_955, %broadcast_in_dim3A_949 : vector<16xi1>, vector<16xi32>
    %broadcast_in_dim3A_957 = vector.shape_cast %select_n3A_956 : vector<16xi32> to vector<16x1xi32>
    %gather3A_958 = vector.shape_cast %broadcast_in_dim3A_957 : vector<16x1xi32> to vector<16xi32>
    %gather3A_959 = tpu.dynamic_gather %add3A_684[%gather3A_958] in [0] : vector<16xf32>, vector<16xi32> -> vector<16xf32>
    %mul3A_960 = arith.constant 0.001953125 : f32
    %mul3A_961 = vector.broadcast %mul3A_960 : f32 to vector<16xf32>
    %mul3A_962 = arith.mulf %gather3A_959, %mul3A_961 : vector<16xf32>
    %lt3A_963 = arith.constant 0 : i32
    %lt3A_964 = vector.broadcast %lt3A_963 : i32 to vector<16xi32>
    %lt3A_965 = arith.cmpi slt, %broadcast_in_dim3A_949, %lt3A_964 : vector<16xi32>
    %add3A_966 = arith.constant 16 : i32
    %add3A_967 = vector.broadcast %add3A_966 : i32 to vector<16xi32>
    %add3A_968 = arith.addi %broadcast_in_dim3A_949, %add3A_967 : vector<16xi32>
    %select_n3A_969 = arith.select %lt3A_965, %add3A_968, %broadcast_in_dim3A_949 : vector<16xi1>, vector<16xi32>
    %broadcast_in_dim3A_970 = vector.shape_cast %select_n3A_969 : vector<16xi32> to vector<16x1xi32>
    %gather3A_971 = vector.shape_cast %broadcast_in_dim3A_970 : vector<16x1xi32> to vector<16xi32>
    %gather3A_972 = tpu.dynamic_gather %add3A_695[%gather3A_971] in [0] : vector<16xf32>, vector<16xi32> -> vector<16xf32>
    %mul3A_973 = arith.constant 0.001953125 : f32
    %mul3A_974 = vector.broadcast %mul3A_973 : f32 to vector<16xf32>
    %mul3A_975 = arith.mulf %gather3A_972, %mul3A_974 : vector<16xf32>
    %lt3A_976 = arith.constant 0 : i32
    %lt3A_977 = vector.broadcast %lt3A_976 : i32 to vector<16xi32>
    %lt3A_978 = arith.cmpi slt, %broadcast_in_dim3A_949, %lt3A_977 : vector<16xi32>
    %add3A_979 = arith.constant 16 : i32
    %add3A_980 = vector.broadcast %add3A_979 : i32 to vector<16xi32>
    %add3A_981 = arith.addi %broadcast_in_dim3A_949, %add3A_980 : vector<16xi32>
    %select_n3A_982 = arith.select %lt3A_978, %add3A_981, %broadcast_in_dim3A_949 : vector<16xi1>, vector<16xi32>
    %broadcast_in_dim3A_983 = vector.shape_cast %select_n3A_982 : vector<16xi32> to vector<16x1xi32>
    %gather3A_984 = vector.shape_cast %broadcast_in_dim3A_983 : vector<16x1xi32> to vector<16xi32>
    %gather3A_985 = tpu.dynamic_gather %add3A_706[%gather3A_984] in [0] : vector<16xf32>, vector<16xi32> -> vector<16xf32>
    %mul3A_986 = arith.constant 0.001953125 : f32
    %mul3A_987 = vector.broadcast %mul3A_986 : f32 to vector<16xf32>
    %mul3A_988 = arith.mulf %gather3A_985, %mul3A_987 : vector<16xf32>
    %lt3A_989 = arith.constant 0 : i32
    %lt3A_990 = vector.broadcast %lt3A_989 : i32 to vector<16xi32>
    %lt3A_991 = arith.cmpi slt, %broadcast_in_dim3A_949, %lt3A_990 : vector<16xi32>
    %add3A_992 = arith.constant 16 : i32
    %add3A_993 = vector.broadcast %add3A_992 : i32 to vector<16xi32>
    %add3A_994 = arith.addi %broadcast_in_dim3A_949, %add3A_993 : vector<16xi32>
    %select_n3A_995 = arith.select %lt3A_991, %add3A_994, %broadcast_in_dim3A_949 : vector<16xi1>, vector<16xi32>
    %broadcast_in_dim3A_996 = vector.shape_cast %select_n3A_995 : vector<16xi32> to vector<16x1xi32>
    %gather3A_997 = vector.shape_cast %broadcast_in_dim3A_996 : vector<16x1xi32> to vector<16xi32>
    %gather3A_998 = tpu.dynamic_gather %add3A_717[%gather3A_997] in [0] : vector<16xf32>, vector<16xi32> -> vector<16xf32>
    %mul3A_999 = arith.constant 0.001953125 : f32
    %mul3A_1000 = vector.broadcast %mul3A_999 : f32 to vector<16xf32>
    %mul3A_1001 = arith.mulf %gather3A_998, %mul3A_1000 : vector<16xf32>
    %lt3A_1002 = arith.constant 0 : i32
    %lt3A_1003 = vector.broadcast %lt3A_1002 : i32 to vector<16xi32>
    %lt3A_1004 = arith.cmpi slt, %broadcast_in_dim3A_949, %lt3A_1003 : vector<16xi32>
    %add3A_1005 = arith.constant 16 : i32
    %add3A_1006 = vector.broadcast %add3A_1005 : i32 to vector<16xi32>
    %add3A_1007 = arith.addi %broadcast_in_dim3A_949, %add3A_1006 : vector<16xi32>
    %select_n3A_1008 = arith.select %lt3A_1004, %add3A_1007, %broadcast_in_dim3A_949 : vector<16xi1>, vector<16xi32>
    %broadcast_in_dim3A_1009 = vector.shape_cast %select_n3A_1008 : vector<16xi32> to vector<16x1xi32>
    %gather3A_1010 = vector.shape_cast %broadcast_in_dim3A_1009 : vector<16x1xi32> to vector<16xi32>
    %gather3A_1011 = tpu.dynamic_gather %add3A_728[%gather3A_1010] in [0] : vector<16xf32>, vector<16xi32> -> vector<16xf32>
    %mul3A_1012 = arith.constant 0.001953125 : f32
    %mul3A_1013 = vector.broadcast %mul3A_1012 : f32 to vector<16xf32>
    %mul3A_1014 = arith.mulf %gather3A_1011, %mul3A_1013 : vector<16xf32>
    %scan3A_1015 = arith.constant 0 : i32
    %scan3A_1016 = arith.constant 0 : i32
    %scan3A_1017 = arith.constant 40 : i32
    %scan3A_1018 = arith.addi %scan3A_1016, %scan3A_1017 : i32
    %scan3A_1019 = arith.constant 1 : i32
    scf.for %scan3A_2625 = %scan3A_1016 to %scan3A_1018 step %scan3A_1019  : i32 {
      %mul3A_2626 = arith.constant 16 : i32
      %mul3A_2627 = arith.muli %scan3A_2625, %mul3A_2626 : i32
      %get3A = arith.index_cast %mul3A_2627 : i32 to index
      %get3A_2628 = tpu.vector_load %arg6[%get3A] {strides = array<i32>} : memref<5120xf32, #tpu.memory_space<vmem>>, vector<16xf32>,
      %get3A_2629 = vector.shape_cast %get3A_2628 : vector<16xf32> to vector<16xf32>
      %mul3A_2630 = arith.mulf %mul3A_962, %get3A_2629 : vector<16xf32>
      %mul3A_2631 = arith.constant 16 : i32
      %mul3A_2632 = arith.muli %scan3A_2625, %mul3A_2631 : i32
      %add3A_2633 = arith.constant 640 : i32
      %add3A_2634 = arith.addi %add3A_2633, %mul3A_2632 : i32
      %get3A_2635 = arith.index_cast %add3A_2634 : i32 to index
      %get3A_2636 = tpu.vector_load %arg6[%get3A_2635] {strides = array<i32>} : memref<5120xf32, #tpu.memory_space<vmem>>, vector<16xf32>,
      %get3A_2637 = vector.shape_cast %get3A_2636 : vector<16xf32> to vector<16xf32>
      %mul3A_2638 = arith.mulf %mul3A_975, %get3A_2637 : vector<16xf32>
      %add3A_2639 = arith.addf %mul3A_2630, %mul3A_2638 : vector<16xf32>
      %mul3A_2640 = arith.constant 16 : i32
      %mul3A_2641 = arith.muli %scan3A_2625, %mul3A_2640 : i32
      %add3A_2642 = arith.constant 1280 : i32
      %add3A_2643 = arith.addi %add3A_2642, %mul3A_2641 : i32
      %get3A_2644 = arith.index_cast %add3A_2643 : i32 to index
      %get3A_2645 = tpu.vector_load %arg6[%get3A_2644] {strides = array<i32>} : memref<5120xf32, #tpu.memory_space<vmem>>, vector<16xf32>,
      %get3A_2646 = vector.shape_cast %get3A_2645 : vector<16xf32> to vector<16xf32>
      %mul3A_2647 = arith.mulf %mul3A_988, %get3A_2646 : vector<16xf32>
      %add3A_2648 = arith.addf %add3A_2639, %mul3A_2647 : vector<16xf32>
      %mul3A_2649 = arith.constant 16 : i32
      %mul3A_2650 = arith.muli %scan3A_2625, %mul3A_2649 : i32
      %add3A_2651 = arith.constant 1920 : i32
      %add3A_2652 = arith.addi %add3A_2651, %mul3A_2650 : i32
      %get3A_2653 = arith.index_cast %add3A_2652 : i32 to index
      %get3A_2654 = tpu.vector_load %arg6[%get3A_2653] {strides = array<i32>} : memref<5120xf32, #tpu.memory_space<vmem>>, vector<16xf32>,
      %get3A_2655 = vector.shape_cast %get3A_2654 : vector<16xf32> to vector<16xf32>
      %mul3A_2656 = arith.mulf %mul3A_1001, %get3A_2655 : vector<16xf32>
      %add3A_2657 = arith.addf %add3A_2648, %mul3A_2656 : vector<16xf32>
      %mul3A_2658 = arith.constant 16 : i32
      %mul3A_2659 = arith.muli %scan3A_2625, %mul3A_2658 : i32
      %add3A_2660 = arith.constant 2560 : i32
      %add3A_2661 = arith.addi %add3A_2660, %mul3A_2659 : i32
      %get3A_2662 = arith.index_cast %add3A_2661 : i32 to index
      %get3A_2663 = tpu.vector_load %arg6[%get3A_2662] {strides = array<i32>} : memref<5120xf32, #tpu.memory_space<vmem>>, vector<16xf32>,
      %get3A_2664 = vector.shape_cast %get3A_2663 : vector<16xf32> to vector<16xf32>
      %mul3A_2665 = arith.mulf %mul3A_1014, %get3A_2664 : vector<16xf32>
      %add3A_2666 = arith.addf %add3A_2657, %mul3A_2665 : vector<16xf32>
      %mul3A_2667 = arith.constant 16 : i32
      %mul3A_2668 = arith.muli %scan3A_2625, %mul3A_2667 : i32
      %add3A_2669 = arith.constant 7040 : i32
      %add3A_2670 = arith.addi %add3A_2669, %mul3A_2668 : i32
      %swap3A = arith.index_cast %add3A_2670 : i32 to index
      %swap3A_2671 = tpu.vector_load %arg7[%swap3A] {strides = array<i32>} : memref<20480xf32, #tpu.memory_space<vmem>>, vector<16xf32>,
      %swap3A_2672 = vector.shape_cast %swap3A_2671 : vector<16xf32> to vector<16xf32>
      %swap3A_2673 = vector.shape_cast %add3A_2666 : vector<16xf32> to vector<16xf32>
      tpu.vector_store %arg7[%swap3A], %swap3A_2673 {strides = array<i32>} : memref<20480xf32, #tpu.memory_space<vmem>>, vector<16xf32>,
    }
    %scan3A_1020 = arith.constant 40 : i32
    %broadcast_in_dim3A_1021 = arith.constant 4 : i32
    %broadcast_in_dim3A_1022 = vector.broadcast %broadcast_in_dim3A_1021 : i32 to vector<16xi32>
    %lt3A_1023 = arith.constant 0 : i32
    %lt3A_1024 = vector.broadcast %lt3A_1023 : i32 to vector<16xi32>
    %lt3A_1025 = arith.cmpi slt, %broadcast_in_dim3A_1022, %lt3A_1024 : vector<16xi32>
    %add3A_1026 = arith.constant 16 : i32
    %add3A_1027 = vector.broadcast %add3A_1026 : i32 to vector<16xi32>
    %add3A_1028 = arith.addi %broadcast_in_dim3A_1022, %add3A_1027 : vector<16xi32>
    %select_n3A_1029 = arith.select %lt3A_1025, %add3A_1028, %broadcast_in_dim3A_1022 : vector<16xi1>, vector<16xi32>
    %broadcast_in_dim3A_1030 = vector.shape_cast %select_n3A_1029 : vector<16xi32> to vector<16x1xi32>
    %gather3A_1031 = vector.shape_cast %broadcast_in_dim3A_1030 : vector<16x1xi32> to vector<16xi32>
    %gather3A_1032 = tpu.dynamic_gather %add3A_684[%gather3A_1031] in [0] : vector<16xf32>, vector<16xi32> -> vector<16xf32>
    %mul3A_1033 = arith.constant 0.001953125 : f32
    %mul3A_1034 = vector.broadcast %mul3A_1033 : f32 to vector<16xf32>
    %mul3A_1035 = arith.mulf %gather3A_1032, %mul3A_1034 : vector<16xf32>
    %lt3A_1036 = arith.constant 0 : i32
    %lt3A_1037 = vector.broadcast %lt3A_1036 : i32 to vector<16xi32>
    %lt3A_1038 = arith.cmpi slt, %broadcast_in_dim3A_1022, %lt3A_1037 : vector<16xi32>
    %add3A_1039 = arith.constant 16 : i32
    %add3A_1040 = vector.broadcast %add3A_1039 : i32 to vector<16xi32>
    %add3A_1041 = arith.addi %broadcast_in_dim3A_1022, %add3A_1040 : vector<16xi32>
    %select_n3A_1042 = arith.select %lt3A_1038, %add3A_1041, %broadcast_in_dim3A_1022 : vector<16xi1>, vector<16xi32>
    %broadcast_in_dim3A_1043 = vector.shape_cast %select_n3A_1042 : vector<16xi32> to vector<16x1xi32>
    %gather3A_1044 = vector.shape_cast %broadcast_in_dim3A_1043 : vector<16x1xi32> to vector<16xi32>
    %gather3A_1045 = tpu.dynamic_gather %add3A_695[%gather3A_1044] in [0] : vector<16xf32>, vector<16xi32> -> vector<16xf32>
    %mul3A_1046 = arith.constant 0.001953125 : f32
    %mul3A_1047 = vector.broadcast %mul3A_1046 : f32 to vector<16xf32>
    %mul3A_1048 = arith.mulf %gather3A_1045, %mul3A_1047 : vector<16xf32>
    %lt3A_1049 = arith.constant 0 : i32
    %lt3A_1050 = vector.broadcast %lt3A_1049 : i32 to vector<16xi32>
    %lt3A_1051 = arith.cmpi slt, %broadcast_in_dim3A_1022, %lt3A_1050 : vector<16xi32>
    %add3A_1052 = arith.constant 16 : i32
    %add3A_1053 = vector.broadcast %add3A_1052 : i32 to vector<16xi32>
    %add3A_1054 = arith.addi %broadcast_in_dim3A_1022, %add3A_1053 : vector<16xi32>
    %select_n3A_1055 = arith.select %lt3A_1051, %add3A_1054, %broadcast_in_dim3A_1022 : vector<16xi1>, vector<16xi32>
    %broadcast_in_dim3A_1056 = vector.shape_cast %select_n3A_1055 : vector<16xi32> to vector<16x1xi32>
    %gather3A_1057 = vector.shape_cast %broadcast_in_dim3A_1056 : vector<16x1xi32> to vector<16xi32>
    %gather3A_1058 = tpu.dynamic_gather %add3A_706[%gather3A_1057] in [0] : vector<16xf32>, vector<16xi32> -> vector<16xf32>
    %mul3A_1059 = arith.constant 0.001953125 : f32
    %mul3A_1060 = vector.broadcast %mul3A_1059 : f32 to vector<16xf32>
    %mul3A_1061 = arith.mulf %gather3A_1058, %mul3A_1060 : vector<16xf32>
    %lt3A_1062 = arith.constant 0 : i32
    %lt3A_1063 = vector.broadcast %lt3A_1062 : i32 to vector<16xi32>
    %lt3A_1064 = arith.cmpi slt, %broadcast_in_dim3A_1022, %lt3A_1063 : vector<16xi32>
    %add3A_1065 = arith.constant 16 : i32
    %add3A_1066 = vector.broadcast %add3A_1065 : i32 to vector<16xi32>
    %add3A_1067 = arith.addi %broadcast_in_dim3A_1022, %add3A_1066 : vector<16xi32>
    %select_n3A_1068 = arith.select %lt3A_1064, %add3A_1067, %broadcast_in_dim3A_1022 : vector<16xi1>, vector<16xi32>
    %broadcast_in_dim3A_1069 = vector.shape_cast %select_n3A_1068 : vector<16xi32> to vector<16x1xi32>
    %gather3A_1070 = vector.shape_cast %broadcast_in_dim3A_1069 : vector<16x1xi32> to vector<16xi32>
    %gather3A_1071 = tpu.dynamic_gather %add3A_717[%gather3A_1070] in [0] : vector<16xf32>, vector<16xi32> -> vector<16xf32>
    %mul3A_1072 = arith.constant 0.001953125 : f32
    %mul3A_1073 = vector.broadcast %mul3A_1072 : f32 to vector<16xf32>
    %mul3A_1074 = arith.mulf %gather3A_1071, %mul3A_1073 : vector<16xf32>
    %lt3A_1075 = arith.constant 0 : i32
    %lt3A_1076 = vector.broadcast %lt3A_1075 : i32 to vector<16xi32>
    %lt3A_1077 = arith.cmpi slt, %broadcast_in_dim3A_1022, %lt3A_1076 : vector<16xi32>
    %add3A_1078 = arith.constant 16 : i32
    %add3A_1079 = vector.broadcast %add3A_1078 : i32 to vector<16xi32>
    %add3A_1080 = arith.addi %broadcast_in_dim3A_1022, %add3A_1079 : vector<16xi32>
    %select_n3A_1081 = arith.select %lt3A_1077, %add3A_1080, %broadcast_in_dim3A_1022 : vector<16xi1>, vector<16xi32>
    %broadcast_in_dim3A_1082 = vector.shape_cast %select_n3A_1081 : vector<16xi32> to vector<16x1xi32>
    %gather3A_1083 = vector.shape_cast %broadcast_in_dim3A_1082 : vector<16x1xi32> to vector<16xi32>
    %gather3A_1084 = tpu.dynamic_gather %add3A_728[%gather3A_1083] in [0] : vector<16xf32>, vector<16xi32> -> vector<16xf32>
    %mul3A_1085 = arith.constant 0.001953125 : f32
    %mul3A_1086 = vector.broadcast %mul3A_1085 : f32 to vector<16xf32>
    %mul3A_1087 = arith.mulf %gather3A_1084, %mul3A_1086 : vector<16xf32>
    %scan3A_1088 = arith.constant 0 : i32
    %scan3A_1089 = arith.constant 0 : i32
    %scan3A_1090 = arith.constant 40 : i32
    %scan3A_1091 = arith.addi %scan3A_1089, %scan3A_1090 : i32
    %scan3A_1092 = arith.constant 1 : i32
    scf.for %scan3A_2625 = %scan3A_1089 to %scan3A_1091 step %scan3A_1092  : i32 {
      %mul3A_2626 = arith.constant 16 : i32
      %mul3A_2627 = arith.muli %scan3A_2625, %mul3A_2626 : i32
      %get3A = arith.index_cast %mul3A_2627 : i32 to index
      %get3A_2628 = tpu.vector_load %arg6[%get3A] {strides = array<i32>} : memref<5120xf32, #tpu.memory_space<vmem>>, vector<16xf32>,
      %get3A_2629 = vector.shape_cast %get3A_2628 : vector<16xf32> to vector<16xf32>
      %mul3A_2630 = arith.mulf %mul3A_1035, %get3A_2629 : vector<16xf32>
      %mul3A_2631 = arith.constant 16 : i32
      %mul3A_2632 = arith.muli %scan3A_2625, %mul3A_2631 : i32
      %add3A_2633 = arith.constant 640 : i32
      %add3A_2634 = arith.addi %add3A_2633, %mul3A_2632 : i32
      %get3A_2635 = arith.index_cast %add3A_2634 : i32 to index
      %get3A_2636 = tpu.vector_load %arg6[%get3A_2635] {strides = array<i32>} : memref<5120xf32, #tpu.memory_space<vmem>>, vector<16xf32>,
      %get3A_2637 = vector.shape_cast %get3A_2636 : vector<16xf32> to vector<16xf32>
      %mul3A_2638 = arith.mulf %mul3A_1048, %get3A_2637 : vector<16xf32>
      %add3A_2639 = arith.addf %mul3A_2630, %mul3A_2638 : vector<16xf32>
      %mul3A_2640 = arith.constant 16 : i32
      %mul3A_2641 = arith.muli %scan3A_2625, %mul3A_2640 : i32
      %add3A_2642 = arith.constant 1280 : i32
      %add3A_2643 = arith.addi %add3A_2642, %mul3A_2641 : i32
      %get3A_2644 = arith.index_cast %add3A_2643 : i32 to index
      %get3A_2645 = tpu.vector_load %arg6[%get3A_2644] {strides = array<i32>} : memref<5120xf32, #tpu.memory_space<vmem>>, vector<16xf32>,
      %get3A_2646 = vector.shape_cast %get3A_2645 : vector<16xf32> to vector<16xf32>
      %mul3A_2647 = arith.mulf %mul3A_1061, %get3A_2646 : vector<16xf32>
      %add3A_2648 = arith.addf %add3A_2639, %mul3A_2647 : vector<16xf32>
      %mul3A_2649 = arith.constant 16 : i32
      %mul3A_2650 = arith.muli %scan3A_2625, %mul3A_2649 : i32
      %add3A_2651 = arith.constant 1920 : i32
      %add3A_2652 = arith.addi %add3A_2651, %mul3A_2650 : i32
      %get3A_2653 = arith.index_cast %add3A_2652 : i32 to index
      %get3A_2654 = tpu.vector_load %arg6[%get3A_2653] {strides = array<i32>} : memref<5120xf32, #tpu.memory_space<vmem>>, vector<16xf32>,
      %get3A_2655 = vector.shape_cast %get3A_2654 : vector<16xf32> to vector<16xf32>
      %mul3A_2656 = arith.mulf %mul3A_1074, %get3A_2655 : vector<16xf32>
      %add3A_2657 = arith.addf %add3A_2648, %mul3A_2656 : vector<16xf32>
      %mul3A_2658 = arith.constant 16 : i32
      %mul3A_2659 = arith.muli %scan3A_2625, %mul3A_2658 : i32
      %add3A_2660 = arith.constant 2560 : i32
      %add3A_2661 = arith.addi %add3A_2660, %mul3A_2659 : i32
      %get3A_2662 = arith.index_cast %add3A_2661 : i32 to index
      %get3A_2663 = tpu.vector_load %arg6[%get3A_2662] {strides = array<i32>} : memref<5120xf32, #tpu.memory_space<vmem>>, vector<16xf32>,
      %get3A_2664 = vector.shape_cast %get3A_2663 : vector<16xf32> to vector<16xf32>
      %mul3A_2665 = arith.mulf %mul3A_1087, %get3A_2664 : vector<16xf32>
      %add3A_2666 = arith.addf %add3A_2657, %mul3A_2665 : vector<16xf32>
      %mul3A_2667 = arith.constant 16 : i32
      %mul3A_2668 = arith.muli %scan3A_2625, %mul3A_2667 : i32
      %add3A_2669 = arith.constant 7680 : i32
      %add3A_2670 = arith.addi %add3A_2669, %mul3A_2668 : i32
      %swap3A = arith.index_cast %add3A_2670 : i32 to index
      %swap3A_2671 = tpu.vector_load %arg7[%swap3A] {strides = array<i32>} : memref<20480xf32, #tpu.memory_space<vmem>>, vector<16xf32>,
      %swap3A_2672 = vector.shape_cast %swap3A_2671 : vector<16xf32> to vector<16xf32>
      %swap3A_2673 = vector.shape_cast %add3A_2666 : vector<16xf32> to vector<16xf32>
      tpu.vector_store %arg7[%swap3A], %swap3A_2673 {strides = array<i32>} : memref<20480xf32, #tpu.memory_space<vmem>>, vector<16xf32>,
    }
    %scan3A_1093 = arith.constant 40 : i32
    %broadcast_in_dim3A_1094 = arith.constant 5 : i32
    %broadcast_in_dim3A_1095 = vector.broadcast %broadcast_in_dim3A_1094 : i32 to vector<16xi32>
    %lt3A_1096 = arith.constant 0 : i32
    %lt3A_1097 = vector.broadcast %lt3A_1096 : i32 to vector<16xi32>
    %lt3A_1098 = arith.cmpi slt, %broadcast_in_dim3A_1095, %lt3A_1097 : vector<16xi32>
    %add3A_1099 = arith.constant 16 : i32
    %add3A_1100 = vector.broadcast %add3A_1099 : i32 to vector<16xi32>
    %add3A_1101 = arith.addi %broadcast_in_dim3A_1095, %add3A_1100 : vector<16xi32>
    %select_n3A_1102 = arith.select %lt3A_1098, %add3A_1101, %broadcast_in_dim3A_1095 : vector<16xi1>, vector<16xi32>
    %broadcast_in_dim3A_1103 = vector.shape_cast %select_n3A_1102 : vector<16xi32> to vector<16x1xi32>
    %gather3A_1104 = vector.shape_cast %broadcast_in_dim3A_1103 : vector<16x1xi32> to vector<16xi32>
    %gather3A_1105 = tpu.dynamic_gather %add3A_684[%gather3A_1104] in [0] : vector<16xf32>, vector<16xi32> -> vector<16xf32>
    %mul3A_1106 = arith.constant 0.001953125 : f32
    %mul3A_1107 = vector.broadcast %mul3A_1106 : f32 to vector<16xf32>
    %mul3A_1108 = arith.mulf %gather3A_1105, %mul3A_1107 : vector<16xf32>
    %lt3A_1109 = arith.constant 0 : i32
    %lt3A_1110 = vector.broadcast %lt3A_1109 : i32 to vector<16xi32>
    %lt3A_1111 = arith.cmpi slt, %broadcast_in_dim3A_1095, %lt3A_1110 : vector<16xi32>
    %add3A_1112 = arith.constant 16 : i32
    %add3A_1113 = vector.broadcast %add3A_1112 : i32 to vector<16xi32>
    %add3A_1114 = arith.addi %broadcast_in_dim3A_1095, %add3A_1113 : vector<16xi32>
    %select_n3A_1115 = arith.select %lt3A_1111, %add3A_1114, %broadcast_in_dim3A_1095 : vector<16xi1>, vector<16xi32>
    %broadcast_in_dim3A_1116 = vector.shape_cast %select_n3A_1115 : vector<16xi32> to vector<16x1xi32>
    %gather3A_1117 = vector.shape_cast %broadcast_in_dim3A_1116 : vector<16x1xi32> to vector<16xi32>
    %gather3A_1118 = tpu.dynamic_gather %add3A_695[%gather3A_1117] in [0] : vector<16xf32>, vector<16xi32> -> vector<16xf32>
    %mul3A_1119 = arith.constant 0.001953125 : f32
    %mul3A_1120 = vector.broadcast %mul3A_1119 : f32 to vector<16xf32>
    %mul3A_1121 = arith.mulf %gather3A_1118, %mul3A_1120 : vector<16xf32>
    %lt3A_1122 = arith.constant 0 : i32
    %lt3A_1123 = vector.broadcast %lt3A_1122 : i32 to vector<16xi32>
    %lt3A_1124 = arith.cmpi slt, %broadcast_in_dim3A_1095, %lt3A_1123 : vector<16xi32>
    %add3A_1125 = arith.constant 16 : i32
    %add3A_1126 = vector.broadcast %add3A_1125 : i32 to vector<16xi32>
    %add3A_1127 = arith.addi %broadcast_in_dim3A_1095, %add3A_1126 : vector<16xi32>
    %select_n3A_1128 = arith.select %lt3A_1124, %add3A_1127, %broadcast_in_dim3A_1095 : vector<16xi1>, vector<16xi32>
    %broadcast_in_dim3A_1129 = vector.shape_cast %select_n3A_1128 : vector<16xi32> to vector<16x1xi32>
    %gather3A_1130 = vector.shape_cast %broadcast_in_dim3A_1129 : vector<16x1xi32> to vector<16xi32>
    %gather3A_1131 = tpu.dynamic_gather %add3A_706[%gather3A_1130] in [0] : vector<16xf32>, vector<16xi32> -> vector<16xf32>
    %mul3A_1132 = arith.constant 0.001953125 : f32
    %mul3A_1133 = vector.broadcast %mul3A_1132 : f32 to vector<16xf32>
    %mul3A_1134 = arith.mulf %gather3A_1131, %mul3A_1133 : vector<16xf32>
    %lt3A_1135 = arith.constant 0 : i32
    %lt3A_1136 = vector.broadcast %lt3A_1135 : i32 to vector<16xi32>
    %lt3A_1137 = arith.cmpi slt, %broadcast_in_dim3A_1095, %lt3A_1136 : vector<16xi32>
    %add3A_1138 = arith.constant 16 : i32
    %add3A_1139 = vector.broadcast %add3A_1138 : i32 to vector<16xi32>
    %add3A_1140 = arith.addi %broadcast_in_dim3A_1095, %add3A_1139 : vector<16xi32>
    %select_n3A_1141 = arith.select %lt3A_1137, %add3A_1140, %broadcast_in_dim3A_1095 : vector<16xi1>, vector<16xi32>
    %broadcast_in_dim3A_1142 = vector.shape_cast %select_n3A_1141 : vector<16xi32> to vector<16x1xi32>
    %gather3A_1143 = vector.shape_cast %broadcast_in_dim3A_1142 : vector<16x1xi32> to vector<16xi32>
    %gather3A_1144 = tpu.dynamic_gather %add3A_717[%gather3A_1143] in [0] : vector<16xf32>, vector<16xi32> -> vector<16xf32>
    %mul3A_1145 = arith.constant 0.001953125 : f32
    %mul3A_1146 = vector.broadcast %mul3A_1145 : f32 to vector<16xf32>
    %mul3A_1147 = arith.mulf %gather3A_1144, %mul3A_1146 : vector<16xf32>
    %lt3A_1148 = arith.constant 0 : i32
    %lt3A_1149 = vector.broadcast %lt3A_1148 : i32 to vector<16xi32>
    %lt3A_1150 = arith.cmpi slt, %broadcast_in_dim3A_1095, %lt3A_1149 : vector<16xi32>
    %add3A_1151 = arith.constant 16 : i32
    %add3A_1152 = vector.broadcast %add3A_1151 : i32 to vector<16xi32>
    %add3A_1153 = arith.addi %broadcast_in_dim3A_1095, %add3A_1152 : vector<16xi32>
    %select_n3A_1154 = arith.select %lt3A_1150, %add3A_1153, %broadcast_in_dim3A_1095 : vector<16xi1>, vector<16xi32>
    %broadcast_in_dim3A_1155 = vector.shape_cast %select_n3A_1154 : vector<16xi32> to vector<16x1xi32>
    %gather3A_1156 = vector.shape_cast %broadcast_in_dim3A_1155 : vector<16x1xi32> to vector<16xi32>
    %gather3A_1157 = tpu.dynamic_gather %add3A_728[%gather3A_1156] in [0] : vector<16xf32>, vector<16xi32> -> vector<16xf32>
    %mul3A_1158 = arith.constant 0.001953125 : f32
    %mul3A_1159 = vector.broadcast %mul3A_1158 : f32 to vector<16xf32>
    %mul3A_1160 = arith.mulf %gather3A_1157, %mul3A_1159 : vector<16xf32>
    %scan3A_1161 = arith.constant 0 : i32
    %scan3A_1162 = arith.constant 0 : i32
    %scan3A_1163 = arith.constant 40 : i32
    %scan3A_1164 = arith.addi %scan3A_1162, %scan3A_1163 : i32
    %scan3A_1165 = arith.constant 1 : i32
    scf.for %scan3A_2625 = %scan3A_1162 to %scan3A_1164 step %scan3A_1165  : i32 {
      %mul3A_2626 = arith.constant 16 : i32
      %mul3A_2627 = arith.muli %scan3A_2625, %mul3A_2626 : i32
      %get3A = arith.index_cast %mul3A_2627 : i32 to index
      %get3A_2628 = tpu.vector_load %arg6[%get3A] {strides = array<i32>} : memref<5120xf32, #tpu.memory_space<vmem>>, vector<16xf32>,
      %get3A_2629 = vector.shape_cast %get3A_2628 : vector<16xf32> to vector<16xf32>
      %mul3A_2630 = arith.mulf %mul3A_1108, %get3A_2629 : vector<16xf32>
      %mul3A_2631 = arith.constant 16 : i32
      %mul3A_2632 = arith.muli %scan3A_2625, %mul3A_2631 : i32
      %add3A_2633 = arith.constant 640 : i32
      %add3A_2634 = arith.addi %add3A_2633, %mul3A_2632 : i32
      %get3A_2635 = arith.index_cast %add3A_2634 : i32 to index
      %get3A_2636 = tpu.vector_load %arg6[%get3A_2635] {strides = array<i32>} : memref<5120xf32, #tpu.memory_space<vmem>>, vector<16xf32>,
      %get3A_2637 = vector.shape_cast %get3A_2636 : vector<16xf32> to vector<16xf32>
      %mul3A_2638 = arith.mulf %mul3A_1121, %get3A_2637 : vector<16xf32>
      %add3A_2639 = arith.addf %mul3A_2630, %mul3A_2638 : vector<16xf32>
      %mul3A_2640 = arith.constant 16 : i32
      %mul3A_2641 = arith.muli %scan3A_2625, %mul3A_2640 : i32
      %add3A_2642 = arith.constant 1280 : i32
      %add3A_2643 = arith.addi %add3A_2642, %mul3A_2641 : i32
      %get3A_2644 = arith.index_cast %add3A_2643 : i32 to index
      %get3A_2645 = tpu.vector_load %arg6[%get3A_2644] {strides = array<i32>} : memref<5120xf32, #tpu.memory_space<vmem>>, vector<16xf32>,
      %get3A_2646 = vector.shape_cast %get3A_2645 : vector<16xf32> to vector<16xf32>
      %mul3A_2647 = arith.mulf %mul3A_1134, %get3A_2646 : vector<16xf32>
      %add3A_2648 = arith.addf %add3A_2639, %mul3A_2647 : vector<16xf32>
      %mul3A_2649 = arith.constant 16 : i32
      %mul3A_2650 = arith.muli %scan3A_2625, %mul3A_2649 : i32
      %add3A_2651 = arith.constant 1920 : i32
      %add3A_2652 = arith.addi %add3A_2651, %mul3A_2650 : i32
      %get3A_2653 = arith.index_cast %add3A_2652 : i32 to index
      %get3A_2654 = tpu.vector_load %arg6[%get3A_2653] {strides = array<i32>} : memref<5120xf32, #tpu.memory_space<vmem>>, vector<16xf32>,
      %get3A_2655 = vector.shape_cast %get3A_2654 : vector<16xf32> to vector<16xf32>
      %mul3A_2656 = arith.mulf %mul3A_1147, %get3A_2655 : vector<16xf32>
      %add3A_2657 = arith.addf %add3A_2648, %mul3A_2656 : vector<16xf32>
      %mul3A_2658 = arith.constant 16 : i32
      %mul3A_2659 = arith.muli %scan3A_2625, %mul3A_2658 : i32
      %add3A_2660 = arith.constant 2560 : i32
      %add3A_2661 = arith.addi %add3A_2660, %mul3A_2659 : i32
      %get3A_2662 = arith.index_cast %add3A_2661 : i32 to index
      %get3A_2663 = tpu.vector_load %arg6[%get3A_2662] {strides = array<i32>} : memref<5120xf32, #tpu.memory_space<vmem>>, vector<16xf32>,
      %get3A_2664 = vector.shape_cast %get3A_2663 : vector<16xf32> to vector<16xf32>
      %mul3A_2665 = arith.mulf %mul3A_1160, %get3A_2664 : vector<16xf32>
      %add3A_2666 = arith.addf %add3A_2657, %mul3A_2665 : vector<16xf32>
      %mul3A_2667 = arith.constant 16 : i32
      %mul3A_2668 = arith.muli %scan3A_2625, %mul3A_2667 : i32
      %add3A_2669 = arith.constant 8320 : i32
      %add3A_2670 = arith.addi %add3A_2669, %mul3A_2668 : i32
      %swap3A = arith.index_cast %add3A_2670 : i32 to index
      %swap3A_2671 = tpu.vector_load %arg7[%swap3A] {strides = array<i32>} : memref<20480xf32, #tpu.memory_space<vmem>>, vector<16xf32>,
      %swap3A_2672 = vector.shape_cast %swap3A_2671 : vector<16xf32> to vector<16xf32>
      %swap3A_2673 = vector.shape_cast %add3A_2666 : vector<16xf32> to vector<16xf32>
      tpu.vector_store %arg7[%swap3A], %swap3A_2673 {strides = array<i32>} : memref<20480xf32, #tpu.memory_space<vmem>>, vector<16xf32>,
    }
    %scan3A_1166 = arith.constant 40 : i32
    %broadcast_in_dim3A_1167 = arith.constant 6 : i32
    %broadcast_in_dim3A_1168 = vector.broadcast %broadcast_in_dim3A_1167 : i32 to vector<16xi32>
    %lt3A_1169 = arith.constant 0 : i32
    %lt3A_1170 = vector.broadcast %lt3A_1169 : i32 to vector<16xi32>
    %lt3A_1171 = arith.cmpi slt, %broadcast_in_dim3A_1168, %lt3A_1170 : vector<16xi32>
    %add3A_1172 = arith.constant 16 : i32
    %add3A_1173 = vector.broadcast %add3A_1172 : i32 to vector<16xi32>
    %add3A_1174 = arith.addi %broadcast_in_dim3A_1168, %add3A_1173 : vector<16xi32>
    %select_n3A_1175 = arith.select %lt3A_1171, %add3A_1174, %broadcast_in_dim3A_1168 : vector<16xi1>, vector<16xi32>
    %broadcast_in_dim3A_1176 = vector.shape_cast %select_n3A_1175 : vector<16xi32> to vector<16x1xi32>
    %gather3A_1177 = vector.shape_cast %broadcast_in_dim3A_1176 : vector<16x1xi32> to vector<16xi32>
    %gather3A_1178 = tpu.dynamic_gather %add3A_684[%gather3A_1177] in [0] : vector<16xf32>, vector<16xi32> -> vector<16xf32>
    %mul3A_1179 = arith.constant 0.001953125 : f32
    %mul3A_1180 = vector.broadcast %mul3A_1179 : f32 to vector<16xf32>
    %mul3A_1181 = arith.mulf %gather3A_1178, %mul3A_1180 : vector<16xf32>
    %lt3A_1182 = arith.constant 0 : i32
    %lt3A_1183 = vector.broadcast %lt3A_1182 : i32 to vector<16xi32>
    %lt3A_1184 = arith.cmpi slt, %broadcast_in_dim3A_1168, %lt3A_1183 : vector<16xi32>
    %add3A_1185 = arith.constant 16 : i32
    %add3A_1186 = vector.broadcast %add3A_1185 : i32 to vector<16xi32>
    %add3A_1187 = arith.addi %broadcast_in_dim3A_1168, %add3A_1186 : vector<16xi32>
    %select_n3A_1188 = arith.select %lt3A_1184, %add3A_1187, %broadcast_in_dim3A_1168 : vector<16xi1>, vector<16xi32>
    %broadcast_in_dim3A_1189 = vector.shape_cast %select_n3A_1188 : vector<16xi32> to vector<16x1xi32>
    %gather3A_1190 = vector.shape_cast %broadcast_in_dim3A_1189 : vector<16x1xi32> to vector<16xi32>
    %gather3A_1191 = tpu.dynamic_gather %add3A_695[%gather3A_1190] in [0] : vector<16xf32>, vector<16xi32> -> vector<16xf32>
    %mul3A_1192 = arith.constant 0.001953125 : f32
    %mul3A_1193 = vector.broadcast %mul3A_1192 : f32 to vector<16xf32>
    %mul3A_1194 = arith.mulf %gather3A_1191, %mul3A_1193 : vector<16xf32>
    %lt3A_1195 = arith.constant 0 : i32
    %lt3A_1196 = vector.broadcast %lt3A_1195 : i32 to vector<16xi32>
    %lt3A_1197 = arith.cmpi slt, %broadcast_in_dim3A_1168, %lt3A_1196 : vector<16xi32>
    %add3A_1198 = arith.constant 16 : i32
    %add3A_1199 = vector.broadcast %add3A_1198 : i32 to vector<16xi32>
    %add3A_1200 = arith.addi %broadcast_in_dim3A_1168, %add3A_1199 : vector<16xi32>
    %select_n3A_1201 = arith.select %lt3A_1197, %add3A_1200, %broadcast_in_dim3A_1168 : vector<16xi1>, vector<16xi32>
    %broadcast_in_dim3A_1202 = vector.shape_cast %select_n3A_1201 : vector<16xi32> to vector<16x1xi32>
    %gather3A_1203 = vector.shape_cast %broadcast_in_dim3A_1202 : vector<16x1xi32> to vector<16xi32>
    %gather3A_1204 = tpu.dynamic_gather %add3A_706[%gather3A_1203] in [0] : vector<16xf32>, vector<16xi32> -> vector<16xf32>
    %mul3A_1205 = arith.constant 0.001953125 : f32
    %mul3A_1206 = vector.broadcast %mul3A_1205 : f32 to vector<16xf32>
    %mul3A_1207 = arith.mulf %gather3A_1204, %mul3A_1206 : vector<16xf32>
    %lt3A_1208 = arith.constant 0 : i32
    %lt3A_1209 = vector.broadcast %lt3A_1208 : i32 to vector<16xi32>
    %lt3A_1210 = arith.cmpi slt, %broadcast_in_dim3A_1168, %lt3A_1209 : vector<16xi32>
    %add3A_1211 = arith.constant 16 : i32
    %add3A_1212 = vector.broadcast %add3A_1211 : i32 to vector<16xi32>
    %add3A_1213 = arith.addi %broadcast_in_dim3A_1168, %add3A_1212 : vector<16xi32>
    %select_n3A_1214 = arith.select %lt3A_1210, %add3A_1213, %broadcast_in_dim3A_1168 : vector<16xi1>, vector<16xi32>
    %broadcast_in_dim3A_1215 = vector.shape_cast %select_n3A_1214 : vector<16xi32> to vector<16x1xi32>
    %gather3A_1216 = vector.shape_cast %broadcast_in_dim3A_1215 : vector<16x1xi32> to vector<16xi32>
    %gather3A_1217 = tpu.dynamic_gather %add3A_717[%gather3A_1216] in [0] : vector<16xf32>, vector<16xi32> -> vector<16xf32>
    %mul3A_1218 = arith.constant 0.001953125 : f32
    %mul3A_1219 = vector.broadcast %mul3A_1218 : f32 to vector<16xf32>
    %mul3A_1220 = arith.mulf %gather3A_1217, %mul3A_1219 : vector<16xf32>
    %lt3A_1221 = arith.constant 0 : i32
    %lt3A_1222 = vector.broadcast %lt3A_1221 : i32 to vector<16xi32>
    %lt3A_1223 = arith.cmpi slt, %broadcast_in_dim3A_1168, %lt3A_1222 : vector<16xi32>
    %add3A_1224 = arith.constant 16 : i32
    %add3A_1225 = vector.broadcast %add3A_1224 : i32 to vector<16xi32>
    %add3A_1226 = arith.addi %broadcast_in_dim3A_1168, %add3A_1225 : vector<16xi32>
    %select_n3A_1227 = arith.select %lt3A_1223, %add3A_1226, %broadcast_in_dim3A_1168 : vector<16xi1>, vector<16xi32>
    %broadcast_in_dim3A_1228 = vector.shape_cast %select_n3A_1227 : vector<16xi32> to vector<16x1xi32>
    %gather3A_1229 = vector.shape_cast %broadcast_in_dim3A_1228 : vector<16x1xi32> to vector<16xi32>
    %gather3A_1230 = tpu.dynamic_gather %add3A_728[%gather3A_1229] in [0] : vector<16xf32>, vector<16xi32> -> vector<16xf32>
    %mul3A_1231 = arith.constant 0.001953125 : f32
    %mul3A_1232 = vector.broadcast %mul3A_1231 : f32 to vector<16xf32>
    %mul3A_1233 = arith.mulf %gather3A_1230, %mul3A_1232 : vector<16xf32>
    %scan3A_1234 = arith.constant 0 : i32
    %scan3A_1235 = arith.constant 0 : i32
    %scan3A_1236 = arith.constant 40 : i32
    %scan3A_1237 = arith.addi %scan3A_1235, %scan3A_1236 : i32
    %scan3A_1238 = arith.constant 1 : i32
    scf.for %scan3A_2625 = %scan3A_1235 to %scan3A_1237 step %scan3A_1238  : i32 {
      %mul3A_2626 = arith.constant 16 : i32
      %mul3A_2627 = arith.muli %scan3A_2625, %mul3A_2626 : i32
      %get3A = arith.index_cast %mul3A_2627 : i32 to index
      %get3A_2628 = tpu.vector_load %arg6[%get3A] {strides = array<i32>} : memref<5120xf32, #tpu.memory_space<vmem>>, vector<16xf32>,
      %get3A_2629 = vector.shape_cast %get3A_2628 : vector<16xf32> to vector<16xf32>
      %mul3A_2630 = arith.mulf %mul3A_1181, %get3A_2629 : vector<16xf32>
      %mul3A_2631 = arith.constant 16 : i32
      %mul3A_2632 = arith.muli %scan3A_2625, %mul3A_2631 : i32
      %add3A_2633 = arith.constant 640 : i32
      %add3A_2634 = arith.addi %add3A_2633, %mul3A_2632 : i32
      %get3A_2635 = arith.index_cast %add3A_2634 : i32 to index
      %get3A_2636 = tpu.vector_load %arg6[%get3A_2635] {strides = array<i32>} : memref<5120xf32, #tpu.memory_space<vmem>>, vector<16xf32>,
      %get3A_2637 = vector.shape_cast %get3A_2636 : vector<16xf32> to vector<16xf32>
      %mul3A_2638 = arith.mulf %mul3A_1194, %get3A_2637 : vector<16xf32>
      %add3A_2639 = arith.addf %mul3A_2630, %mul3A_2638 : vector<16xf32>
      %mul3A_2640 = arith.constant 16 : i32
      %mul3A_2641 = arith.muli %scan3A_2625, %mul3A_2640 : i32
      %add3A_2642 = arith.constant 1280 : i32
      %add3A_2643 = arith.addi %add3A_2642, %mul3A_2641 : i32
      %get3A_2644 = arith.index_cast %add3A_2643 : i32 to index
      %get3A_2645 = tpu.vector_load %arg6[%get3A_2644] {strides = array<i32>} : memref<5120xf32, #tpu.memory_space<vmem>>, vector<16xf32>,
      %get3A_2646 = vector.shape_cast %get3A_2645 : vector<16xf32> to vector<16xf32>
      %mul3A_2647 = arith.mulf %mul3A_1207, %get3A_2646 : vector<16xf32>
      %add3A_2648 = arith.addf %add3A_2639, %mul3A_2647 : vector<16xf32>
      %mul3A_2649 = arith.constant 16 : i32
      %mul3A_2650 = arith.muli %scan3A_2625, %mul3A_2649 : i32
      %add3A_2651 = arith.constant 1920 : i32
      %add3A_2652 = arith.addi %add3A_2651, %mul3A_2650 : i32
      %get3A_2653 = arith.index_cast %add3A_2652 : i32 to index
      %get3A_2654 = tpu.vector_load %arg6[%get3A_2653] {strides = array<i32>} : memref<5120xf32, #tpu.memory_space<vmem>>, vector<16xf32>,
      %get3A_2655 = vector.shape_cast %get3A_2654 : vector<16xf32> to vector<16xf32>
      %mul3A_2656 = arith.mulf %mul3A_1220, %get3A_2655 : vector<16xf32>
      %add3A_2657 = arith.addf %add3A_2648, %mul3A_2656 : vector<16xf32>
      %mul3A_2658 = arith.constant 16 : i32
      %mul3A_2659 = arith.muli %scan3A_2625, %mul3A_2658 : i32
      %add3A_2660 = arith.constant 2560 : i32
      %add3A_2661 = arith.addi %add3A_2660, %mul3A_2659 : i32
      %get3A_2662 = arith.index_cast %add3A_2661 : i32 to index
      %get3A_2663 = tpu.vector_load %arg6[%get3A_2662] {strides = array<i32>} : memref<5120xf32, #tpu.memory_space<vmem>>, vector<16xf32>,
      %get3A_2664 = vector.shape_cast %get3A_2663 : vector<16xf32> to vector<16xf32>
      %mul3A_2665 = arith.mulf %mul3A_1233, %get3A_2664 : vector<16xf32>
      %add3A_2666 = arith.addf %add3A_2657, %mul3A_2665 : vector<16xf32>
      %mul3A_2667 = arith.constant 16 : i32
      %mul3A_2668 = arith.muli %scan3A_2625, %mul3A_2667 : i32
      %add3A_2669 = arith.constant 8960 : i32
      %add3A_2670 = arith.addi %add3A_2669, %mul3A_2668 : i32
      %swap3A = arith.index_cast %add3A_2670 : i32 to index
      %swap3A_2671 = tpu.vector_load %arg7[%swap3A] {strides = array<i32>} : memref<20480xf32, #tpu.memory_space<vmem>>, vector<16xf32>,
      %swap3A_2672 = vector.shape_cast %swap3A_2671 : vector<16xf32> to vector<16xf32>
      %swap3A_2673 = vector.shape_cast %add3A_2666 : vector<16xf32> to vector<16xf32>
      tpu.vector_store %arg7[%swap3A], %swap3A_2673 {strides = array<i32>} : memref<20480xf32, #tpu.memory_space<vmem>>, vector<16xf32>,
    }
    %scan3A_1239 = arith.constant 40 : i32
    %broadcast_in_dim3A_1240 = arith.constant 7 : i32
    %broadcast_in_dim3A_1241 = vector.broadcast %broadcast_in_dim3A_1240 : i32 to vector<16xi32>
    %lt3A_1242 = arith.constant 0 : i32
    %lt3A_1243 = vector.broadcast %lt3A_1242 : i32 to vector<16xi32>
    %lt3A_1244 = arith.cmpi slt, %broadcast_in_dim3A_1241, %lt3A_1243 : vector<16xi32>
    %add3A_1245 = arith.constant 16 : i32
    %add3A_1246 = vector.broadcast %add3A_1245 : i32 to vector<16xi32>
    %add3A_1247 = arith.addi %broadcast_in_dim3A_1241, %add3A_1246 : vector<16xi32>
    %select_n3A_1248 = arith.select %lt3A_1244, %add3A_1247, %broadcast_in_dim3A_1241 : vector<16xi1>, vector<16xi32>
    %broadcast_in_dim3A_1249 = vector.shape_cast %select_n3A_1248 : vector<16xi32> to vector<16x1xi32>
    %gather3A_1250 = vector.shape_cast %broadcast_in_dim3A_1249 : vector<16x1xi32> to vector<16xi32>
    %gather3A_1251 = tpu.dynamic_gather %add3A_684[%gather3A_1250] in [0] : vector<16xf32>, vector<16xi32> -> vector<16xf32>
    %mul3A_1252 = arith.constant 0.001953125 : f32
    %mul3A_1253 = vector.broadcast %mul3A_1252 : f32 to vector<16xf32>
    %mul3A_1254 = arith.mulf %gather3A_1251, %mul3A_1253 : vector<16xf32>
    %lt3A_1255 = arith.constant 0 : i32
    %lt3A_1256 = vector.broadcast %lt3A_1255 : i32 to vector<16xi32>
    %lt3A_1257 = arith.cmpi slt, %broadcast_in_dim3A_1241, %lt3A_1256 : vector<16xi32>
    %add3A_1258 = arith.constant 16 : i32
    %add3A_1259 = vector.broadcast %add3A_1258 : i32 to vector<16xi32>
    %add3A_1260 = arith.addi %broadcast_in_dim3A_1241, %add3A_1259 : vector<16xi32>
    %select_n3A_1261 = arith.select %lt3A_1257, %add3A_1260, %broadcast_in_dim3A_1241 : vector<16xi1>, vector<16xi32>
    %broadcast_in_dim3A_1262 = vector.shape_cast %select_n3A_1261 : vector<16xi32> to vector<16x1xi32>
    %gather3A_1263 = vector.shape_cast %broadcast_in_dim3A_1262 : vector<16x1xi32> to vector<16xi32>
    %gather3A_1264 = tpu.dynamic_gather %add3A_695[%gather3A_1263] in [0] : vector<16xf32>, vector<16xi32> -> vector<16xf32>
    %mul3A_1265 = arith.constant 0.001953125 : f32
    %mul3A_1266 = vector.broadcast %mul3A_1265 : f32 to vector<16xf32>
    %mul3A_1267 = arith.mulf %gather3A_1264, %mul3A_1266 : vector<16xf32>
    %lt3A_1268 = arith.constant 0 : i32
    %lt3A_1269 = vector.broadcast %lt3A_1268 : i32 to vector<16xi32>
    %lt3A_1270 = arith.cmpi slt, %broadcast_in_dim3A_1241, %lt3A_1269 : vector<16xi32>
    %add3A_1271 = arith.constant 16 : i32
    %add3A_1272 = vector.broadcast %add3A_1271 : i32 to vector<16xi32>
    %add3A_1273 = arith.addi %broadcast_in_dim3A_1241, %add3A_1272 : vector<16xi32>
    %select_n3A_1274 = arith.select %lt3A_1270, %add3A_1273, %broadcast_in_dim3A_1241 : vector<16xi1>, vector<16xi32>
    %broadcast_in_dim3A_1275 = vector.shape_cast %select_n3A_1274 : vector<16xi32> to vector<16x1xi32>
    %gather3A_1276 = vector.shape_cast %broadcast_in_dim3A_1275 : vector<16x1xi32> to vector<16xi32>
    %gather3A_1277 = tpu.dynamic_gather %add3A_706[%gather3A_1276] in [0] : vector<16xf32>, vector<16xi32> -> vector<16xf32>
    %mul3A_1278 = arith.constant 0.001953125 : f32
    %mul3A_1279 = vector.broadcast %mul3A_1278 : f32 to vector<16xf32>
    %mul3A_1280 = arith.mulf %gather3A_1277, %mul3A_1279 : vector<16xf32>
    %lt3A_1281 = arith.constant 0 : i32
    %lt3A_1282 = vector.broadcast %lt3A_1281 : i32 to vector<16xi32>
    %lt3A_1283 = arith.cmpi slt, %broadcast_in_dim3A_1241, %lt3A_1282 : vector<16xi32>
    %add3A_1284 = arith.constant 16 : i32
    %add3A_1285 = vector.broadcast %add3A_1284 : i32 to vector<16xi32>
    %add3A_1286 = arith.addi %broadcast_in_dim3A_1241, %add3A_1285 : vector<16xi32>
    %select_n3A_1287 = arith.select %lt3A_1283, %add3A_1286, %broadcast_in_dim3A_1241 : vector<16xi1>, vector<16xi32>
    %broadcast_in_dim3A_1288 = vector.shape_cast %select_n3A_1287 : vector<16xi32> to vector<16x1xi32>
    %gather3A_1289 = vector.shape_cast %broadcast_in_dim3A_1288 : vector<16x1xi32> to vector<16xi32>
    %gather3A_1290 = tpu.dynamic_gather %add3A_717[%gather3A_1289] in [0] : vector<16xf32>, vector<16xi32> -> vector<16xf32>
    %mul3A_1291 = arith.constant 0.001953125 : f32
    %mul3A_1292 = vector.broadcast %mul3A_1291 : f32 to vector<16xf32>
    %mul3A_1293 = arith.mulf %gather3A_1290, %mul3A_1292 : vector<16xf32>
    %lt3A_1294 = arith.constant 0 : i32
    %lt3A_1295 = vector.broadcast %lt3A_1294 : i32 to vector<16xi32>
    %lt3A_1296 = arith.cmpi slt, %broadcast_in_dim3A_1241, %lt3A_1295 : vector<16xi32>
    %add3A_1297 = arith.constant 16 : i32
    %add3A_1298 = vector.broadcast %add3A_1297 : i32 to vector<16xi32>
    %add3A_1299 = arith.addi %broadcast_in_dim3A_1241, %add3A_1298 : vector<16xi32>
    %select_n3A_1300 = arith.select %lt3A_1296, %add3A_1299, %broadcast_in_dim3A_1241 : vector<16xi1>, vector<16xi32>
    %broadcast_in_dim3A_1301 = vector.shape_cast %select_n3A_1300 : vector<16xi32> to vector<16x1xi32>
    %gather3A_1302 = vector.shape_cast %broadcast_in_dim3A_1301 : vector<16x1xi32> to vector<16xi32>
    %gather3A_1303 = tpu.dynamic_gather %add3A_728[%gather3A_1302] in [0] : vector<16xf32>, vector<16xi32> -> vector<16xf32>
    %mul3A_1304 = arith.constant 0.001953125 : f32
    %mul3A_1305 = vector.broadcast %mul3A_1304 : f32 to vector<16xf32>
    %mul3A_1306 = arith.mulf %gather3A_1303, %mul3A_1305 : vector<16xf32>
    %scan3A_1307 = arith.constant 0 : i32
    %scan3A_1308 = arith.constant 0 : i32
    %scan3A_1309 = arith.constant 40 : i32
    %scan3A_1310 = arith.addi %scan3A_1308, %scan3A_1309 : i32
    %scan3A_1311 = arith.constant 1 : i32
    scf.for %scan3A_2625 = %scan3A_1308 to %scan3A_1310 step %scan3A_1311  : i32 {
      %mul3A_2626 = arith.constant 16 : i32
      %mul3A_2627 = arith.muli %scan3A_2625, %mul3A_2626 : i32
      %get3A = arith.index_cast %mul3A_2627 : i32 to index
      %get3A_2628 = tpu.vector_load %arg6[%get3A] {strides = array<i32>} : memref<5120xf32, #tpu.memory_space<vmem>>, vector<16xf32>,
      %get3A_2629 = vector.shape_cast %get3A_2628 : vector<16xf32> to vector<16xf32>
      %mul3A_2630 = arith.mulf %mul3A_1254, %get3A_2629 : vector<16xf32>
      %mul3A_2631 = arith.constant 16 : i32
      %mul3A_2632 = arith.muli %scan3A_2625, %mul3A_2631 : i32
      %add3A_2633 = arith.constant 640 : i32
      %add3A_2634 = arith.addi %add3A_2633, %mul3A_2632 : i32
      %get3A_2635 = arith.index_cast %add3A_2634 : i32 to index
      %get3A_2636 = tpu.vector_load %arg6[%get3A_2635] {strides = array<i32>} : memref<5120xf32, #tpu.memory_space<vmem>>, vector<16xf32>,
      %get3A_2637 = vector.shape_cast %get3A_2636 : vector<16xf32> to vector<16xf32>
      %mul3A_2638 = arith.mulf %mul3A_1267, %get3A_2637 : vector<16xf32>
      %add3A_2639 = arith.addf %mul3A_2630, %mul3A_2638 : vector<16xf32>
      %mul3A_2640 = arith.constant 16 : i32
      %mul3A_2641 = arith.muli %scan3A_2625, %mul3A_2640 : i32
      %add3A_2642 = arith.constant 1280 : i32
      %add3A_2643 = arith.addi %add3A_2642, %mul3A_2641 : i32
      %get3A_2644 = arith.index_cast %add3A_2643 : i32 to index
      %get3A_2645 = tpu.vector_load %arg6[%get3A_2644] {strides = array<i32>} : memref<5120xf32, #tpu.memory_space<vmem>>, vector<16xf32>,
      %get3A_2646 = vector.shape_cast %get3A_2645 : vector<16xf32> to vector<16xf32>
      %mul3A_2647 = arith.mulf %mul3A_1280, %get3A_2646 : vector<16xf32>
      %add3A_2648 = arith.addf %add3A_2639, %mul3A_2647 : vector<16xf32>
      %mul3A_2649 = arith.constant 16 : i32
      %mul3A_2650 = arith.muli %scan3A_2625, %mul3A_2649 : i32
      %add3A_2651 = arith.constant 1920 : i32
      %add3A_2652 = arith.addi %add3A_2651, %mul3A_2650 : i32
      %get3A_2653 = arith.index_cast %add3A_2652 : i32 to index
      %get3A_2654 = tpu.vector_load %arg6[%get3A_2653] {strides = array<i32>} : memref<5120xf32, #tpu.memory_space<vmem>>, vector<16xf32>,
      %get3A_2655 = vector.shape_cast %get3A_2654 : vector<16xf32> to vector<16xf32>
      %mul3A_2656 = arith.mulf %mul3A_1293, %get3A_2655 : vector<16xf32>
      %add3A_2657 = arith.addf %add3A_2648, %mul3A_2656 : vector<16xf32>
      %mul3A_2658 = arith.constant 16 : i32
      %mul3A_2659 = arith.muli %scan3A_2625, %mul3A_2658 : i32
      %add3A_2660 = arith.constant 2560 : i32
      %add3A_2661 = arith.addi %add3A_2660, %mul3A_2659 : i32
      %get3A_2662 = arith.index_cast %add3A_2661 : i32 to index
      %get3A_2663 = tpu.vector_load %arg6[%get3A_2662] {strides = array<i32>} : memref<5120xf32, #tpu.memory_space<vmem>>, vector<16xf32>,
      %get3A_2664 = vector.shape_cast %get3A_2663 : vector<16xf32> to vector<16xf32>
      %mul3A_2665 = arith.mulf %mul3A_1306, %get3A_2664 : vector<16xf32>
      %add3A_2666 = arith.addf %add3A_2657, %mul3A_2665 : vector<16xf32>
      %mul3A_2667 = arith.constant 16 : i32
      %mul3A_2668 = arith.muli %scan3A_2625, %mul3A_2667 : i32
      %add3A_2669 = arith.constant 9600 : i32
      %add3A_2670 = arith.addi %add3A_2669, %mul3A_2668 : i32
      %swap3A = arith.index_cast %add3A_2670 : i32 to index
      %swap3A_2671 = tpu.vector_load %arg7[%swap3A] {strides = array<i32>} : memref<20480xf32, #tpu.memory_space<vmem>>, vector<16xf32>,
      %swap3A_2672 = vector.shape_cast %swap3A_2671 : vector<16xf32> to vector<16xf32>
      %swap3A_2673 = vector.shape_cast %add3A_2666 : vector<16xf32> to vector<16xf32>
      tpu.vector_store %arg7[%swap3A], %swap3A_2673 {strides = array<i32>} : memref<20480xf32, #tpu.memory_space<vmem>>, vector<16xf32>,
    }
    %scan3A_1312 = arith.constant 40 : i32
    %broadcast_in_dim3A_1313 = arith.constant 0.000000e+00 : f32
    %broadcast_in_dim3A_1314 = vector.broadcast %broadcast_in_dim3A_1313 : f32 to vector<16xf32>
    %broadcast_in_dim3A_1315 = arith.constant 0.000000e+00 : f32
    %broadcast_in_dim3A_1316 = vector.broadcast %broadcast_in_dim3A_1315 : f32 to vector<16xf32>
    %broadcast_in_dim3A_1317 = arith.constant 0.000000e+00 : f32
    %broadcast_in_dim3A_1318 = vector.broadcast %broadcast_in_dim3A_1317 : f32 to vector<16xf32>
    %broadcast_in_dim3A_1319 = arith.constant 0.000000e+00 : f32
    %broadcast_in_dim3A_1320 = vector.broadcast %broadcast_in_dim3A_1319 : f32 to vector<16xf32>
    %broadcast_in_dim3A_1321 = arith.constant 0.000000e+00 : f32
    %broadcast_in_dim3A_1322 = vector.broadcast %broadcast_in_dim3A_1321 : f32 to vector<16xf32>
    %scan3A_1323 = arith.constant 0 : i32
    %scan3A_1324 = arith.constant 256 : i32
    %scan3A_1325 = arith.addi %scan3A_1323, %scan3A_1324 : i32
    %scan3A_1326 = arith.constant 1 : i32
    %scan3A_1327:5 = scf.for %scan3A_2625 = %scan3A_1323 to %scan3A_1325 step %scan3A_1326 iter_args(%scan3A_2626 = %broadcast_in_dim3A_1314, %scan3A_2627 = %broadcast_in_dim3A_1316, %scan3A_2628 = %broadcast_in_dim3A_1318, %scan3A_2629 = %broadcast_in_dim3A_1320, %scan3A_2630 = %broadcast_in_dim3A_1322) -> (vector<16xf32>, vector<16xf32>, vector<16xf32>, vector<16xf32>, vector<16xf32>)  : i32 {
      %mul3A_2631 = arith.constant 16 : i32
      %mul3A_2632 = arith.muli %scan3A_2625, %mul3A_2631 : i32
      %add3A_2633 = arith.constant 8192 : i32
      %add3A_2634 = arith.addi %add3A_2633, %mul3A_2632 : i32
      %get3A = arith.index_cast %add3A_2634 : i32 to index
      %get3A_2635 = tpu.vector_load %arg5[%get3A] {strides = array<i32>} : memref<16384xi32, #tpu.memory_space<vmem>>, vector<16xi32>,
      %get3A_2636 = vector.shape_cast %get3A_2635 : vector<16xi32> to vector<16xi32>
      %eq3A = arith.constant 0 : i32
      %eq3A_2637 = vector.broadcast %eq3A : i32 to vector<16xi32>
      %eq3A_2638 = arith.cmpi eq, %get3A_2636, %eq3A_2637 : vector<16xi32>
      %jit3A = arith.constant 1.000000e+00 : f32
      %jit3A_2639 = arith.constant 0.000000e+00 : f32
      %broadcast_in_dim3A_2640 = vector.broadcast %jit3A : f32 to vector<16xf32>
      %broadcast_in_dim3A_2641 = vector.broadcast %jit3A_2639 : f32 to vector<16xf32>
      %select_n3A_2642 = arith.select %eq3A_2638, %broadcast_in_dim3A_2640, %broadcast_in_dim3A_2641 : vector<16xi1>, vector<16xf32>
      %add3A_2643 = arith.addf %scan3A_2626, %select_n3A_2642 : vector<16xf32>
      %eq3A_2644 = arith.constant 1 : i32
      %eq3A_2645 = vector.broadcast %eq3A_2644 : i32 to vector<16xi32>
      %eq3A_2646 = arith.cmpi eq, %get3A_2636, %eq3A_2645 : vector<16xi32>
      %jit3A_2647 = arith.constant 1.000000e+00 : f32
      %jit3A_2648 = arith.constant 0.000000e+00 : f32
      %broadcast_in_dim3A_2649 = vector.broadcast %jit3A_2647 : f32 to vector<16xf32>
      %broadcast_in_dim3A_2650 = vector.broadcast %jit3A_2648 : f32 to vector<16xf32>
      %select_n3A_2651 = arith.select %eq3A_2646, %broadcast_in_dim3A_2649, %broadcast_in_dim3A_2650 : vector<16xi1>, vector<16xf32>
      %add3A_2652 = arith.addf %scan3A_2627, %select_n3A_2651 : vector<16xf32>
      %eq3A_2653 = arith.constant 2 : i32
      %eq3A_2654 = vector.broadcast %eq3A_2653 : i32 to vector<16xi32>
      %eq3A_2655 = arith.cmpi eq, %get3A_2636, %eq3A_2654 : vector<16xi32>
      %jit3A_2656 = arith.constant 1.000000e+00 : f32
      %jit3A_2657 = arith.constant 0.000000e+00 : f32
      %broadcast_in_dim3A_2658 = vector.broadcast %jit3A_2656 : f32 to vector<16xf32>
      %broadcast_in_dim3A_2659 = vector.broadcast %jit3A_2657 : f32 to vector<16xf32>
      %select_n3A_2660 = arith.select %eq3A_2655, %broadcast_in_dim3A_2658, %broadcast_in_dim3A_2659 : vector<16xi1>, vector<16xf32>
      %add3A_2661 = arith.addf %scan3A_2628, %select_n3A_2660 : vector<16xf32>
      %eq3A_2662 = arith.constant 3 : i32
      %eq3A_2663 = vector.broadcast %eq3A_2662 : i32 to vector<16xi32>
      %eq3A_2664 = arith.cmpi eq, %get3A_2636, %eq3A_2663 : vector<16xi32>
      %jit3A_2665 = arith.constant 1.000000e+00 : f32
      %jit3A_2666 = arith.constant 0.000000e+00 : f32
      %broadcast_in_dim3A_2667 = vector.broadcast %jit3A_2665 : f32 to vector<16xf32>
      %broadcast_in_dim3A_2668 = vector.broadcast %jit3A_2666 : f32 to vector<16xf32>
      %select_n3A_2669 = arith.select %eq3A_2664, %broadcast_in_dim3A_2667, %broadcast_in_dim3A_2668 : vector<16xi1>, vector<16xf32>
      %add3A_2670 = arith.addf %scan3A_2629, %select_n3A_2669 : vector<16xf32>
      %eq3A_2671 = arith.constant 4 : i32
      %eq3A_2672 = vector.broadcast %eq3A_2671 : i32 to vector<16xi32>
      %eq3A_2673 = arith.cmpi eq, %get3A_2636, %eq3A_2672 : vector<16xi32>
      %jit3A_2674 = arith.constant 1.000000e+00 : f32
      %jit3A_2675 = arith.constant 0.000000e+00 : f32
      %broadcast_in_dim3A_2676 = vector.broadcast %jit3A_2674 : f32 to vector<16xf32>
      %broadcast_in_dim3A_2677 = vector.broadcast %jit3A_2675 : f32 to vector<16xf32>
      %select_n3A_2678 = arith.select %eq3A_2673, %broadcast_in_dim3A_2676, %broadcast_in_dim3A_2677 : vector<16xi1>, vector<16xf32>
      %add3A_2679 = arith.addf %scan3A_2630, %select_n3A_2678 : vector<16xf32>
      scf.yield %add3A_2643, %add3A_2652, %add3A_2661, %add3A_2670, %add3A_2679 : vector<16xf32>, vector<16xf32>, vector<16xf32>, vector<16xf32>, vector<16xf32>
    }
    %scan3A_1328 = arith.constant 256 : i32
    %lt3A_1329 = arith.constant 0 : i32
    %lt3A_1330 = vector.broadcast %lt3A_1329 : i32 to vector<16xi32>
    %lt3A_1331 = arith.cmpi slt, %and3A_7, %lt3A_1330 : vector<16xi32>
    %add3A_1332 = arith.constant 16 : i32
    %add3A_1333 = vector.broadcast %add3A_1332 : i32 to vector<16xi32>
    %add3A_1334 = arith.addi %and3A_7, %add3A_1333 : vector<16xi32>
    %select_n3A_1335 = arith.select %lt3A_1331, %add3A_1334, %and3A_7 : vector<16xi1>, vector<16xi32>
    %broadcast_in_dim3A_1336 = vector.shape_cast %select_n3A_1335 : vector<16xi32> to vector<16x1xi32>
    %gather3A_1337 = vector.shape_cast %broadcast_in_dim3A_1336 : vector<16x1xi32> to vector<16xi32>
    %gather3A_1338 = tpu.dynamic_gather %scan3A_1327#0[%gather3A_1337] in [0] : vector<16xf32>, vector<16xi32> -> vector<16xf32>
    %add3A_1339 = arith.addf %scan3A_1327#0, %gather3A_1338 : vector<16xf32>
    %lt3A_1340 = arith.constant 0 : i32
    %lt3A_1341 = vector.broadcast %lt3A_1340 : i32 to vector<16xi32>
    %lt3A_1342 = arith.cmpi slt, %and3A_7, %lt3A_1341 : vector<16xi32>
    %add3A_1343 = arith.constant 16 : i32
    %add3A_1344 = vector.broadcast %add3A_1343 : i32 to vector<16xi32>
    %add3A_1345 = arith.addi %and3A_7, %add3A_1344 : vector<16xi32>
    %select_n3A_1346 = arith.select %lt3A_1342, %add3A_1345, %and3A_7 : vector<16xi1>, vector<16xi32>
    %broadcast_in_dim3A_1347 = vector.shape_cast %select_n3A_1346 : vector<16xi32> to vector<16x1xi32>
    %gather3A_1348 = vector.shape_cast %broadcast_in_dim3A_1347 : vector<16x1xi32> to vector<16xi32>
    %gather3A_1349 = tpu.dynamic_gather %scan3A_1327#1[%gather3A_1348] in [0] : vector<16xf32>, vector<16xi32> -> vector<16xf32>
    %add3A_1350 = arith.addf %scan3A_1327#1, %gather3A_1349 : vector<16xf32>
    %lt3A_1351 = arith.constant 0 : i32
    %lt3A_1352 = vector.broadcast %lt3A_1351 : i32 to vector<16xi32>
    %lt3A_1353 = arith.cmpi slt, %and3A_7, %lt3A_1352 : vector<16xi32>
    %add3A_1354 = arith.constant 16 : i32
    %add3A_1355 = vector.broadcast %add3A_1354 : i32 to vector<16xi32>
    %add3A_1356 = arith.addi %and3A_7, %add3A_1355 : vector<16xi32>
    %select_n3A_1357 = arith.select %lt3A_1353, %add3A_1356, %and3A_7 : vector<16xi1>, vector<16xi32>
    %broadcast_in_dim3A_1358 = vector.shape_cast %select_n3A_1357 : vector<16xi32> to vector<16x1xi32>
    %gather3A_1359 = vector.shape_cast %broadcast_in_dim3A_1358 : vector<16x1xi32> to vector<16xi32>
    %gather3A_1360 = tpu.dynamic_gather %scan3A_1327#2[%gather3A_1359] in [0] : vector<16xf32>, vector<16xi32> -> vector<16xf32>
    %add3A_1361 = arith.addf %scan3A_1327#2, %gather3A_1360 : vector<16xf32>
    %lt3A_1362 = arith.constant 0 : i32
    %lt3A_1363 = vector.broadcast %lt3A_1362 : i32 to vector<16xi32>
    %lt3A_1364 = arith.cmpi slt, %and3A_7, %lt3A_1363 : vector<16xi32>
    %add3A_1365 = arith.constant 16 : i32
    %add3A_1366 = vector.broadcast %add3A_1365 : i32 to vector<16xi32>
    %add3A_1367 = arith.addi %and3A_7, %add3A_1366 : vector<16xi32>
    %select_n3A_1368 = arith.select %lt3A_1364, %add3A_1367, %and3A_7 : vector<16xi1>, vector<16xi32>
    %broadcast_in_dim3A_1369 = vector.shape_cast %select_n3A_1368 : vector<16xi32> to vector<16x1xi32>
    %gather3A_1370 = vector.shape_cast %broadcast_in_dim3A_1369 : vector<16x1xi32> to vector<16xi32>
    %gather3A_1371 = tpu.dynamic_gather %scan3A_1327#3[%gather3A_1370] in [0] : vector<16xf32>, vector<16xi32> -> vector<16xf32>
    %add3A_1372 = arith.addf %scan3A_1327#3, %gather3A_1371 : vector<16xf32>
    %lt3A_1373 = arith.constant 0 : i32
    %lt3A_1374 = vector.broadcast %lt3A_1373 : i32 to vector<16xi32>
    %lt3A_1375 = arith.cmpi slt, %and3A_7, %lt3A_1374 : vector<16xi32>
    %add3A_1376 = arith.constant 16 : i32
    %add3A_1377 = vector.broadcast %add3A_1376 : i32 to vector<16xi32>
    %add3A_1378 = arith.addi %and3A_7, %add3A_1377 : vector<16xi32>
    %select_n3A_1379 = arith.select %lt3A_1375, %add3A_1378, %and3A_7 : vector<16xi1>, vector<16xi32>
    %broadcast_in_dim3A_1380 = vector.shape_cast %select_n3A_1379 : vector<16xi32> to vector<16x1xi32>
    %gather3A_1381 = vector.shape_cast %broadcast_in_dim3A_1380 : vector<16x1xi32> to vector<16xi32>
    %gather3A_1382 = tpu.dynamic_gather %scan3A_1327#4[%gather3A_1381] in [0] : vector<16xf32>, vector<16xi32> -> vector<16xf32>
    %add3A_1383 = arith.addf %scan3A_1327#4, %gather3A_1382 : vector<16xf32>
    %broadcast_in_dim3A_1384 = arith.constant 0 : i32
    %broadcast_in_dim3A_1385 = vector.broadcast %broadcast_in_dim3A_1384 : i32 to vector<16xi32>
    %lt3A_1386 = arith.constant 0 : i32
    %lt3A_1387 = vector.broadcast %lt3A_1386 : i32 to vector<16xi32>
    %lt3A_1388 = arith.cmpi slt, %broadcast_in_dim3A_1385, %lt3A_1387 : vector<16xi32>
    %add3A_1389 = arith.constant 16 : i32
    %add3A_1390 = vector.broadcast %add3A_1389 : i32 to vector<16xi32>
    %add3A_1391 = arith.addi %broadcast_in_dim3A_1385, %add3A_1390 : vector<16xi32>
    %select_n3A_1392 = arith.select %lt3A_1388, %add3A_1391, %broadcast_in_dim3A_1385 : vector<16xi1>, vector<16xi32>
    %broadcast_in_dim3A_1393 = vector.shape_cast %select_n3A_1392 : vector<16xi32> to vector<16x1xi32>
    %gather3A_1394 = vector.shape_cast %broadcast_in_dim3A_1393 : vector<16x1xi32> to vector<16xi32>
    %gather3A_1395 = tpu.dynamic_gather %add3A_1339[%gather3A_1394] in [0] : vector<16xf32>, vector<16xi32> -> vector<16xf32>
    %mul3A_1396 = arith.constant 0.001953125 : f32
    %mul3A_1397 = vector.broadcast %mul3A_1396 : f32 to vector<16xf32>
    %mul3A_1398 = arith.mulf %gather3A_1395, %mul3A_1397 : vector<16xf32>
    %lt3A_1399 = arith.constant 0 : i32
    %lt3A_1400 = vector.broadcast %lt3A_1399 : i32 to vector<16xi32>
    %lt3A_1401 = arith.cmpi slt, %broadcast_in_dim3A_1385, %lt3A_1400 : vector<16xi32>
    %add3A_1402 = arith.constant 16 : i32
    %add3A_1403 = vector.broadcast %add3A_1402 : i32 to vector<16xi32>
    %add3A_1404 = arith.addi %broadcast_in_dim3A_1385, %add3A_1403 : vector<16xi32>
    %select_n3A_1405 = arith.select %lt3A_1401, %add3A_1404, %broadcast_in_dim3A_1385 : vector<16xi1>, vector<16xi32>
    %broadcast_in_dim3A_1406 = vector.shape_cast %select_n3A_1405 : vector<16xi32> to vector<16x1xi32>
    %gather3A_1407 = vector.shape_cast %broadcast_in_dim3A_1406 : vector<16x1xi32> to vector<16xi32>
    %gather3A_1408 = tpu.dynamic_gather %add3A_1350[%gather3A_1407] in [0] : vector<16xf32>, vector<16xi32> -> vector<16xf32>
    %mul3A_1409 = arith.constant 0.001953125 : f32
    %mul3A_1410 = vector.broadcast %mul3A_1409 : f32 to vector<16xf32>
    %mul3A_1411 = arith.mulf %gather3A_1408, %mul3A_1410 : vector<16xf32>
    %lt3A_1412 = arith.constant 0 : i32
    %lt3A_1413 = vector.broadcast %lt3A_1412 : i32 to vector<16xi32>
    %lt3A_1414 = arith.cmpi slt, %broadcast_in_dim3A_1385, %lt3A_1413 : vector<16xi32>
    %add3A_1415 = arith.constant 16 : i32
    %add3A_1416 = vector.broadcast %add3A_1415 : i32 to vector<16xi32>
    %add3A_1417 = arith.addi %broadcast_in_dim3A_1385, %add3A_1416 : vector<16xi32>
    %select_n3A_1418 = arith.select %lt3A_1414, %add3A_1417, %broadcast_in_dim3A_1385 : vector<16xi1>, vector<16xi32>
    %broadcast_in_dim3A_1419 = vector.shape_cast %select_n3A_1418 : vector<16xi32> to vector<16x1xi32>
    %gather3A_1420 = vector.shape_cast %broadcast_in_dim3A_1419 : vector<16x1xi32> to vector<16xi32>
    %gather3A_1421 = tpu.dynamic_gather %add3A_1361[%gather3A_1420] in [0] : vector<16xf32>, vector<16xi32> -> vector<16xf32>
    %mul3A_1422 = arith.constant 0.001953125 : f32
    %mul3A_1423 = vector.broadcast %mul3A_1422 : f32 to vector<16xf32>
    %mul3A_1424 = arith.mulf %gather3A_1421, %mul3A_1423 : vector<16xf32>
    %lt3A_1425 = arith.constant 0 : i32
    %lt3A_1426 = vector.broadcast %lt3A_1425 : i32 to vector<16xi32>
    %lt3A_1427 = arith.cmpi slt, %broadcast_in_dim3A_1385, %lt3A_1426 : vector<16xi32>
    %add3A_1428 = arith.constant 16 : i32
    %add3A_1429 = vector.broadcast %add3A_1428 : i32 to vector<16xi32>
    %add3A_1430 = arith.addi %broadcast_in_dim3A_1385, %add3A_1429 : vector<16xi32>
    %select_n3A_1431 = arith.select %lt3A_1427, %add3A_1430, %broadcast_in_dim3A_1385 : vector<16xi1>, vector<16xi32>
    %broadcast_in_dim3A_1432 = vector.shape_cast %select_n3A_1431 : vector<16xi32> to vector<16x1xi32>
    %gather3A_1433 = vector.shape_cast %broadcast_in_dim3A_1432 : vector<16x1xi32> to vector<16xi32>
    %gather3A_1434 = tpu.dynamic_gather %add3A_1372[%gather3A_1433] in [0] : vector<16xf32>, vector<16xi32> -> vector<16xf32>
    %mul3A_1435 = arith.constant 0.001953125 : f32
    %mul3A_1436 = vector.broadcast %mul3A_1435 : f32 to vector<16xf32>
    %mul3A_1437 = arith.mulf %gather3A_1434, %mul3A_1436 : vector<16xf32>
    %lt3A_1438 = arith.constant 0 : i32
    %lt3A_1439 = vector.broadcast %lt3A_1438 : i32 to vector<16xi32>
    %lt3A_1440 = arith.cmpi slt, %broadcast_in_dim3A_1385, %lt3A_1439 : vector<16xi32>
    %add3A_1441 = arith.constant 16 : i32
    %add3A_1442 = vector.broadcast %add3A_1441 : i32 to vector<16xi32>
    %add3A_1443 = arith.addi %broadcast_in_dim3A_1385, %add3A_1442 : vector<16xi32>
    %select_n3A_1444 = arith.select %lt3A_1440, %add3A_1443, %broadcast_in_dim3A_1385 : vector<16xi1>, vector<16xi32>
    %broadcast_in_dim3A_1445 = vector.shape_cast %select_n3A_1444 : vector<16xi32> to vector<16x1xi32>
    %gather3A_1446 = vector.shape_cast %broadcast_in_dim3A_1445 : vector<16x1xi32> to vector<16xi32>
    %gather3A_1447 = tpu.dynamic_gather %add3A_1383[%gather3A_1446] in [0] : vector<16xf32>, vector<16xi32> -> vector<16xf32>
    %mul3A_1448 = arith.constant 0.001953125 : f32
    %mul3A_1449 = vector.broadcast %mul3A_1448 : f32 to vector<16xf32>
    %mul3A_1450 = arith.mulf %gather3A_1447, %mul3A_1449 : vector<16xf32>
    %scan3A_1451 = arith.constant 0 : i32
    %scan3A_1452 = arith.constant 0 : i32
    %scan3A_1453 = arith.constant 40 : i32
    %scan3A_1454 = arith.addi %scan3A_1452, %scan3A_1453 : i32
    %scan3A_1455 = arith.constant 1 : i32
    scf.for %scan3A_2625 = %scan3A_1452 to %scan3A_1454 step %scan3A_1455  : i32 {
      %mul3A_2626 = arith.constant 16 : i32
      %mul3A_2627 = arith.muli %scan3A_2625, %mul3A_2626 : i32
      %get3A = arith.index_cast %mul3A_2627 : i32 to index
      %get3A_2628 = tpu.vector_load %arg6[%get3A] {strides = array<i32>} : memref<5120xf32, #tpu.memory_space<vmem>>, vector<16xf32>,
      %get3A_2629 = vector.shape_cast %get3A_2628 : vector<16xf32> to vector<16xf32>
      %mul3A_2630 = arith.mulf %mul3A_1398, %get3A_2629 : vector<16xf32>
      %mul3A_2631 = arith.constant 16 : i32
      %mul3A_2632 = arith.muli %scan3A_2625, %mul3A_2631 : i32
      %add3A_2633 = arith.constant 640 : i32
      %add3A_2634 = arith.addi %add3A_2633, %mul3A_2632 : i32
      %get3A_2635 = arith.index_cast %add3A_2634 : i32 to index
      %get3A_2636 = tpu.vector_load %arg6[%get3A_2635] {strides = array<i32>} : memref<5120xf32, #tpu.memory_space<vmem>>, vector<16xf32>,
      %get3A_2637 = vector.shape_cast %get3A_2636 : vector<16xf32> to vector<16xf32>
      %mul3A_2638 = arith.mulf %mul3A_1411, %get3A_2637 : vector<16xf32>
      %add3A_2639 = arith.addf %mul3A_2630, %mul3A_2638 : vector<16xf32>
      %mul3A_2640 = arith.constant 16 : i32
      %mul3A_2641 = arith.muli %scan3A_2625, %mul3A_2640 : i32
      %add3A_2642 = arith.constant 1280 : i32
      %add3A_2643 = arith.addi %add3A_2642, %mul3A_2641 : i32
      %get3A_2644 = arith.index_cast %add3A_2643 : i32 to index
      %get3A_2645 = tpu.vector_load %arg6[%get3A_2644] {strides = array<i32>} : memref<5120xf32, #tpu.memory_space<vmem>>, vector<16xf32>,
      %get3A_2646 = vector.shape_cast %get3A_2645 : vector<16xf32> to vector<16xf32>
      %mul3A_2647 = arith.mulf %mul3A_1424, %get3A_2646 : vector<16xf32>
      %add3A_2648 = arith.addf %add3A_2639, %mul3A_2647 : vector<16xf32>
      %mul3A_2649 = arith.constant 16 : i32
      %mul3A_2650 = arith.muli %scan3A_2625, %mul3A_2649 : i32
      %add3A_2651 = arith.constant 1920 : i32
      %add3A_2652 = arith.addi %add3A_2651, %mul3A_2650 : i32
      %get3A_2653 = arith.index_cast %add3A_2652 : i32 to index
      %get3A_2654 = tpu.vector_load %arg6[%get3A_2653] {strides = array<i32>} : memref<5120xf32, #tpu.memory_space<vmem>>, vector<16xf32>,
      %get3A_2655 = vector.shape_cast %get3A_2654 : vector<16xf32> to vector<16xf32>
      %mul3A_2656 = arith.mulf %mul3A_1437, %get3A_2655 : vector<16xf32>
      %add3A_2657 = arith.addf %add3A_2648, %mul3A_2656 : vector<16xf32>
      %mul3A_2658 = arith.constant 16 : i32
      %mul3A_2659 = arith.muli %scan3A_2625, %mul3A_2658 : i32
      %add3A_2660 = arith.constant 2560 : i32
      %add3A_2661 = arith.addi %add3A_2660, %mul3A_2659 : i32
      %get3A_2662 = arith.index_cast %add3A_2661 : i32 to index
      %get3A_2663 = tpu.vector_load %arg6[%get3A_2662] {strides = array<i32>} : memref<5120xf32, #tpu.memory_space<vmem>>, vector<16xf32>,
      %get3A_2664 = vector.shape_cast %get3A_2663 : vector<16xf32> to vector<16xf32>
      %mul3A_2665 = arith.mulf %mul3A_1450, %get3A_2664 : vector<16xf32>
      %add3A_2666 = arith.addf %add3A_2657, %mul3A_2665 : vector<16xf32>
      %mul3A_2667 = arith.constant 16 : i32
      %mul3A_2668 = arith.muli %scan3A_2625, %mul3A_2667 : i32
      %add3A_2669 = arith.constant 10240 : i32
      %add3A_2670 = arith.addi %add3A_2669, %mul3A_2668 : i32
      %swap3A = arith.index_cast %add3A_2670 : i32 to index
      %swap3A_2671 = tpu.vector_load %arg7[%swap3A] {strides = array<i32>} : memref<20480xf32, #tpu.memory_space<vmem>>, vector<16xf32>,
      %swap3A_2672 = vector.shape_cast %swap3A_2671 : vector<16xf32> to vector<16xf32>
      %swap3A_2673 = vector.shape_cast %add3A_2666 : vector<16xf32> to vector<16xf32>
      tpu.vector_store %arg7[%swap3A], %swap3A_2673 {strides = array<i32>} : memref<20480xf32, #tpu.memory_space<vmem>>, vector<16xf32>,
    }
    %scan3A_1456 = arith.constant 40 : i32
    %broadcast_in_dim3A_1457 = arith.constant 1 : i32
    %broadcast_in_dim3A_1458 = vector.broadcast %broadcast_in_dim3A_1457 : i32 to vector<16xi32>
    %lt3A_1459 = arith.constant 0 : i32
    %lt3A_1460 = vector.broadcast %lt3A_1459 : i32 to vector<16xi32>
    %lt3A_1461 = arith.cmpi slt, %broadcast_in_dim3A_1458, %lt3A_1460 : vector<16xi32>
    %add3A_1462 = arith.constant 16 : i32
    %add3A_1463 = vector.broadcast %add3A_1462 : i32 to vector<16xi32>
    %add3A_1464 = arith.addi %broadcast_in_dim3A_1458, %add3A_1463 : vector<16xi32>
    %select_n3A_1465 = arith.select %lt3A_1461, %add3A_1464, %broadcast_in_dim3A_1458 : vector<16xi1>, vector<16xi32>
    %broadcast_in_dim3A_1466 = vector.shape_cast %select_n3A_1465 : vector<16xi32> to vector<16x1xi32>
    %gather3A_1467 = vector.shape_cast %broadcast_in_dim3A_1466 : vector<16x1xi32> to vector<16xi32>
    %gather3A_1468 = tpu.dynamic_gather %add3A_1339[%gather3A_1467] in [0] : vector<16xf32>, vector<16xi32> -> vector<16xf32>
    %mul3A_1469 = arith.constant 0.001953125 : f32
    %mul3A_1470 = vector.broadcast %mul3A_1469 : f32 to vector<16xf32>
    %mul3A_1471 = arith.mulf %gather3A_1468, %mul3A_1470 : vector<16xf32>
    %lt3A_1472 = arith.constant 0 : i32
    %lt3A_1473 = vector.broadcast %lt3A_1472 : i32 to vector<16xi32>
    %lt3A_1474 = arith.cmpi slt, %broadcast_in_dim3A_1458, %lt3A_1473 : vector<16xi32>
    %add3A_1475 = arith.constant 16 : i32
    %add3A_1476 = vector.broadcast %add3A_1475 : i32 to vector<16xi32>
    %add3A_1477 = arith.addi %broadcast_in_dim3A_1458, %add3A_1476 : vector<16xi32>
    %select_n3A_1478 = arith.select %lt3A_1474, %add3A_1477, %broadcast_in_dim3A_1458 : vector<16xi1>, vector<16xi32>
    %broadcast_in_dim3A_1479 = vector.shape_cast %select_n3A_1478 : vector<16xi32> to vector<16x1xi32>
    %gather3A_1480 = vector.shape_cast %broadcast_in_dim3A_1479 : vector<16x1xi32> to vector<16xi32>
    %gather3A_1481 = tpu.dynamic_gather %add3A_1350[%gather3A_1480] in [0] : vector<16xf32>, vector<16xi32> -> vector<16xf32>
    %mul3A_1482 = arith.constant 0.001953125 : f32
    %mul3A_1483 = vector.broadcast %mul3A_1482 : f32 to vector<16xf32>
    %mul3A_1484 = arith.mulf %gather3A_1481, %mul3A_1483 : vector<16xf32>
    %lt3A_1485 = arith.constant 0 : i32
    %lt3A_1486 = vector.broadcast %lt3A_1485 : i32 to vector<16xi32>
    %lt3A_1487 = arith.cmpi slt, %broadcast_in_dim3A_1458, %lt3A_1486 : vector<16xi32>
    %add3A_1488 = arith.constant 16 : i32
    %add3A_1489 = vector.broadcast %add3A_1488 : i32 to vector<16xi32>
    %add3A_1490 = arith.addi %broadcast_in_dim3A_1458, %add3A_1489 : vector<16xi32>
    %select_n3A_1491 = arith.select %lt3A_1487, %add3A_1490, %broadcast_in_dim3A_1458 : vector<16xi1>, vector<16xi32>
    %broadcast_in_dim3A_1492 = vector.shape_cast %select_n3A_1491 : vector<16xi32> to vector<16x1xi32>
    %gather3A_1493 = vector.shape_cast %broadcast_in_dim3A_1492 : vector<16x1xi32> to vector<16xi32>
    %gather3A_1494 = tpu.dynamic_gather %add3A_1361[%gather3A_1493] in [0] : vector<16xf32>, vector<16xi32> -> vector<16xf32>
    %mul3A_1495 = arith.constant 0.001953125 : f32
    %mul3A_1496 = vector.broadcast %mul3A_1495 : f32 to vector<16xf32>
    %mul3A_1497 = arith.mulf %gather3A_1494, %mul3A_1496 : vector<16xf32>
    %lt3A_1498 = arith.constant 0 : i32
    %lt3A_1499 = vector.broadcast %lt3A_1498 : i32 to vector<16xi32>
    %lt3A_1500 = arith.cmpi slt, %broadcast_in_dim3A_1458, %lt3A_1499 : vector<16xi32>
    %add3A_1501 = arith.constant 16 : i32
    %add3A_1502 = vector.broadcast %add3A_1501 : i32 to vector<16xi32>
    %add3A_1503 = arith.addi %broadcast_in_dim3A_1458, %add3A_1502 : vector<16xi32>
    %select_n3A_1504 = arith.select %lt3A_1500, %add3A_1503, %broadcast_in_dim3A_1458 : vector<16xi1>, vector<16xi32>
    %broadcast_in_dim3A_1505 = vector.shape_cast %select_n3A_1504 : vector<16xi32> to vector<16x1xi32>
    %gather3A_1506 = vector.shape_cast %broadcast_in_dim3A_1505 : vector<16x1xi32> to vector<16xi32>
    %gather3A_1507 = tpu.dynamic_gather %add3A_1372[%gather3A_1506] in [0] : vector<16xf32>, vector<16xi32> -> vector<16xf32>
    %mul3A_1508 = arith.constant 0.001953125 : f32
    %mul3A_1509 = vector.broadcast %mul3A_1508 : f32 to vector<16xf32>
    %mul3A_1510 = arith.mulf %gather3A_1507, %mul3A_1509 : vector<16xf32>
    %lt3A_1511 = arith.constant 0 : i32
    %lt3A_1512 = vector.broadcast %lt3A_1511 : i32 to vector<16xi32>
    %lt3A_1513 = arith.cmpi slt, %broadcast_in_dim3A_1458, %lt3A_1512 : vector<16xi32>
    %add3A_1514 = arith.constant 16 : i32
    %add3A_1515 = vector.broadcast %add3A_1514 : i32 to vector<16xi32>
    %add3A_1516 = arith.addi %broadcast_in_dim3A_1458, %add3A_1515 : vector<16xi32>
    %select_n3A_1517 = arith.select %lt3A_1513, %add3A_1516, %broadcast_in_dim3A_1458 : vector<16xi1>, vector<16xi32>
    %broadcast_in_dim3A_1518 = vector.shape_cast %select_n3A_1517 : vector<16xi32> to vector<16x1xi32>
    %gather3A_1519 = vector.shape_cast %broadcast_in_dim3A_1518 : vector<16x1xi32> to vector<16xi32>
    %gather3A_1520 = tpu.dynamic_gather %add3A_1383[%gather3A_1519] in [0] : vector<16xf32>, vector<16xi32> -> vector<16xf32>
    %mul3A_1521 = arith.constant 0.001953125 : f32
    %mul3A_1522 = vector.broadcast %mul3A_1521 : f32 to vector<16xf32>
    %mul3A_1523 = arith.mulf %gather3A_1520, %mul3A_1522 : vector<16xf32>
    %scan3A_1524 = arith.constant 0 : i32
    %scan3A_1525 = arith.constant 0 : i32
    %scan3A_1526 = arith.constant 40 : i32
    %scan3A_1527 = arith.addi %scan3A_1525, %scan3A_1526 : i32
    %scan3A_1528 = arith.constant 1 : i32
    scf.for %scan3A_2625 = %scan3A_1525 to %scan3A_1527 step %scan3A_1528  : i32 {
      %mul3A_2626 = arith.constant 16 : i32
      %mul3A_2627 = arith.muli %scan3A_2625, %mul3A_2626 : i32
      %get3A = arith.index_cast %mul3A_2627 : i32 to index
      %get3A_2628 = tpu.vector_load %arg6[%get3A] {strides = array<i32>} : memref<5120xf32, #tpu.memory_space<vmem>>, vector<16xf32>,
      %get3A_2629 = vector.shape_cast %get3A_2628 : vector<16xf32> to vector<16xf32>
      %mul3A_2630 = arith.mulf %mul3A_1471, %get3A_2629 : vector<16xf32>
      %mul3A_2631 = arith.constant 16 : i32
      %mul3A_2632 = arith.muli %scan3A_2625, %mul3A_2631 : i32
      %add3A_2633 = arith.constant 640 : i32
      %add3A_2634 = arith.addi %add3A_2633, %mul3A_2632 : i32
      %get3A_2635 = arith.index_cast %add3A_2634 : i32 to index
      %get3A_2636 = tpu.vector_load %arg6[%get3A_2635] {strides = array<i32>} : memref<5120xf32, #tpu.memory_space<vmem>>, vector<16xf32>,
      %get3A_2637 = vector.shape_cast %get3A_2636 : vector<16xf32> to vector<16xf32>
      %mul3A_2638 = arith.mulf %mul3A_1484, %get3A_2637 : vector<16xf32>
      %add3A_2639 = arith.addf %mul3A_2630, %mul3A_2638 : vector<16xf32>
      %mul3A_2640 = arith.constant 16 : i32
      %mul3A_2641 = arith.muli %scan3A_2625, %mul3A_2640 : i32
      %add3A_2642 = arith.constant 1280 : i32
      %add3A_2643 = arith.addi %add3A_2642, %mul3A_2641 : i32
      %get3A_2644 = arith.index_cast %add3A_2643 : i32 to index
      %get3A_2645 = tpu.vector_load %arg6[%get3A_2644] {strides = array<i32>} : memref<5120xf32, #tpu.memory_space<vmem>>, vector<16xf32>,
      %get3A_2646 = vector.shape_cast %get3A_2645 : vector<16xf32> to vector<16xf32>
      %mul3A_2647 = arith.mulf %mul3A_1497, %get3A_2646 : vector<16xf32>
      %add3A_2648 = arith.addf %add3A_2639, %mul3A_2647 : vector<16xf32>
      %mul3A_2649 = arith.constant 16 : i32
      %mul3A_2650 = arith.muli %scan3A_2625, %mul3A_2649 : i32
      %add3A_2651 = arith.constant 1920 : i32
      %add3A_2652 = arith.addi %add3A_2651, %mul3A_2650 : i32
      %get3A_2653 = arith.index_cast %add3A_2652 : i32 to index
      %get3A_2654 = tpu.vector_load %arg6[%get3A_2653] {strides = array<i32>} : memref<5120xf32, #tpu.memory_space<vmem>>, vector<16xf32>,
      %get3A_2655 = vector.shape_cast %get3A_2654 : vector<16xf32> to vector<16xf32>
      %mul3A_2656 = arith.mulf %mul3A_1510, %get3A_2655 : vector<16xf32>
      %add3A_2657 = arith.addf %add3A_2648, %mul3A_2656 : vector<16xf32>
      %mul3A_2658 = arith.constant 16 : i32
      %mul3A_2659 = arith.muli %scan3A_2625, %mul3A_2658 : i32
      %add3A_2660 = arith.constant 2560 : i32
      %add3A_2661 = arith.addi %add3A_2660, %mul3A_2659 : i32
      %get3A_2662 = arith.index_cast %add3A_2661 : i32 to index
      %get3A_2663 = tpu.vector_load %arg6[%get3A_2662] {strides = array<i32>} : memref<5120xf32, #tpu.memory_space<vmem>>, vector<16xf32>,
      %get3A_2664 = vector.shape_cast %get3A_2663 : vector<16xf32> to vector<16xf32>
      %mul3A_2665 = arith.mulf %mul3A_1523, %get3A_2664 : vector<16xf32>
      %add3A_2666 = arith.addf %add3A_2657, %mul3A_2665 : vector<16xf32>
      %mul3A_2667 = arith.constant 16 : i32
      %mul3A_2668 = arith.muli %scan3A_2625, %mul3A_2667 : i32
      %add3A_2669 = arith.constant 10880 : i32
      %add3A_2670 = arith.addi %add3A_2669, %mul3A_2668 : i32
      %swap3A = arith.index_cast %add3A_2670 : i32 to index
      %swap3A_2671 = tpu.vector_load %arg7[%swap3A] {strides = array<i32>} : memref<20480xf32, #tpu.memory_space<vmem>>, vector<16xf32>,
      %swap3A_2672 = vector.shape_cast %swap3A_2671 : vector<16xf32> to vector<16xf32>
      %swap3A_2673 = vector.shape_cast %add3A_2666 : vector<16xf32> to vector<16xf32>
      tpu.vector_store %arg7[%swap3A], %swap3A_2673 {strides = array<i32>} : memref<20480xf32, #tpu.memory_space<vmem>>, vector<16xf32>,
    }
    %scan3A_1529 = arith.constant 40 : i32
    %broadcast_in_dim3A_1530 = arith.constant 2 : i32
    %broadcast_in_dim3A_1531 = vector.broadcast %broadcast_in_dim3A_1530 : i32 to vector<16xi32>
    %lt3A_1532 = arith.constant 0 : i32
    %lt3A_1533 = vector.broadcast %lt3A_1532 : i32 to vector<16xi32>
    %lt3A_1534 = arith.cmpi slt, %broadcast_in_dim3A_1531, %lt3A_1533 : vector<16xi32>
    %add3A_1535 = arith.constant 16 : i32
    %add3A_1536 = vector.broadcast %add3A_1535 : i32 to vector<16xi32>
    %add3A_1537 = arith.addi %broadcast_in_dim3A_1531, %add3A_1536 : vector<16xi32>
    %select_n3A_1538 = arith.select %lt3A_1534, %add3A_1537, %broadcast_in_dim3A_1531 : vector<16xi1>, vector<16xi32>
    %broadcast_in_dim3A_1539 = vector.shape_cast %select_n3A_1538 : vector<16xi32> to vector<16x1xi32>
    %gather3A_1540 = vector.shape_cast %broadcast_in_dim3A_1539 : vector<16x1xi32> to vector<16xi32>
    %gather3A_1541 = tpu.dynamic_gather %add3A_1339[%gather3A_1540] in [0] : vector<16xf32>, vector<16xi32> -> vector<16xf32>
    %mul3A_1542 = arith.constant 0.001953125 : f32
    %mul3A_1543 = vector.broadcast %mul3A_1542 : f32 to vector<16xf32>
    %mul3A_1544 = arith.mulf %gather3A_1541, %mul3A_1543 : vector<16xf32>
    %lt3A_1545 = arith.constant 0 : i32
    %lt3A_1546 = vector.broadcast %lt3A_1545 : i32 to vector<16xi32>
    %lt3A_1547 = arith.cmpi slt, %broadcast_in_dim3A_1531, %lt3A_1546 : vector<16xi32>
    %add3A_1548 = arith.constant 16 : i32
    %add3A_1549 = vector.broadcast %add3A_1548 : i32 to vector<16xi32>
    %add3A_1550 = arith.addi %broadcast_in_dim3A_1531, %add3A_1549 : vector<16xi32>
    %select_n3A_1551 = arith.select %lt3A_1547, %add3A_1550, %broadcast_in_dim3A_1531 : vector<16xi1>, vector<16xi32>
    %broadcast_in_dim3A_1552 = vector.shape_cast %select_n3A_1551 : vector<16xi32> to vector<16x1xi32>
    %gather3A_1553 = vector.shape_cast %broadcast_in_dim3A_1552 : vector<16x1xi32> to vector<16xi32>
    %gather3A_1554 = tpu.dynamic_gather %add3A_1350[%gather3A_1553] in [0] : vector<16xf32>, vector<16xi32> -> vector<16xf32>
    %mul3A_1555 = arith.constant 0.001953125 : f32
    %mul3A_1556 = vector.broadcast %mul3A_1555 : f32 to vector<16xf32>
    %mul3A_1557 = arith.mulf %gather3A_1554, %mul3A_1556 : vector<16xf32>
    %lt3A_1558 = arith.constant 0 : i32
    %lt3A_1559 = vector.broadcast %lt3A_1558 : i32 to vector<16xi32>
    %lt3A_1560 = arith.cmpi slt, %broadcast_in_dim3A_1531, %lt3A_1559 : vector<16xi32>
    %add3A_1561 = arith.constant 16 : i32
    %add3A_1562 = vector.broadcast %add3A_1561 : i32 to vector<16xi32>
    %add3A_1563 = arith.addi %broadcast_in_dim3A_1531, %add3A_1562 : vector<16xi32>
    %select_n3A_1564 = arith.select %lt3A_1560, %add3A_1563, %broadcast_in_dim3A_1531 : vector<16xi1>, vector<16xi32>
    %broadcast_in_dim3A_1565 = vector.shape_cast %select_n3A_1564 : vector<16xi32> to vector<16x1xi32>
    %gather3A_1566 = vector.shape_cast %broadcast_in_dim3A_1565 : vector<16x1xi32> to vector<16xi32>
    %gather3A_1567 = tpu.dynamic_gather %add3A_1361[%gather3A_1566] in [0] : vector<16xf32>, vector<16xi32> -> vector<16xf32>
    %mul3A_1568 = arith.constant 0.001953125 : f32
    %mul3A_1569 = vector.broadcast %mul3A_1568 : f32 to vector<16xf32>
    %mul3A_1570 = arith.mulf %gather3A_1567, %mul3A_1569 : vector<16xf32>
    %lt3A_1571 = arith.constant 0 : i32
    %lt3A_1572 = vector.broadcast %lt3A_1571 : i32 to vector<16xi32>
    %lt3A_1573 = arith.cmpi slt, %broadcast_in_dim3A_1531, %lt3A_1572 : vector<16xi32>
    %add3A_1574 = arith.constant 16 : i32
    %add3A_1575 = vector.broadcast %add3A_1574 : i32 to vector<16xi32>
    %add3A_1576 = arith.addi %broadcast_in_dim3A_1531, %add3A_1575 : vector<16xi32>
    %select_n3A_1577 = arith.select %lt3A_1573, %add3A_1576, %broadcast_in_dim3A_1531 : vector<16xi1>, vector<16xi32>
    %broadcast_in_dim3A_1578 = vector.shape_cast %select_n3A_1577 : vector<16xi32> to vector<16x1xi32>
    %gather3A_1579 = vector.shape_cast %broadcast_in_dim3A_1578 : vector<16x1xi32> to vector<16xi32>
    %gather3A_1580 = tpu.dynamic_gather %add3A_1372[%gather3A_1579] in [0] : vector<16xf32>, vector<16xi32> -> vector<16xf32>
    %mul3A_1581 = arith.constant 0.001953125 : f32
    %mul3A_1582 = vector.broadcast %mul3A_1581 : f32 to vector<16xf32>
    %mul3A_1583 = arith.mulf %gather3A_1580, %mul3A_1582 : vector<16xf32>
    %lt3A_1584 = arith.constant 0 : i32
    %lt3A_1585 = vector.broadcast %lt3A_1584 : i32 to vector<16xi32>
    %lt3A_1586 = arith.cmpi slt, %broadcast_in_dim3A_1531, %lt3A_1585 : vector<16xi32>
    %add3A_1587 = arith.constant 16 : i32
    %add3A_1588 = vector.broadcast %add3A_1587 : i32 to vector<16xi32>
    %add3A_1589 = arith.addi %broadcast_in_dim3A_1531, %add3A_1588 : vector<16xi32>
    %select_n3A_1590 = arith.select %lt3A_1586, %add3A_1589, %broadcast_in_dim3A_1531 : vector<16xi1>, vector<16xi32>
    %broadcast_in_dim3A_1591 = vector.shape_cast %select_n3A_1590 : vector<16xi32> to vector<16x1xi32>
    %gather3A_1592 = vector.shape_cast %broadcast_in_dim3A_1591 : vector<16x1xi32> to vector<16xi32>
    %gather3A_1593 = tpu.dynamic_gather %add3A_1383[%gather3A_1592] in [0] : vector<16xf32>, vector<16xi32> -> vector<16xf32>
    %mul3A_1594 = arith.constant 0.001953125 : f32
    %mul3A_1595 = vector.broadcast %mul3A_1594 : f32 to vector<16xf32>
    %mul3A_1596 = arith.mulf %gather3A_1593, %mul3A_1595 : vector<16xf32>
    %scan3A_1597 = arith.constant 0 : i32
    %scan3A_1598 = arith.constant 0 : i32
    %scan3A_1599 = arith.constant 40 : i32
    %scan3A_1600 = arith.addi %scan3A_1598, %scan3A_1599 : i32
    %scan3A_1601 = arith.constant 1 : i32
    scf.for %scan3A_2625 = %scan3A_1598 to %scan3A_1600 step %scan3A_1601  : i32 {
      %mul3A_2626 = arith.constant 16 : i32
      %mul3A_2627 = arith.muli %scan3A_2625, %mul3A_2626 : i32
      %get3A = arith.index_cast %mul3A_2627 : i32 to index
      %get3A_2628 = tpu.vector_load %arg6[%get3A] {strides = array<i32>} : memref<5120xf32, #tpu.memory_space<vmem>>, vector<16xf32>,
      %get3A_2629 = vector.shape_cast %get3A_2628 : vector<16xf32> to vector<16xf32>
      %mul3A_2630 = arith.mulf %mul3A_1544, %get3A_2629 : vector<16xf32>
      %mul3A_2631 = arith.constant 16 : i32
      %mul3A_2632 = arith.muli %scan3A_2625, %mul3A_2631 : i32
      %add3A_2633 = arith.constant 640 : i32
      %add3A_2634 = arith.addi %add3A_2633, %mul3A_2632 : i32
      %get3A_2635 = arith.index_cast %add3A_2634 : i32 to index
      %get3A_2636 = tpu.vector_load %arg6[%get3A_2635] {strides = array<i32>} : memref<5120xf32, #tpu.memory_space<vmem>>, vector<16xf32>,
      %get3A_2637 = vector.shape_cast %get3A_2636 : vector<16xf32> to vector<16xf32>
      %mul3A_2638 = arith.mulf %mul3A_1557, %get3A_2637 : vector<16xf32>
      %add3A_2639 = arith.addf %mul3A_2630, %mul3A_2638 : vector<16xf32>
      %mul3A_2640 = arith.constant 16 : i32
      %mul3A_2641 = arith.muli %scan3A_2625, %mul3A_2640 : i32
      %add3A_2642 = arith.constant 1280 : i32
      %add3A_2643 = arith.addi %add3A_2642, %mul3A_2641 : i32
      %get3A_2644 = arith.index_cast %add3A_2643 : i32 to index
      %get3A_2645 = tpu.vector_load %arg6[%get3A_2644] {strides = array<i32>} : memref<5120xf32, #tpu.memory_space<vmem>>, vector<16xf32>,
      %get3A_2646 = vector.shape_cast %get3A_2645 : vector<16xf32> to vector<16xf32>
      %mul3A_2647 = arith.mulf %mul3A_1570, %get3A_2646 : vector<16xf32>
      %add3A_2648 = arith.addf %add3A_2639, %mul3A_2647 : vector<16xf32>
      %mul3A_2649 = arith.constant 16 : i32
      %mul3A_2650 = arith.muli %scan3A_2625, %mul3A_2649 : i32
      %add3A_2651 = arith.constant 1920 : i32
      %add3A_2652 = arith.addi %add3A_2651, %mul3A_2650 : i32
      %get3A_2653 = arith.index_cast %add3A_2652 : i32 to index
      %get3A_2654 = tpu.vector_load %arg6[%get3A_2653] {strides = array<i32>} : memref<5120xf32, #tpu.memory_space<vmem>>, vector<16xf32>,
      %get3A_2655 = vector.shape_cast %get3A_2654 : vector<16xf32> to vector<16xf32>
      %mul3A_2656 = arith.mulf %mul3A_1583, %get3A_2655 : vector<16xf32>
      %add3A_2657 = arith.addf %add3A_2648, %mul3A_2656 : vector<16xf32>
      %mul3A_2658 = arith.constant 16 : i32
      %mul3A_2659 = arith.muli %scan3A_2625, %mul3A_2658 : i32
      %add3A_2660 = arith.constant 2560 : i32
      %add3A_2661 = arith.addi %add3A_2660, %mul3A_2659 : i32
      %get3A_2662 = arith.index_cast %add3A_2661 : i32 to index
      %get3A_2663 = tpu.vector_load %arg6[%get3A_2662] {strides = array<i32>} : memref<5120xf32, #tpu.memory_space<vmem>>, vector<16xf32>,
      %get3A_2664 = vector.shape_cast %get3A_2663 : vector<16xf32> to vector<16xf32>
      %mul3A_2665 = arith.mulf %mul3A_1596, %get3A_2664 : vector<16xf32>
      %add3A_2666 = arith.addf %add3A_2657, %mul3A_2665 : vector<16xf32>
      %mul3A_2667 = arith.constant 16 : i32
      %mul3A_2668 = arith.muli %scan3A_2625, %mul3A_2667 : i32
      %add3A_2669 = arith.constant 11520 : i32
      %add3A_2670 = arith.addi %add3A_2669, %mul3A_2668 : i32
      %swap3A = arith.index_cast %add3A_2670 : i32 to index
      %swap3A_2671 = tpu.vector_load %arg7[%swap3A] {strides = array<i32>} : memref<20480xf32, #tpu.memory_space<vmem>>, vector<16xf32>,
      %swap3A_2672 = vector.shape_cast %swap3A_2671 : vector<16xf32> to vector<16xf32>
      %swap3A_2673 = vector.shape_cast %add3A_2666 : vector<16xf32> to vector<16xf32>
      tpu.vector_store %arg7[%swap3A], %swap3A_2673 {strides = array<i32>} : memref<20480xf32, #tpu.memory_space<vmem>>, vector<16xf32>,
    }
    %scan3A_1602 = arith.constant 40 : i32
    %broadcast_in_dim3A_1603 = arith.constant 3 : i32
    %broadcast_in_dim3A_1604 = vector.broadcast %broadcast_in_dim3A_1603 : i32 to vector<16xi32>
    %lt3A_1605 = arith.constant 0 : i32
    %lt3A_1606 = vector.broadcast %lt3A_1605 : i32 to vector<16xi32>
    %lt3A_1607 = arith.cmpi slt, %broadcast_in_dim3A_1604, %lt3A_1606 : vector<16xi32>
    %add3A_1608 = arith.constant 16 : i32
    %add3A_1609 = vector.broadcast %add3A_1608 : i32 to vector<16xi32>
    %add3A_1610 = arith.addi %broadcast_in_dim3A_1604, %add3A_1609 : vector<16xi32>
    %select_n3A_1611 = arith.select %lt3A_1607, %add3A_1610, %broadcast_in_dim3A_1604 : vector<16xi1>, vector<16xi32>
    %broadcast_in_dim3A_1612 = vector.shape_cast %select_n3A_1611 : vector<16xi32> to vector<16x1xi32>
    %gather3A_1613 = vector.shape_cast %broadcast_in_dim3A_1612 : vector<16x1xi32> to vector<16xi32>
    %gather3A_1614 = tpu.dynamic_gather %add3A_1339[%gather3A_1613] in [0] : vector<16xf32>, vector<16xi32> -> vector<16xf32>
    %mul3A_1615 = arith.constant 0.001953125 : f32
    %mul3A_1616 = vector.broadcast %mul3A_1615 : f32 to vector<16xf32>
    %mul3A_1617 = arith.mulf %gather3A_1614, %mul3A_1616 : vector<16xf32>
    %lt3A_1618 = arith.constant 0 : i32
    %lt3A_1619 = vector.broadcast %lt3A_1618 : i32 to vector<16xi32>
    %lt3A_1620 = arith.cmpi slt, %broadcast_in_dim3A_1604, %lt3A_1619 : vector<16xi32>
    %add3A_1621 = arith.constant 16 : i32
    %add3A_1622 = vector.broadcast %add3A_1621 : i32 to vector<16xi32>
    %add3A_1623 = arith.addi %broadcast_in_dim3A_1604, %add3A_1622 : vector<16xi32>
    %select_n3A_1624 = arith.select %lt3A_1620, %add3A_1623, %broadcast_in_dim3A_1604 : vector<16xi1>, vector<16xi32>
    %broadcast_in_dim3A_1625 = vector.shape_cast %select_n3A_1624 : vector<16xi32> to vector<16x1xi32>
    %gather3A_1626 = vector.shape_cast %broadcast_in_dim3A_1625 : vector<16x1xi32> to vector<16xi32>
    %gather3A_1627 = tpu.dynamic_gather %add3A_1350[%gather3A_1626] in [0] : vector<16xf32>, vector<16xi32> -> vector<16xf32>
    %mul3A_1628 = arith.constant 0.001953125 : f32
    %mul3A_1629 = vector.broadcast %mul3A_1628 : f32 to vector<16xf32>
    %mul3A_1630 = arith.mulf %gather3A_1627, %mul3A_1629 : vector<16xf32>
    %lt3A_1631 = arith.constant 0 : i32
    %lt3A_1632 = vector.broadcast %lt3A_1631 : i32 to vector<16xi32>
    %lt3A_1633 = arith.cmpi slt, %broadcast_in_dim3A_1604, %lt3A_1632 : vector<16xi32>
    %add3A_1634 = arith.constant 16 : i32
    %add3A_1635 = vector.broadcast %add3A_1634 : i32 to vector<16xi32>
    %add3A_1636 = arith.addi %broadcast_in_dim3A_1604, %add3A_1635 : vector<16xi32>
    %select_n3A_1637 = arith.select %lt3A_1633, %add3A_1636, %broadcast_in_dim3A_1604 : vector<16xi1>, vector<16xi32>
    %broadcast_in_dim3A_1638 = vector.shape_cast %select_n3A_1637 : vector<16xi32> to vector<16x1xi32>
    %gather3A_1639 = vector.shape_cast %broadcast_in_dim3A_1638 : vector<16x1xi32> to vector<16xi32>
    %gather3A_1640 = tpu.dynamic_gather %add3A_1361[%gather3A_1639] in [0] : vector<16xf32>, vector<16xi32> -> vector<16xf32>
    %mul3A_1641 = arith.constant 0.001953125 : f32
    %mul3A_1642 = vector.broadcast %mul3A_1641 : f32 to vector<16xf32>
    %mul3A_1643 = arith.mulf %gather3A_1640, %mul3A_1642 : vector<16xf32>
    %lt3A_1644 = arith.constant 0 : i32
    %lt3A_1645 = vector.broadcast %lt3A_1644 : i32 to vector<16xi32>
    %lt3A_1646 = arith.cmpi slt, %broadcast_in_dim3A_1604, %lt3A_1645 : vector<16xi32>
    %add3A_1647 = arith.constant 16 : i32
    %add3A_1648 = vector.broadcast %add3A_1647 : i32 to vector<16xi32>
    %add3A_1649 = arith.addi %broadcast_in_dim3A_1604, %add3A_1648 : vector<16xi32>
    %select_n3A_1650 = arith.select %lt3A_1646, %add3A_1649, %broadcast_in_dim3A_1604 : vector<16xi1>, vector<16xi32>
    %broadcast_in_dim3A_1651 = vector.shape_cast %select_n3A_1650 : vector<16xi32> to vector<16x1xi32>
    %gather3A_1652 = vector.shape_cast %broadcast_in_dim3A_1651 : vector<16x1xi32> to vector<16xi32>
    %gather3A_1653 = tpu.dynamic_gather %add3A_1372[%gather3A_1652] in [0] : vector<16xf32>, vector<16xi32> -> vector<16xf32>
    %mul3A_1654 = arith.constant 0.001953125 : f32
    %mul3A_1655 = vector.broadcast %mul3A_1654 : f32 to vector<16xf32>
    %mul3A_1656 = arith.mulf %gather3A_1653, %mul3A_1655 : vector<16xf32>
    %lt3A_1657 = arith.constant 0 : i32
    %lt3A_1658 = vector.broadcast %lt3A_1657 : i32 to vector<16xi32>
    %lt3A_1659 = arith.cmpi slt, %broadcast_in_dim3A_1604, %lt3A_1658 : vector<16xi32>
    %add3A_1660 = arith.constant 16 : i32
    %add3A_1661 = vector.broadcast %add3A_1660 : i32 to vector<16xi32>
    %add3A_1662 = arith.addi %broadcast_in_dim3A_1604, %add3A_1661 : vector<16xi32>
    %select_n3A_1663 = arith.select %lt3A_1659, %add3A_1662, %broadcast_in_dim3A_1604 : vector<16xi1>, vector<16xi32>
    %broadcast_in_dim3A_1664 = vector.shape_cast %select_n3A_1663 : vector<16xi32> to vector<16x1xi32>
    %gather3A_1665 = vector.shape_cast %broadcast_in_dim3A_1664 : vector<16x1xi32> to vector<16xi32>
    %gather3A_1666 = tpu.dynamic_gather %add3A_1383[%gather3A_1665] in [0] : vector<16xf32>, vector<16xi32> -> vector<16xf32>
    %mul3A_1667 = arith.constant 0.001953125 : f32
    %mul3A_1668 = vector.broadcast %mul3A_1667 : f32 to vector<16xf32>
    %mul3A_1669 = arith.mulf %gather3A_1666, %mul3A_1668 : vector<16xf32>
    %scan3A_1670 = arith.constant 0 : i32
    %scan3A_1671 = arith.constant 0 : i32
    %scan3A_1672 = arith.constant 40 : i32
    %scan3A_1673 = arith.addi %scan3A_1671, %scan3A_1672 : i32
    %scan3A_1674 = arith.constant 1 : i32
    scf.for %scan3A_2625 = %scan3A_1671 to %scan3A_1673 step %scan3A_1674  : i32 {
      %mul3A_2626 = arith.constant 16 : i32
      %mul3A_2627 = arith.muli %scan3A_2625, %mul3A_2626 : i32
      %get3A = arith.index_cast %mul3A_2627 : i32 to index
      %get3A_2628 = tpu.vector_load %arg6[%get3A] {strides = array<i32>} : memref<5120xf32, #tpu.memory_space<vmem>>, vector<16xf32>,
      %get3A_2629 = vector.shape_cast %get3A_2628 : vector<16xf32> to vector<16xf32>
      %mul3A_2630 = arith.mulf %mul3A_1617, %get3A_2629 : vector<16xf32>
      %mul3A_2631 = arith.constant 16 : i32
      %mul3A_2632 = arith.muli %scan3A_2625, %mul3A_2631 : i32
      %add3A_2633 = arith.constant 640 : i32
      %add3A_2634 = arith.addi %add3A_2633, %mul3A_2632 : i32
      %get3A_2635 = arith.index_cast %add3A_2634 : i32 to index
      %get3A_2636 = tpu.vector_load %arg6[%get3A_2635] {strides = array<i32>} : memref<5120xf32, #tpu.memory_space<vmem>>, vector<16xf32>,
      %get3A_2637 = vector.shape_cast %get3A_2636 : vector<16xf32> to vector<16xf32>
      %mul3A_2638 = arith.mulf %mul3A_1630, %get3A_2637 : vector<16xf32>
      %add3A_2639 = arith.addf %mul3A_2630, %mul3A_2638 : vector<16xf32>
      %mul3A_2640 = arith.constant 16 : i32
      %mul3A_2641 = arith.muli %scan3A_2625, %mul3A_2640 : i32
      %add3A_2642 = arith.constant 1280 : i32
      %add3A_2643 = arith.addi %add3A_2642, %mul3A_2641 : i32
      %get3A_2644 = arith.index_cast %add3A_2643 : i32 to index
      %get3A_2645 = tpu.vector_load %arg6[%get3A_2644] {strides = array<i32>} : memref<5120xf32, #tpu.memory_space<vmem>>, vector<16xf32>,
      %get3A_2646 = vector.shape_cast %get3A_2645 : vector<16xf32> to vector<16xf32>
      %mul3A_2647 = arith.mulf %mul3A_1643, %get3A_2646 : vector<16xf32>
      %add3A_2648 = arith.addf %add3A_2639, %mul3A_2647 : vector<16xf32>
      %mul3A_2649 = arith.constant 16 : i32
      %mul3A_2650 = arith.muli %scan3A_2625, %mul3A_2649 : i32
      %add3A_2651 = arith.constant 1920 : i32
      %add3A_2652 = arith.addi %add3A_2651, %mul3A_2650 : i32
      %get3A_2653 = arith.index_cast %add3A_2652 : i32 to index
      %get3A_2654 = tpu.vector_load %arg6[%get3A_2653] {strides = array<i32>} : memref<5120xf32, #tpu.memory_space<vmem>>, vector<16xf32>,
      %get3A_2655 = vector.shape_cast %get3A_2654 : vector<16xf32> to vector<16xf32>
      %mul3A_2656 = arith.mulf %mul3A_1656, %get3A_2655 : vector<16xf32>
      %add3A_2657 = arith.addf %add3A_2648, %mul3A_2656 : vector<16xf32>
      %mul3A_2658 = arith.constant 16 : i32
      %mul3A_2659 = arith.muli %scan3A_2625, %mul3A_2658 : i32
      %add3A_2660 = arith.constant 2560 : i32
      %add3A_2661 = arith.addi %add3A_2660, %mul3A_2659 : i32
      %get3A_2662 = arith.index_cast %add3A_2661 : i32 to index
      %get3A_2663 = tpu.vector_load %arg6[%get3A_2662] {strides = array<i32>} : memref<5120xf32, #tpu.memory_space<vmem>>, vector<16xf32>,
      %get3A_2664 = vector.shape_cast %get3A_2663 : vector<16xf32> to vector<16xf32>
      %mul3A_2665 = arith.mulf %mul3A_1669, %get3A_2664 : vector<16xf32>
      %add3A_2666 = arith.addf %add3A_2657, %mul3A_2665 : vector<16xf32>
      %mul3A_2667 = arith.constant 16 : i32
      %mul3A_2668 = arith.muli %scan3A_2625, %mul3A_2667 : i32
      %add3A_2669 = arith.constant 12160 : i32
      %add3A_2670 = arith.addi %add3A_2669, %mul3A_2668 : i32
      %swap3A = arith.index_cast %add3A_2670 : i32 to index
      %swap3A_2671 = tpu.vector_load %arg7[%swap3A] {strides = array<i32>} : memref<20480xf32, #tpu.memory_space<vmem>>, vector<16xf32>,
      %swap3A_2672 = vector.shape_cast %swap3A_2671 : vector<16xf32> to vector<16xf32>
      %swap3A_2673 = vector.shape_cast %add3A_2666 : vector<16xf32> to vector<16xf32>
      tpu.vector_store %arg7[%swap3A], %swap3A_2673 {strides = array<i32>} : memref<20480xf32, #tpu.memory_space<vmem>>, vector<16xf32>,
    }
    %scan3A_1675 = arith.constant 40 : i32
    %broadcast_in_dim3A_1676 = arith.constant 4 : i32
    %broadcast_in_dim3A_1677 = vector.broadcast %broadcast_in_dim3A_1676 : i32 to vector<16xi32>
    %lt3A_1678 = arith.constant 0 : i32
    %lt3A_1679 = vector.broadcast %lt3A_1678 : i32 to vector<16xi32>
    %lt3A_1680 = arith.cmpi slt, %broadcast_in_dim3A_1677, %lt3A_1679 : vector<16xi32>
    %add3A_1681 = arith.constant 16 : i32
    %add3A_1682 = vector.broadcast %add3A_1681 : i32 to vector<16xi32>
    %add3A_1683 = arith.addi %broadcast_in_dim3A_1677, %add3A_1682 : vector<16xi32>
    %select_n3A_1684 = arith.select %lt3A_1680, %add3A_1683, %broadcast_in_dim3A_1677 : vector<16xi1>, vector<16xi32>
    %broadcast_in_dim3A_1685 = vector.shape_cast %select_n3A_1684 : vector<16xi32> to vector<16x1xi32>
    %gather3A_1686 = vector.shape_cast %broadcast_in_dim3A_1685 : vector<16x1xi32> to vector<16xi32>
    %gather3A_1687 = tpu.dynamic_gather %add3A_1339[%gather3A_1686] in [0] : vector<16xf32>, vector<16xi32> -> vector<16xf32>
    %mul3A_1688 = arith.constant 0.001953125 : f32
    %mul3A_1689 = vector.broadcast %mul3A_1688 : f32 to vector<16xf32>
    %mul3A_1690 = arith.mulf %gather3A_1687, %mul3A_1689 : vector<16xf32>
    %lt3A_1691 = arith.constant 0 : i32
    %lt3A_1692 = vector.broadcast %lt3A_1691 : i32 to vector<16xi32>
    %lt3A_1693 = arith.cmpi slt, %broadcast_in_dim3A_1677, %lt3A_1692 : vector<16xi32>
    %add3A_1694 = arith.constant 16 : i32
    %add3A_1695 = vector.broadcast %add3A_1694 : i32 to vector<16xi32>
    %add3A_1696 = arith.addi %broadcast_in_dim3A_1677, %add3A_1695 : vector<16xi32>
    %select_n3A_1697 = arith.select %lt3A_1693, %add3A_1696, %broadcast_in_dim3A_1677 : vector<16xi1>, vector<16xi32>
    %broadcast_in_dim3A_1698 = vector.shape_cast %select_n3A_1697 : vector<16xi32> to vector<16x1xi32>
    %gather3A_1699 = vector.shape_cast %broadcast_in_dim3A_1698 : vector<16x1xi32> to vector<16xi32>
    %gather3A_1700 = tpu.dynamic_gather %add3A_1350[%gather3A_1699] in [0] : vector<16xf32>, vector<16xi32> -> vector<16xf32>
    %mul3A_1701 = arith.constant 0.001953125 : f32
    %mul3A_1702 = vector.broadcast %mul3A_1701 : f32 to vector<16xf32>
    %mul3A_1703 = arith.mulf %gather3A_1700, %mul3A_1702 : vector<16xf32>
    %lt3A_1704 = arith.constant 0 : i32
    %lt3A_1705 = vector.broadcast %lt3A_1704 : i32 to vector<16xi32>
    %lt3A_1706 = arith.cmpi slt, %broadcast_in_dim3A_1677, %lt3A_1705 : vector<16xi32>
    %add3A_1707 = arith.constant 16 : i32
    %add3A_1708 = vector.broadcast %add3A_1707 : i32 to vector<16xi32>
    %add3A_1709 = arith.addi %broadcast_in_dim3A_1677, %add3A_1708 : vector<16xi32>
    %select_n3A_1710 = arith.select %lt3A_1706, %add3A_1709, %broadcast_in_dim3A_1677 : vector<16xi1>, vector<16xi32>
    %broadcast_in_dim3A_1711 = vector.shape_cast %select_n3A_1710 : vector<16xi32> to vector<16x1xi32>
    %gather3A_1712 = vector.shape_cast %broadcast_in_dim3A_1711 : vector<16x1xi32> to vector<16xi32>
    %gather3A_1713 = tpu.dynamic_gather %add3A_1361[%gather3A_1712] in [0] : vector<16xf32>, vector<16xi32> -> vector<16xf32>
    %mul3A_1714 = arith.constant 0.001953125 : f32
    %mul3A_1715 = vector.broadcast %mul3A_1714 : f32 to vector<16xf32>
    %mul3A_1716 = arith.mulf %gather3A_1713, %mul3A_1715 : vector<16xf32>
    %lt3A_1717 = arith.constant 0 : i32
    %lt3A_1718 = vector.broadcast %lt3A_1717 : i32 to vector<16xi32>
    %lt3A_1719 = arith.cmpi slt, %broadcast_in_dim3A_1677, %lt3A_1718 : vector<16xi32>
    %add3A_1720 = arith.constant 16 : i32
    %add3A_1721 = vector.broadcast %add3A_1720 : i32 to vector<16xi32>
    %add3A_1722 = arith.addi %broadcast_in_dim3A_1677, %add3A_1721 : vector<16xi32>
    %select_n3A_1723 = arith.select %lt3A_1719, %add3A_1722, %broadcast_in_dim3A_1677 : vector<16xi1>, vector<16xi32>
    %broadcast_in_dim3A_1724 = vector.shape_cast %select_n3A_1723 : vector<16xi32> to vector<16x1xi32>
    %gather3A_1725 = vector.shape_cast %broadcast_in_dim3A_1724 : vector<16x1xi32> to vector<16xi32>
    %gather3A_1726 = tpu.dynamic_gather %add3A_1372[%gather3A_1725] in [0] : vector<16xf32>, vector<16xi32> -> vector<16xf32>
    %mul3A_1727 = arith.constant 0.001953125 : f32
    %mul3A_1728 = vector.broadcast %mul3A_1727 : f32 to vector<16xf32>
    %mul3A_1729 = arith.mulf %gather3A_1726, %mul3A_1728 : vector<16xf32>
    %lt3A_1730 = arith.constant 0 : i32
    %lt3A_1731 = vector.broadcast %lt3A_1730 : i32 to vector<16xi32>
    %lt3A_1732 = arith.cmpi slt, %broadcast_in_dim3A_1677, %lt3A_1731 : vector<16xi32>
    %add3A_1733 = arith.constant 16 : i32
    %add3A_1734 = vector.broadcast %add3A_1733 : i32 to vector<16xi32>
    %add3A_1735 = arith.addi %broadcast_in_dim3A_1677, %add3A_1734 : vector<16xi32>
    %select_n3A_1736 = arith.select %lt3A_1732, %add3A_1735, %broadcast_in_dim3A_1677 : vector<16xi1>, vector<16xi32>
    %broadcast_in_dim3A_1737 = vector.shape_cast %select_n3A_1736 : vector<16xi32> to vector<16x1xi32>
    %gather3A_1738 = vector.shape_cast %broadcast_in_dim3A_1737 : vector<16x1xi32> to vector<16xi32>
    %gather3A_1739 = tpu.dynamic_gather %add3A_1383[%gather3A_1738] in [0] : vector<16xf32>, vector<16xi32> -> vector<16xf32>
    %mul3A_1740 = arith.constant 0.001953125 : f32
    %mul3A_1741 = vector.broadcast %mul3A_1740 : f32 to vector<16xf32>
    %mul3A_1742 = arith.mulf %gather3A_1739, %mul3A_1741 : vector<16xf32>
    %scan3A_1743 = arith.constant 0 : i32
    %scan3A_1744 = arith.constant 0 : i32
    %scan3A_1745 = arith.constant 40 : i32
    %scan3A_1746 = arith.addi %scan3A_1744, %scan3A_1745 : i32
    %scan3A_1747 = arith.constant 1 : i32
    scf.for %scan3A_2625 = %scan3A_1744 to %scan3A_1746 step %scan3A_1747  : i32 {
      %mul3A_2626 = arith.constant 16 : i32
      %mul3A_2627 = arith.muli %scan3A_2625, %mul3A_2626 : i32
      %get3A = arith.index_cast %mul3A_2627 : i32 to index
      %get3A_2628 = tpu.vector_load %arg6[%get3A] {strides = array<i32>} : memref<5120xf32, #tpu.memory_space<vmem>>, vector<16xf32>,
      %get3A_2629 = vector.shape_cast %get3A_2628 : vector<16xf32> to vector<16xf32>
      %mul3A_2630 = arith.mulf %mul3A_1690, %get3A_2629 : vector<16xf32>
      %mul3A_2631 = arith.constant 16 : i32
      %mul3A_2632 = arith.muli %scan3A_2625, %mul3A_2631 : i32
      %add3A_2633 = arith.constant 640 : i32
      %add3A_2634 = arith.addi %add3A_2633, %mul3A_2632 : i32
      %get3A_2635 = arith.index_cast %add3A_2634 : i32 to index
      %get3A_2636 = tpu.vector_load %arg6[%get3A_2635] {strides = array<i32>} : memref<5120xf32, #tpu.memory_space<vmem>>, vector<16xf32>,
      %get3A_2637 = vector.shape_cast %get3A_2636 : vector<16xf32> to vector<16xf32>
      %mul3A_2638 = arith.mulf %mul3A_1703, %get3A_2637 : vector<16xf32>
      %add3A_2639 = arith.addf %mul3A_2630, %mul3A_2638 : vector<16xf32>
      %mul3A_2640 = arith.constant 16 : i32
      %mul3A_2641 = arith.muli %scan3A_2625, %mul3A_2640 : i32
      %add3A_2642 = arith.constant 1280 : i32
      %add3A_2643 = arith.addi %add3A_2642, %mul3A_2641 : i32
      %get3A_2644 = arith.index_cast %add3A_2643 : i32 to index
      %get3A_2645 = tpu.vector_load %arg6[%get3A_2644] {strides = array<i32>} : memref<5120xf32, #tpu.memory_space<vmem>>, vector<16xf32>,
      %get3A_2646 = vector.shape_cast %get3A_2645 : vector<16xf32> to vector<16xf32>
      %mul3A_2647 = arith.mulf %mul3A_1716, %get3A_2646 : vector<16xf32>
      %add3A_2648 = arith.addf %add3A_2639, %mul3A_2647 : vector<16xf32>
      %mul3A_2649 = arith.constant 16 : i32
      %mul3A_2650 = arith.muli %scan3A_2625, %mul3A_2649 : i32
      %add3A_2651 = arith.constant 1920 : i32
      %add3A_2652 = arith.addi %add3A_2651, %mul3A_2650 : i32
      %get3A_2653 = arith.index_cast %add3A_2652 : i32 to index
      %get3A_2654 = tpu.vector_load %arg6[%get3A_2653] {strides = array<i32>} : memref<5120xf32, #tpu.memory_space<vmem>>, vector<16xf32>,
      %get3A_2655 = vector.shape_cast %get3A_2654 : vector<16xf32> to vector<16xf32>
      %mul3A_2656 = arith.mulf %mul3A_1729, %get3A_2655 : vector<16xf32>
      %add3A_2657 = arith.addf %add3A_2648, %mul3A_2656 : vector<16xf32>
      %mul3A_2658 = arith.constant 16 : i32
      %mul3A_2659 = arith.muli %scan3A_2625, %mul3A_2658 : i32
      %add3A_2660 = arith.constant 2560 : i32
      %add3A_2661 = arith.addi %add3A_2660, %mul3A_2659 : i32
      %get3A_2662 = arith.index_cast %add3A_2661 : i32 to index
      %get3A_2663 = tpu.vector_load %arg6[%get3A_2662] {strides = array<i32>} : memref<5120xf32, #tpu.memory_space<vmem>>, vector<16xf32>,
      %get3A_2664 = vector.shape_cast %get3A_2663 : vector<16xf32> to vector<16xf32>
      %mul3A_2665 = arith.mulf %mul3A_1742, %get3A_2664 : vector<16xf32>
      %add3A_2666 = arith.addf %add3A_2657, %mul3A_2665 : vector<16xf32>
      %mul3A_2667 = arith.constant 16 : i32
      %mul3A_2668 = arith.muli %scan3A_2625, %mul3A_2667 : i32
      %add3A_2669 = arith.constant 12800 : i32
      %add3A_2670 = arith.addi %add3A_2669, %mul3A_2668 : i32
      %swap3A = arith.index_cast %add3A_2670 : i32 to index
      %swap3A_2671 = tpu.vector_load %arg7[%swap3A] {strides = array<i32>} : memref<20480xf32, #tpu.memory_space<vmem>>, vector<16xf32>,
      %swap3A_2672 = vector.shape_cast %swap3A_2671 : vector<16xf32> to vector<16xf32>
      %swap3A_2673 = vector.shape_cast %add3A_2666 : vector<16xf32> to vector<16xf32>
      tpu.vector_store %arg7[%swap3A], %swap3A_2673 {strides = array<i32>} : memref<20480xf32, #tpu.memory_space<vmem>>, vector<16xf32>,
    }
    %scan3A_1748 = arith.constant 40 : i32
    %broadcast_in_dim3A_1749 = arith.constant 5 : i32
    %broadcast_in_dim3A_1750 = vector.broadcast %broadcast_in_dim3A_1749 : i32 to vector<16xi32>
    %lt3A_1751 = arith.constant 0 : i32
    %lt3A_1752 = vector.broadcast %lt3A_1751 : i32 to vector<16xi32>
    %lt3A_1753 = arith.cmpi slt, %broadcast_in_dim3A_1750, %lt3A_1752 : vector<16xi32>
    %add3A_1754 = arith.constant 16 : i32
    %add3A_1755 = vector.broadcast %add3A_1754 : i32 to vector<16xi32>
    %add3A_1756 = arith.addi %broadcast_in_dim3A_1750, %add3A_1755 : vector<16xi32>
    %select_n3A_1757 = arith.select %lt3A_1753, %add3A_1756, %broadcast_in_dim3A_1750 : vector<16xi1>, vector<16xi32>
    %broadcast_in_dim3A_1758 = vector.shape_cast %select_n3A_1757 : vector<16xi32> to vector<16x1xi32>
    %gather3A_1759 = vector.shape_cast %broadcast_in_dim3A_1758 : vector<16x1xi32> to vector<16xi32>
    %gather3A_1760 = tpu.dynamic_gather %add3A_1339[%gather3A_1759] in [0] : vector<16xf32>, vector<16xi32> -> vector<16xf32>
    %mul3A_1761 = arith.constant 0.001953125 : f32
    %mul3A_1762 = vector.broadcast %mul3A_1761 : f32 to vector<16xf32>
    %mul3A_1763 = arith.mulf %gather3A_1760, %mul3A_1762 : vector<16xf32>
    %lt3A_1764 = arith.constant 0 : i32
    %lt3A_1765 = vector.broadcast %lt3A_1764 : i32 to vector<16xi32>
    %lt3A_1766 = arith.cmpi slt, %broadcast_in_dim3A_1750, %lt3A_1765 : vector<16xi32>
    %add3A_1767 = arith.constant 16 : i32
    %add3A_1768 = vector.broadcast %add3A_1767 : i32 to vector<16xi32>
    %add3A_1769 = arith.addi %broadcast_in_dim3A_1750, %add3A_1768 : vector<16xi32>
    %select_n3A_1770 = arith.select %lt3A_1766, %add3A_1769, %broadcast_in_dim3A_1750 : vector<16xi1>, vector<16xi32>
    %broadcast_in_dim3A_1771 = vector.shape_cast %select_n3A_1770 : vector<16xi32> to vector<16x1xi32>
    %gather3A_1772 = vector.shape_cast %broadcast_in_dim3A_1771 : vector<16x1xi32> to vector<16xi32>
    %gather3A_1773 = tpu.dynamic_gather %add3A_1350[%gather3A_1772] in [0] : vector<16xf32>, vector<16xi32> -> vector<16xf32>
    %mul3A_1774 = arith.constant 0.001953125 : f32
    %mul3A_1775 = vector.broadcast %mul3A_1774 : f32 to vector<16xf32>
    %mul3A_1776 = arith.mulf %gather3A_1773, %mul3A_1775 : vector<16xf32>
    %lt3A_1777 = arith.constant 0 : i32
    %lt3A_1778 = vector.broadcast %lt3A_1777 : i32 to vector<16xi32>
    %lt3A_1779 = arith.cmpi slt, %broadcast_in_dim3A_1750, %lt3A_1778 : vector<16xi32>
    %add3A_1780 = arith.constant 16 : i32
    %add3A_1781 = vector.broadcast %add3A_1780 : i32 to vector<16xi32>
    %add3A_1782 = arith.addi %broadcast_in_dim3A_1750, %add3A_1781 : vector<16xi32>
    %select_n3A_1783 = arith.select %lt3A_1779, %add3A_1782, %broadcast_in_dim3A_1750 : vector<16xi1>, vector<16xi32>
    %broadcast_in_dim3A_1784 = vector.shape_cast %select_n3A_1783 : vector<16xi32> to vector<16x1xi32>
    %gather3A_1785 = vector.shape_cast %broadcast_in_dim3A_1784 : vector<16x1xi32> to vector<16xi32>
    %gather3A_1786 = tpu.dynamic_gather %add3A_1361[%gather3A_1785] in [0] : vector<16xf32>, vector<16xi32> -> vector<16xf32>
    %mul3A_1787 = arith.constant 0.001953125 : f32
    %mul3A_1788 = vector.broadcast %mul3A_1787 : f32 to vector<16xf32>
    %mul3A_1789 = arith.mulf %gather3A_1786, %mul3A_1788 : vector<16xf32>
    %lt3A_1790 = arith.constant 0 : i32
    %lt3A_1791 = vector.broadcast %lt3A_1790 : i32 to vector<16xi32>
    %lt3A_1792 = arith.cmpi slt, %broadcast_in_dim3A_1750, %lt3A_1791 : vector<16xi32>
    %add3A_1793 = arith.constant 16 : i32
    %add3A_1794 = vector.broadcast %add3A_1793 : i32 to vector<16xi32>
    %add3A_1795 = arith.addi %broadcast_in_dim3A_1750, %add3A_1794 : vector<16xi32>
    %select_n3A_1796 = arith.select %lt3A_1792, %add3A_1795, %broadcast_in_dim3A_1750 : vector<16xi1>, vector<16xi32>
    %broadcast_in_dim3A_1797 = vector.shape_cast %select_n3A_1796 : vector<16xi32> to vector<16x1xi32>
    %gather3A_1798 = vector.shape_cast %broadcast_in_dim3A_1797 : vector<16x1xi32> to vector<16xi32>
    %gather3A_1799 = tpu.dynamic_gather %add3A_1372[%gather3A_1798] in [0] : vector<16xf32>, vector<16xi32> -> vector<16xf32>
    %mul3A_1800 = arith.constant 0.001953125 : f32
    %mul3A_1801 = vector.broadcast %mul3A_1800 : f32 to vector<16xf32>
    %mul3A_1802 = arith.mulf %gather3A_1799, %mul3A_1801 : vector<16xf32>
    %lt3A_1803 = arith.constant 0 : i32
    %lt3A_1804 = vector.broadcast %lt3A_1803 : i32 to vector<16xi32>
    %lt3A_1805 = arith.cmpi slt, %broadcast_in_dim3A_1750, %lt3A_1804 : vector<16xi32>
    %add3A_1806 = arith.constant 16 : i32
    %add3A_1807 = vector.broadcast %add3A_1806 : i32 to vector<16xi32>
    %add3A_1808 = arith.addi %broadcast_in_dim3A_1750, %add3A_1807 : vector<16xi32>
    %select_n3A_1809 = arith.select %lt3A_1805, %add3A_1808, %broadcast_in_dim3A_1750 : vector<16xi1>, vector<16xi32>
    %broadcast_in_dim3A_1810 = vector.shape_cast %select_n3A_1809 : vector<16xi32> to vector<16x1xi32>
    %gather3A_1811 = vector.shape_cast %broadcast_in_dim3A_1810 : vector<16x1xi32> to vector<16xi32>
    %gather3A_1812 = tpu.dynamic_gather %add3A_1383[%gather3A_1811] in [0] : vector<16xf32>, vector<16xi32> -> vector<16xf32>
    %mul3A_1813 = arith.constant 0.001953125 : f32
    %mul3A_1814 = vector.broadcast %mul3A_1813 : f32 to vector<16xf32>
    %mul3A_1815 = arith.mulf %gather3A_1812, %mul3A_1814 : vector<16xf32>
    %scan3A_1816 = arith.constant 0 : i32
    %scan3A_1817 = arith.constant 0 : i32
    %scan3A_1818 = arith.constant 40 : i32
    %scan3A_1819 = arith.addi %scan3A_1817, %scan3A_1818 : i32
    %scan3A_1820 = arith.constant 1 : i32
    scf.for %scan3A_2625 = %scan3A_1817 to %scan3A_1819 step %scan3A_1820  : i32 {
      %mul3A_2626 = arith.constant 16 : i32
      %mul3A_2627 = arith.muli %scan3A_2625, %mul3A_2626 : i32
      %get3A = arith.index_cast %mul3A_2627 : i32 to index
      %get3A_2628 = tpu.vector_load %arg6[%get3A] {strides = array<i32>} : memref<5120xf32, #tpu.memory_space<vmem>>, vector<16xf32>,
      %get3A_2629 = vector.shape_cast %get3A_2628 : vector<16xf32> to vector<16xf32>
      %mul3A_2630 = arith.mulf %mul3A_1763, %get3A_2629 : vector<16xf32>
      %mul3A_2631 = arith.constant 16 : i32
      %mul3A_2632 = arith.muli %scan3A_2625, %mul3A_2631 : i32
      %add3A_2633 = arith.constant 640 : i32
      %add3A_2634 = arith.addi %add3A_2633, %mul3A_2632 : i32
      %get3A_2635 = arith.index_cast %add3A_2634 : i32 to index
      %get3A_2636 = tpu.vector_load %arg6[%get3A_2635] {strides = array<i32>} : memref<5120xf32, #tpu.memory_space<vmem>>, vector<16xf32>,
      %get3A_2637 = vector.shape_cast %get3A_2636 : vector<16xf32> to vector<16xf32>
      %mul3A_2638 = arith.mulf %mul3A_1776, %get3A_2637 : vector<16xf32>
      %add3A_2639 = arith.addf %mul3A_2630, %mul3A_2638 : vector<16xf32>
      %mul3A_2640 = arith.constant 16 : i32
      %mul3A_2641 = arith.muli %scan3A_2625, %mul3A_2640 : i32
      %add3A_2642 = arith.constant 1280 : i32
      %add3A_2643 = arith.addi %add3A_2642, %mul3A_2641 : i32
      %get3A_2644 = arith.index_cast %add3A_2643 : i32 to index
      %get3A_2645 = tpu.vector_load %arg6[%get3A_2644] {strides = array<i32>} : memref<5120xf32, #tpu.memory_space<vmem>>, vector<16xf32>,
      %get3A_2646 = vector.shape_cast %get3A_2645 : vector<16xf32> to vector<16xf32>
      %mul3A_2647 = arith.mulf %mul3A_1789, %get3A_2646 : vector<16xf32>
      %add3A_2648 = arith.addf %add3A_2639, %mul3A_2647 : vector<16xf32>
      %mul3A_2649 = arith.constant 16 : i32
      %mul3A_2650 = arith.muli %scan3A_2625, %mul3A_2649 : i32
      %add3A_2651 = arith.constant 1920 : i32
      %add3A_2652 = arith.addi %add3A_2651, %mul3A_2650 : i32
      %get3A_2653 = arith.index_cast %add3A_2652 : i32 to index
      %get3A_2654 = tpu.vector_load %arg6[%get3A_2653] {strides = array<i32>} : memref<5120xf32, #tpu.memory_space<vmem>>, vector<16xf32>,
      %get3A_2655 = vector.shape_cast %get3A_2654 : vector<16xf32> to vector<16xf32>
      %mul3A_2656 = arith.mulf %mul3A_1802, %get3A_2655 : vector<16xf32>
      %add3A_2657 = arith.addf %add3A_2648, %mul3A_2656 : vector<16xf32>
      %mul3A_2658 = arith.constant 16 : i32
      %mul3A_2659 = arith.muli %scan3A_2625, %mul3A_2658 : i32
      %add3A_2660 = arith.constant 2560 : i32
      %add3A_2661 = arith.addi %add3A_2660, %mul3A_2659 : i32
      %get3A_2662 = arith.index_cast %add3A_2661 : i32 to index
      %get3A_2663 = tpu.vector_load %arg6[%get3A_2662] {strides = array<i32>} : memref<5120xf32, #tpu.memory_space<vmem>>, vector<16xf32>,
      %get3A_2664 = vector.shape_cast %get3A_2663 : vector<16xf32> to vector<16xf32>
      %mul3A_2665 = arith.mulf %mul3A_1815, %get3A_2664 : vector<16xf32>
      %add3A_2666 = arith.addf %add3A_2657, %mul3A_2665 : vector<16xf32>
      %mul3A_2667 = arith.constant 16 : i32
      %mul3A_2668 = arith.muli %scan3A_2625, %mul3A_2667 : i32
      %add3A_2669 = arith.constant 13440 : i32
      %add3A_2670 = arith.addi %add3A_2669, %mul3A_2668 : i32
      %swap3A = arith.index_cast %add3A_2670 : i32 to index
      %swap3A_2671 = tpu.vector_load %arg7[%swap3A] {strides = array<i32>} : memref<20480xf32, #tpu.memory_space<vmem>>, vector<16xf32>,
      %swap3A_2672 = vector.shape_cast %swap3A_2671 : vector<16xf32> to vector<16xf32>
      %swap3A_2673 = vector.shape_cast %add3A_2666 : vector<16xf32> to vector<16xf32>
      tpu.vector_store %arg7[%swap3A], %swap3A_2673 {strides = array<i32>} : memref<20480xf32, #tpu.memory_space<vmem>>, vector<16xf32>,
    }
    %scan3A_1821 = arith.constant 40 : i32
    %broadcast_in_dim3A_1822 = arith.constant 6 : i32
    %broadcast_in_dim3A_1823 = vector.broadcast %broadcast_in_dim3A_1822 : i32 to vector<16xi32>
    %lt3A_1824 = arith.constant 0 : i32
    %lt3A_1825 = vector.broadcast %lt3A_1824 : i32 to vector<16xi32>
    %lt3A_1826 = arith.cmpi slt, %broadcast_in_dim3A_1823, %lt3A_1825 : vector<16xi32>
    %add3A_1827 = arith.constant 16 : i32
    %add3A_1828 = vector.broadcast %add3A_1827 : i32 to vector<16xi32>
    %add3A_1829 = arith.addi %broadcast_in_dim3A_1823, %add3A_1828 : vector<16xi32>
    %select_n3A_1830 = arith.select %lt3A_1826, %add3A_1829, %broadcast_in_dim3A_1823 : vector<16xi1>, vector<16xi32>
    %broadcast_in_dim3A_1831 = vector.shape_cast %select_n3A_1830 : vector<16xi32> to vector<16x1xi32>
    %gather3A_1832 = vector.shape_cast %broadcast_in_dim3A_1831 : vector<16x1xi32> to vector<16xi32>
    %gather3A_1833 = tpu.dynamic_gather %add3A_1339[%gather3A_1832] in [0] : vector<16xf32>, vector<16xi32> -> vector<16xf32>
    %mul3A_1834 = arith.constant 0.001953125 : f32
    %mul3A_1835 = vector.broadcast %mul3A_1834 : f32 to vector<16xf32>
    %mul3A_1836 = arith.mulf %gather3A_1833, %mul3A_1835 : vector<16xf32>
    %lt3A_1837 = arith.constant 0 : i32
    %lt3A_1838 = vector.broadcast %lt3A_1837 : i32 to vector<16xi32>
    %lt3A_1839 = arith.cmpi slt, %broadcast_in_dim3A_1823, %lt3A_1838 : vector<16xi32>
    %add3A_1840 = arith.constant 16 : i32
    %add3A_1841 = vector.broadcast %add3A_1840 : i32 to vector<16xi32>
    %add3A_1842 = arith.addi %broadcast_in_dim3A_1823, %add3A_1841 : vector<16xi32>
    %select_n3A_1843 = arith.select %lt3A_1839, %add3A_1842, %broadcast_in_dim3A_1823 : vector<16xi1>, vector<16xi32>
    %broadcast_in_dim3A_1844 = vector.shape_cast %select_n3A_1843 : vector<16xi32> to vector<16x1xi32>
    %gather3A_1845 = vector.shape_cast %broadcast_in_dim3A_1844 : vector<16x1xi32> to vector<16xi32>
    %gather3A_1846 = tpu.dynamic_gather %add3A_1350[%gather3A_1845] in [0] : vector<16xf32>, vector<16xi32> -> vector<16xf32>
    %mul3A_1847 = arith.constant 0.001953125 : f32
    %mul3A_1848 = vector.broadcast %mul3A_1847 : f32 to vector<16xf32>
    %mul3A_1849 = arith.mulf %gather3A_1846, %mul3A_1848 : vector<16xf32>
    %lt3A_1850 = arith.constant 0 : i32
    %lt3A_1851 = vector.broadcast %lt3A_1850 : i32 to vector<16xi32>
    %lt3A_1852 = arith.cmpi slt, %broadcast_in_dim3A_1823, %lt3A_1851 : vector<16xi32>
    %add3A_1853 = arith.constant 16 : i32
    %add3A_1854 = vector.broadcast %add3A_1853 : i32 to vector<16xi32>
    %add3A_1855 = arith.addi %broadcast_in_dim3A_1823, %add3A_1854 : vector<16xi32>
    %select_n3A_1856 = arith.select %lt3A_1852, %add3A_1855, %broadcast_in_dim3A_1823 : vector<16xi1>, vector<16xi32>
    %broadcast_in_dim3A_1857 = vector.shape_cast %select_n3A_1856 : vector<16xi32> to vector<16x1xi32>
    %gather3A_1858 = vector.shape_cast %broadcast_in_dim3A_1857 : vector<16x1xi32> to vector<16xi32>
    %gather3A_1859 = tpu.dynamic_gather %add3A_1361[%gather3A_1858] in [0] : vector<16xf32>, vector<16xi32> -> vector<16xf32>
    %mul3A_1860 = arith.constant 0.001953125 : f32
    %mul3A_1861 = vector.broadcast %mul3A_1860 : f32 to vector<16xf32>
    %mul3A_1862 = arith.mulf %gather3A_1859, %mul3A_1861 : vector<16xf32>
    %lt3A_1863 = arith.constant 0 : i32
    %lt3A_1864 = vector.broadcast %lt3A_1863 : i32 to vector<16xi32>
    %lt3A_1865 = arith.cmpi slt, %broadcast_in_dim3A_1823, %lt3A_1864 : vector<16xi32>
    %add3A_1866 = arith.constant 16 : i32
    %add3A_1867 = vector.broadcast %add3A_1866 : i32 to vector<16xi32>
    %add3A_1868 = arith.addi %broadcast_in_dim3A_1823, %add3A_1867 : vector<16xi32>
    %select_n3A_1869 = arith.select %lt3A_1865, %add3A_1868, %broadcast_in_dim3A_1823 : vector<16xi1>, vector<16xi32>
    %broadcast_in_dim3A_1870 = vector.shape_cast %select_n3A_1869 : vector<16xi32> to vector<16x1xi32>
    %gather3A_1871 = vector.shape_cast %broadcast_in_dim3A_1870 : vector<16x1xi32> to vector<16xi32>
    %gather3A_1872 = tpu.dynamic_gather %add3A_1372[%gather3A_1871] in [0] : vector<16xf32>, vector<16xi32> -> vector<16xf32>
    %mul3A_1873 = arith.constant 0.001953125 : f32
    %mul3A_1874 = vector.broadcast %mul3A_1873 : f32 to vector<16xf32>
    %mul3A_1875 = arith.mulf %gather3A_1872, %mul3A_1874 : vector<16xf32>
    %lt3A_1876 = arith.constant 0 : i32
    %lt3A_1877 = vector.broadcast %lt3A_1876 : i32 to vector<16xi32>
    %lt3A_1878 = arith.cmpi slt, %broadcast_in_dim3A_1823, %lt3A_1877 : vector<16xi32>
    %add3A_1879 = arith.constant 16 : i32
    %add3A_1880 = vector.broadcast %add3A_1879 : i32 to vector<16xi32>
    %add3A_1881 = arith.addi %broadcast_in_dim3A_1823, %add3A_1880 : vector<16xi32>
    %select_n3A_1882 = arith.select %lt3A_1878, %add3A_1881, %broadcast_in_dim3A_1823 : vector<16xi1>, vector<16xi32>
    %broadcast_in_dim3A_1883 = vector.shape_cast %select_n3A_1882 : vector<16xi32> to vector<16x1xi32>
    %gather3A_1884 = vector.shape_cast %broadcast_in_dim3A_1883 : vector<16x1xi32> to vector<16xi32>
    %gather3A_1885 = tpu.dynamic_gather %add3A_1383[%gather3A_1884] in [0] : vector<16xf32>, vector<16xi32> -> vector<16xf32>
    %mul3A_1886 = arith.constant 0.001953125 : f32
    %mul3A_1887 = vector.broadcast %mul3A_1886 : f32 to vector<16xf32>
    %mul3A_1888 = arith.mulf %gather3A_1885, %mul3A_1887 : vector<16xf32>
    %scan3A_1889 = arith.constant 0 : i32
    %scan3A_1890 = arith.constant 0 : i32
    %scan3A_1891 = arith.constant 40 : i32
    %scan3A_1892 = arith.addi %scan3A_1890, %scan3A_1891 : i32
    %scan3A_1893 = arith.constant 1 : i32
    scf.for %scan3A_2625 = %scan3A_1890 to %scan3A_1892 step %scan3A_1893  : i32 {
      %mul3A_2626 = arith.constant 16 : i32
      %mul3A_2627 = arith.muli %scan3A_2625, %mul3A_2626 : i32
      %get3A = arith.index_cast %mul3A_2627 : i32 to index
      %get3A_2628 = tpu.vector_load %arg6[%get3A] {strides = array<i32>} : memref<5120xf32, #tpu.memory_space<vmem>>, vector<16xf32>,
      %get3A_2629 = vector.shape_cast %get3A_2628 : vector<16xf32> to vector<16xf32>
      %mul3A_2630 = arith.mulf %mul3A_1836, %get3A_2629 : vector<16xf32>
      %mul3A_2631 = arith.constant 16 : i32
      %mul3A_2632 = arith.muli %scan3A_2625, %mul3A_2631 : i32
      %add3A_2633 = arith.constant 640 : i32
      %add3A_2634 = arith.addi %add3A_2633, %mul3A_2632 : i32
      %get3A_2635 = arith.index_cast %add3A_2634 : i32 to index
      %get3A_2636 = tpu.vector_load %arg6[%get3A_2635] {strides = array<i32>} : memref<5120xf32, #tpu.memory_space<vmem>>, vector<16xf32>,
      %get3A_2637 = vector.shape_cast %get3A_2636 : vector<16xf32> to vector<16xf32>
      %mul3A_2638 = arith.mulf %mul3A_1849, %get3A_2637 : vector<16xf32>
      %add3A_2639 = arith.addf %mul3A_2630, %mul3A_2638 : vector<16xf32>
      %mul3A_2640 = arith.constant 16 : i32
      %mul3A_2641 = arith.muli %scan3A_2625, %mul3A_2640 : i32
      %add3A_2642 = arith.constant 1280 : i32
      %add3A_2643 = arith.addi %add3A_2642, %mul3A_2641 : i32
      %get3A_2644 = arith.index_cast %add3A_2643 : i32 to index
      %get3A_2645 = tpu.vector_load %arg6[%get3A_2644] {strides = array<i32>} : memref<5120xf32, #tpu.memory_space<vmem>>, vector<16xf32>,
      %get3A_2646 = vector.shape_cast %get3A_2645 : vector<16xf32> to vector<16xf32>
      %mul3A_2647 = arith.mulf %mul3A_1862, %get3A_2646 : vector<16xf32>
      %add3A_2648 = arith.addf %add3A_2639, %mul3A_2647 : vector<16xf32>
      %mul3A_2649 = arith.constant 16 : i32
      %mul3A_2650 = arith.muli %scan3A_2625, %mul3A_2649 : i32
      %add3A_2651 = arith.constant 1920 : i32
      %add3A_2652 = arith.addi %add3A_2651, %mul3A_2650 : i32
      %get3A_2653 = arith.index_cast %add3A_2652 : i32 to index
      %get3A_2654 = tpu.vector_load %arg6[%get3A_2653] {strides = array<i32>} : memref<5120xf32, #tpu.memory_space<vmem>>, vector<16xf32>,
      %get3A_2655 = vector.shape_cast %get3A_2654 : vector<16xf32> to vector<16xf32>
      %mul3A_2656 = arith.mulf %mul3A_1875, %get3A_2655 : vector<16xf32>
      %add3A_2657 = arith.addf %add3A_2648, %mul3A_2656 : vector<16xf32>
      %mul3A_2658 = arith.constant 16 : i32
      %mul3A_2659 = arith.muli %scan3A_2625, %mul3A_2658 : i32
      %add3A_2660 = arith.constant 2560 : i32
      %add3A_2661 = arith.addi %add3A_2660, %mul3A_2659 : i32
      %get3A_2662 = arith.index_cast %add3A_2661 : i32 to index
      %get3A_2663 = tpu.vector_load %arg6[%get3A_2662] {strides = array<i32>} : memref<5120xf32, #tpu.memory_space<vmem>>, vector<16xf32>,
      %get3A_2664 = vector.shape_cast %get3A_2663 : vector<16xf32> to vector<16xf32>
      %mul3A_2665 = arith.mulf %mul3A_1888, %get3A_2664 : vector<16xf32>
      %add3A_2666 = arith.addf %add3A_2657, %mul3A_2665 : vector<16xf32>
      %mul3A_2667 = arith.constant 16 : i32
      %mul3A_2668 = arith.muli %scan3A_2625, %mul3A_2667 : i32
      %add3A_2669 = arith.constant 14080 : i32
      %add3A_2670 = arith.addi %add3A_2669, %mul3A_2668 : i32
      %swap3A = arith.index_cast %add3A_2670 : i32 to index
      %swap3A_2671 = tpu.vector_load %arg7[%swap3A] {strides = array<i32>} : memref<20480xf32, #tpu.memory_space<vmem>>, vector<16xf32>,
      %swap3A_2672 = vector.shape_cast %swap3A_2671 : vector<16xf32> to vector<16xf32>
      %swap3A_2673 = vector.shape_cast %add3A_2666 : vector<16xf32> to vector<16xf32>
      tpu.vector_store %arg7[%swap3A], %swap3A_2673 {strides = array<i32>} : memref<20480xf32, #tpu.memory_space<vmem>>, vector<16xf32>,
    }
    %scan3A_1894 = arith.constant 40 : i32
    %broadcast_in_dim3A_1895 = arith.constant 7 : i32
    %broadcast_in_dim3A_1896 = vector.broadcast %broadcast_in_dim3A_1895 : i32 to vector<16xi32>
    %lt3A_1897 = arith.constant 0 : i32
    %lt3A_1898 = vector.broadcast %lt3A_1897 : i32 to vector<16xi32>
    %lt3A_1899 = arith.cmpi slt, %broadcast_in_dim3A_1896, %lt3A_1898 : vector<16xi32>
    %add3A_1900 = arith.constant 16 : i32
    %add3A_1901 = vector.broadcast %add3A_1900 : i32 to vector<16xi32>
    %add3A_1902 = arith.addi %broadcast_in_dim3A_1896, %add3A_1901 : vector<16xi32>
    %select_n3A_1903 = arith.select %lt3A_1899, %add3A_1902, %broadcast_in_dim3A_1896 : vector<16xi1>, vector<16xi32>
    %broadcast_in_dim3A_1904 = vector.shape_cast %select_n3A_1903 : vector<16xi32> to vector<16x1xi32>
    %gather3A_1905 = vector.shape_cast %broadcast_in_dim3A_1904 : vector<16x1xi32> to vector<16xi32>
    %gather3A_1906 = tpu.dynamic_gather %add3A_1339[%gather3A_1905] in [0] : vector<16xf32>, vector<16xi32> -> vector<16xf32>
    %mul3A_1907 = arith.constant 0.001953125 : f32
    %mul3A_1908 = vector.broadcast %mul3A_1907 : f32 to vector<16xf32>
    %mul3A_1909 = arith.mulf %gather3A_1906, %mul3A_1908 : vector<16xf32>
    %lt3A_1910 = arith.constant 0 : i32
    %lt3A_1911 = vector.broadcast %lt3A_1910 : i32 to vector<16xi32>
    %lt3A_1912 = arith.cmpi slt, %broadcast_in_dim3A_1896, %lt3A_1911 : vector<16xi32>
    %add3A_1913 = arith.constant 16 : i32
    %add3A_1914 = vector.broadcast %add3A_1913 : i32 to vector<16xi32>
    %add3A_1915 = arith.addi %broadcast_in_dim3A_1896, %add3A_1914 : vector<16xi32>
    %select_n3A_1916 = arith.select %lt3A_1912, %add3A_1915, %broadcast_in_dim3A_1896 : vector<16xi1>, vector<16xi32>
    %broadcast_in_dim3A_1917 = vector.shape_cast %select_n3A_1916 : vector<16xi32> to vector<16x1xi32>
    %gather3A_1918 = vector.shape_cast %broadcast_in_dim3A_1917 : vector<16x1xi32> to vector<16xi32>
    %gather3A_1919 = tpu.dynamic_gather %add3A_1350[%gather3A_1918] in [0] : vector<16xf32>, vector<16xi32> -> vector<16xf32>
    %mul3A_1920 = arith.constant 0.001953125 : f32
    %mul3A_1921 = vector.broadcast %mul3A_1920 : f32 to vector<16xf32>
    %mul3A_1922 = arith.mulf %gather3A_1919, %mul3A_1921 : vector<16xf32>
    %lt3A_1923 = arith.constant 0 : i32
    %lt3A_1924 = vector.broadcast %lt3A_1923 : i32 to vector<16xi32>
    %lt3A_1925 = arith.cmpi slt, %broadcast_in_dim3A_1896, %lt3A_1924 : vector<16xi32>
    %add3A_1926 = arith.constant 16 : i32
    %add3A_1927 = vector.broadcast %add3A_1926 : i32 to vector<16xi32>
    %add3A_1928 = arith.addi %broadcast_in_dim3A_1896, %add3A_1927 : vector<16xi32>
    %select_n3A_1929 = arith.select %lt3A_1925, %add3A_1928, %broadcast_in_dim3A_1896 : vector<16xi1>, vector<16xi32>
    %broadcast_in_dim3A_1930 = vector.shape_cast %select_n3A_1929 : vector<16xi32> to vector<16x1xi32>
    %gather3A_1931 = vector.shape_cast %broadcast_in_dim3A_1930 : vector<16x1xi32> to vector<16xi32>
    %gather3A_1932 = tpu.dynamic_gather %add3A_1361[%gather3A_1931] in [0] : vector<16xf32>, vector<16xi32> -> vector<16xf32>
    %mul3A_1933 = arith.constant 0.001953125 : f32
    %mul3A_1934 = vector.broadcast %mul3A_1933 : f32 to vector<16xf32>
    %mul3A_1935 = arith.mulf %gather3A_1932, %mul3A_1934 : vector<16xf32>
    %lt3A_1936 = arith.constant 0 : i32
    %lt3A_1937 = vector.broadcast %lt3A_1936 : i32 to vector<16xi32>
    %lt3A_1938 = arith.cmpi slt, %broadcast_in_dim3A_1896, %lt3A_1937 : vector<16xi32>
    %add3A_1939 = arith.constant 16 : i32
    %add3A_1940 = vector.broadcast %add3A_1939 : i32 to vector<16xi32>
    %add3A_1941 = arith.addi %broadcast_in_dim3A_1896, %add3A_1940 : vector<16xi32>
    %select_n3A_1942 = arith.select %lt3A_1938, %add3A_1941, %broadcast_in_dim3A_1896 : vector<16xi1>, vector<16xi32>
    %broadcast_in_dim3A_1943 = vector.shape_cast %select_n3A_1942 : vector<16xi32> to vector<16x1xi32>
    %gather3A_1944 = vector.shape_cast %broadcast_in_dim3A_1943 : vector<16x1xi32> to vector<16xi32>
    %gather3A_1945 = tpu.dynamic_gather %add3A_1372[%gather3A_1944] in [0] : vector<16xf32>, vector<16xi32> -> vector<16xf32>
    %mul3A_1946 = arith.constant 0.001953125 : f32
    %mul3A_1947 = vector.broadcast %mul3A_1946 : f32 to vector<16xf32>
    %mul3A_1948 = arith.mulf %gather3A_1945, %mul3A_1947 : vector<16xf32>
    %lt3A_1949 = arith.constant 0 : i32
    %lt3A_1950 = vector.broadcast %lt3A_1949 : i32 to vector<16xi32>
    %lt3A_1951 = arith.cmpi slt, %broadcast_in_dim3A_1896, %lt3A_1950 : vector<16xi32>
    %add3A_1952 = arith.constant 16 : i32
    %add3A_1953 = vector.broadcast %add3A_1952 : i32 to vector<16xi32>
    %add3A_1954 = arith.addi %broadcast_in_dim3A_1896, %add3A_1953 : vector<16xi32>
    %select_n3A_1955 = arith.select %lt3A_1951, %add3A_1954, %broadcast_in_dim3A_1896 : vector<16xi1>, vector<16xi32>
    %broadcast_in_dim3A_1956 = vector.shape_cast %select_n3A_1955 : vector<16xi32> to vector<16x1xi32>
    %gather3A_1957 = vector.shape_cast %broadcast_in_dim3A_1956 : vector<16x1xi32> to vector<16xi32>
    %gather3A_1958 = tpu.dynamic_gather %add3A_1383[%gather3A_1957] in [0] : vector<16xf32>, vector<16xi32> -> vector<16xf32>
    %mul3A_1959 = arith.constant 0.001953125 : f32
    %mul3A_1960 = vector.broadcast %mul3A_1959 : f32 to vector<16xf32>
    %mul3A_1961 = arith.mulf %gather3A_1958, %mul3A_1960 : vector<16xf32>
    %scan3A_1962 = arith.constant 0 : i32
    %scan3A_1963 = arith.constant 0 : i32
    %scan3A_1964 = arith.constant 40 : i32
    %scan3A_1965 = arith.addi %scan3A_1963, %scan3A_1964 : i32
    %scan3A_1966 = arith.constant 1 : i32
    scf.for %scan3A_2625 = %scan3A_1963 to %scan3A_1965 step %scan3A_1966  : i32 {
      %mul3A_2626 = arith.constant 16 : i32
      %mul3A_2627 = arith.muli %scan3A_2625, %mul3A_2626 : i32
      %get3A = arith.index_cast %mul3A_2627 : i32 to index
      %get3A_2628 = tpu.vector_load %arg6[%get3A] {strides = array<i32>} : memref<5120xf32, #tpu.memory_space<vmem>>, vector<16xf32>,
      %get3A_2629 = vector.shape_cast %get3A_2628 : vector<16xf32> to vector<16xf32>
      %mul3A_2630 = arith.mulf %mul3A_1909, %get3A_2629 : vector<16xf32>
      %mul3A_2631 = arith.constant 16 : i32
      %mul3A_2632 = arith.muli %scan3A_2625, %mul3A_2631 : i32
      %add3A_2633 = arith.constant 640 : i32
      %add3A_2634 = arith.addi %add3A_2633, %mul3A_2632 : i32
      %get3A_2635 = arith.index_cast %add3A_2634 : i32 to index
      %get3A_2636 = tpu.vector_load %arg6[%get3A_2635] {strides = array<i32>} : memref<5120xf32, #tpu.memory_space<vmem>>, vector<16xf32>,
      %get3A_2637 = vector.shape_cast %get3A_2636 : vector<16xf32> to vector<16xf32>
      %mul3A_2638 = arith.mulf %mul3A_1922, %get3A_2637 : vector<16xf32>
      %add3A_2639 = arith.addf %mul3A_2630, %mul3A_2638 : vector<16xf32>
      %mul3A_2640 = arith.constant 16 : i32
      %mul3A_2641 = arith.muli %scan3A_2625, %mul3A_2640 : i32
      %add3A_2642 = arith.constant 1280 : i32
      %add3A_2643 = arith.addi %add3A_2642, %mul3A_2641 : i32
      %get3A_2644 = arith.index_cast %add3A_2643 : i32 to index
      %get3A_2645 = tpu.vector_load %arg6[%get3A_2644] {strides = array<i32>} : memref<5120xf32, #tpu.memory_space<vmem>>, vector<16xf32>,
      %get3A_2646 = vector.shape_cast %get3A_2645 : vector<16xf32> to vector<16xf32>
      %mul3A_2647 = arith.mulf %mul3A_1935, %get3A_2646 : vector<16xf32>
      %add3A_2648 = arith.addf %add3A_2639, %mul3A_2647 : vector<16xf32>
      %mul3A_2649 = arith.constant 16 : i32
      %mul3A_2650 = arith.muli %scan3A_2625, %mul3A_2649 : i32
      %add3A_2651 = arith.constant 1920 : i32
      %add3A_2652 = arith.addi %add3A_2651, %mul3A_2650 : i32
      %get3A_2653 = arith.index_cast %add3A_2652 : i32 to index
      %get3A_2654 = tpu.vector_load %arg6[%get3A_2653] {strides = array<i32>} : memref<5120xf32, #tpu.memory_space<vmem>>, vector<16xf32>,
      %get3A_2655 = vector.shape_cast %get3A_2654 : vector<16xf32> to vector<16xf32>
      %mul3A_2656 = arith.mulf %mul3A_1948, %get3A_2655 : vector<16xf32>
      %add3A_2657 = arith.addf %add3A_2648, %mul3A_2656 : vector<16xf32>
      %mul3A_2658 = arith.constant 16 : i32
      %mul3A_2659 = arith.muli %scan3A_2625, %mul3A_2658 : i32
      %add3A_2660 = arith.constant 2560 : i32
      %add3A_2661 = arith.addi %add3A_2660, %mul3A_2659 : i32
      %get3A_2662 = arith.index_cast %add3A_2661 : i32 to index
      %get3A_2663 = tpu.vector_load %arg6[%get3A_2662] {strides = array<i32>} : memref<5120xf32, #tpu.memory_space<vmem>>, vector<16xf32>,
      %get3A_2664 = vector.shape_cast %get3A_2663 : vector<16xf32> to vector<16xf32>
      %mul3A_2665 = arith.mulf %mul3A_1961, %get3A_2664 : vector<16xf32>
      %add3A_2666 = arith.addf %add3A_2657, %mul3A_2665 : vector<16xf32>
      %mul3A_2667 = arith.constant 16 : i32
      %mul3A_2668 = arith.muli %scan3A_2625, %mul3A_2667 : i32
      %add3A_2669 = arith.constant 14720 : i32
      %add3A_2670 = arith.addi %add3A_2669, %mul3A_2668 : i32
      %swap3A = arith.index_cast %add3A_2670 : i32 to index
      %swap3A_2671 = tpu.vector_load %arg7[%swap3A] {strides = array<i32>} : memref<20480xf32, #tpu.memory_space<vmem>>, vector<16xf32>,
      %swap3A_2672 = vector.shape_cast %swap3A_2671 : vector<16xf32> to vector<16xf32>
      %swap3A_2673 = vector.shape_cast %add3A_2666 : vector<16xf32> to vector<16xf32>
      tpu.vector_store %arg7[%swap3A], %swap3A_2673 {strides = array<i32>} : memref<20480xf32, #tpu.memory_space<vmem>>, vector<16xf32>,
    }
    %scan3A_1967 = arith.constant 40 : i32
    %broadcast_in_dim3A_1968 = arith.constant 0.000000e+00 : f32
    %broadcast_in_dim3A_1969 = vector.broadcast %broadcast_in_dim3A_1968 : f32 to vector<16xf32>
    %broadcast_in_dim3A_1970 = arith.constant 0.000000e+00 : f32
    %broadcast_in_dim3A_1971 = vector.broadcast %broadcast_in_dim3A_1970 : f32 to vector<16xf32>
    %broadcast_in_dim3A_1972 = arith.constant 0.000000e+00 : f32
    %broadcast_in_dim3A_1973 = vector.broadcast %broadcast_in_dim3A_1972 : f32 to vector<16xf32>
    %broadcast_in_dim3A_1974 = arith.constant 0.000000e+00 : f32
    %broadcast_in_dim3A_1975 = vector.broadcast %broadcast_in_dim3A_1974 : f32 to vector<16xf32>
    %broadcast_in_dim3A_1976 = arith.constant 0.000000e+00 : f32
    %broadcast_in_dim3A_1977 = vector.broadcast %broadcast_in_dim3A_1976 : f32 to vector<16xf32>
    %scan3A_1978 = arith.constant 0 : i32
    %scan3A_1979 = arith.constant 256 : i32
    %scan3A_1980 = arith.addi %scan3A_1978, %scan3A_1979 : i32
    %scan3A_1981 = arith.constant 1 : i32
    %scan3A_1982:5 = scf.for %scan3A_2625 = %scan3A_1978 to %scan3A_1980 step %scan3A_1981 iter_args(%scan3A_2626 = %broadcast_in_dim3A_1969, %scan3A_2627 = %broadcast_in_dim3A_1971, %scan3A_2628 = %broadcast_in_dim3A_1973, %scan3A_2629 = %broadcast_in_dim3A_1975, %scan3A_2630 = %broadcast_in_dim3A_1977) -> (vector<16xf32>, vector<16xf32>, vector<16xf32>, vector<16xf32>, vector<16xf32>)  : i32 {
      %mul3A_2631 = arith.constant 16 : i32
      %mul3A_2632 = arith.muli %scan3A_2625, %mul3A_2631 : i32
      %add3A_2633 = arith.constant 12288 : i32
      %add3A_2634 = arith.addi %add3A_2633, %mul3A_2632 : i32
      %get3A = arith.index_cast %add3A_2634 : i32 to index
      %get3A_2635 = tpu.vector_load %arg5[%get3A] {strides = array<i32>} : memref<16384xi32, #tpu.memory_space<vmem>>, vector<16xi32>,
      %get3A_2636 = vector.shape_cast %get3A_2635 : vector<16xi32> to vector<16xi32>
      %eq3A = arith.constant 0 : i32
      %eq3A_2637 = vector.broadcast %eq3A : i32 to vector<16xi32>
      %eq3A_2638 = arith.cmpi eq, %get3A_2636, %eq3A_2637 : vector<16xi32>
      %jit3A = arith.constant 1.000000e+00 : f32
      %jit3A_2639 = arith.constant 0.000000e+00 : f32
      %broadcast_in_dim3A_2640 = vector.broadcast %jit3A : f32 to vector<16xf32>
      %broadcast_in_dim3A_2641 = vector.broadcast %jit3A_2639 : f32 to vector<16xf32>
      %select_n3A_2642 = arith.select %eq3A_2638, %broadcast_in_dim3A_2640, %broadcast_in_dim3A_2641 : vector<16xi1>, vector<16xf32>
      %add3A_2643 = arith.addf %scan3A_2626, %select_n3A_2642 : vector<16xf32>
      %eq3A_2644 = arith.constant 1 : i32
      %eq3A_2645 = vector.broadcast %eq3A_2644 : i32 to vector<16xi32>
      %eq3A_2646 = arith.cmpi eq, %get3A_2636, %eq3A_2645 : vector<16xi32>
      %jit3A_2647 = arith.constant 1.000000e+00 : f32
      %jit3A_2648 = arith.constant 0.000000e+00 : f32
      %broadcast_in_dim3A_2649 = vector.broadcast %jit3A_2647 : f32 to vector<16xf32>
      %broadcast_in_dim3A_2650 = vector.broadcast %jit3A_2648 : f32 to vector<16xf32>
      %select_n3A_2651 = arith.select %eq3A_2646, %broadcast_in_dim3A_2649, %broadcast_in_dim3A_2650 : vector<16xi1>, vector<16xf32>
      %add3A_2652 = arith.addf %scan3A_2627, %select_n3A_2651 : vector<16xf32>
      %eq3A_2653 = arith.constant 2 : i32
      %eq3A_2654 = vector.broadcast %eq3A_2653 : i32 to vector<16xi32>
      %eq3A_2655 = arith.cmpi eq, %get3A_2636, %eq3A_2654 : vector<16xi32>
      %jit3A_2656 = arith.constant 1.000000e+00 : f32
      %jit3A_2657 = arith.constant 0.000000e+00 : f32
      %broadcast_in_dim3A_2658 = vector.broadcast %jit3A_2656 : f32 to vector<16xf32>
      %broadcast_in_dim3A_2659 = vector.broadcast %jit3A_2657 : f32 to vector<16xf32>
      %select_n3A_2660 = arith.select %eq3A_2655, %broadcast_in_dim3A_2658, %broadcast_in_dim3A_2659 : vector<16xi1>, vector<16xf32>
      %add3A_2661 = arith.addf %scan3A_2628, %select_n3A_2660 : vector<16xf32>
      %eq3A_2662 = arith.constant 3 : i32
      %eq3A_2663 = vector.broadcast %eq3A_2662 : i32 to vector<16xi32>
      %eq3A_2664 = arith.cmpi eq, %get3A_2636, %eq3A_2663 : vector<16xi32>
      %jit3A_2665 = arith.constant 1.000000e+00 : f32
      %jit3A_2666 = arith.constant 0.000000e+00 : f32
      %broadcast_in_dim3A_2667 = vector.broadcast %jit3A_2665 : f32 to vector<16xf32>
      %broadcast_in_dim3A_2668 = vector.broadcast %jit3A_2666 : f32 to vector<16xf32>
      %select_n3A_2669 = arith.select %eq3A_2664, %broadcast_in_dim3A_2667, %broadcast_in_dim3A_2668 : vector<16xi1>, vector<16xf32>
      %add3A_2670 = arith.addf %scan3A_2629, %select_n3A_2669 : vector<16xf32>
      %eq3A_2671 = arith.constant 4 : i32
      %eq3A_2672 = vector.broadcast %eq3A_2671 : i32 to vector<16xi32>
      %eq3A_2673 = arith.cmpi eq, %get3A_2636, %eq3A_2672 : vector<16xi32>
      %jit3A_2674 = arith.constant 1.000000e+00 : f32
      %jit3A_2675 = arith.constant 0.000000e+00 : f32
      %broadcast_in_dim3A_2676 = vector.broadcast %jit3A_2674 : f32 to vector<16xf32>
      %broadcast_in_dim3A_2677 = vector.broadcast %jit3A_2675 : f32 to vector<16xf32>
      %select_n3A_2678 = arith.select %eq3A_2673, %broadcast_in_dim3A_2676, %broadcast_in_dim3A_2677 : vector<16xi1>, vector<16xf32>
      %add3A_2679 = arith.addf %scan3A_2630, %select_n3A_2678 : vector<16xf32>
      scf.yield %add3A_2643, %add3A_2652, %add3A_2661, %add3A_2670, %add3A_2679 : vector<16xf32>, vector<16xf32>, vector<16xf32>, vector<16xf32>, vector<16xf32>
    }
    %scan3A_1983 = arith.constant 256 : i32
    %lt3A_1984 = arith.constant 0 : i32
    %lt3A_1985 = vector.broadcast %lt3A_1984 : i32 to vector<16xi32>
    %lt3A_1986 = arith.cmpi slt, %and3A_7, %lt3A_1985 : vector<16xi32>
    %add3A_1987 = arith.constant 16 : i32
    %add3A_1988 = vector.broadcast %add3A_1987 : i32 to vector<16xi32>
    %add3A_1989 = arith.addi %and3A_7, %add3A_1988 : vector<16xi32>
    %select_n3A_1990 = arith.select %lt3A_1986, %add3A_1989, %and3A_7 : vector<16xi1>, vector<16xi32>
    %broadcast_in_dim3A_1991 = vector.shape_cast %select_n3A_1990 : vector<16xi32> to vector<16x1xi32>
    %gather3A_1992 = vector.shape_cast %broadcast_in_dim3A_1991 : vector<16x1xi32> to vector<16xi32>
    %gather3A_1993 = tpu.dynamic_gather %scan3A_1982#0[%gather3A_1992] in [0] : vector<16xf32>, vector<16xi32> -> vector<16xf32>
    %add3A_1994 = arith.addf %scan3A_1982#0, %gather3A_1993 : vector<16xf32>
    %lt3A_1995 = arith.constant 0 : i32
    %lt3A_1996 = vector.broadcast %lt3A_1995 : i32 to vector<16xi32>
    %lt3A_1997 = arith.cmpi slt, %and3A_7, %lt3A_1996 : vector<16xi32>
    %add3A_1998 = arith.constant 16 : i32
    %add3A_1999 = vector.broadcast %add3A_1998 : i32 to vector<16xi32>
    %add3A_2000 = arith.addi %and3A_7, %add3A_1999 : vector<16xi32>
    %select_n3A_2001 = arith.select %lt3A_1997, %add3A_2000, %and3A_7 : vector<16xi1>, vector<16xi32>
    %broadcast_in_dim3A_2002 = vector.shape_cast %select_n3A_2001 : vector<16xi32> to vector<16x1xi32>
    %gather3A_2003 = vector.shape_cast %broadcast_in_dim3A_2002 : vector<16x1xi32> to vector<16xi32>
    %gather3A_2004 = tpu.dynamic_gather %scan3A_1982#1[%gather3A_2003] in [0] : vector<16xf32>, vector<16xi32> -> vector<16xf32>
    %add3A_2005 = arith.addf %scan3A_1982#1, %gather3A_2004 : vector<16xf32>
    %lt3A_2006 = arith.constant 0 : i32
    %lt3A_2007 = vector.broadcast %lt3A_2006 : i32 to vector<16xi32>
    %lt3A_2008 = arith.cmpi slt, %and3A_7, %lt3A_2007 : vector<16xi32>
    %add3A_2009 = arith.constant 16 : i32
    %add3A_2010 = vector.broadcast %add3A_2009 : i32 to vector<16xi32>
    %add3A_2011 = arith.addi %and3A_7, %add3A_2010 : vector<16xi32>
    %select_n3A_2012 = arith.select %lt3A_2008, %add3A_2011, %and3A_7 : vector<16xi1>, vector<16xi32>
    %broadcast_in_dim3A_2013 = vector.shape_cast %select_n3A_2012 : vector<16xi32> to vector<16x1xi32>
    %gather3A_2014 = vector.shape_cast %broadcast_in_dim3A_2013 : vector<16x1xi32> to vector<16xi32>
    %gather3A_2015 = tpu.dynamic_gather %scan3A_1982#2[%gather3A_2014] in [0] : vector<16xf32>, vector<16xi32> -> vector<16xf32>
    %add3A_2016 = arith.addf %scan3A_1982#2, %gather3A_2015 : vector<16xf32>
    %lt3A_2017 = arith.constant 0 : i32
    %lt3A_2018 = vector.broadcast %lt3A_2017 : i32 to vector<16xi32>
    %lt3A_2019 = arith.cmpi slt, %and3A_7, %lt3A_2018 : vector<16xi32>
    %add3A_2020 = arith.constant 16 : i32
    %add3A_2021 = vector.broadcast %add3A_2020 : i32 to vector<16xi32>
    %add3A_2022 = arith.addi %and3A_7, %add3A_2021 : vector<16xi32>
    %select_n3A_2023 = arith.select %lt3A_2019, %add3A_2022, %and3A_7 : vector<16xi1>, vector<16xi32>
    %broadcast_in_dim3A_2024 = vector.shape_cast %select_n3A_2023 : vector<16xi32> to vector<16x1xi32>
    %gather3A_2025 = vector.shape_cast %broadcast_in_dim3A_2024 : vector<16x1xi32> to vector<16xi32>
    %gather3A_2026 = tpu.dynamic_gather %scan3A_1982#3[%gather3A_2025] in [0] : vector<16xf32>, vector<16xi32> -> vector<16xf32>
    %add3A_2027 = arith.addf %scan3A_1982#3, %gather3A_2026 : vector<16xf32>
    %lt3A_2028 = arith.constant 0 : i32
    %lt3A_2029 = vector.broadcast %lt3A_2028 : i32 to vector<16xi32>
    %lt3A_2030 = arith.cmpi slt, %and3A_7, %lt3A_2029 : vector<16xi32>
    %add3A_2031 = arith.constant 16 : i32
    %add3A_2032 = vector.broadcast %add3A_2031 : i32 to vector<16xi32>
    %add3A_2033 = arith.addi %and3A_7, %add3A_2032 : vector<16xi32>
    %select_n3A_2034 = arith.select %lt3A_2030, %add3A_2033, %and3A_7 : vector<16xi1>, vector<16xi32>
    %broadcast_in_dim3A_2035 = vector.shape_cast %select_n3A_2034 : vector<16xi32> to vector<16x1xi32>
    %gather3A_2036 = vector.shape_cast %broadcast_in_dim3A_2035 : vector<16x1xi32> to vector<16xi32>
    %gather3A_2037 = tpu.dynamic_gather %scan3A_1982#4[%gather3A_2036] in [0] : vector<16xf32>, vector<16xi32> -> vector<16xf32>
    %add3A_2038 = arith.addf %scan3A_1982#4, %gather3A_2037 : vector<16xf32>
    %broadcast_in_dim3A_2039 = arith.constant 0 : i32
    %broadcast_in_dim3A_2040 = vector.broadcast %broadcast_in_dim3A_2039 : i32 to vector<16xi32>
    %lt3A_2041 = arith.constant 0 : i32
    %lt3A_2042 = vector.broadcast %lt3A_2041 : i32 to vector<16xi32>
    %lt3A_2043 = arith.cmpi slt, %broadcast_in_dim3A_2040, %lt3A_2042 : vector<16xi32>
    %add3A_2044 = arith.constant 16 : i32
    %add3A_2045 = vector.broadcast %add3A_2044 : i32 to vector<16xi32>
    %add3A_2046 = arith.addi %broadcast_in_dim3A_2040, %add3A_2045 : vector<16xi32>
    %select_n3A_2047 = arith.select %lt3A_2043, %add3A_2046, %broadcast_in_dim3A_2040 : vector<16xi1>, vector<16xi32>
    %broadcast_in_dim3A_2048 = vector.shape_cast %select_n3A_2047 : vector<16xi32> to vector<16x1xi32>
    %gather3A_2049 = vector.shape_cast %broadcast_in_dim3A_2048 : vector<16x1xi32> to vector<16xi32>
    %gather3A_2050 = tpu.dynamic_gather %add3A_1994[%gather3A_2049] in [0] : vector<16xf32>, vector<16xi32> -> vector<16xf32>
    %mul3A_2051 = arith.constant 0.001953125 : f32
    %mul3A_2052 = vector.broadcast %mul3A_2051 : f32 to vector<16xf32>
    %mul3A_2053 = arith.mulf %gather3A_2050, %mul3A_2052 : vector<16xf32>
    %lt3A_2054 = arith.constant 0 : i32
    %lt3A_2055 = vector.broadcast %lt3A_2054 : i32 to vector<16xi32>
    %lt3A_2056 = arith.cmpi slt, %broadcast_in_dim3A_2040, %lt3A_2055 : vector<16xi32>
    %add3A_2057 = arith.constant 16 : i32
    %add3A_2058 = vector.broadcast %add3A_2057 : i32 to vector<16xi32>
    %add3A_2059 = arith.addi %broadcast_in_dim3A_2040, %add3A_2058 : vector<16xi32>
    %select_n3A_2060 = arith.select %lt3A_2056, %add3A_2059, %broadcast_in_dim3A_2040 : vector<16xi1>, vector<16xi32>
    %broadcast_in_dim3A_2061 = vector.shape_cast %select_n3A_2060 : vector<16xi32> to vector<16x1xi32>
    %gather3A_2062 = vector.shape_cast %broadcast_in_dim3A_2061 : vector<16x1xi32> to vector<16xi32>
    %gather3A_2063 = tpu.dynamic_gather %add3A_2005[%gather3A_2062] in [0] : vector<16xf32>, vector<16xi32> -> vector<16xf32>
    %mul3A_2064 = arith.constant 0.001953125 : f32
    %mul3A_2065 = vector.broadcast %mul3A_2064 : f32 to vector<16xf32>
    %mul3A_2066 = arith.mulf %gather3A_2063, %mul3A_2065 : vector<16xf32>
    %lt3A_2067 = arith.constant 0 : i32
    %lt3A_2068 = vector.broadcast %lt3A_2067 : i32 to vector<16xi32>
    %lt3A_2069 = arith.cmpi slt, %broadcast_in_dim3A_2040, %lt3A_2068 : vector<16xi32>
    %add3A_2070 = arith.constant 16 : i32
    %add3A_2071 = vector.broadcast %add3A_2070 : i32 to vector<16xi32>
    %add3A_2072 = arith.addi %broadcast_in_dim3A_2040, %add3A_2071 : vector<16xi32>
    %select_n3A_2073 = arith.select %lt3A_2069, %add3A_2072, %broadcast_in_dim3A_2040 : vector<16xi1>, vector<16xi32>
    %broadcast_in_dim3A_2074 = vector.shape_cast %select_n3A_2073 : vector<16xi32> to vector<16x1xi32>
    %gather3A_2075 = vector.shape_cast %broadcast_in_dim3A_2074 : vector<16x1xi32> to vector<16xi32>
    %gather3A_2076 = tpu.dynamic_gather %add3A_2016[%gather3A_2075] in [0] : vector<16xf32>, vector<16xi32> -> vector<16xf32>
    %mul3A_2077 = arith.constant 0.001953125 : f32
    %mul3A_2078 = vector.broadcast %mul3A_2077 : f32 to vector<16xf32>
    %mul3A_2079 = arith.mulf %gather3A_2076, %mul3A_2078 : vector<16xf32>
    %lt3A_2080 = arith.constant 0 : i32
    %lt3A_2081 = vector.broadcast %lt3A_2080 : i32 to vector<16xi32>
    %lt3A_2082 = arith.cmpi slt, %broadcast_in_dim3A_2040, %lt3A_2081 : vector<16xi32>
    %add3A_2083 = arith.constant 16 : i32
    %add3A_2084 = vector.broadcast %add3A_2083 : i32 to vector<16xi32>
    %add3A_2085 = arith.addi %broadcast_in_dim3A_2040, %add3A_2084 : vector<16xi32>
    %select_n3A_2086 = arith.select %lt3A_2082, %add3A_2085, %broadcast_in_dim3A_2040 : vector<16xi1>, vector<16xi32>
    %broadcast_in_dim3A_2087 = vector.shape_cast %select_n3A_2086 : vector<16xi32> to vector<16x1xi32>
    %gather3A_2088 = vector.shape_cast %broadcast_in_dim3A_2087 : vector<16x1xi32> to vector<16xi32>
    %gather3A_2089 = tpu.dynamic_gather %add3A_2027[%gather3A_2088] in [0] : vector<16xf32>, vector<16xi32> -> vector<16xf32>
    %mul3A_2090 = arith.constant 0.001953125 : f32
    %mul3A_2091 = vector.broadcast %mul3A_2090 : f32 to vector<16xf32>
    %mul3A_2092 = arith.mulf %gather3A_2089, %mul3A_2091 : vector<16xf32>
    %lt3A_2093 = arith.constant 0 : i32
    %lt3A_2094 = vector.broadcast %lt3A_2093 : i32 to vector<16xi32>
    %lt3A_2095 = arith.cmpi slt, %broadcast_in_dim3A_2040, %lt3A_2094 : vector<16xi32>
    %add3A_2096 = arith.constant 16 : i32
    %add3A_2097 = vector.broadcast %add3A_2096 : i32 to vector<16xi32>
    %add3A_2098 = arith.addi %broadcast_in_dim3A_2040, %add3A_2097 : vector<16xi32>
    %select_n3A_2099 = arith.select %lt3A_2095, %add3A_2098, %broadcast_in_dim3A_2040 : vector<16xi1>, vector<16xi32>
    %broadcast_in_dim3A_2100 = vector.shape_cast %select_n3A_2099 : vector<16xi32> to vector<16x1xi32>
    %gather3A_2101 = vector.shape_cast %broadcast_in_dim3A_2100 : vector<16x1xi32> to vector<16xi32>
    %gather3A_2102 = tpu.dynamic_gather %add3A_2038[%gather3A_2101] in [0] : vector<16xf32>, vector<16xi32> -> vector<16xf32>
    %mul3A_2103 = arith.constant 0.001953125 : f32
    %mul3A_2104 = vector.broadcast %mul3A_2103 : f32 to vector<16xf32>
    %mul3A_2105 = arith.mulf %gather3A_2102, %mul3A_2104 : vector<16xf32>
    %scan3A_2106 = arith.constant 0 : i32
    %scan3A_2107 = arith.constant 0 : i32
    %scan3A_2108 = arith.constant 40 : i32
    %scan3A_2109 = arith.addi %scan3A_2107, %scan3A_2108 : i32
    %scan3A_2110 = arith.constant 1 : i32
    scf.for %scan3A_2625 = %scan3A_2107 to %scan3A_2109 step %scan3A_2110  : i32 {
      %mul3A_2626 = arith.constant 16 : i32
      %mul3A_2627 = arith.muli %scan3A_2625, %mul3A_2626 : i32
      %get3A = arith.index_cast %mul3A_2627 : i32 to index
      %get3A_2628 = tpu.vector_load %arg6[%get3A] {strides = array<i32>} : memref<5120xf32, #tpu.memory_space<vmem>>, vector<16xf32>,
      %get3A_2629 = vector.shape_cast %get3A_2628 : vector<16xf32> to vector<16xf32>
      %mul3A_2630 = arith.mulf %mul3A_2053, %get3A_2629 : vector<16xf32>
      %mul3A_2631 = arith.constant 16 : i32
      %mul3A_2632 = arith.muli %scan3A_2625, %mul3A_2631 : i32
      %add3A_2633 = arith.constant 640 : i32
      %add3A_2634 = arith.addi %add3A_2633, %mul3A_2632 : i32
      %get3A_2635 = arith.index_cast %add3A_2634 : i32 to index
      %get3A_2636 = tpu.vector_load %arg6[%get3A_2635] {strides = array<i32>} : memref<5120xf32, #tpu.memory_space<vmem>>, vector<16xf32>,
      %get3A_2637 = vector.shape_cast %get3A_2636 : vector<16xf32> to vector<16xf32>
      %mul3A_2638 = arith.mulf %mul3A_2066, %get3A_2637 : vector<16xf32>
      %add3A_2639 = arith.addf %mul3A_2630, %mul3A_2638 : vector<16xf32>
      %mul3A_2640 = arith.constant 16 : i32
      %mul3A_2641 = arith.muli %scan3A_2625, %mul3A_2640 : i32
      %add3A_2642 = arith.constant 1280 : i32
      %add3A_2643 = arith.addi %add3A_2642, %mul3A_2641 : i32
      %get3A_2644 = arith.index_cast %add3A_2643 : i32 to index
      %get3A_2645 = tpu.vector_load %arg6[%get3A_2644] {strides = array<i32>} : memref<5120xf32, #tpu.memory_space<vmem>>, vector<16xf32>,
      %get3A_2646 = vector.shape_cast %get3A_2645 : vector<16xf32> to vector<16xf32>
      %mul3A_2647 = arith.mulf %mul3A_2079, %get3A_2646 : vector<16xf32>
      %add3A_2648 = arith.addf %add3A_2639, %mul3A_2647 : vector<16xf32>
      %mul3A_2649 = arith.constant 16 : i32
      %mul3A_2650 = arith.muli %scan3A_2625, %mul3A_2649 : i32
      %add3A_2651 = arith.constant 1920 : i32
      %add3A_2652 = arith.addi %add3A_2651, %mul3A_2650 : i32
      %get3A_2653 = arith.index_cast %add3A_2652 : i32 to index
      %get3A_2654 = tpu.vector_load %arg6[%get3A_2653] {strides = array<i32>} : memref<5120xf32, #tpu.memory_space<vmem>>, vector<16xf32>,
      %get3A_2655 = vector.shape_cast %get3A_2654 : vector<16xf32> to vector<16xf32>
      %mul3A_2656 = arith.mulf %mul3A_2092, %get3A_2655 : vector<16xf32>
      %add3A_2657 = arith.addf %add3A_2648, %mul3A_2656 : vector<16xf32>
      %mul3A_2658 = arith.constant 16 : i32
      %mul3A_2659 = arith.muli %scan3A_2625, %mul3A_2658 : i32
      %add3A_2660 = arith.constant 2560 : i32
      %add3A_2661 = arith.addi %add3A_2660, %mul3A_2659 : i32
      %get3A_2662 = arith.index_cast %add3A_2661 : i32 to index
      %get3A_2663 = tpu.vector_load %arg6[%get3A_2662] {strides = array<i32>} : memref<5120xf32, #tpu.memory_space<vmem>>, vector<16xf32>,
      %get3A_2664 = vector.shape_cast %get3A_2663 : vector<16xf32> to vector<16xf32>
      %mul3A_2665 = arith.mulf %mul3A_2105, %get3A_2664 : vector<16xf32>
      %add3A_2666 = arith.addf %add3A_2657, %mul3A_2665 : vector<16xf32>
      %mul3A_2667 = arith.constant 16 : i32
      %mul3A_2668 = arith.muli %scan3A_2625, %mul3A_2667 : i32
      %add3A_2669 = arith.constant 15360 : i32
      %add3A_2670 = arith.addi %add3A_2669, %mul3A_2668 : i32
      %swap3A = arith.index_cast %add3A_2670 : i32 to index
      %swap3A_2671 = tpu.vector_load %arg7[%swap3A] {strides = array<i32>} : memref<20480xf32, #tpu.memory_space<vmem>>, vector<16xf32>,
      %swap3A_2672 = vector.shape_cast %swap3A_2671 : vector<16xf32> to vector<16xf32>
      %swap3A_2673 = vector.shape_cast %add3A_2666 : vector<16xf32> to vector<16xf32>
      tpu.vector_store %arg7[%swap3A], %swap3A_2673 {strides = array<i32>} : memref<20480xf32, #tpu.memory_space<vmem>>, vector<16xf32>,
    }
    %scan3A_2111 = arith.constant 40 : i32
    %broadcast_in_dim3A_2112 = arith.constant 1 : i32
    %broadcast_in_dim3A_2113 = vector.broadcast %broadcast_in_dim3A_2112 : i32 to vector<16xi32>
    %lt3A_2114 = arith.constant 0 : i32
    %lt3A_2115 = vector.broadcast %lt3A_2114 : i32 to vector<16xi32>
    %lt3A_2116 = arith.cmpi slt, %broadcast_in_dim3A_2113, %lt3A_2115 : vector<16xi32>
    %add3A_2117 = arith.constant 16 : i32
    %add3A_2118 = vector.broadcast %add3A_2117 : i32 to vector<16xi32>
    %add3A_2119 = arith.addi %broadcast_in_dim3A_2113, %add3A_2118 : vector<16xi32>
    %select_n3A_2120 = arith.select %lt3A_2116, %add3A_2119, %broadcast_in_dim3A_2113 : vector<16xi1>, vector<16xi32>
    %broadcast_in_dim3A_2121 = vector.shape_cast %select_n3A_2120 : vector<16xi32> to vector<16x1xi32>
    %gather3A_2122 = vector.shape_cast %broadcast_in_dim3A_2121 : vector<16x1xi32> to vector<16xi32>
    %gather3A_2123 = tpu.dynamic_gather %add3A_1994[%gather3A_2122] in [0] : vector<16xf32>, vector<16xi32> -> vector<16xf32>
    %mul3A_2124 = arith.constant 0.001953125 : f32
    %mul3A_2125 = vector.broadcast %mul3A_2124 : f32 to vector<16xf32>
    %mul3A_2126 = arith.mulf %gather3A_2123, %mul3A_2125 : vector<16xf32>
    %lt3A_2127 = arith.constant 0 : i32
    %lt3A_2128 = vector.broadcast %lt3A_2127 : i32 to vector<16xi32>
    %lt3A_2129 = arith.cmpi slt, %broadcast_in_dim3A_2113, %lt3A_2128 : vector<16xi32>
    %add3A_2130 = arith.constant 16 : i32
    %add3A_2131 = vector.broadcast %add3A_2130 : i32 to vector<16xi32>
    %add3A_2132 = arith.addi %broadcast_in_dim3A_2113, %add3A_2131 : vector<16xi32>
    %select_n3A_2133 = arith.select %lt3A_2129, %add3A_2132, %broadcast_in_dim3A_2113 : vector<16xi1>, vector<16xi32>
    %broadcast_in_dim3A_2134 = vector.shape_cast %select_n3A_2133 : vector<16xi32> to vector<16x1xi32>
    %gather3A_2135 = vector.shape_cast %broadcast_in_dim3A_2134 : vector<16x1xi32> to vector<16xi32>
    %gather3A_2136 = tpu.dynamic_gather %add3A_2005[%gather3A_2135] in [0] : vector<16xf32>, vector<16xi32> -> vector<16xf32>
    %mul3A_2137 = arith.constant 0.001953125 : f32
    %mul3A_2138 = vector.broadcast %mul3A_2137 : f32 to vector<16xf32>
    %mul3A_2139 = arith.mulf %gather3A_2136, %mul3A_2138 : vector<16xf32>
    %lt3A_2140 = arith.constant 0 : i32
    %lt3A_2141 = vector.broadcast %lt3A_2140 : i32 to vector<16xi32>
    %lt3A_2142 = arith.cmpi slt, %broadcast_in_dim3A_2113, %lt3A_2141 : vector<16xi32>
    %add3A_2143 = arith.constant 16 : i32
    %add3A_2144 = vector.broadcast %add3A_2143 : i32 to vector<16xi32>
    %add3A_2145 = arith.addi %broadcast_in_dim3A_2113, %add3A_2144 : vector<16xi32>
    %select_n3A_2146 = arith.select %lt3A_2142, %add3A_2145, %broadcast_in_dim3A_2113 : vector<16xi1>, vector<16xi32>
    %broadcast_in_dim3A_2147 = vector.shape_cast %select_n3A_2146 : vector<16xi32> to vector<16x1xi32>
    %gather3A_2148 = vector.shape_cast %broadcast_in_dim3A_2147 : vector<16x1xi32> to vector<16xi32>
    %gather3A_2149 = tpu.dynamic_gather %add3A_2016[%gather3A_2148] in [0] : vector<16xf32>, vector<16xi32> -> vector<16xf32>
    %mul3A_2150 = arith.constant 0.001953125 : f32
    %mul3A_2151 = vector.broadcast %mul3A_2150 : f32 to vector<16xf32>
    %mul3A_2152 = arith.mulf %gather3A_2149, %mul3A_2151 : vector<16xf32>
    %lt3A_2153 = arith.constant 0 : i32
    %lt3A_2154 = vector.broadcast %lt3A_2153 : i32 to vector<16xi32>
    %lt3A_2155 = arith.cmpi slt, %broadcast_in_dim3A_2113, %lt3A_2154 : vector<16xi32>
    %add3A_2156 = arith.constant 16 : i32
    %add3A_2157 = vector.broadcast %add3A_2156 : i32 to vector<16xi32>
    %add3A_2158 = arith.addi %broadcast_in_dim3A_2113, %add3A_2157 : vector<16xi32>
    %select_n3A_2159 = arith.select %lt3A_2155, %add3A_2158, %broadcast_in_dim3A_2113 : vector<16xi1>, vector<16xi32>
    %broadcast_in_dim3A_2160 = vector.shape_cast %select_n3A_2159 : vector<16xi32> to vector<16x1xi32>
    %gather3A_2161 = vector.shape_cast %broadcast_in_dim3A_2160 : vector<16x1xi32> to vector<16xi32>
    %gather3A_2162 = tpu.dynamic_gather %add3A_2027[%gather3A_2161] in [0] : vector<16xf32>, vector<16xi32> -> vector<16xf32>
    %mul3A_2163 = arith.constant 0.001953125 : f32
    %mul3A_2164 = vector.broadcast %mul3A_2163 : f32 to vector<16xf32>
    %mul3A_2165 = arith.mulf %gather3A_2162, %mul3A_2164 : vector<16xf32>
    %lt3A_2166 = arith.constant 0 : i32
    %lt3A_2167 = vector.broadcast %lt3A_2166 : i32 to vector<16xi32>
    %lt3A_2168 = arith.cmpi slt, %broadcast_in_dim3A_2113, %lt3A_2167 : vector<16xi32>
    %add3A_2169 = arith.constant 16 : i32
    %add3A_2170 = vector.broadcast %add3A_2169 : i32 to vector<16xi32>
    %add3A_2171 = arith.addi %broadcast_in_dim3A_2113, %add3A_2170 : vector<16xi32>
    %select_n3A_2172 = arith.select %lt3A_2168, %add3A_2171, %broadcast_in_dim3A_2113 : vector<16xi1>, vector<16xi32>
    %broadcast_in_dim3A_2173 = vector.shape_cast %select_n3A_2172 : vector<16xi32> to vector<16x1xi32>
    %gather3A_2174 = vector.shape_cast %broadcast_in_dim3A_2173 : vector<16x1xi32> to vector<16xi32>
    %gather3A_2175 = tpu.dynamic_gather %add3A_2038[%gather3A_2174] in [0] : vector<16xf32>, vector<16xi32> -> vector<16xf32>
    %mul3A_2176 = arith.constant 0.001953125 : f32
    %mul3A_2177 = vector.broadcast %mul3A_2176 : f32 to vector<16xf32>
    %mul3A_2178 = arith.mulf %gather3A_2175, %mul3A_2177 : vector<16xf32>
    %scan3A_2179 = arith.constant 0 : i32
    %scan3A_2180 = arith.constant 0 : i32
    %scan3A_2181 = arith.constant 40 : i32
    %scan3A_2182 = arith.addi %scan3A_2180, %scan3A_2181 : i32
    %scan3A_2183 = arith.constant 1 : i32
    scf.for %scan3A_2625 = %scan3A_2180 to %scan3A_2182 step %scan3A_2183  : i32 {
      %mul3A_2626 = arith.constant 16 : i32
      %mul3A_2627 = arith.muli %scan3A_2625, %mul3A_2626 : i32
      %get3A = arith.index_cast %mul3A_2627 : i32 to index
      %get3A_2628 = tpu.vector_load %arg6[%get3A] {strides = array<i32>} : memref<5120xf32, #tpu.memory_space<vmem>>, vector<16xf32>,
      %get3A_2629 = vector.shape_cast %get3A_2628 : vector<16xf32> to vector<16xf32>
      %mul3A_2630 = arith.mulf %mul3A_2126, %get3A_2629 : vector<16xf32>
      %mul3A_2631 = arith.constant 16 : i32
      %mul3A_2632 = arith.muli %scan3A_2625, %mul3A_2631 : i32
      %add3A_2633 = arith.constant 640 : i32
      %add3A_2634 = arith.addi %add3A_2633, %mul3A_2632 : i32
      %get3A_2635 = arith.index_cast %add3A_2634 : i32 to index
      %get3A_2636 = tpu.vector_load %arg6[%get3A_2635] {strides = array<i32>} : memref<5120xf32, #tpu.memory_space<vmem>>, vector<16xf32>,
      %get3A_2637 = vector.shape_cast %get3A_2636 : vector<16xf32> to vector<16xf32>
      %mul3A_2638 = arith.mulf %mul3A_2139, %get3A_2637 : vector<16xf32>
      %add3A_2639 = arith.addf %mul3A_2630, %mul3A_2638 : vector<16xf32>
      %mul3A_2640 = arith.constant 16 : i32
      %mul3A_2641 = arith.muli %scan3A_2625, %mul3A_2640 : i32
      %add3A_2642 = arith.constant 1280 : i32
      %add3A_2643 = arith.addi %add3A_2642, %mul3A_2641 : i32
      %get3A_2644 = arith.index_cast %add3A_2643 : i32 to index
      %get3A_2645 = tpu.vector_load %arg6[%get3A_2644] {strides = array<i32>} : memref<5120xf32, #tpu.memory_space<vmem>>, vector<16xf32>,
      %get3A_2646 = vector.shape_cast %get3A_2645 : vector<16xf32> to vector<16xf32>
      %mul3A_2647 = arith.mulf %mul3A_2152, %get3A_2646 : vector<16xf32>
      %add3A_2648 = arith.addf %add3A_2639, %mul3A_2647 : vector<16xf32>
      %mul3A_2649 = arith.constant 16 : i32
      %mul3A_2650 = arith.muli %scan3A_2625, %mul3A_2649 : i32
      %add3A_2651 = arith.constant 1920 : i32
      %add3A_2652 = arith.addi %add3A_2651, %mul3A_2650 : i32
      %get3A_2653 = arith.index_cast %add3A_2652 : i32 to index
      %get3A_2654 = tpu.vector_load %arg6[%get3A_2653] {strides = array<i32>} : memref<5120xf32, #tpu.memory_space<vmem>>, vector<16xf32>,
      %get3A_2655 = vector.shape_cast %get3A_2654 : vector<16xf32> to vector<16xf32>
      %mul3A_2656 = arith.mulf %mul3A_2165, %get3A_2655 : vector<16xf32>
      %add3A_2657 = arith.addf %add3A_2648, %mul3A_2656 : vector<16xf32>
      %mul3A_2658 = arith.constant 16 : i32
      %mul3A_2659 = arith.muli %scan3A_2625, %mul3A_2658 : i32
      %add3A_2660 = arith.constant 2560 : i32
      %add3A_2661 = arith.addi %add3A_2660, %mul3A_2659 : i32
      %get3A_2662 = arith.index_cast %add3A_2661 : i32 to index
      %get3A_2663 = tpu.vector_load %arg6[%get3A_2662] {strides = array<i32>} : memref<5120xf32, #tpu.memory_space<vmem>>, vector<16xf32>,
      %get3A_2664 = vector.shape_cast %get3A_2663 : vector<16xf32> to vector<16xf32>
      %mul3A_2665 = arith.mulf %mul3A_2178, %get3A_2664 : vector<16xf32>
      %add3A_2666 = arith.addf %add3A_2657, %mul3A_2665 : vector<16xf32>
      %mul3A_2667 = arith.constant 16 : i32
      %mul3A_2668 = arith.muli %scan3A_2625, %mul3A_2667 : i32
      %add3A_2669 = arith.constant 16000 : i32
      %add3A_2670 = arith.addi %add3A_2669, %mul3A_2668 : i32
      %swap3A = arith.index_cast %add3A_2670 : i32 to index
      %swap3A_2671 = tpu.vector_load %arg7[%swap3A] {strides = array<i32>} : memref<20480xf32, #tpu.memory_space<vmem>>, vector<16xf32>,
      %swap3A_2672 = vector.shape_cast %swap3A_2671 : vector<16xf32> to vector<16xf32>
      %swap3A_2673 = vector.shape_cast %add3A_2666 : vector<16xf32> to vector<16xf32>
      tpu.vector_store %arg7[%swap3A], %swap3A_2673 {strides = array<i32>} : memref<20480xf32, #tpu.memory_space<vmem>>, vector<16xf32>,
    }
    %scan3A_2184 = arith.constant 40 : i32
    %broadcast_in_dim3A_2185 = arith.constant 2 : i32
    %broadcast_in_dim3A_2186 = vector.broadcast %broadcast_in_dim3A_2185 : i32 to vector<16xi32>
    %lt3A_2187 = arith.constant 0 : i32
    %lt3A_2188 = vector.broadcast %lt3A_2187 : i32 to vector<16xi32>
    %lt3A_2189 = arith.cmpi slt, %broadcast_in_dim3A_2186, %lt3A_2188 : vector<16xi32>
    %add3A_2190 = arith.constant 16 : i32
    %add3A_2191 = vector.broadcast %add3A_2190 : i32 to vector<16xi32>
    %add3A_2192 = arith.addi %broadcast_in_dim3A_2186, %add3A_2191 : vector<16xi32>
    %select_n3A_2193 = arith.select %lt3A_2189, %add3A_2192, %broadcast_in_dim3A_2186 : vector<16xi1>, vector<16xi32>
    %broadcast_in_dim3A_2194 = vector.shape_cast %select_n3A_2193 : vector<16xi32> to vector<16x1xi32>
    %gather3A_2195 = vector.shape_cast %broadcast_in_dim3A_2194 : vector<16x1xi32> to vector<16xi32>
    %gather3A_2196 = tpu.dynamic_gather %add3A_1994[%gather3A_2195] in [0] : vector<16xf32>, vector<16xi32> -> vector<16xf32>
    %mul3A_2197 = arith.constant 0.001953125 : f32
    %mul3A_2198 = vector.broadcast %mul3A_2197 : f32 to vector<16xf32>
    %mul3A_2199 = arith.mulf %gather3A_2196, %mul3A_2198 : vector<16xf32>
    %lt3A_2200 = arith.constant 0 : i32
    %lt3A_2201 = vector.broadcast %lt3A_2200 : i32 to vector<16xi32>
    %lt3A_2202 = arith.cmpi slt, %broadcast_in_dim3A_2186, %lt3A_2201 : vector<16xi32>
    %add3A_2203 = arith.constant 16 : i32
    %add3A_2204 = vector.broadcast %add3A_2203 : i32 to vector<16xi32>
    %add3A_2205 = arith.addi %broadcast_in_dim3A_2186, %add3A_2204 : vector<16xi32>
    %select_n3A_2206 = arith.select %lt3A_2202, %add3A_2205, %broadcast_in_dim3A_2186 : vector<16xi1>, vector<16xi32>
    %broadcast_in_dim3A_2207 = vector.shape_cast %select_n3A_2206 : vector<16xi32> to vector<16x1xi32>
    %gather3A_2208 = vector.shape_cast %broadcast_in_dim3A_2207 : vector<16x1xi32> to vector<16xi32>
    %gather3A_2209 = tpu.dynamic_gather %add3A_2005[%gather3A_2208] in [0] : vector<16xf32>, vector<16xi32> -> vector<16xf32>
    %mul3A_2210 = arith.constant 0.001953125 : f32
    %mul3A_2211 = vector.broadcast %mul3A_2210 : f32 to vector<16xf32>
    %mul3A_2212 = arith.mulf %gather3A_2209, %mul3A_2211 : vector<16xf32>
    %lt3A_2213 = arith.constant 0 : i32
    %lt3A_2214 = vector.broadcast %lt3A_2213 : i32 to vector<16xi32>
    %lt3A_2215 = arith.cmpi slt, %broadcast_in_dim3A_2186, %lt3A_2214 : vector<16xi32>
    %add3A_2216 = arith.constant 16 : i32
    %add3A_2217 = vector.broadcast %add3A_2216 : i32 to vector<16xi32>
    %add3A_2218 = arith.addi %broadcast_in_dim3A_2186, %add3A_2217 : vector<16xi32>
    %select_n3A_2219 = arith.select %lt3A_2215, %add3A_2218, %broadcast_in_dim3A_2186 : vector<16xi1>, vector<16xi32>
    %broadcast_in_dim3A_2220 = vector.shape_cast %select_n3A_2219 : vector<16xi32> to vector<16x1xi32>
    %gather3A_2221 = vector.shape_cast %broadcast_in_dim3A_2220 : vector<16x1xi32> to vector<16xi32>
    %gather3A_2222 = tpu.dynamic_gather %add3A_2016[%gather3A_2221] in [0] : vector<16xf32>, vector<16xi32> -> vector<16xf32>
    %mul3A_2223 = arith.constant 0.001953125 : f32
    %mul3A_2224 = vector.broadcast %mul3A_2223 : f32 to vector<16xf32>
    %mul3A_2225 = arith.mulf %gather3A_2222, %mul3A_2224 : vector<16xf32>
    %lt3A_2226 = arith.constant 0 : i32
    %lt3A_2227 = vector.broadcast %lt3A_2226 : i32 to vector<16xi32>
    %lt3A_2228 = arith.cmpi slt, %broadcast_in_dim3A_2186, %lt3A_2227 : vector<16xi32>
    %add3A_2229 = arith.constant 16 : i32
    %add3A_2230 = vector.broadcast %add3A_2229 : i32 to vector<16xi32>
    %add3A_2231 = arith.addi %broadcast_in_dim3A_2186, %add3A_2230 : vector<16xi32>
    %select_n3A_2232 = arith.select %lt3A_2228, %add3A_2231, %broadcast_in_dim3A_2186 : vector<16xi1>, vector<16xi32>
    %broadcast_in_dim3A_2233 = vector.shape_cast %select_n3A_2232 : vector<16xi32> to vector<16x1xi32>
    %gather3A_2234 = vector.shape_cast %broadcast_in_dim3A_2233 : vector<16x1xi32> to vector<16xi32>
    %gather3A_2235 = tpu.dynamic_gather %add3A_2027[%gather3A_2234] in [0] : vector<16xf32>, vector<16xi32> -> vector<16xf32>
    %mul3A_2236 = arith.constant 0.001953125 : f32
    %mul3A_2237 = vector.broadcast %mul3A_2236 : f32 to vector<16xf32>
    %mul3A_2238 = arith.mulf %gather3A_2235, %mul3A_2237 : vector<16xf32>
    %lt3A_2239 = arith.constant 0 : i32
    %lt3A_2240 = vector.broadcast %lt3A_2239 : i32 to vector<16xi32>
    %lt3A_2241 = arith.cmpi slt, %broadcast_in_dim3A_2186, %lt3A_2240 : vector<16xi32>
    %add3A_2242 = arith.constant 16 : i32
    %add3A_2243 = vector.broadcast %add3A_2242 : i32 to vector<16xi32>
    %add3A_2244 = arith.addi %broadcast_in_dim3A_2186, %add3A_2243 : vector<16xi32>
    %select_n3A_2245 = arith.select %lt3A_2241, %add3A_2244, %broadcast_in_dim3A_2186 : vector<16xi1>, vector<16xi32>
    %broadcast_in_dim3A_2246 = vector.shape_cast %select_n3A_2245 : vector<16xi32> to vector<16x1xi32>
    %gather3A_2247 = vector.shape_cast %broadcast_in_dim3A_2246 : vector<16x1xi32> to vector<16xi32>
    %gather3A_2248 = tpu.dynamic_gather %add3A_2038[%gather3A_2247] in [0] : vector<16xf32>, vector<16xi32> -> vector<16xf32>
    %mul3A_2249 = arith.constant 0.001953125 : f32
    %mul3A_2250 = vector.broadcast %mul3A_2249 : f32 to vector<16xf32>
    %mul3A_2251 = arith.mulf %gather3A_2248, %mul3A_2250 : vector<16xf32>
    %scan3A_2252 = arith.constant 0 : i32
    %scan3A_2253 = arith.constant 0 : i32
    %scan3A_2254 = arith.constant 40 : i32
    %scan3A_2255 = arith.addi %scan3A_2253, %scan3A_2254 : i32
    %scan3A_2256 = arith.constant 1 : i32
    scf.for %scan3A_2625 = %scan3A_2253 to %scan3A_2255 step %scan3A_2256  : i32 {
      %mul3A_2626 = arith.constant 16 : i32
      %mul3A_2627 = arith.muli %scan3A_2625, %mul3A_2626 : i32
      %get3A = arith.index_cast %mul3A_2627 : i32 to index
      %get3A_2628 = tpu.vector_load %arg6[%get3A] {strides = array<i32>} : memref<5120xf32, #tpu.memory_space<vmem>>, vector<16xf32>,
      %get3A_2629 = vector.shape_cast %get3A_2628 : vector<16xf32> to vector<16xf32>
      %mul3A_2630 = arith.mulf %mul3A_2199, %get3A_2629 : vector<16xf32>
      %mul3A_2631 = arith.constant 16 : i32
      %mul3A_2632 = arith.muli %scan3A_2625, %mul3A_2631 : i32
      %add3A_2633 = arith.constant 640 : i32
      %add3A_2634 = arith.addi %add3A_2633, %mul3A_2632 : i32
      %get3A_2635 = arith.index_cast %add3A_2634 : i32 to index
      %get3A_2636 = tpu.vector_load %arg6[%get3A_2635] {strides = array<i32>} : memref<5120xf32, #tpu.memory_space<vmem>>, vector<16xf32>,
      %get3A_2637 = vector.shape_cast %get3A_2636 : vector<16xf32> to vector<16xf32>
      %mul3A_2638 = arith.mulf %mul3A_2212, %get3A_2637 : vector<16xf32>
      %add3A_2639 = arith.addf %mul3A_2630, %mul3A_2638 : vector<16xf32>
      %mul3A_2640 = arith.constant 16 : i32
      %mul3A_2641 = arith.muli %scan3A_2625, %mul3A_2640 : i32
      %add3A_2642 = arith.constant 1280 : i32
      %add3A_2643 = arith.addi %add3A_2642, %mul3A_2641 : i32
      %get3A_2644 = arith.index_cast %add3A_2643 : i32 to index
      %get3A_2645 = tpu.vector_load %arg6[%get3A_2644] {strides = array<i32>} : memref<5120xf32, #tpu.memory_space<vmem>>, vector<16xf32>,
      %get3A_2646 = vector.shape_cast %get3A_2645 : vector<16xf32> to vector<16xf32>
      %mul3A_2647 = arith.mulf %mul3A_2225, %get3A_2646 : vector<16xf32>
      %add3A_2648 = arith.addf %add3A_2639, %mul3A_2647 : vector<16xf32>
      %mul3A_2649 = arith.constant 16 : i32
      %mul3A_2650 = arith.muli %scan3A_2625, %mul3A_2649 : i32
      %add3A_2651 = arith.constant 1920 : i32
      %add3A_2652 = arith.addi %add3A_2651, %mul3A_2650 : i32
      %get3A_2653 = arith.index_cast %add3A_2652 : i32 to index
      %get3A_2654 = tpu.vector_load %arg6[%get3A_2653] {strides = array<i32>} : memref<5120xf32, #tpu.memory_space<vmem>>, vector<16xf32>,
      %get3A_2655 = vector.shape_cast %get3A_2654 : vector<16xf32> to vector<16xf32>
      %mul3A_2656 = arith.mulf %mul3A_2238, %get3A_2655 : vector<16xf32>
      %add3A_2657 = arith.addf %add3A_2648, %mul3A_2656 : vector<16xf32>
      %mul3A_2658 = arith.constant 16 : i32
      %mul3A_2659 = arith.muli %scan3A_2625, %mul3A_2658 : i32
      %add3A_2660 = arith.constant 2560 : i32
      %add3A_2661 = arith.addi %add3A_2660, %mul3A_2659 : i32
      %get3A_2662 = arith.index_cast %add3A_2661 : i32 to index
      %get3A_2663 = tpu.vector_load %arg6[%get3A_2662] {strides = array<i32>} : memref<5120xf32, #tpu.memory_space<vmem>>, vector<16xf32>,
      %get3A_2664 = vector.shape_cast %get3A_2663 : vector<16xf32> to vector<16xf32>
      %mul3A_2665 = arith.mulf %mul3A_2251, %get3A_2664 : vector<16xf32>
      %add3A_2666 = arith.addf %add3A_2657, %mul3A_2665 : vector<16xf32>
      %mul3A_2667 = arith.constant 16 : i32
      %mul3A_2668 = arith.muli %scan3A_2625, %mul3A_2667 : i32
      %add3A_2669 = arith.constant 16640 : i32
      %add3A_2670 = arith.addi %add3A_2669, %mul3A_2668 : i32
      %swap3A = arith.index_cast %add3A_2670 : i32 to index
      %swap3A_2671 = tpu.vector_load %arg7[%swap3A] {strides = array<i32>} : memref<20480xf32, #tpu.memory_space<vmem>>, vector<16xf32>,
      %swap3A_2672 = vector.shape_cast %swap3A_2671 : vector<16xf32> to vector<16xf32>
      %swap3A_2673 = vector.shape_cast %add3A_2666 : vector<16xf32> to vector<16xf32>
      tpu.vector_store %arg7[%swap3A], %swap3A_2673 {strides = array<i32>} : memref<20480xf32, #tpu.memory_space<vmem>>, vector<16xf32>,
    }
    %scan3A_2257 = arith.constant 40 : i32
    %broadcast_in_dim3A_2258 = arith.constant 3 : i32
    %broadcast_in_dim3A_2259 = vector.broadcast %broadcast_in_dim3A_2258 : i32 to vector<16xi32>
    %lt3A_2260 = arith.constant 0 : i32
    %lt3A_2261 = vector.broadcast %lt3A_2260 : i32 to vector<16xi32>
    %lt3A_2262 = arith.cmpi slt, %broadcast_in_dim3A_2259, %lt3A_2261 : vector<16xi32>
    %add3A_2263 = arith.constant 16 : i32
    %add3A_2264 = vector.broadcast %add3A_2263 : i32 to vector<16xi32>
    %add3A_2265 = arith.addi %broadcast_in_dim3A_2259, %add3A_2264 : vector<16xi32>
    %select_n3A_2266 = arith.select %lt3A_2262, %add3A_2265, %broadcast_in_dim3A_2259 : vector<16xi1>, vector<16xi32>
    %broadcast_in_dim3A_2267 = vector.shape_cast %select_n3A_2266 : vector<16xi32> to vector<16x1xi32>
    %gather3A_2268 = vector.shape_cast %broadcast_in_dim3A_2267 : vector<16x1xi32> to vector<16xi32>
    %gather3A_2269 = tpu.dynamic_gather %add3A_1994[%gather3A_2268] in [0] : vector<16xf32>, vector<16xi32> -> vector<16xf32>
    %mul3A_2270 = arith.constant 0.001953125 : f32
    %mul3A_2271 = vector.broadcast %mul3A_2270 : f32 to vector<16xf32>
    %mul3A_2272 = arith.mulf %gather3A_2269, %mul3A_2271 : vector<16xf32>
    %lt3A_2273 = arith.constant 0 : i32
    %lt3A_2274 = vector.broadcast %lt3A_2273 : i32 to vector<16xi32>
    %lt3A_2275 = arith.cmpi slt, %broadcast_in_dim3A_2259, %lt3A_2274 : vector<16xi32>
    %add3A_2276 = arith.constant 16 : i32
    %add3A_2277 = vector.broadcast %add3A_2276 : i32 to vector<16xi32>
    %add3A_2278 = arith.addi %broadcast_in_dim3A_2259, %add3A_2277 : vector<16xi32>
    %select_n3A_2279 = arith.select %lt3A_2275, %add3A_2278, %broadcast_in_dim3A_2259 : vector<16xi1>, vector<16xi32>
    %broadcast_in_dim3A_2280 = vector.shape_cast %select_n3A_2279 : vector<16xi32> to vector<16x1xi32>
    %gather3A_2281 = vector.shape_cast %broadcast_in_dim3A_2280 : vector<16x1xi32> to vector<16xi32>
    %gather3A_2282 = tpu.dynamic_gather %add3A_2005[%gather3A_2281] in [0] : vector<16xf32>, vector<16xi32> -> vector<16xf32>
    %mul3A_2283 = arith.constant 0.001953125 : f32
    %mul3A_2284 = vector.broadcast %mul3A_2283 : f32 to vector<16xf32>
    %mul3A_2285 = arith.mulf %gather3A_2282, %mul3A_2284 : vector<16xf32>
    %lt3A_2286 = arith.constant 0 : i32
    %lt3A_2287 = vector.broadcast %lt3A_2286 : i32 to vector<16xi32>
    %lt3A_2288 = arith.cmpi slt, %broadcast_in_dim3A_2259, %lt3A_2287 : vector<16xi32>
    %add3A_2289 = arith.constant 16 : i32
    %add3A_2290 = vector.broadcast %add3A_2289 : i32 to vector<16xi32>
    %add3A_2291 = arith.addi %broadcast_in_dim3A_2259, %add3A_2290 : vector<16xi32>
    %select_n3A_2292 = arith.select %lt3A_2288, %add3A_2291, %broadcast_in_dim3A_2259 : vector<16xi1>, vector<16xi32>
    %broadcast_in_dim3A_2293 = vector.shape_cast %select_n3A_2292 : vector<16xi32> to vector<16x1xi32>
    %gather3A_2294 = vector.shape_cast %broadcast_in_dim3A_2293 : vector<16x1xi32> to vector<16xi32>
    %gather3A_2295 = tpu.dynamic_gather %add3A_2016[%gather3A_2294] in [0] : vector<16xf32>, vector<16xi32> -> vector<16xf32>
    %mul3A_2296 = arith.constant 0.001953125 : f32
    %mul3A_2297 = vector.broadcast %mul3A_2296 : f32 to vector<16xf32>
    %mul3A_2298 = arith.mulf %gather3A_2295, %mul3A_2297 : vector<16xf32>
    %lt3A_2299 = arith.constant 0 : i32
    %lt3A_2300 = vector.broadcast %lt3A_2299 : i32 to vector<16xi32>
    %lt3A_2301 = arith.cmpi slt, %broadcast_in_dim3A_2259, %lt3A_2300 : vector<16xi32>
    %add3A_2302 = arith.constant 16 : i32
    %add3A_2303 = vector.broadcast %add3A_2302 : i32 to vector<16xi32>
    %add3A_2304 = arith.addi %broadcast_in_dim3A_2259, %add3A_2303 : vector<16xi32>
    %select_n3A_2305 = arith.select %lt3A_2301, %add3A_2304, %broadcast_in_dim3A_2259 : vector<16xi1>, vector<16xi32>
    %broadcast_in_dim3A_2306 = vector.shape_cast %select_n3A_2305 : vector<16xi32> to vector<16x1xi32>
    %gather3A_2307 = vector.shape_cast %broadcast_in_dim3A_2306 : vector<16x1xi32> to vector<16xi32>
    %gather3A_2308 = tpu.dynamic_gather %add3A_2027[%gather3A_2307] in [0] : vector<16xf32>, vector<16xi32> -> vector<16xf32>
    %mul3A_2309 = arith.constant 0.001953125 : f32
    %mul3A_2310 = vector.broadcast %mul3A_2309 : f32 to vector<16xf32>
    %mul3A_2311 = arith.mulf %gather3A_2308, %mul3A_2310 : vector<16xf32>
    %lt3A_2312 = arith.constant 0 : i32
    %lt3A_2313 = vector.broadcast %lt3A_2312 : i32 to vector<16xi32>
    %lt3A_2314 = arith.cmpi slt, %broadcast_in_dim3A_2259, %lt3A_2313 : vector<16xi32>
    %add3A_2315 = arith.constant 16 : i32
    %add3A_2316 = vector.broadcast %add3A_2315 : i32 to vector<16xi32>
    %add3A_2317 = arith.addi %broadcast_in_dim3A_2259, %add3A_2316 : vector<16xi32>
    %select_n3A_2318 = arith.select %lt3A_2314, %add3A_2317, %broadcast_in_dim3A_2259 : vector<16xi1>, vector<16xi32>
    %broadcast_in_dim3A_2319 = vector.shape_cast %select_n3A_2318 : vector<16xi32> to vector<16x1xi32>
    %gather3A_2320 = vector.shape_cast %broadcast_in_dim3A_2319 : vector<16x1xi32> to vector<16xi32>
    %gather3A_2321 = tpu.dynamic_gather %add3A_2038[%gather3A_2320] in [0] : vector<16xf32>, vector<16xi32> -> vector<16xf32>
    %mul3A_2322 = arith.constant 0.001953125 : f32
    %mul3A_2323 = vector.broadcast %mul3A_2322 : f32 to vector<16xf32>
    %mul3A_2324 = arith.mulf %gather3A_2321, %mul3A_2323 : vector<16xf32>
    %scan3A_2325 = arith.constant 0 : i32
    %scan3A_2326 = arith.constant 0 : i32
    %scan3A_2327 = arith.constant 40 : i32
    %scan3A_2328 = arith.addi %scan3A_2326, %scan3A_2327 : i32
    %scan3A_2329 = arith.constant 1 : i32
    scf.for %scan3A_2625 = %scan3A_2326 to %scan3A_2328 step %scan3A_2329  : i32 {
      %mul3A_2626 = arith.constant 16 : i32
      %mul3A_2627 = arith.muli %scan3A_2625, %mul3A_2626 : i32
      %get3A = arith.index_cast %mul3A_2627 : i32 to index
      %get3A_2628 = tpu.vector_load %arg6[%get3A] {strides = array<i32>} : memref<5120xf32, #tpu.memory_space<vmem>>, vector<16xf32>,
      %get3A_2629 = vector.shape_cast %get3A_2628 : vector<16xf32> to vector<16xf32>
      %mul3A_2630 = arith.mulf %mul3A_2272, %get3A_2629 : vector<16xf32>
      %mul3A_2631 = arith.constant 16 : i32
      %mul3A_2632 = arith.muli %scan3A_2625, %mul3A_2631 : i32
      %add3A_2633 = arith.constant 640 : i32
      %add3A_2634 = arith.addi %add3A_2633, %mul3A_2632 : i32
      %get3A_2635 = arith.index_cast %add3A_2634 : i32 to index
      %get3A_2636 = tpu.vector_load %arg6[%get3A_2635] {strides = array<i32>} : memref<5120xf32, #tpu.memory_space<vmem>>, vector<16xf32>,
      %get3A_2637 = vector.shape_cast %get3A_2636 : vector<16xf32> to vector<16xf32>
      %mul3A_2638 = arith.mulf %mul3A_2285, %get3A_2637 : vector<16xf32>
      %add3A_2639 = arith.addf %mul3A_2630, %mul3A_2638 : vector<16xf32>
      %mul3A_2640 = arith.constant 16 : i32
      %mul3A_2641 = arith.muli %scan3A_2625, %mul3A_2640 : i32
      %add3A_2642 = arith.constant 1280 : i32
      %add3A_2643 = arith.addi %add3A_2642, %mul3A_2641 : i32
      %get3A_2644 = arith.index_cast %add3A_2643 : i32 to index
      %get3A_2645 = tpu.vector_load %arg6[%get3A_2644] {strides = array<i32>} : memref<5120xf32, #tpu.memory_space<vmem>>, vector<16xf32>,
      %get3A_2646 = vector.shape_cast %get3A_2645 : vector<16xf32> to vector<16xf32>
      %mul3A_2647 = arith.mulf %mul3A_2298, %get3A_2646 : vector<16xf32>
      %add3A_2648 = arith.addf %add3A_2639, %mul3A_2647 : vector<16xf32>
      %mul3A_2649 = arith.constant 16 : i32
      %mul3A_2650 = arith.muli %scan3A_2625, %mul3A_2649 : i32
      %add3A_2651 = arith.constant 1920 : i32
      %add3A_2652 = arith.addi %add3A_2651, %mul3A_2650 : i32
      %get3A_2653 = arith.index_cast %add3A_2652 : i32 to index
      %get3A_2654 = tpu.vector_load %arg6[%get3A_2653] {strides = array<i32>} : memref<5120xf32, #tpu.memory_space<vmem>>, vector<16xf32>,
      %get3A_2655 = vector.shape_cast %get3A_2654 : vector<16xf32> to vector<16xf32>
      %mul3A_2656 = arith.mulf %mul3A_2311, %get3A_2655 : vector<16xf32>
      %add3A_2657 = arith.addf %add3A_2648, %mul3A_2656 : vector<16xf32>
      %mul3A_2658 = arith.constant 16 : i32
      %mul3A_2659 = arith.muli %scan3A_2625, %mul3A_2658 : i32
      %add3A_2660 = arith.constant 2560 : i32
      %add3A_2661 = arith.addi %add3A_2660, %mul3A_2659 : i32
      %get3A_2662 = arith.index_cast %add3A_2661 : i32 to index
      %get3A_2663 = tpu.vector_load %arg6[%get3A_2662] {strides = array<i32>} : memref<5120xf32, #tpu.memory_space<vmem>>, vector<16xf32>,
      %get3A_2664 = vector.shape_cast %get3A_2663 : vector<16xf32> to vector<16xf32>
      %mul3A_2665 = arith.mulf %mul3A_2324, %get3A_2664 : vector<16xf32>
      %add3A_2666 = arith.addf %add3A_2657, %mul3A_2665 : vector<16xf32>
      %mul3A_2667 = arith.constant 16 : i32
      %mul3A_2668 = arith.muli %scan3A_2625, %mul3A_2667 : i32
      %add3A_2669 = arith.constant 17280 : i32
      %add3A_2670 = arith.addi %add3A_2669, %mul3A_2668 : i32
      %swap3A = arith.index_cast %add3A_2670 : i32 to index
      %swap3A_2671 = tpu.vector_load %arg7[%swap3A] {strides = array<i32>} : memref<20480xf32, #tpu.memory_space<vmem>>, vector<16xf32>,
      %swap3A_2672 = vector.shape_cast %swap3A_2671 : vector<16xf32> to vector<16xf32>
      %swap3A_2673 = vector.shape_cast %add3A_2666 : vector<16xf32> to vector<16xf32>
      tpu.vector_store %arg7[%swap3A], %swap3A_2673 {strides = array<i32>} : memref<20480xf32, #tpu.memory_space<vmem>>, vector<16xf32>,
    }
    %scan3A_2330 = arith.constant 40 : i32
    %broadcast_in_dim3A_2331 = arith.constant 4 : i32
    %broadcast_in_dim3A_2332 = vector.broadcast %broadcast_in_dim3A_2331 : i32 to vector<16xi32>
    %lt3A_2333 = arith.constant 0 : i32
    %lt3A_2334 = vector.broadcast %lt3A_2333 : i32 to vector<16xi32>
    %lt3A_2335 = arith.cmpi slt, %broadcast_in_dim3A_2332, %lt3A_2334 : vector<16xi32>
    %add3A_2336 = arith.constant 16 : i32
    %add3A_2337 = vector.broadcast %add3A_2336 : i32 to vector<16xi32>
    %add3A_2338 = arith.addi %broadcast_in_dim3A_2332, %add3A_2337 : vector<16xi32>
    %select_n3A_2339 = arith.select %lt3A_2335, %add3A_2338, %broadcast_in_dim3A_2332 : vector<16xi1>, vector<16xi32>
    %broadcast_in_dim3A_2340 = vector.shape_cast %select_n3A_2339 : vector<16xi32> to vector<16x1xi32>
    %gather3A_2341 = vector.shape_cast %broadcast_in_dim3A_2340 : vector<16x1xi32> to vector<16xi32>
    %gather3A_2342 = tpu.dynamic_gather %add3A_1994[%gather3A_2341] in [0] : vector<16xf32>, vector<16xi32> -> vector<16xf32>
    %mul3A_2343 = arith.constant 0.001953125 : f32
    %mul3A_2344 = vector.broadcast %mul3A_2343 : f32 to vector<16xf32>
    %mul3A_2345 = arith.mulf %gather3A_2342, %mul3A_2344 : vector<16xf32>
    %lt3A_2346 = arith.constant 0 : i32
    %lt3A_2347 = vector.broadcast %lt3A_2346 : i32 to vector<16xi32>
    %lt3A_2348 = arith.cmpi slt, %broadcast_in_dim3A_2332, %lt3A_2347 : vector<16xi32>
    %add3A_2349 = arith.constant 16 : i32
    %add3A_2350 = vector.broadcast %add3A_2349 : i32 to vector<16xi32>
    %add3A_2351 = arith.addi %broadcast_in_dim3A_2332, %add3A_2350 : vector<16xi32>
    %select_n3A_2352 = arith.select %lt3A_2348, %add3A_2351, %broadcast_in_dim3A_2332 : vector<16xi1>, vector<16xi32>
    %broadcast_in_dim3A_2353 = vector.shape_cast %select_n3A_2352 : vector<16xi32> to vector<16x1xi32>
    %gather3A_2354 = vector.shape_cast %broadcast_in_dim3A_2353 : vector<16x1xi32> to vector<16xi32>
    %gather3A_2355 = tpu.dynamic_gather %add3A_2005[%gather3A_2354] in [0] : vector<16xf32>, vector<16xi32> -> vector<16xf32>
    %mul3A_2356 = arith.constant 0.001953125 : f32
    %mul3A_2357 = vector.broadcast %mul3A_2356 : f32 to vector<16xf32>
    %mul3A_2358 = arith.mulf %gather3A_2355, %mul3A_2357 : vector<16xf32>
    %lt3A_2359 = arith.constant 0 : i32
    %lt3A_2360 = vector.broadcast %lt3A_2359 : i32 to vector<16xi32>
    %lt3A_2361 = arith.cmpi slt, %broadcast_in_dim3A_2332, %lt3A_2360 : vector<16xi32>
    %add3A_2362 = arith.constant 16 : i32
    %add3A_2363 = vector.broadcast %add3A_2362 : i32 to vector<16xi32>
    %add3A_2364 = arith.addi %broadcast_in_dim3A_2332, %add3A_2363 : vector<16xi32>
    %select_n3A_2365 = arith.select %lt3A_2361, %add3A_2364, %broadcast_in_dim3A_2332 : vector<16xi1>, vector<16xi32>
    %broadcast_in_dim3A_2366 = vector.shape_cast %select_n3A_2365 : vector<16xi32> to vector<16x1xi32>
    %gather3A_2367 = vector.shape_cast %broadcast_in_dim3A_2366 : vector<16x1xi32> to vector<16xi32>
    %gather3A_2368 = tpu.dynamic_gather %add3A_2016[%gather3A_2367] in [0] : vector<16xf32>, vector<16xi32> -> vector<16xf32>
    %mul3A_2369 = arith.constant 0.001953125 : f32
    %mul3A_2370 = vector.broadcast %mul3A_2369 : f32 to vector<16xf32>
    %mul3A_2371 = arith.mulf %gather3A_2368, %mul3A_2370 : vector<16xf32>
    %lt3A_2372 = arith.constant 0 : i32
    %lt3A_2373 = vector.broadcast %lt3A_2372 : i32 to vector<16xi32>
    %lt3A_2374 = arith.cmpi slt, %broadcast_in_dim3A_2332, %lt3A_2373 : vector<16xi32>
    %add3A_2375 = arith.constant 16 : i32
    %add3A_2376 = vector.broadcast %add3A_2375 : i32 to vector<16xi32>
    %add3A_2377 = arith.addi %broadcast_in_dim3A_2332, %add3A_2376 : vector<16xi32>
    %select_n3A_2378 = arith.select %lt3A_2374, %add3A_2377, %broadcast_in_dim3A_2332 : vector<16xi1>, vector<16xi32>
    %broadcast_in_dim3A_2379 = vector.shape_cast %select_n3A_2378 : vector<16xi32> to vector<16x1xi32>
    %gather3A_2380 = vector.shape_cast %broadcast_in_dim3A_2379 : vector<16x1xi32> to vector<16xi32>
    %gather3A_2381 = tpu.dynamic_gather %add3A_2027[%gather3A_2380] in [0] : vector<16xf32>, vector<16xi32> -> vector<16xf32>
    %mul3A_2382 = arith.constant 0.001953125 : f32
    %mul3A_2383 = vector.broadcast %mul3A_2382 : f32 to vector<16xf32>
    %mul3A_2384 = arith.mulf %gather3A_2381, %mul3A_2383 : vector<16xf32>
    %lt3A_2385 = arith.constant 0 : i32
    %lt3A_2386 = vector.broadcast %lt3A_2385 : i32 to vector<16xi32>
    %lt3A_2387 = arith.cmpi slt, %broadcast_in_dim3A_2332, %lt3A_2386 : vector<16xi32>
    %add3A_2388 = arith.constant 16 : i32
    %add3A_2389 = vector.broadcast %add3A_2388 : i32 to vector<16xi32>
    %add3A_2390 = arith.addi %broadcast_in_dim3A_2332, %add3A_2389 : vector<16xi32>
    %select_n3A_2391 = arith.select %lt3A_2387, %add3A_2390, %broadcast_in_dim3A_2332 : vector<16xi1>, vector<16xi32>
    %broadcast_in_dim3A_2392 = vector.shape_cast %select_n3A_2391 : vector<16xi32> to vector<16x1xi32>
    %gather3A_2393 = vector.shape_cast %broadcast_in_dim3A_2392 : vector<16x1xi32> to vector<16xi32>
    %gather3A_2394 = tpu.dynamic_gather %add3A_2038[%gather3A_2393] in [0] : vector<16xf32>, vector<16xi32> -> vector<16xf32>
    %mul3A_2395 = arith.constant 0.001953125 : f32
    %mul3A_2396 = vector.broadcast %mul3A_2395 : f32 to vector<16xf32>
    %mul3A_2397 = arith.mulf %gather3A_2394, %mul3A_2396 : vector<16xf32>
    %scan3A_2398 = arith.constant 0 : i32
    %scan3A_2399 = arith.constant 0 : i32
    %scan3A_2400 = arith.constant 40 : i32
    %scan3A_2401 = arith.addi %scan3A_2399, %scan3A_2400 : i32
    %scan3A_2402 = arith.constant 1 : i32
    scf.for %scan3A_2625 = %scan3A_2399 to %scan3A_2401 step %scan3A_2402  : i32 {
      %mul3A_2626 = arith.constant 16 : i32
      %mul3A_2627 = arith.muli %scan3A_2625, %mul3A_2626 : i32
      %get3A = arith.index_cast %mul3A_2627 : i32 to index
      %get3A_2628 = tpu.vector_load %arg6[%get3A] {strides = array<i32>} : memref<5120xf32, #tpu.memory_space<vmem>>, vector<16xf32>,
      %get3A_2629 = vector.shape_cast %get3A_2628 : vector<16xf32> to vector<16xf32>
      %mul3A_2630 = arith.mulf %mul3A_2345, %get3A_2629 : vector<16xf32>
      %mul3A_2631 = arith.constant 16 : i32
      %mul3A_2632 = arith.muli %scan3A_2625, %mul3A_2631 : i32
      %add3A_2633 = arith.constant 640 : i32
      %add3A_2634 = arith.addi %add3A_2633, %mul3A_2632 : i32
      %get3A_2635 = arith.index_cast %add3A_2634 : i32 to index
      %get3A_2636 = tpu.vector_load %arg6[%get3A_2635] {strides = array<i32>} : memref<5120xf32, #tpu.memory_space<vmem>>, vector<16xf32>,
      %get3A_2637 = vector.shape_cast %get3A_2636 : vector<16xf32> to vector<16xf32>
      %mul3A_2638 = arith.mulf %mul3A_2358, %get3A_2637 : vector<16xf32>
      %add3A_2639 = arith.addf %mul3A_2630, %mul3A_2638 : vector<16xf32>
      %mul3A_2640 = arith.constant 16 : i32
      %mul3A_2641 = arith.muli %scan3A_2625, %mul3A_2640 : i32
      %add3A_2642 = arith.constant 1280 : i32
      %add3A_2643 = arith.addi %add3A_2642, %mul3A_2641 : i32
      %get3A_2644 = arith.index_cast %add3A_2643 : i32 to index
      %get3A_2645 = tpu.vector_load %arg6[%get3A_2644] {strides = array<i32>} : memref<5120xf32, #tpu.memory_space<vmem>>, vector<16xf32>,
      %get3A_2646 = vector.shape_cast %get3A_2645 : vector<16xf32> to vector<16xf32>
      %mul3A_2647 = arith.mulf %mul3A_2371, %get3A_2646 : vector<16xf32>
      %add3A_2648 = arith.addf %add3A_2639, %mul3A_2647 : vector<16xf32>
      %mul3A_2649 = arith.constant 16 : i32
      %mul3A_2650 = arith.muli %scan3A_2625, %mul3A_2649 : i32
      %add3A_2651 = arith.constant 1920 : i32
      %add3A_2652 = arith.addi %add3A_2651, %mul3A_2650 : i32
      %get3A_2653 = arith.index_cast %add3A_2652 : i32 to index
      %get3A_2654 = tpu.vector_load %arg6[%get3A_2653] {strides = array<i32>} : memref<5120xf32, #tpu.memory_space<vmem>>, vector<16xf32>,
      %get3A_2655 = vector.shape_cast %get3A_2654 : vector<16xf32> to vector<16xf32>
      %mul3A_2656 = arith.mulf %mul3A_2384, %get3A_2655 : vector<16xf32>
      %add3A_2657 = arith.addf %add3A_2648, %mul3A_2656 : vector<16xf32>
      %mul3A_2658 = arith.constant 16 : i32
      %mul3A_2659 = arith.muli %scan3A_2625, %mul3A_2658 : i32
      %add3A_2660 = arith.constant 2560 : i32
      %add3A_2661 = arith.addi %add3A_2660, %mul3A_2659 : i32
      %get3A_2662 = arith.index_cast %add3A_2661 : i32 to index
      %get3A_2663 = tpu.vector_load %arg6[%get3A_2662] {strides = array<i32>} : memref<5120xf32, #tpu.memory_space<vmem>>, vector<16xf32>,
      %get3A_2664 = vector.shape_cast %get3A_2663 : vector<16xf32> to vector<16xf32>
      %mul3A_2665 = arith.mulf %mul3A_2397, %get3A_2664 : vector<16xf32>
      %add3A_2666 = arith.addf %add3A_2657, %mul3A_2665 : vector<16xf32>
      %mul3A_2667 = arith.constant 16 : i32
      %mul3A_2668 = arith.muli %scan3A_2625, %mul3A_2667 : i32
      %add3A_2669 = arith.constant 17920 : i32
      %add3A_2670 = arith.addi %add3A_2669, %mul3A_2668 : i32
      %swap3A = arith.index_cast %add3A_2670 : i32 to index
      %swap3A_2671 = tpu.vector_load %arg7[%swap3A] {strides = array<i32>} : memref<20480xf32, #tpu.memory_space<vmem>>, vector<16xf32>,
      %swap3A_2672 = vector.shape_cast %swap3A_2671 : vector<16xf32> to vector<16xf32>
      %swap3A_2673 = vector.shape_cast %add3A_2666 : vector<16xf32> to vector<16xf32>
      tpu.vector_store %arg7[%swap3A], %swap3A_2673 {strides = array<i32>} : memref<20480xf32, #tpu.memory_space<vmem>>, vector<16xf32>,
    }
    %scan3A_2403 = arith.constant 40 : i32
    %broadcast_in_dim3A_2404 = arith.constant 5 : i32
    %broadcast_in_dim3A_2405 = vector.broadcast %broadcast_in_dim3A_2404 : i32 to vector<16xi32>
    %lt3A_2406 = arith.constant 0 : i32
    %lt3A_2407 = vector.broadcast %lt3A_2406 : i32 to vector<16xi32>
    %lt3A_2408 = arith.cmpi slt, %broadcast_in_dim3A_2405, %lt3A_2407 : vector<16xi32>
    %add3A_2409 = arith.constant 16 : i32
    %add3A_2410 = vector.broadcast %add3A_2409 : i32 to vector<16xi32>
    %add3A_2411 = arith.addi %broadcast_in_dim3A_2405, %add3A_2410 : vector<16xi32>
    %select_n3A_2412 = arith.select %lt3A_2408, %add3A_2411, %broadcast_in_dim3A_2405 : vector<16xi1>, vector<16xi32>
    %broadcast_in_dim3A_2413 = vector.shape_cast %select_n3A_2412 : vector<16xi32> to vector<16x1xi32>
    %gather3A_2414 = vector.shape_cast %broadcast_in_dim3A_2413 : vector<16x1xi32> to vector<16xi32>
    %gather3A_2415 = tpu.dynamic_gather %add3A_1994[%gather3A_2414] in [0] : vector<16xf32>, vector<16xi32> -> vector<16xf32>
    %mul3A_2416 = arith.constant 0.001953125 : f32
    %mul3A_2417 = vector.broadcast %mul3A_2416 : f32 to vector<16xf32>
    %mul3A_2418 = arith.mulf %gather3A_2415, %mul3A_2417 : vector<16xf32>
    %lt3A_2419 = arith.constant 0 : i32
    %lt3A_2420 = vector.broadcast %lt3A_2419 : i32 to vector<16xi32>
    %lt3A_2421 = arith.cmpi slt, %broadcast_in_dim3A_2405, %lt3A_2420 : vector<16xi32>
    %add3A_2422 = arith.constant 16 : i32
    %add3A_2423 = vector.broadcast %add3A_2422 : i32 to vector<16xi32>
    %add3A_2424 = arith.addi %broadcast_in_dim3A_2405, %add3A_2423 : vector<16xi32>
    %select_n3A_2425 = arith.select %lt3A_2421, %add3A_2424, %broadcast_in_dim3A_2405 : vector<16xi1>, vector<16xi32>
    %broadcast_in_dim3A_2426 = vector.shape_cast %select_n3A_2425 : vector<16xi32> to vector<16x1xi32>
    %gather3A_2427 = vector.shape_cast %broadcast_in_dim3A_2426 : vector<16x1xi32> to vector<16xi32>
    %gather3A_2428 = tpu.dynamic_gather %add3A_2005[%gather3A_2427] in [0] : vector<16xf32>, vector<16xi32> -> vector<16xf32>
    %mul3A_2429 = arith.constant 0.001953125 : f32
    %mul3A_2430 = vector.broadcast %mul3A_2429 : f32 to vector<16xf32>
    %mul3A_2431 = arith.mulf %gather3A_2428, %mul3A_2430 : vector<16xf32>
    %lt3A_2432 = arith.constant 0 : i32
    %lt3A_2433 = vector.broadcast %lt3A_2432 : i32 to vector<16xi32>
    %lt3A_2434 = arith.cmpi slt, %broadcast_in_dim3A_2405, %lt3A_2433 : vector<16xi32>
    %add3A_2435 = arith.constant 16 : i32
    %add3A_2436 = vector.broadcast %add3A_2435 : i32 to vector<16xi32>
    %add3A_2437 = arith.addi %broadcast_in_dim3A_2405, %add3A_2436 : vector<16xi32>
    %select_n3A_2438 = arith.select %lt3A_2434, %add3A_2437, %broadcast_in_dim3A_2405 : vector<16xi1>, vector<16xi32>
    %broadcast_in_dim3A_2439 = vector.shape_cast %select_n3A_2438 : vector<16xi32> to vector<16x1xi32>
    %gather3A_2440 = vector.shape_cast %broadcast_in_dim3A_2439 : vector<16x1xi32> to vector<16xi32>
    %gather3A_2441 = tpu.dynamic_gather %add3A_2016[%gather3A_2440] in [0] : vector<16xf32>, vector<16xi32> -> vector<16xf32>
    %mul3A_2442 = arith.constant 0.001953125 : f32
    %mul3A_2443 = vector.broadcast %mul3A_2442 : f32 to vector<16xf32>
    %mul3A_2444 = arith.mulf %gather3A_2441, %mul3A_2443 : vector<16xf32>
    %lt3A_2445 = arith.constant 0 : i32
    %lt3A_2446 = vector.broadcast %lt3A_2445 : i32 to vector<16xi32>
    %lt3A_2447 = arith.cmpi slt, %broadcast_in_dim3A_2405, %lt3A_2446 : vector<16xi32>
    %add3A_2448 = arith.constant 16 : i32
    %add3A_2449 = vector.broadcast %add3A_2448 : i32 to vector<16xi32>
    %add3A_2450 = arith.addi %broadcast_in_dim3A_2405, %add3A_2449 : vector<16xi32>
    %select_n3A_2451 = arith.select %lt3A_2447, %add3A_2450, %broadcast_in_dim3A_2405 : vector<16xi1>, vector<16xi32>
    %broadcast_in_dim3A_2452 = vector.shape_cast %select_n3A_2451 : vector<16xi32> to vector<16x1xi32>
    %gather3A_2453 = vector.shape_cast %broadcast_in_dim3A_2452 : vector<16x1xi32> to vector<16xi32>
    %gather3A_2454 = tpu.dynamic_gather %add3A_2027[%gather3A_2453] in [0] : vector<16xf32>, vector<16xi32> -> vector<16xf32>
    %mul3A_2455 = arith.constant 0.001953125 : f32
    %mul3A_2456 = vector.broadcast %mul3A_2455 : f32 to vector<16xf32>
    %mul3A_2457 = arith.mulf %gather3A_2454, %mul3A_2456 : vector<16xf32>
    %lt3A_2458 = arith.constant 0 : i32
    %lt3A_2459 = vector.broadcast %lt3A_2458 : i32 to vector<16xi32>
    %lt3A_2460 = arith.cmpi slt, %broadcast_in_dim3A_2405, %lt3A_2459 : vector<16xi32>
    %add3A_2461 = arith.constant 16 : i32
    %add3A_2462 = vector.broadcast %add3A_2461 : i32 to vector<16xi32>
    %add3A_2463 = arith.addi %broadcast_in_dim3A_2405, %add3A_2462 : vector<16xi32>
    %select_n3A_2464 = arith.select %lt3A_2460, %add3A_2463, %broadcast_in_dim3A_2405 : vector<16xi1>, vector<16xi32>
    %broadcast_in_dim3A_2465 = vector.shape_cast %select_n3A_2464 : vector<16xi32> to vector<16x1xi32>
    %gather3A_2466 = vector.shape_cast %broadcast_in_dim3A_2465 : vector<16x1xi32> to vector<16xi32>
    %gather3A_2467 = tpu.dynamic_gather %add3A_2038[%gather3A_2466] in [0] : vector<16xf32>, vector<16xi32> -> vector<16xf32>
    %mul3A_2468 = arith.constant 0.001953125 : f32
    %mul3A_2469 = vector.broadcast %mul3A_2468 : f32 to vector<16xf32>
    %mul3A_2470 = arith.mulf %gather3A_2467, %mul3A_2469 : vector<16xf32>
    %scan3A_2471 = arith.constant 0 : i32
    %scan3A_2472 = arith.constant 0 : i32
    %scan3A_2473 = arith.constant 40 : i32
    %scan3A_2474 = arith.addi %scan3A_2472, %scan3A_2473 : i32
    %scan3A_2475 = arith.constant 1 : i32
    scf.for %scan3A_2625 = %scan3A_2472 to %scan3A_2474 step %scan3A_2475  : i32 {
      %mul3A_2626 = arith.constant 16 : i32
      %mul3A_2627 = arith.muli %scan3A_2625, %mul3A_2626 : i32
      %get3A = arith.index_cast %mul3A_2627 : i32 to index
      %get3A_2628 = tpu.vector_load %arg6[%get3A] {strides = array<i32>} : memref<5120xf32, #tpu.memory_space<vmem>>, vector<16xf32>,
      %get3A_2629 = vector.shape_cast %get3A_2628 : vector<16xf32> to vector<16xf32>
      %mul3A_2630 = arith.mulf %mul3A_2418, %get3A_2629 : vector<16xf32>
      %mul3A_2631 = arith.constant 16 : i32
      %mul3A_2632 = arith.muli %scan3A_2625, %mul3A_2631 : i32
      %add3A_2633 = arith.constant 640 : i32
      %add3A_2634 = arith.addi %add3A_2633, %mul3A_2632 : i32
      %get3A_2635 = arith.index_cast %add3A_2634 : i32 to index
      %get3A_2636 = tpu.vector_load %arg6[%get3A_2635] {strides = array<i32>} : memref<5120xf32, #tpu.memory_space<vmem>>, vector<16xf32>,
      %get3A_2637 = vector.shape_cast %get3A_2636 : vector<16xf32> to vector<16xf32>
      %mul3A_2638 = arith.mulf %mul3A_2431, %get3A_2637 : vector<16xf32>
      %add3A_2639 = arith.addf %mul3A_2630, %mul3A_2638 : vector<16xf32>
      %mul3A_2640 = arith.constant 16 : i32
      %mul3A_2641 = arith.muli %scan3A_2625, %mul3A_2640 : i32
      %add3A_2642 = arith.constant 1280 : i32
      %add3A_2643 = arith.addi %add3A_2642, %mul3A_2641 : i32
      %get3A_2644 = arith.index_cast %add3A_2643 : i32 to index
      %get3A_2645 = tpu.vector_load %arg6[%get3A_2644] {strides = array<i32>} : memref<5120xf32, #tpu.memory_space<vmem>>, vector<16xf32>,
      %get3A_2646 = vector.shape_cast %get3A_2645 : vector<16xf32> to vector<16xf32>
      %mul3A_2647 = arith.mulf %mul3A_2444, %get3A_2646 : vector<16xf32>
      %add3A_2648 = arith.addf %add3A_2639, %mul3A_2647 : vector<16xf32>
      %mul3A_2649 = arith.constant 16 : i32
      %mul3A_2650 = arith.muli %scan3A_2625, %mul3A_2649 : i32
      %add3A_2651 = arith.constant 1920 : i32
      %add3A_2652 = arith.addi %add3A_2651, %mul3A_2650 : i32
      %get3A_2653 = arith.index_cast %add3A_2652 : i32 to index
      %get3A_2654 = tpu.vector_load %arg6[%get3A_2653] {strides = array<i32>} : memref<5120xf32, #tpu.memory_space<vmem>>, vector<16xf32>,
      %get3A_2655 = vector.shape_cast %get3A_2654 : vector<16xf32> to vector<16xf32>
      %mul3A_2656 = arith.mulf %mul3A_2457, %get3A_2655 : vector<16xf32>
      %add3A_2657 = arith.addf %add3A_2648, %mul3A_2656 : vector<16xf32>
      %mul3A_2658 = arith.constant 16 : i32
      %mul3A_2659 = arith.muli %scan3A_2625, %mul3A_2658 : i32
      %add3A_2660 = arith.constant 2560 : i32
      %add3A_2661 = arith.addi %add3A_2660, %mul3A_2659 : i32
      %get3A_2662 = arith.index_cast %add3A_2661 : i32 to index
      %get3A_2663 = tpu.vector_load %arg6[%get3A_2662] {strides = array<i32>} : memref<5120xf32, #tpu.memory_space<vmem>>, vector<16xf32>,
      %get3A_2664 = vector.shape_cast %get3A_2663 : vector<16xf32> to vector<16xf32>
      %mul3A_2665 = arith.mulf %mul3A_2470, %get3A_2664 : vector<16xf32>
      %add3A_2666 = arith.addf %add3A_2657, %mul3A_2665 : vector<16xf32>
      %mul3A_2667 = arith.constant 16 : i32
      %mul3A_2668 = arith.muli %scan3A_2625, %mul3A_2667 : i32
      %add3A_2669 = arith.constant 18560 : i32
      %add3A_2670 = arith.addi %add3A_2669, %mul3A_2668 : i32
      %swap3A = arith.index_cast %add3A_2670 : i32 to index
      %swap3A_2671 = tpu.vector_load %arg7[%swap3A] {strides = array<i32>} : memref<20480xf32, #tpu.memory_space<vmem>>, vector<16xf32>,
      %swap3A_2672 = vector.shape_cast %swap3A_2671 : vector<16xf32> to vector<16xf32>
      %swap3A_2673 = vector.shape_cast %add3A_2666 : vector<16xf32> to vector<16xf32>
      tpu.vector_store %arg7[%swap3A], %swap3A_2673 {strides = array<i32>} : memref<20480xf32, #tpu.memory_space<vmem>>, vector<16xf32>,
    }
    %scan3A_2476 = arith.constant 40 : i32
    %broadcast_in_dim3A_2477 = arith.constant 6 : i32
    %broadcast_in_dim3A_2478 = vector.broadcast %broadcast_in_dim3A_2477 : i32 to vector<16xi32>
    %lt3A_2479 = arith.constant 0 : i32
    %lt3A_2480 = vector.broadcast %lt3A_2479 : i32 to vector<16xi32>
    %lt3A_2481 = arith.cmpi slt, %broadcast_in_dim3A_2478, %lt3A_2480 : vector<16xi32>
    %add3A_2482 = arith.constant 16 : i32
    %add3A_2483 = vector.broadcast %add3A_2482 : i32 to vector<16xi32>
    %add3A_2484 = arith.addi %broadcast_in_dim3A_2478, %add3A_2483 : vector<16xi32>
    %select_n3A_2485 = arith.select %lt3A_2481, %add3A_2484, %broadcast_in_dim3A_2478 : vector<16xi1>, vector<16xi32>
    %broadcast_in_dim3A_2486 = vector.shape_cast %select_n3A_2485 : vector<16xi32> to vector<16x1xi32>
    %gather3A_2487 = vector.shape_cast %broadcast_in_dim3A_2486 : vector<16x1xi32> to vector<16xi32>
    %gather3A_2488 = tpu.dynamic_gather %add3A_1994[%gather3A_2487] in [0] : vector<16xf32>, vector<16xi32> -> vector<16xf32>
    %mul3A_2489 = arith.constant 0.001953125 : f32
    %mul3A_2490 = vector.broadcast %mul3A_2489 : f32 to vector<16xf32>
    %mul3A_2491 = arith.mulf %gather3A_2488, %mul3A_2490 : vector<16xf32>
    %lt3A_2492 = arith.constant 0 : i32
    %lt3A_2493 = vector.broadcast %lt3A_2492 : i32 to vector<16xi32>
    %lt3A_2494 = arith.cmpi slt, %broadcast_in_dim3A_2478, %lt3A_2493 : vector<16xi32>
    %add3A_2495 = arith.constant 16 : i32
    %add3A_2496 = vector.broadcast %add3A_2495 : i32 to vector<16xi32>
    %add3A_2497 = arith.addi %broadcast_in_dim3A_2478, %add3A_2496 : vector<16xi32>
    %select_n3A_2498 = arith.select %lt3A_2494, %add3A_2497, %broadcast_in_dim3A_2478 : vector<16xi1>, vector<16xi32>
    %broadcast_in_dim3A_2499 = vector.shape_cast %select_n3A_2498 : vector<16xi32> to vector<16x1xi32>
    %gather3A_2500 = vector.shape_cast %broadcast_in_dim3A_2499 : vector<16x1xi32> to vector<16xi32>
    %gather3A_2501 = tpu.dynamic_gather %add3A_2005[%gather3A_2500] in [0] : vector<16xf32>, vector<16xi32> -> vector<16xf32>
    %mul3A_2502 = arith.constant 0.001953125 : f32
    %mul3A_2503 = vector.broadcast %mul3A_2502 : f32 to vector<16xf32>
    %mul3A_2504 = arith.mulf %gather3A_2501, %mul3A_2503 : vector<16xf32>
    %lt3A_2505 = arith.constant 0 : i32
    %lt3A_2506 = vector.broadcast %lt3A_2505 : i32 to vector<16xi32>
    %lt3A_2507 = arith.cmpi slt, %broadcast_in_dim3A_2478, %lt3A_2506 : vector<16xi32>
    %add3A_2508 = arith.constant 16 : i32
    %add3A_2509 = vector.broadcast %add3A_2508 : i32 to vector<16xi32>
    %add3A_2510 = arith.addi %broadcast_in_dim3A_2478, %add3A_2509 : vector<16xi32>
    %select_n3A_2511 = arith.select %lt3A_2507, %add3A_2510, %broadcast_in_dim3A_2478 : vector<16xi1>, vector<16xi32>
    %broadcast_in_dim3A_2512 = vector.shape_cast %select_n3A_2511 : vector<16xi32> to vector<16x1xi32>
    %gather3A_2513 = vector.shape_cast %broadcast_in_dim3A_2512 : vector<16x1xi32> to vector<16xi32>
    %gather3A_2514 = tpu.dynamic_gather %add3A_2016[%gather3A_2513] in [0] : vector<16xf32>, vector<16xi32> -> vector<16xf32>
    %mul3A_2515 = arith.constant 0.001953125 : f32
    %mul3A_2516 = vector.broadcast %mul3A_2515 : f32 to vector<16xf32>
    %mul3A_2517 = arith.mulf %gather3A_2514, %mul3A_2516 : vector<16xf32>
    %lt3A_2518 = arith.constant 0 : i32
    %lt3A_2519 = vector.broadcast %lt3A_2518 : i32 to vector<16xi32>
    %lt3A_2520 = arith.cmpi slt, %broadcast_in_dim3A_2478, %lt3A_2519 : vector<16xi32>
    %add3A_2521 = arith.constant 16 : i32
    %add3A_2522 = vector.broadcast %add3A_2521 : i32 to vector<16xi32>
    %add3A_2523 = arith.addi %broadcast_in_dim3A_2478, %add3A_2522 : vector<16xi32>
    %select_n3A_2524 = arith.select %lt3A_2520, %add3A_2523, %broadcast_in_dim3A_2478 : vector<16xi1>, vector<16xi32>
    %broadcast_in_dim3A_2525 = vector.shape_cast %select_n3A_2524 : vector<16xi32> to vector<16x1xi32>
    %gather3A_2526 = vector.shape_cast %broadcast_in_dim3A_2525 : vector<16x1xi32> to vector<16xi32>
    %gather3A_2527 = tpu.dynamic_gather %add3A_2027[%gather3A_2526] in [0] : vector<16xf32>, vector<16xi32> -> vector<16xf32>
    %mul3A_2528 = arith.constant 0.001953125 : f32
    %mul3A_2529 = vector.broadcast %mul3A_2528 : f32 to vector<16xf32>
    %mul3A_2530 = arith.mulf %gather3A_2527, %mul3A_2529 : vector<16xf32>
    %lt3A_2531 = arith.constant 0 : i32
    %lt3A_2532 = vector.broadcast %lt3A_2531 : i32 to vector<16xi32>
    %lt3A_2533 = arith.cmpi slt, %broadcast_in_dim3A_2478, %lt3A_2532 : vector<16xi32>
    %add3A_2534 = arith.constant 16 : i32
    %add3A_2535 = vector.broadcast %add3A_2534 : i32 to vector<16xi32>
    %add3A_2536 = arith.addi %broadcast_in_dim3A_2478, %add3A_2535 : vector<16xi32>
    %select_n3A_2537 = arith.select %lt3A_2533, %add3A_2536, %broadcast_in_dim3A_2478 : vector<16xi1>, vector<16xi32>
    %broadcast_in_dim3A_2538 = vector.shape_cast %select_n3A_2537 : vector<16xi32> to vector<16x1xi32>
    %gather3A_2539 = vector.shape_cast %broadcast_in_dim3A_2538 : vector<16x1xi32> to vector<16xi32>
    %gather3A_2540 = tpu.dynamic_gather %add3A_2038[%gather3A_2539] in [0] : vector<16xf32>, vector<16xi32> -> vector<16xf32>
    %mul3A_2541 = arith.constant 0.001953125 : f32
    %mul3A_2542 = vector.broadcast %mul3A_2541 : f32 to vector<16xf32>
    %mul3A_2543 = arith.mulf %gather3A_2540, %mul3A_2542 : vector<16xf32>
    %scan3A_2544 = arith.constant 0 : i32
    %scan3A_2545 = arith.constant 0 : i32
    %scan3A_2546 = arith.constant 40 : i32
    %scan3A_2547 = arith.addi %scan3A_2545, %scan3A_2546 : i32
    %scan3A_2548 = arith.constant 1 : i32
    scf.for %scan3A_2625 = %scan3A_2545 to %scan3A_2547 step %scan3A_2548  : i32 {
      %mul3A_2626 = arith.constant 16 : i32
      %mul3A_2627 = arith.muli %scan3A_2625, %mul3A_2626 : i32
      %get3A = arith.index_cast %mul3A_2627 : i32 to index
      %get3A_2628 = tpu.vector_load %arg6[%get3A] {strides = array<i32>} : memref<5120xf32, #tpu.memory_space<vmem>>, vector<16xf32>,
      %get3A_2629 = vector.shape_cast %get3A_2628 : vector<16xf32> to vector<16xf32>
      %mul3A_2630 = arith.mulf %mul3A_2491, %get3A_2629 : vector<16xf32>
      %mul3A_2631 = arith.constant 16 : i32
      %mul3A_2632 = arith.muli %scan3A_2625, %mul3A_2631 : i32
      %add3A_2633 = arith.constant 640 : i32
      %add3A_2634 = arith.addi %add3A_2633, %mul3A_2632 : i32
      %get3A_2635 = arith.index_cast %add3A_2634 : i32 to index
      %get3A_2636 = tpu.vector_load %arg6[%get3A_2635] {strides = array<i32>} : memref<5120xf32, #tpu.memory_space<vmem>>, vector<16xf32>,
      %get3A_2637 = vector.shape_cast %get3A_2636 : vector<16xf32> to vector<16xf32>
      %mul3A_2638 = arith.mulf %mul3A_2504, %get3A_2637 : vector<16xf32>
      %add3A_2639 = arith.addf %mul3A_2630, %mul3A_2638 : vector<16xf32>
      %mul3A_2640 = arith.constant 16 : i32
      %mul3A_2641 = arith.muli %scan3A_2625, %mul3A_2640 : i32
      %add3A_2642 = arith.constant 1280 : i32
      %add3A_2643 = arith.addi %add3A_2642, %mul3A_2641 : i32
      %get3A_2644 = arith.index_cast %add3A_2643 : i32 to index
      %get3A_2645 = tpu.vector_load %arg6[%get3A_2644] {strides = array<i32>} : memref<5120xf32, #tpu.memory_space<vmem>>, vector<16xf32>,
      %get3A_2646 = vector.shape_cast %get3A_2645 : vector<16xf32> to vector<16xf32>
      %mul3A_2647 = arith.mulf %mul3A_2517, %get3A_2646 : vector<16xf32>
      %add3A_2648 = arith.addf %add3A_2639, %mul3A_2647 : vector<16xf32>
      %mul3A_2649 = arith.constant 16 : i32
      %mul3A_2650 = arith.muli %scan3A_2625, %mul3A_2649 : i32
      %add3A_2651 = arith.constant 1920 : i32
      %add3A_2652 = arith.addi %add3A_2651, %mul3A_2650 : i32
      %get3A_2653 = arith.index_cast %add3A_2652 : i32 to index
      %get3A_2654 = tpu.vector_load %arg6[%get3A_2653] {strides = array<i32>} : memref<5120xf32, #tpu.memory_space<vmem>>, vector<16xf32>,
      %get3A_2655 = vector.shape_cast %get3A_2654 : vector<16xf32> to vector<16xf32>
      %mul3A_2656 = arith.mulf %mul3A_2530, %get3A_2655 : vector<16xf32>
      %add3A_2657 = arith.addf %add3A_2648, %mul3A_2656 : vector<16xf32>
      %mul3A_2658 = arith.constant 16 : i32
      %mul3A_2659 = arith.muli %scan3A_2625, %mul3A_2658 : i32
      %add3A_2660 = arith.constant 2560 : i32
      %add3A_2661 = arith.addi %add3A_2660, %mul3A_2659 : i32
      %get3A_2662 = arith.index_cast %add3A_2661 : i32 to index
      %get3A_2663 = tpu.vector_load %arg6[%get3A_2662] {strides = array<i32>} : memref<5120xf32, #tpu.memory_space<vmem>>, vector<16xf32>,
      %get3A_2664 = vector.shape_cast %get3A_2663 : vector<16xf32> to vector<16xf32>
      %mul3A_2665 = arith.mulf %mul3A_2543, %get3A_2664 : vector<16xf32>
      %add3A_2666 = arith.addf %add3A_2657, %mul3A_2665 : vector<16xf32>
      %mul3A_2667 = arith.constant 16 : i32
      %mul3A_2668 = arith.muli %scan3A_2625, %mul3A_2667 : i32
      %add3A_2669 = arith.constant 19200 : i32
      %add3A_2670 = arith.addi %add3A_2669, %mul3A_2668 : i32
      %swap3A = arith.index_cast %add3A_2670 : i32 to index
      %swap3A_2671 = tpu.vector_load %arg7[%swap3A] {strides = array<i32>} : memref<20480xf32, #tpu.memory_space<vmem>>, vector<16xf32>,
      %swap3A_2672 = vector.shape_cast %swap3A_2671 : vector<16xf32> to vector<16xf32>
      %swap3A_2673 = vector.shape_cast %add3A_2666 : vector<16xf32> to vector<16xf32>
      tpu.vector_store %arg7[%swap3A], %swap3A_2673 {strides = array<i32>} : memref<20480xf32, #tpu.memory_space<vmem>>, vector<16xf32>,
    }
    %scan3A_2549 = arith.constant 40 : i32
    %broadcast_in_dim3A_2550 = arith.constant 7 : i32
    %broadcast_in_dim3A_2551 = vector.broadcast %broadcast_in_dim3A_2550 : i32 to vector<16xi32>
    %lt3A_2552 = arith.constant 0 : i32
    %lt3A_2553 = vector.broadcast %lt3A_2552 : i32 to vector<16xi32>
    %lt3A_2554 = arith.cmpi slt, %broadcast_in_dim3A_2551, %lt3A_2553 : vector<16xi32>
    %add3A_2555 = arith.constant 16 : i32
    %add3A_2556 = vector.broadcast %add3A_2555 : i32 to vector<16xi32>
    %add3A_2557 = arith.addi %broadcast_in_dim3A_2551, %add3A_2556 : vector<16xi32>
    %select_n3A_2558 = arith.select %lt3A_2554, %add3A_2557, %broadcast_in_dim3A_2551 : vector<16xi1>, vector<16xi32>
    %broadcast_in_dim3A_2559 = vector.shape_cast %select_n3A_2558 : vector<16xi32> to vector<16x1xi32>
    %gather3A_2560 = vector.shape_cast %broadcast_in_dim3A_2559 : vector<16x1xi32> to vector<16xi32>
    %gather3A_2561 = tpu.dynamic_gather %add3A_1994[%gather3A_2560] in [0] : vector<16xf32>, vector<16xi32> -> vector<16xf32>
    %mul3A_2562 = arith.constant 0.001953125 : f32
    %mul3A_2563 = vector.broadcast %mul3A_2562 : f32 to vector<16xf32>
    %mul3A_2564 = arith.mulf %gather3A_2561, %mul3A_2563 : vector<16xf32>
    %lt3A_2565 = arith.constant 0 : i32
    %lt3A_2566 = vector.broadcast %lt3A_2565 : i32 to vector<16xi32>
    %lt3A_2567 = arith.cmpi slt, %broadcast_in_dim3A_2551, %lt3A_2566 : vector<16xi32>
    %add3A_2568 = arith.constant 16 : i32
    %add3A_2569 = vector.broadcast %add3A_2568 : i32 to vector<16xi32>
    %add3A_2570 = arith.addi %broadcast_in_dim3A_2551, %add3A_2569 : vector<16xi32>
    %select_n3A_2571 = arith.select %lt3A_2567, %add3A_2570, %broadcast_in_dim3A_2551 : vector<16xi1>, vector<16xi32>
    %broadcast_in_dim3A_2572 = vector.shape_cast %select_n3A_2571 : vector<16xi32> to vector<16x1xi32>
    %gather3A_2573 = vector.shape_cast %broadcast_in_dim3A_2572 : vector<16x1xi32> to vector<16xi32>
    %gather3A_2574 = tpu.dynamic_gather %add3A_2005[%gather3A_2573] in [0] : vector<16xf32>, vector<16xi32> -> vector<16xf32>
    %mul3A_2575 = arith.constant 0.001953125 : f32
    %mul3A_2576 = vector.broadcast %mul3A_2575 : f32 to vector<16xf32>
    %mul3A_2577 = arith.mulf %gather3A_2574, %mul3A_2576 : vector<16xf32>
    %lt3A_2578 = arith.constant 0 : i32
    %lt3A_2579 = vector.broadcast %lt3A_2578 : i32 to vector<16xi32>
    %lt3A_2580 = arith.cmpi slt, %broadcast_in_dim3A_2551, %lt3A_2579 : vector<16xi32>
    %add3A_2581 = arith.constant 16 : i32
    %add3A_2582 = vector.broadcast %add3A_2581 : i32 to vector<16xi32>
    %add3A_2583 = arith.addi %broadcast_in_dim3A_2551, %add3A_2582 : vector<16xi32>
    %select_n3A_2584 = arith.select %lt3A_2580, %add3A_2583, %broadcast_in_dim3A_2551 : vector<16xi1>, vector<16xi32>
    %broadcast_in_dim3A_2585 = vector.shape_cast %select_n3A_2584 : vector<16xi32> to vector<16x1xi32>
    %gather3A_2586 = vector.shape_cast %broadcast_in_dim3A_2585 : vector<16x1xi32> to vector<16xi32>
    %gather3A_2587 = tpu.dynamic_gather %add3A_2016[%gather3A_2586] in [0] : vector<16xf32>, vector<16xi32> -> vector<16xf32>
    %mul3A_2588 = arith.constant 0.001953125 : f32
    %mul3A_2589 = vector.broadcast %mul3A_2588 : f32 to vector<16xf32>
    %mul3A_2590 = arith.mulf %gather3A_2587, %mul3A_2589 : vector<16xf32>
    %lt3A_2591 = arith.constant 0 : i32
    %lt3A_2592 = vector.broadcast %lt3A_2591 : i32 to vector<16xi32>
    %lt3A_2593 = arith.cmpi slt, %broadcast_in_dim3A_2551, %lt3A_2592 : vector<16xi32>
    %add3A_2594 = arith.constant 16 : i32
    %add3A_2595 = vector.broadcast %add3A_2594 : i32 to vector<16xi32>
    %add3A_2596 = arith.addi %broadcast_in_dim3A_2551, %add3A_2595 : vector<16xi32>
    %select_n3A_2597 = arith.select %lt3A_2593, %add3A_2596, %broadcast_in_dim3A_2551 : vector<16xi1>, vector<16xi32>
    %broadcast_in_dim3A_2598 = vector.shape_cast %select_n3A_2597 : vector<16xi32> to vector<16x1xi32>
    %gather3A_2599 = vector.shape_cast %broadcast_in_dim3A_2598 : vector<16x1xi32> to vector<16xi32>
    %gather3A_2600 = tpu.dynamic_gather %add3A_2027[%gather3A_2599] in [0] : vector<16xf32>, vector<16xi32> -> vector<16xf32>
    %mul3A_2601 = arith.constant 0.001953125 : f32
    %mul3A_2602 = vector.broadcast %mul3A_2601 : f32 to vector<16xf32>
    %mul3A_2603 = arith.mulf %gather3A_2600, %mul3A_2602 : vector<16xf32>
    %lt3A_2604 = arith.constant 0 : i32
    %lt3A_2605 = vector.broadcast %lt3A_2604 : i32 to vector<16xi32>
    %lt3A_2606 = arith.cmpi slt, %broadcast_in_dim3A_2551, %lt3A_2605 : vector<16xi32>
    %add3A_2607 = arith.constant 16 : i32
    %add3A_2608 = vector.broadcast %add3A_2607 : i32 to vector<16xi32>
    %add3A_2609 = arith.addi %broadcast_in_dim3A_2551, %add3A_2608 : vector<16xi32>
    %select_n3A_2610 = arith.select %lt3A_2606, %add3A_2609, %broadcast_in_dim3A_2551 : vector<16xi1>, vector<16xi32>
    %broadcast_in_dim3A_2611 = vector.shape_cast %select_n3A_2610 : vector<16xi32> to vector<16x1xi32>
    %gather3A_2612 = vector.shape_cast %broadcast_in_dim3A_2611 : vector<16x1xi32> to vector<16xi32>
    %gather3A_2613 = tpu.dynamic_gather %add3A_2038[%gather3A_2612] in [0] : vector<16xf32>, vector<16xi32> -> vector<16xf32>
    %mul3A_2614 = arith.constant 0.001953125 : f32
    %mul3A_2615 = vector.broadcast %mul3A_2614 : f32 to vector<16xf32>
    %mul3A_2616 = arith.mulf %gather3A_2613, %mul3A_2615 : vector<16xf32>
    %scan3A_2617 = arith.constant 0 : i32
    %scan3A_2618 = arith.constant 0 : i32
    %scan3A_2619 = arith.constant 40 : i32
    %scan3A_2620 = arith.addi %scan3A_2618, %scan3A_2619 : i32
    %scan3A_2621 = arith.constant 1 : i32
    scf.for %scan3A_2625 = %scan3A_2618 to %scan3A_2620 step %scan3A_2621  : i32 {
      %mul3A_2626 = arith.constant 16 : i32
      %mul3A_2627 = arith.muli %scan3A_2625, %mul3A_2626 : i32
      %get3A = arith.index_cast %mul3A_2627 : i32 to index
      %get3A_2628 = tpu.vector_load %arg6[%get3A] {strides = array<i32>} : memref<5120xf32, #tpu.memory_space<vmem>>, vector<16xf32>,
      %get3A_2629 = vector.shape_cast %get3A_2628 : vector<16xf32> to vector<16xf32>
      %mul3A_2630 = arith.mulf %mul3A_2564, %get3A_2629 : vector<16xf32>
      %mul3A_2631 = arith.constant 16 : i32
      %mul3A_2632 = arith.muli %scan3A_2625, %mul3A_2631 : i32
      %add3A_2633 = arith.constant 640 : i32
      %add3A_2634 = arith.addi %add3A_2633, %mul3A_2632 : i32
      %get3A_2635 = arith.index_cast %add3A_2634 : i32 to index
      %get3A_2636 = tpu.vector_load %arg6[%get3A_2635] {strides = array<i32>} : memref<5120xf32, #tpu.memory_space<vmem>>, vector<16xf32>,
      %get3A_2637 = vector.shape_cast %get3A_2636 : vector<16xf32> to vector<16xf32>
      %mul3A_2638 = arith.mulf %mul3A_2577, %get3A_2637 : vector<16xf32>
      %add3A_2639 = arith.addf %mul3A_2630, %mul3A_2638 : vector<16xf32>
      %mul3A_2640 = arith.constant 16 : i32
      %mul3A_2641 = arith.muli %scan3A_2625, %mul3A_2640 : i32
      %add3A_2642 = arith.constant 1280 : i32
      %add3A_2643 = arith.addi %add3A_2642, %mul3A_2641 : i32
      %get3A_2644 = arith.index_cast %add3A_2643 : i32 to index
      %get3A_2645 = tpu.vector_load %arg6[%get3A_2644] {strides = array<i32>} : memref<5120xf32, #tpu.memory_space<vmem>>, vector<16xf32>,
      %get3A_2646 = vector.shape_cast %get3A_2645 : vector<16xf32> to vector<16xf32>
      %mul3A_2647 = arith.mulf %mul3A_2590, %get3A_2646 : vector<16xf32>
      %add3A_2648 = arith.addf %add3A_2639, %mul3A_2647 : vector<16xf32>
      %mul3A_2649 = arith.constant 16 : i32
      %mul3A_2650 = arith.muli %scan3A_2625, %mul3A_2649 : i32
      %add3A_2651 = arith.constant 1920 : i32
      %add3A_2652 = arith.addi %add3A_2651, %mul3A_2650 : i32
      %get3A_2653 = arith.index_cast %add3A_2652 : i32 to index
      %get3A_2654 = tpu.vector_load %arg6[%get3A_2653] {strides = array<i32>} : memref<5120xf32, #tpu.memory_space<vmem>>, vector<16xf32>,
      %get3A_2655 = vector.shape_cast %get3A_2654 : vector<16xf32> to vector<16xf32>
      %mul3A_2656 = arith.mulf %mul3A_2603, %get3A_2655 : vector<16xf32>
      %add3A_2657 = arith.addf %add3A_2648, %mul3A_2656 : vector<16xf32>
      %mul3A_2658 = arith.constant 16 : i32
      %mul3A_2659 = arith.muli %scan3A_2625, %mul3A_2658 : i32
      %add3A_2660 = arith.constant 2560 : i32
      %add3A_2661 = arith.addi %add3A_2660, %mul3A_2659 : i32
      %get3A_2662 = arith.index_cast %add3A_2661 : i32 to index
      %get3A_2663 = tpu.vector_load %arg6[%get3A_2662] {strides = array<i32>} : memref<5120xf32, #tpu.memory_space<vmem>>, vector<16xf32>,
      %get3A_2664 = vector.shape_cast %get3A_2663 : vector<16xf32> to vector<16xf32>
      %mul3A_2665 = arith.mulf %mul3A_2616, %get3A_2664 : vector<16xf32>
      %add3A_2666 = arith.addf %add3A_2657, %mul3A_2665 : vector<16xf32>
      %mul3A_2667 = arith.constant 16 : i32
      %mul3A_2668 = arith.muli %scan3A_2625, %mul3A_2667 : i32
      %add3A_2669 = arith.constant 19840 : i32
      %add3A_2670 = arith.addi %add3A_2669, %mul3A_2668 : i32
      %swap3A = arith.index_cast %add3A_2670 : i32 to index
      %swap3A_2671 = tpu.vector_load %arg7[%swap3A] {strides = array<i32>} : memref<20480xf32, #tpu.memory_space<vmem>>, vector<16xf32>,
      %swap3A_2672 = vector.shape_cast %swap3A_2671 : vector<16xf32> to vector<16xf32>
      %swap3A_2673 = vector.shape_cast %add3A_2666 : vector<16xf32> to vector<16xf32>
      tpu.vector_store %arg7[%swap3A], %swap3A_2673 {strides = array<i32>} : memref<20480xf32, #tpu.memory_space<vmem>>, vector<16xf32>,
    }
    %scan3A_2622 = arith.constant 40 : i32
    %mul3A_2623 = arith.constant 20480 : i32
    %mul3A_2624 = arith.muli %add3A, %mul3A_2623 : i32
    "tpu.region"() ({
      %run_scoped3A = tpu.sem_alloc : memref<!tpu.dma_semaphore, #tpu.memory_space<semaphore_mem>>
      %dma_start3A = tpu.memref_slice %arg4[%mul3A_2624] : memref<655360xf32, #tpu.memory_space<hbm>> -> memref<20480xf32, #tpu.memory_space<hbm>>
      %dma_start3A_2625 = tpu.memref_slice %arg4[%mul3A_2624] : memref<655360xf32, #tpu.memory_space<hbm>> -> memref<20480xf32, #tpu.memory_space<hbm>>
      tpu.enqueue_dma source(%arg7 : memref<20480xf32, #tpu.memory_space<vmem>>) target(%dma_start3A_2625 : memref<20480xf32, #tpu.memory_space<hbm>>) target_semaphore(%run_scoped3A : memref<!tpu.dma_semaphore, #tpu.memory_space<semaphore_mem>>)
      %dma_wait3A = tpu.memref_slice %arg4[%mul3A_2624] : memref<655360xf32, #tpu.memory_space<hbm>> -> memref<20480xf32, #tpu.memory_space<hbm>>
      %dma_wait3A_2626 = tpu.memref_slice %arg4[%mul3A_2624] : memref<655360xf32, #tpu.memory_space<hbm>> -> memref<20480xf32, #tpu.memory_space<hbm>>
      tpu.wait_dma2 semaphore(%run_scoped3A : memref<!tpu.dma_semaphore, #tpu.memory_space<semaphore_mem>>) src(%arg7 : memref<20480xf32, #tpu.memory_space<vmem>>) dst(%dma_wait3A_2626 : memref<20480xf32, #tpu.memory_space<hbm>>)
      tpu.yield
    }) : () -> ()
    return
  }
}

module attributes {stable_mosaic.version = 14 : i64} {
  func.func @_ptable_body(%arg0: memref<8x640xf32, #tpu.memory_space<vmem>>, %arg1: memref<640x640xf32, #tpu.memory_space<vmem>>, %arg2: memref<640xf32, #tpu.memory_space<vmem>>, %arg3: memref<8x640xf32, #tpu.memory_space<vmem>>, %arg4: memref<16x640xbf16, #tpu.memory_space<vmem>>) attributes {dimension_semantics = [], scalar_prefetch = 0 : i64, scratch_operands = 0 : i64, tpu.core_type = #tpu.core_type<tc>} {
    %get3A = arith.constant 0 : index
    %get3A_0 = arith.constant 0 : index
    %get3A_1 = vector.load %arg0[%get3A, %get3A_0] : memref<8x640xf32, #tpu.memory_space<vmem>>, vector<8x640xf32>
    %get3A_2 = arith.constant 0 : index
    %get3A_3 = arith.constant 0 : index
    %get3A_4 = vector.load %arg1[%get3A_2, %get3A_3] : memref<640x640xf32, #tpu.memory_space<vmem>>, vector<640x640xf32>
    %dot_general3A = arith.constant dense<0.000000e+00> : vector<8x640xf32>
    %dot_general3A_5 = tpu.matmul %get3A_1, %get3A_4, %dot_general3A {dimension_numbers = #tpu.dot_dimension_numbers<[1], [1], [0], [0], [0, 0, 1, 0], [], []>, transpose_lhs_hint = false} : vector<8x640xf32>, vector<640x640xf32>, vector<8x640xf32> -> vector<8x640xf32>
    %get3A_6 = arith.constant 0 : index
    %get3A_7 = vector.load %arg2[%get3A_6] : memref<640xf32, #tpu.memory_space<vmem>>, vector<640xf32>
    %broadcast_in_dim3A = vector.shape_cast %get3A_7 : vector<640xf32> to vector<1x640xf32>
    %add3A = vector.broadcast %broadcast_in_dim3A : vector<1x640xf32> to vector<8x640xf32>
    %add3A_8 = arith.addf %dot_general3A_5, %add3A : vector<8x640xf32>
    %convert_element_type3A = arith.truncf %add3A_8 : vector<8x640xf32> to vector<8x640xbf16>
    %convert_element_type3A_9 = arith.extf %convert_element_type3A : vector<8x640xbf16> to vector<8x640xf32>
    %sub3A = arith.subf %add3A_8, %convert_element_type3A_9 : vector<8x640xf32>
    %convert_element_type3A_10 = arith.truncf %sub3A : vector<8x640xf32> to vector<8x640xbf16>
    %swap3A = arith.constant 0 : index
    %swap3A_11 = arith.constant 0 : index
    %swap3A_12 = vector.load %arg3[%swap3A, %swap3A_11] : memref<8x640xf32, #tpu.memory_space<vmem>>, vector<8x640xf32>
    tpu.vector_store %arg3[%swap3A, %swap3A_11], %add3A_8 {strides = array<i32>} : memref<8x640xf32, #tpu.memory_space<vmem>>, vector<8x640xf32>,
    %concatenate3A = tpu.concatenate %convert_element_type3A, %convert_element_type3A_10 in 0 : vector<8x640xbf16>, vector<8x640xbf16> -> vector<16x640xbf16>
    %swap3A_13 = arith.constant 0 : index
    %swap3A_14 = arith.constant 0 : index
    %swap3A_15 = vector.load %arg4[%swap3A_13, %swap3A_14] : memref<16x640xbf16, #tpu.memory_space<vmem>>, vector<16x640xbf16>
    tpu.vector_store %arg4[%swap3A_13, %swap3A_14], %concatenate3A {strides = array<i32>} : memref<16x640xbf16, #tpu.memory_space<vmem>>, vector<16x640xbf16>,
    return
  }
}

module attributes {stable_mosaic.version = 14 : i64} {
  func.func @_lookup_body(%arg0: i32, %arg1: memref<1x512x8xi32, #tpu.memory_space<vmem>>, %arg2: memref<16x640xbf16, #tpu.memory_space<vmem>>, %arg3: memref<8x512x640xf32, #tpu.memory_space<vmem>>) attributes {dimension_semantics = [#tpu.dimension_semantics<arbitrary>], iteration_bounds = array<i64: 128>, scalar_prefetch = 0 : i64, scratch_operands = 0 : i64, tpu.core_type = #tpu.core_type<tc>, window_params = [{transform_indices = @transform_0, window_bounds = array<i64: 1, 512, 8>}, {pipeline_mode = #tpu.pipeline_mode<synchronous>, transform_indices = @transform_1, window_bounds = array<i64: 16, 640>}, {transform_indices = @transform_2, window_bounds = array<i64: 8, 512, 640>}]} {
    %get3A = arith.constant 0 : index
    %get3A_0 = arith.constant 0 : index
    %get3A_1 = arith.constant 0 : index
    %get3A_2 = vector.load %arg1[%get3A, %get3A_0, %get3A_1] : memref<1x512x8xi32, #tpu.memory_space<vmem>>, vector<1x512x8xi32>
    %get3A_3 = vector.shape_cast %get3A_2 : vector<1x512x8xi32> to vector<512x8xi32>
    %get3A_4 = arith.constant 0 : index
    %get3A_5 = arith.constant 0 : index
    %get3A_6 = vector.load %arg2[%get3A_4, %get3A_5] : memref<16x640xbf16, #tpu.memory_space<vmem>>, vector<16x640xbf16>
    %iota3A = tpu.iota {dimensions = array<i32: 1>} : vector<1x16xi32>
    %and3A = arith.constant 7 : i32
    %and3A_7 = vector.broadcast %and3A : i32 to vector<1x16xi32>
    %and3A_8 = arith.andi %iota3A, %and3A_7 : vector<1x16xi32>
    %slice3A = vector.extract_strided_slice %get3A_3 {offsets = [0, 0], sizes = [512, 1], strides = [1, 1]} : vector<512x8xi32> to vector<512x1xi32>
    %eq3A = vector.broadcast %slice3A : vector<512x1xi32> to vector<512x16xi32>
    %eq3A_9 = vector.broadcast %and3A_8 : vector<1x16xi32> to vector<512x16xi32>
    %eq3A_10 = arith.cmpi eq, %eq3A, %eq3A_9 : vector<512x16xi32>
    %convert_element_type3A = arith.extui %eq3A_10 : vector<512x16xi1> to vector<512x16xi32>
    %convert_element_type3A_11 = arith.sitofp %convert_element_type3A : vector<512x16xi32> to vector<512x16xf32>
    %convert_element_type3A_12 = arith.truncf %convert_element_type3A_11 : vector<512x16xf32> to vector<512x16xbf16>
    %dot_general3A = arith.constant dense<0.000000e+00> : vector<512x640xf32>
    %dot_general3A_13 = tpu.matmul %convert_element_type3A_12, %get3A_6, %dot_general3A {dimension_numbers = #tpu.dot_dimension_numbers<[1], [0], [0], [1], [0, 0, 1, 1], [], []>, transpose_lhs_hint = false} : vector<512x16xbf16>, vector<16x640xbf16>, vector<512x640xf32> -> vector<512x640xf32>
    %swap3A = arith.constant 0 : index
    %swap3A_14 = arith.constant 0 : index
    %swap3A_15 = arith.constant 0 : index
    %swap3A_16 = vector.load %arg3[%swap3A, %swap3A_14, %swap3A_15] : memref<8x512x640xf32, #tpu.memory_space<vmem>>, vector<1x512x640xf32>
    %swap3A_17 = vector.shape_cast %swap3A_16 : vector<1x512x640xf32> to vector<512x640xf32>
    %swap3A_18 = vector.shape_cast %dot_general3A_13 : vector<512x640xf32> to vector<1x512x640xf32>
    tpu.vector_store %arg3[%swap3A, %swap3A_14, %swap3A_15], %swap3A_18 {strides = array<i32>} : memref<8x512x640xf32, #tpu.memory_space<vmem>>, vector<1x512x640xf32>,
    %slice3A_19 = vector.extract_strided_slice %get3A_3 {offsets = [0, 1], sizes = [512, 1], strides = [1, 1]} : vector<512x8xi32> to vector<512x1xi32>
    %eq3A_20 = vector.broadcast %slice3A_19 : vector<512x1xi32> to vector<512x16xi32>
    %eq3A_21 = vector.broadcast %and3A_8 : vector<1x16xi32> to vector<512x16xi32>
    %eq3A_22 = arith.cmpi eq, %eq3A_20, %eq3A_21 : vector<512x16xi32>
    %convert_element_type3A_23 = arith.extui %eq3A_22 : vector<512x16xi1> to vector<512x16xi32>
    %convert_element_type3A_24 = arith.sitofp %convert_element_type3A_23 : vector<512x16xi32> to vector<512x16xf32>
    %convert_element_type3A_25 = arith.truncf %convert_element_type3A_24 : vector<512x16xf32> to vector<512x16xbf16>
    %dot_general3A_26 = arith.constant dense<0.000000e+00> : vector<512x640xf32>
    %dot_general3A_27 = tpu.matmul %convert_element_type3A_25, %get3A_6, %dot_general3A_26 {dimension_numbers = #tpu.dot_dimension_numbers<[1], [0], [0], [1], [0, 0, 1, 1], [], []>, transpose_lhs_hint = false} : vector<512x16xbf16>, vector<16x640xbf16>, vector<512x640xf32> -> vector<512x640xf32>
    %swap3A_28 = arith.constant 1 : index
    %swap3A_29 = arith.constant 0 : index
    %swap3A_30 = arith.constant 0 : index
    %swap3A_31 = vector.load %arg3[%swap3A_28, %swap3A_29, %swap3A_30] : memref<8x512x640xf32, #tpu.memory_space<vmem>>, vector<1x512x640xf32>
    %swap3A_32 = vector.shape_cast %swap3A_31 : vector<1x512x640xf32> to vector<512x640xf32>
    %swap3A_33 = vector.shape_cast %dot_general3A_27 : vector<512x640xf32> to vector<1x512x640xf32>
    tpu.vector_store %arg3[%swap3A_28, %swap3A_29, %swap3A_30], %swap3A_33 {strides = array<i32>} : memref<8x512x640xf32, #tpu.memory_space<vmem>>, vector<1x512x640xf32>,
    %slice3A_34 = vector.extract_strided_slice %get3A_3 {offsets = [0, 2], sizes = [512, 1], strides = [1, 1]} : vector<512x8xi32> to vector<512x1xi32>
    %eq3A_35 = vector.broadcast %slice3A_34 : vector<512x1xi32> to vector<512x16xi32>
    %eq3A_36 = vector.broadcast %and3A_8 : vector<1x16xi32> to vector<512x16xi32>
    %eq3A_37 = arith.cmpi eq, %eq3A_35, %eq3A_36 : vector<512x16xi32>
    %convert_element_type3A_38 = arith.extui %eq3A_37 : vector<512x16xi1> to vector<512x16xi32>
    %convert_element_type3A_39 = arith.sitofp %convert_element_type3A_38 : vector<512x16xi32> to vector<512x16xf32>
    %convert_element_type3A_40 = arith.truncf %convert_element_type3A_39 : vector<512x16xf32> to vector<512x16xbf16>
    %dot_general3A_41 = arith.constant dense<0.000000e+00> : vector<512x640xf32>
    %dot_general3A_42 = tpu.matmul %convert_element_type3A_40, %get3A_6, %dot_general3A_41 {dimension_numbers = #tpu.dot_dimension_numbers<[1], [0], [0], [1], [0, 0, 1, 1], [], []>, transpose_lhs_hint = false} : vector<512x16xbf16>, vector<16x640xbf16>, vector<512x640xf32> -> vector<512x640xf32>
    %swap3A_43 = arith.constant 2 : index
    %swap3A_44 = arith.constant 0 : index
    %swap3A_45 = arith.constant 0 : index
    %swap3A_46 = vector.load %arg3[%swap3A_43, %swap3A_44, %swap3A_45] : memref<8x512x640xf32, #tpu.memory_space<vmem>>, vector<1x512x640xf32>
    %swap3A_47 = vector.shape_cast %swap3A_46 : vector<1x512x640xf32> to vector<512x640xf32>
    %swap3A_48 = vector.shape_cast %dot_general3A_42 : vector<512x640xf32> to vector<1x512x640xf32>
    tpu.vector_store %arg3[%swap3A_43, %swap3A_44, %swap3A_45], %swap3A_48 {strides = array<i32>} : memref<8x512x640xf32, #tpu.memory_space<vmem>>, vector<1x512x640xf32>,
    %slice3A_49 = vector.extract_strided_slice %get3A_3 {offsets = [0, 3], sizes = [512, 1], strides = [1, 1]} : vector<512x8xi32> to vector<512x1xi32>
    %eq3A_50 = vector.broadcast %slice3A_49 : vector<512x1xi32> to vector<512x16xi32>
    %eq3A_51 = vector.broadcast %and3A_8 : vector<1x16xi32> to vector<512x16xi32>
    %eq3A_52 = arith.cmpi eq, %eq3A_50, %eq3A_51 : vector<512x16xi32>
    %convert_element_type3A_53 = arith.extui %eq3A_52 : vector<512x16xi1> to vector<512x16xi32>
    %convert_element_type3A_54 = arith.sitofp %convert_element_type3A_53 : vector<512x16xi32> to vector<512x16xf32>
    %convert_element_type3A_55 = arith.truncf %convert_element_type3A_54 : vector<512x16xf32> to vector<512x16xbf16>
    %dot_general3A_56 = arith.constant dense<0.000000e+00> : vector<512x640xf32>
    %dot_general3A_57 = tpu.matmul %convert_element_type3A_55, %get3A_6, %dot_general3A_56 {dimension_numbers = #tpu.dot_dimension_numbers<[1], [0], [0], [1], [0, 0, 1, 1], [], []>, transpose_lhs_hint = false} : vector<512x16xbf16>, vector<16x640xbf16>, vector<512x640xf32> -> vector<512x640xf32>
    %swap3A_58 = arith.constant 3 : index
    %swap3A_59 = arith.constant 0 : index
    %swap3A_60 = arith.constant 0 : index
    %swap3A_61 = vector.load %arg3[%swap3A_58, %swap3A_59, %swap3A_60] : memref<8x512x640xf32, #tpu.memory_space<vmem>>, vector<1x512x640xf32>
    %swap3A_62 = vector.shape_cast %swap3A_61 : vector<1x512x640xf32> to vector<512x640xf32>
    %swap3A_63 = vector.shape_cast %dot_general3A_57 : vector<512x640xf32> to vector<1x512x640xf32>
    tpu.vector_store %arg3[%swap3A_58, %swap3A_59, %swap3A_60], %swap3A_63 {strides = array<i32>} : memref<8x512x640xf32, #tpu.memory_space<vmem>>, vector<1x512x640xf32>,
    %slice3A_64 = vector.extract_strided_slice %get3A_3 {offsets = [0, 4], sizes = [512, 1], strides = [1, 1]} : vector<512x8xi32> to vector<512x1xi32>
    %eq3A_65 = vector.broadcast %slice3A_64 : vector<512x1xi32> to vector<512x16xi32>
    %eq3A_66 = vector.broadcast %and3A_8 : vector<1x16xi32> to vector<512x16xi32>
    %eq3A_67 = arith.cmpi eq, %eq3A_65, %eq3A_66 : vector<512x16xi32>
    %convert_element_type3A_68 = arith.extui %eq3A_67 : vector<512x16xi1> to vector<512x16xi32>
    %convert_element_type3A_69 = arith.sitofp %convert_element_type3A_68 : vector<512x16xi32> to vector<512x16xf32>
    %convert_element_type3A_70 = arith.truncf %convert_element_type3A_69 : vector<512x16xf32> to vector<512x16xbf16>
    %dot_general3A_71 = arith.constant dense<0.000000e+00> : vector<512x640xf32>
    %dot_general3A_72 = tpu.matmul %convert_element_type3A_70, %get3A_6, %dot_general3A_71 {dimension_numbers = #tpu.dot_dimension_numbers<[1], [0], [0], [1], [0, 0, 1, 1], [], []>, transpose_lhs_hint = false} : vector<512x16xbf16>, vector<16x640xbf16>, vector<512x640xf32> -> vector<512x640xf32>
    %swap3A_73 = arith.constant 4 : index
    %swap3A_74 = arith.constant 0 : index
    %swap3A_75 = arith.constant 0 : index
    %swap3A_76 = vector.load %arg3[%swap3A_73, %swap3A_74, %swap3A_75] : memref<8x512x640xf32, #tpu.memory_space<vmem>>, vector<1x512x640xf32>
    %swap3A_77 = vector.shape_cast %swap3A_76 : vector<1x512x640xf32> to vector<512x640xf32>
    %swap3A_78 = vector.shape_cast %dot_general3A_72 : vector<512x640xf32> to vector<1x512x640xf32>
    tpu.vector_store %arg3[%swap3A_73, %swap3A_74, %swap3A_75], %swap3A_78 {strides = array<i32>} : memref<8x512x640xf32, #tpu.memory_space<vmem>>, vector<1x512x640xf32>,
    %slice3A_79 = vector.extract_strided_slice %get3A_3 {offsets = [0, 5], sizes = [512, 1], strides = [1, 1]} : vector<512x8xi32> to vector<512x1xi32>
    %eq3A_80 = vector.broadcast %slice3A_79 : vector<512x1xi32> to vector<512x16xi32>
    %eq3A_81 = vector.broadcast %and3A_8 : vector<1x16xi32> to vector<512x16xi32>
    %eq3A_82 = arith.cmpi eq, %eq3A_80, %eq3A_81 : vector<512x16xi32>
    %convert_element_type3A_83 = arith.extui %eq3A_82 : vector<512x16xi1> to vector<512x16xi32>
    %convert_element_type3A_84 = arith.sitofp %convert_element_type3A_83 : vector<512x16xi32> to vector<512x16xf32>
    %convert_element_type3A_85 = arith.truncf %convert_element_type3A_84 : vector<512x16xf32> to vector<512x16xbf16>
    %dot_general3A_86 = arith.constant dense<0.000000e+00> : vector<512x640xf32>
    %dot_general3A_87 = tpu.matmul %convert_element_type3A_85, %get3A_6, %dot_general3A_86 {dimension_numbers = #tpu.dot_dimension_numbers<[1], [0], [0], [1], [0, 0, 1, 1], [], []>, transpose_lhs_hint = false} : vector<512x16xbf16>, vector<16x640xbf16>, vector<512x640xf32> -> vector<512x640xf32>
    %swap3A_88 = arith.constant 5 : index
    %swap3A_89 = arith.constant 0 : index
    %swap3A_90 = arith.constant 0 : index
    %swap3A_91 = vector.load %arg3[%swap3A_88, %swap3A_89, %swap3A_90] : memref<8x512x640xf32, #tpu.memory_space<vmem>>, vector<1x512x640xf32>
    %swap3A_92 = vector.shape_cast %swap3A_91 : vector<1x512x640xf32> to vector<512x640xf32>
    %swap3A_93 = vector.shape_cast %dot_general3A_87 : vector<512x640xf32> to vector<1x512x640xf32>
    tpu.vector_store %arg3[%swap3A_88, %swap3A_89, %swap3A_90], %swap3A_93 {strides = array<i32>} : memref<8x512x640xf32, #tpu.memory_space<vmem>>, vector<1x512x640xf32>,
    %slice3A_94 = vector.extract_strided_slice %get3A_3 {offsets = [0, 6], sizes = [512, 1], strides = [1, 1]} : vector<512x8xi32> to vector<512x1xi32>
    %eq3A_95 = vector.broadcast %slice3A_94 : vector<512x1xi32> to vector<512x16xi32>
    %eq3A_96 = vector.broadcast %and3A_8 : vector<1x16xi32> to vector<512x16xi32>
    %eq3A_97 = arith.cmpi eq, %eq3A_95, %eq3A_96 : vector<512x16xi32>
    %convert_element_type3A_98 = arith.extui %eq3A_97 : vector<512x16xi1> to vector<512x16xi32>
    %convert_element_type3A_99 = arith.sitofp %convert_element_type3A_98 : vector<512x16xi32> to vector<512x16xf32>
    %convert_element_type3A_100 = arith.truncf %convert_element_type3A_99 : vector<512x16xf32> to vector<512x16xbf16>
    %dot_general3A_101 = arith.constant dense<0.000000e+00> : vector<512x640xf32>
    %dot_general3A_102 = tpu.matmul %convert_element_type3A_100, %get3A_6, %dot_general3A_101 {dimension_numbers = #tpu.dot_dimension_numbers<[1], [0], [0], [1], [0, 0, 1, 1], [], []>, transpose_lhs_hint = false} : vector<512x16xbf16>, vector<16x640xbf16>, vector<512x640xf32> -> vector<512x640xf32>
    %swap3A_103 = arith.constant 6 : index
    %swap3A_104 = arith.constant 0 : index
    %swap3A_105 = arith.constant 0 : index
    %swap3A_106 = vector.load %arg3[%swap3A_103, %swap3A_104, %swap3A_105] : memref<8x512x640xf32, #tpu.memory_space<vmem>>, vector<1x512x640xf32>
    %swap3A_107 = vector.shape_cast %swap3A_106 : vector<1x512x640xf32> to vector<512x640xf32>
    %swap3A_108 = vector.shape_cast %dot_general3A_102 : vector<512x640xf32> to vector<1x512x640xf32>
    tpu.vector_store %arg3[%swap3A_103, %swap3A_104, %swap3A_105], %swap3A_108 {strides = array<i32>} : memref<8x512x640xf32, #tpu.memory_space<vmem>>, vector<1x512x640xf32>,
    %slice3A_109 = vector.extract_strided_slice %get3A_3 {offsets = [0, 7], sizes = [512, 1], strides = [1, 1]} : vector<512x8xi32> to vector<512x1xi32>
    %eq3A_110 = vector.broadcast %slice3A_109 : vector<512x1xi32> to vector<512x16xi32>
    %eq3A_111 = vector.broadcast %and3A_8 : vector<1x16xi32> to vector<512x16xi32>
    %eq3A_112 = arith.cmpi eq, %eq3A_110, %eq3A_111 : vector<512x16xi32>
    %convert_element_type3A_113 = arith.extui %eq3A_112 : vector<512x16xi1> to vector<512x16xi32>
    %convert_element_type3A_114 = arith.sitofp %convert_element_type3A_113 : vector<512x16xi32> to vector<512x16xf32>
    %convert_element_type3A_115 = arith.truncf %convert_element_type3A_114 : vector<512x16xf32> to vector<512x16xbf16>
    %dot_general3A_116 = arith.constant dense<0.000000e+00> : vector<512x640xf32>
    %dot_general3A_117 = tpu.matmul %convert_element_type3A_115, %get3A_6, %dot_general3A_116 {dimension_numbers = #tpu.dot_dimension_numbers<[1], [0], [0], [1], [0, 0, 1, 1], [], []>, transpose_lhs_hint = false} : vector<512x16xbf16>, vector<16x640xbf16>, vector<512x640xf32> -> vector<512x640xf32>
    %swap3A_118 = arith.constant 7 : index
    %swap3A_119 = arith.constant 0 : index
    %swap3A_120 = arith.constant 0 : index
    %swap3A_121 = vector.load %arg3[%swap3A_118, %swap3A_119, %swap3A_120] : memref<8x512x640xf32, #tpu.memory_space<vmem>>, vector<1x512x640xf32>
    %swap3A_122 = vector.shape_cast %swap3A_121 : vector<1x512x640xf32> to vector<512x640xf32>
    %swap3A_123 = vector.shape_cast %dot_general3A_117 : vector<512x640xf32> to vector<1x512x640xf32>
    tpu.vector_store %arg3[%swap3A_118, %swap3A_119, %swap3A_120], %swap3A_123 {strides = array<i32>} : memref<8x512x640xf32, #tpu.memory_space<vmem>>, vector<1x512x640xf32>,
    return
  }
  func.func @transform_0(%arg0: i32) -> (i32, i32, i32) {
    %c0_i32 = arith.constant 0 : i32
    %c0_i32_0 = arith.constant 0 : i32
    %c0_i32_1 = arith.constant 0 : i32
    return %arg0, %c0_i32, %c0_i32_0 : i32, i32, i32
  }
  func.func @transform_1(%arg0: i32) -> (i32, i32) {
    %c0_i32 = arith.constant 0 : i32
    %c0_i32_0 = arith.constant 0 : i32
    %c0_i32_1 = arith.constant 0 : i32
    return %c0_i32, %c0_i32_0 : i32, i32
  }
  func.func @transform_2(%arg0: i32) -> (i32, i32, i32) {
    %c0_i32 = arith.constant 0 : i32
    %c0_i32_0 = arith.constant 0 : i32
    %c0_i32_1 = arith.constant 0 : i32
    return %arg0, %c0_i32, %c0_i32_0 : i32, i32, i32
  }
}

</mosaic_0001>

<sc_bundles>
// kernel: kernel.5.cloned.1.call-start
scs
__scs_entry_jumppad:
0x0: {  	(pc) =	sbr.rel $0x88, $3  }
0x1: {  	(tag) =	ssettag $0x0;
	lr =	simm.s32 $0x1  }
0x2: {  	[smem:$0x3F9D] =	sst lr;
	_ =	strace $0xD0000000  }
0x3: {  	_ = 	snop  }
0x4: {  	_ = 	snop  }
0x5: {  	_ = 	snop  }
0x6: {  	_ = 	snop  }
0x7: {  	_ = 	snop  }
__scs_overlays_trampoline_lowered:
0x8: {  	[smem:$0x3FAC] =	sst s0  }
0x9: {  	[smem:$0x3FAD] =	sst s1  }
0xa: {  	[smem:$0x3FAE] =	sst s2  }
0xb: {  	[smem:$0x3FAF] =	sst s3  }
0xc: {  	[smem:$0x3FB0] =	sst s4  }
0xd: {  	[smem:$0x3FB1] =	sst s5  }
0xe: {  	[smem:$0x3FB2] =	sst s6  }
0xf: {  	[smem:$0x3FB3] =	sst s7  }
0x10: {  	[smem:$0x3FB4] =	sst s8  }
0x11: {  	[smem:$0x3FB5] =	sst s9;
	s0 =	simm.s32 @!p0 $0x0  }
0x12: {  	s1 =	sld [smem:$0x3F9B];
	s0 =	simm.s32 @p0 $0x1  }
0x13: {  	[smem:$0x3FB6] =	sst s0;
	s0 =	simm.s32 @!p1 $0x0  }
0x14: {  	s2 =	sld [smem:$0x3F9A];
	s0 =	simm.s32 @p1 $0x1  }
0x15: {  	[smem:$0x3FB7] =	sst s0;
	s0 =	simm.s32 @!p2 $0x0  }
0x16: {  	s3 =	sld [smem:$0x3FDB];
	s0 =	simm.s32 @p2 $0x1  }
0x17: {  	s4 =	simm.s32 $0x1BF5;
	[smem:$0x3FB9] =	sst s0  }
0x18: {  	s0 =	sld [smem:$0x3F9C];
	_ =	swait.ge [sflag:s4], $0x0  }
0x19: {  	s7 =	sld [smem:$0x3F9D]  }
0x1a: {  	s8 =	sadd.s32 $0xFFFFE003, lr  }
0x1b: {  	s9 =	sadd.s32 $0xFFFFFEF7, lr;
	s5 =	simm.s32 $0xFFFFFFFF;
	p2 =	slt.u32 s8, $0xFFFFF086  }
0x1c: {  	p1 =	slt.u32 s9, $0xF7A;
	s5 =	simm.s32 @!p2 $0x0  }
0x1d: {  	s5 =	simm.s32 @p1 $0x1;
	p0 =	seq.s32 s7, s2  }
0x1e: {  	s7 =	smul.u32 @!p0 $0xF7A, s2;
	p2 =	seq.s32 @!p0 s5, $0x0  }
0x1f: {  	s9 =	smul.u32 $0xF7A, s1;
	s8 =	simm.s32 @!p0 $0x1BF5;
	p2 =	por !p2, p0  }
0x20: {  	[sflag:s8] =	ssyncset.s32 @!p0 $0xFFFFF086;
	s6 =	sadd.s32 @!p0 s3, s7;
	s7 =	simm.s32 @!p0 $0x108  }
0x21: {  	s3 =	sadd.s32 s3, s9;
	s6 =	sadd.s32 @!p0 $0x88, s6;
	s7 =	simm.s32 @p2 $0x1082  }
0x22: {  	[simem:s7], [sflag:s8] =	dma.local @!p0 [hbm:s6], $0xF7A  }
0x23: {  	s9 =	sor.u32 $0xD0000000, s2;
	s6 =	simm.s32 $0x108;
	_ =	swait.ge @!p0 [sflag:s8], $0x0  }
0x24: {  	s3 =	sadd.s32 $0x88, s3;
	s6 =	simm.s32 @!p1 $0x1082;
	[sflag:s4] =	ssyncset.s32 $0xFFFFF086  }
0x25: {  	[simem:s6], [sflag:s4] =	dma.local [hbm:s3], $0xF7A  }
0x26: {  	[smem:$0x3F9D] =	sst s1;
	(tag) =	ssettag s2;
	_ =	strace s9  }
0x27: {  	s1 =	sld [smem:$0x3FAD]  }
0x28: {  	s2 =	sld [smem:$0x3FAE]  }
0x29: {  	s4 =	sld [smem:$0x3FB0]  }
0x2a: {  	p0 =	seq.s32 s5, $0x0;
	s5 =	sld [smem:$0x3FB1]  }
0x2b: {  	s6 =	sld [smem:$0x3FB2]  }
0x2c: {  	s7 =	sld [smem:$0x3FB3]  }
0x2d: {  	s3 =	simm.s32 $0x108;
	s8 =	sld [smem:$0x3FB4]  }
0x2e: {  	s3 =	simm.s32 @!p0 $0x1082;
	s9 =	sld [smem:$0x3FB5]  }
0x2f: {  	lr =	sadd.s32 s0, s3;
	s0 =	sld [smem:$0x3FAC]  }
0x30: {  	s3 =	sld [smem:$0x3FAF]  }
0x31: {  	[smem:$0x3FB8] =	sst s10  }
0x32: {  	s10 =	sld [smem:$0x3FB6];
	_ =	sdelay $0x3  }
0x33: {  	p0 =	seq.s32 s10, $0x1;
	s10 =	sld [smem:$0x3FB8];
	_ =	sdelay $0x3  }
0x34: {  	[smem:$0x3FB8] =	sst s10  }
0x35: {  	s10 =	sld [smem:$0x3FB7];
	_ =	sdelay $0x3  }
0x36: {  	p1 =	seq.s32 s10, $0x1;
	s10 =	sld [smem:$0x3FB8];
	_ =	sdelay $0x3  }
0x37: {  	[smem:$0x3FB8] =	sst s10  }
0x38: {  	s10 =	sld [smem:$0x3FB9]  }
0x39: {  	_ = 	snop;
	(pc) =	sbr.ind lr, $3  }
0x3a: {  	_ = 	snop  }
0x3b: {  	_ = 	snop  }
0x3c: {  	p2 =	seq.s32 s10, $0x1;
	s10 =	sld [smem:$0x3FB8]  }
0x3d: {  	_ =	shalt  }
0x3e: {  	_ =	shalt  }
0x3f: {  	_ =	shalt  }
0x40: {  	_ =	shalt  }
0x41: {  	_ =	shalt  }
0x42: {  	_ =	shalt  }
0x43: {  	_ =	shalt  }
0x44: {  	_ =	shalt  }
0x45: {  	_ =	shalt  }
0x46: {  	_ =	shalt  }
0x47: {  	_ =	shalt  }
0x48: {  	_ =	shalt  }
0x49: {  	_ =	shalt  }
0x4a: {  	_ =	shalt  }
0x4b: {  	_ =	shalt  }
0x4c: {  	_ =	shalt  }
0x4d: {  	_ =	shalt  }
0x4e: {  	_ =	shalt  }
0x4f: {  	_ =	shalt  }
0x50: {  	_ =	shalt  }
0x51: {  	_ =	shalt  }
0x52: {  	_ =	shalt  }
0x53: {  	_ =	shalt  }
0x54: {  	_ =	shalt  }
0x55: {  	_ =	shalt  }
0x56: {  	_ =	shalt  }
0x57: {  	_ =	shalt  }
0x58: {  	_ =	shalt  }
0x59: {  	_ =	shalt  }
0x5a: {  	_ =	shalt  }
0x5b: {  	_ =	shalt  }
0x5c: {  	_ =	shalt  }
0x5d: {  	_ =	shalt  }
0x5e: {  	_ =	shalt  }
0x5f: {  	_ =	shalt  }
0x60: {  	_ =	shalt  }
0x61: {  	_ =	shalt  }
0x62: {  	_ =	shalt  }
0x63: {  	_ =	shalt  }
0x64: {  	_ =	shalt  }
0x65: {  	_ =	shalt  }
0x66: {  	_ =	shalt  }
0x67: {  	_ =	shalt  }
0x68: {  	_ =	shalt  }
0x69: {  	_ =	shalt  }
0x6a: {  	_ =	shalt  }
0x6b: {  	_ =	shalt  }
0x6c: {  	_ =	shalt  }
0x6d: {  	_ =	shalt  }
0x6e: {  	_ =	shalt  }
0x6f: {  	_ =	shalt  }
0x70: {  	_ =	shalt  }
0x71: {  	_ =	shalt  }
0x72: {  	_ =	shalt  }
0x73: {  	_ =	shalt  }
0x74: {  	_ =	shalt  }
0x75: {  	_ =	shalt  }
0x76: {  	_ =	shalt  }
0x77: {  	_ =	shalt  }
0x78: {  	_ =	shalt  }
0x79: {  	_ =	shalt  }
0x7a: {  	_ =	shalt  }
0x7b: {  	_ =	shalt  }
0x7c: {  	_ =	shalt  }
0x7d: {  	_ =	shalt  }
0x7e: {  	_ =	shalt  }
0x7f: {  	_ =	shalt  }
0x80: {  	_ =	shalt  }
0x81: {  	_ =	shalt  }
0x82: {  	_ =	shalt  }
0x83: {  	_ =	shalt  }
0x84: {  	_ =	shalt  }
0x85: {  	_ =	shalt  }
0x86: {  	_ =	shalt  }
0x87: {  	_ =	shalt  }
.Lfunc_end0:
.L_simem_size_0:
called_computation_lowered:
.L_overlay_start_0:
0x88: {  	s2 =	sld [smem:$0x3FD9]  }
0x89: {  	s3 =	sld [smem:$0x3FFE];
	_ =	sdelay $0x1  }
0x8a: {  	s1 =	srdreg.scid  }
0x8b: {  	s0 =	sand.u32 $0x1, s1  }
0x8c: {  	s14 =	sshll.u32 s0, $0xA;
	s2 =	sadd.s32 s3, s2  }
0x8d: {  	s2 =	sadd.s32 s2, s14  }
0x8e: {  	[smem:$0x3FC4] =	sst s2  }
0x8f: {  	_ = 	snop  }
0x90: {  	s2 =	sld [smem:$0x3FD0];
	_ =	sdelay $0x2  }
0x91: {  	s15 =	simm.s32 $0xA;
	s4 =	simm.s32 $0x10  }
0x92: {  	[smem:s4], [sflag:s15] =	dma.local [hbm:s2], $0x1  }
0x93: {  	_ =	swait.eq [sflag:s15], $0x1  }
0x94: {  	[sflag:s15] =	ssyncset.done $0x0  }
0x95: {  	s16 =	sld [smem:$0x11];
	[sflag:s15] =	ssyncadd.s32 $0xFFFFFFFF  }
0x96: {  	s17 =	sld [smem:$0x12];
	(tm) =	ssettm $0x1  }
0x97: {  	s18 =	sld [smem:$0x3FFB];
	_ =	sdelay $0x3  }
0x98: {  	_ =	strace s18  }
0x99: {  	s4 =	sld [smem:$0x3FFC];
	_ =	sdelay $0x3  }
0x9a: {  	_ =	strace s4  }
0x9b: {  	s4 =	sld [smem:$0x3FFD];
	_ =	sdelay $0x3  }
0x9c: {  	_ =	strace s4  }
0x9d: {  	_ =	strace $0x8FFFFFFF  }
0x9e: {  	s19 =	sld [smem:$0x3FDB];
	_ =	sdelay $0x1  }
0x9f: {  	s5 =	simm.s32 $_scs_section_size  }
0xa0: {  	s6 =	simm.s32 $_size__tile_overlayer_lowered;
	s7 =	simm.s32 $_tile_overlayer_lowered  }
0xa1: {  	s22 =	simm.s32 $0x1BFF;
	s21 =	sshll.u32 s7, $0x1;
	s4 =	sadd.s32 s5, s19  }
0xa2: {  	s8 =	simm.s32 $0x0;
	s20 =	sshll.u32 s6, $0x1;
	s6 =	sadd.s32 s21, s4  }
0xa3: {  	[timem:s8], [sflag:s22] =	dma.local [hbm:s6], s20  }
0xa4: {  	_ =	swait.ge [sflag:s22], s20  }
0xa5: {  	s5 =	ssub.s32 $0x0, s20;
	[sflag:s22] =	ssyncset.done $0x0  }
0xa6: {  	[sflag:s22] =	ssyncadd.s32 s5;
	_ =	sdelay $0x1  }
0xa7: {  	s23 =	simm.s32 $0x1B8B  }
0xa8: {  	_ =	swait.ge [sflag:s23], $0x1  }
0xa9: {  	[sflag:s23] =	ssyncset.done $0x0  }
0xaa: {  	s25 =	simm.s32 $0x1B8E;
	s24 =	sld [smem:$0x3FFE];
	[sflag:s23] =	ssyncadd.s32 $0xFFFFFFFF  }
0xab: {  	s26 =	simm.s32 $execute0_lowered;
	[smem:$0x3FD2] =	sst s25  }
0xac: {  	s6 =	sshll.u32 s26, $0x1;
	_ =	strace $0x80000046;
	[dreg:$0x1] =	wrdreg $0xFFFFFFFF  }
0xad: {  	s28 =	simm.s32 $_size_execute0_lowered;
	s4 =	sadd.s32 s4, s6;
	[dreg:$0x0] =	wrdreg $0x0  }
0xae: {  	s6 =	sshll.u32 s28, $0x1;
	[dreg:$0x2] =	wrdreg s4  }
0xaf: {  	[dreg:$0x3] =	wrdreg s6  }
0xb0: {  	[dreg:$0x4] =	wrdreg $0xC0  }
0xb1: {  	_ =	task [dreg:s8], $0x5FFFF  }
0xb2: {  	[dreg:$0x1] =	wrdreg $0xFFFFFFFF  }
0xb3: {  	[dreg:$0x0] =	wrdreg $0x60  }
0xb4: {  	[dreg:$0x2] =	wrdreg s17  }
0xb5: {  	[dreg:$0x3] =	wrdreg s16  }
0xb6: {  	[dreg:$0x4] =	wrdreg s24  }
0xb7: {  	[dreg:$0x5] =	wrdreg $0x9  }
0xb8: {  	_ =	task.clear_ibuf [dreg:s8], $0x6FFFF;
	_ =	strace $0x90000046  }
0xb9: {  	s29 =	simm.s32 $0x9;
	_ =	strace $0x80000048  }
0xba: {  	_ =	swait.ge [sflag:s29], $0x1  }
0xbb: {  	[sflag:s29] =	ssyncadd.s32 $0xFFFFFFFF  }
0xbc: {  	_ =	strace $0x90000048  }
0xbd: {  	_ =	sfence  }
0xbe: {  	s30 =	sld [smem:$0x0];
	_ =	sdelay $0x2  }
0xbf: {  	s31 =	sshll.u32 s1, $0xD;
	s1 =	sshrl.u32 s1, $0x2  }
0xc0: {  	s3 =	sand.u32 $0x4000, s31;
	s1 =	sadd.s32 s1, s30  }
0xc1: {  	s0 =	sor.u32 s3, s0;
	s1 =	sshll.u32 s1, $0x11  }
0xc2: {  	s0 =	sor.u32 s1, s0  }
0xc3: {  	s0 =	sadd.s32 $0x8F2B, s0  }
0xc4: {  	[sflag:s0] =	ssyncadd.remote.s32 $0x1  }
0xc5: {  	_ =	sfence.sel $0xFFFF  }
0xc6: {  	[dreg:$0x0] =	wrdreg $0xFFFFFFFF;
	(pc) =	sbr.abs _section_cstart, $3  }
0xc7: {  	[dreg:$0x1] =	wrdreg $0xFFFFFFFF  }
0xc8: {  	_ =	task.clear_ibuf [dreg:s8], $0x2FFFF;
	_ =	strace $0x9FFFFFFF  }
0xc9: {  	(tm) =	ssettm $0x7FFFFFFF  }
tec
execute0_lowered:
.L_overlay_start_1:
0x0: {  	(tag) =	ssettag $0x1  }
0x1: {  	s4 =	rddreg [dreg:$0x0]  }
0x2: {  	s1 =	rddreg [dreg:$0x1]  }
0x3: {  	s2 =	srdreg.scid;
	s0 =	stileid.u32  }
0x4: {  	v0 =	vimm.s32 $0xFEDCBA98;
	s5 =	rddreg [dreg:$0x2];
	s3 =	simm.s32 $0x0;
	s10 =	simm.s32 $0x0  }
0x5: {  	v1 =	vimm.s32 $0x76543210;
	v0 =	vunpack.c.l.s4.s8 v0;
	s6 =	sand.u32 $0x1, s2;
	s7 =	sshll.u32 s0, $0x1;
	s2 =	rddreg [dreg:$0x3]  }
0x6: {  	v3 =	vimm.s32 $0x1;
	v1 =	vunpack.c.l.s4.s8 v1;
	[smem:$0x7FF] =	sst s3;
	s7 =	sor.u32 s6, s7;
	s6 =	ssub.s32 $0x2, s6  }
0x7: {  	v4 =	vimm.s32 $0x2;
	v5 =	vimm.s32 $0x3;
	v2 =	vunpack.c.0.s8.s32 v0;
	s8 =	smul.u32 $0xA00, s7;
	s9 =	sshrl.u32 s6, $0x1;
	s7 =	sshll.u32 s7, $0xB  }
0x8: {  	v6 =	vimm.s32 $0x4;
	v7 =	vimm.s32 $0x5;
	_ =	strace $0x80000047;
	v1 =	vunpack.c.0.s8.s32 v1;
	s6 =	ssub.s32 s6, s9;
	s4 =	sadd.s32 s4, s7  }
0x9: {  	v8 =	vimm.s32 $0x6;
	v9 =	vimm.s32 $0x7;
	s7 =	simm.s32 $0x1;
	s9 =	simm.s32 $0x5400;
	v2 =	vand.u32 $0xF, v2;
	s5 =	sadd.s32 s8, s5  }
0xa: {  	v0 =	vimm.f32 $0.0e+00;
	s6 =	smax.u32 s6, $0x1;
	s8 =	simm.s32 $0x4000;
	v1 =	vcombine.low v2, v1;
	v2 =	vimm.s32 $0x0;
	s5 =	sadd.s32 $0x100E00, s5  }
.LBB2_1:
0xb: {  	[tilespmem:s3], [sflag:$0x1] =	stream.linear.gather [hbm4b:s4+s3], $0x4000, $0x38;
	[tilespmem:$0xA400] =	vst v63  }
0xc: {  	_ =	swait.ge [sflag:s7], $0x4000  }
0xd: {  	[sflag:s7] =	ssyncset.done $0x0  }
0xe: {  	[sflag:s7] =	ssyncadd.s32 $0xFFFFC000  }
0xf: {  	[tilespmem:s8], [sflag:$0x1] =	stream.linear.gather [hbm4b:s1+s3], $0x1400, $0x38;
	[tilespmem:$0xA400] =	vst v63  }
0x10: {  	_ =	swait.ge [sflag:s7], $0x1400  }
0x11: {  	[sflag:s7] =	ssyncset.done $0x0  }
0x12: {  	s12 =	simm.s32 $0x0;
	[sflag:s7] =	ssyncadd.s32 $0xFFFFEC00  }
0x13: {  	v10 =	vld [tilespmem:s12+$0x0];
	_ =	sdelay $0x2  }
0x14: {  	v11 =	vimm.f32 $0.0e+00;
	v13 =	vimm.f32 $0.0e+00  }
0x15: {  	s11 =	simm.s32 $0x40;
	v15 =	vimm.f32 $0.0e+00;
	v14 =	vimm.f32 $0.0e+00;
	v12 =	vimm.f32 $0.0e+00  }
.LBB2_2:
0x16: {  	s12 =	sshra.s32 s11, $0x2;
	p0 =	sne.s32 s11, $0x3FC0;
	s11 =	sadd.s32 $0x40, s11;
	vm0 =	veq.s32 v10, $0x0;
	vm1 =	veq.s32 v10, $0x1;
	vm2 =	veq.s32 v10, $0x4  }
.Ltmp0:
0x17: {  	vm3 =	veq.s32 v10, $0x2;
	vm4 =	veq.s32 v10, $0x3;
	v10 =	vld [tilespmem:s12+$0x0];
	v16 =	vsel vm2, $0x3F800000, v0;
	(pc) =	sbr.rel @p0 .LBB2_2-.Ltmp0, $4  }
0x18: {  	v17 =	vsel vm0, $0x3F800000, v0;
	v18 =	vsel vm1, $0x3F800000, v0;
	v11 =	vadd.f32 v16, v11  }
0x19: {  	v13 =	vadd.f32 v17, v13;
	v16 =	vsel vm3, $0x3F800000, v0;
	v17 =	vsel vm4, $0x3F800000, v0  }
0x1a: {  	v15 =	vadd.f32 v18, v15;
	v14 =	vadd.f32 v16, v14  }
0x1b: {  	v12 =	vadd.f32 v17, v12  }
0x1c: {  	vm0 =	veq.s32 v10, $0x0;
	vm1 =	veq.s32 v10, $0x1  }
0x1d: {  	vm2 =	veq.s32 v10, $0x2;
	v16 =	vsel vm0, $0x3F800000, v0;
	v17 =	vsel vm1, $0x3F800000, v0  }
0x1e: {  	v13 =	vadd.f32 v16, v13;
	v16 =	vsel vm2, $0x3F800000, v0;
	v15 =	vadd.f32 v17, v15  }
0x1f: {  	vm14 =	veq.s32 v10, $0x3;
	v14 =	vadd.f32 v16, v14  }
0x20: {  	v16 =	vsel vm14, $0x3F800000, v0;
	v17 =	vperm.xlane v13, v1;
	v18 =	vperm.xlane v15, v1  }
0x21: {  	vm15 =	veq.s32 v10, $0x4;
	s11 =	simm.s32 $0x0;
	s12 =	simm.s32 $0x4000;
	v16 =	vadd.f32 v16, v12;
	v19 =	vperm.xlane v14, v1  }
0x22: {  	v20 =	vsel vm15, $0x3F800000, v0;
	s11 =	sand.u32 $0x3F0, s11;
	v12 =	vadd.f32 v17, v13;
	v10 =	vadd.f32 v18, v15;
	v18 =	vld [tilespmem:s12+$0x0]  }
0x23: {  	v20 =	vadd.f32 v20, v11;
	v13 =	vperm.xlane v16, v1;
	v11 =	vadd.f32 v19, v14;
	v19 =	vld [tilespmem:s11+$0x4280]  }
0x24: {  	v14 =	vperm.xlane v12, v2;
	v15 =	vperm.xlane v10, v2  }
0x25: {  	v23 =	vld [tilespmem:s11+$0x4500];
	v21 =	vperm.xlane v20, v1;
	v13 =	vadd.f32 v13, v16;
	v22 =	vperm.xlane v11, v2  }
0x26: {  	v16 =	vmul.f32 $1.953125000e-03, v14;
	v17 =	vmul.f32 $1.953125000e-03, v15  }
0x27: {  	v24 =	vld [tilespmem:s11+$0x4780];
	v15 =	vmul.f32 $1.953125000e-03, v22;
	v22 =	vperm.xlane v13, v2  }
0x28: {  	v14 =	vadd.f32 v21, v20;
	v20 =	vmul.f32 v18, v16;
	v19 =	vmul.f32 v19, v17  }
0x29: {  	v21 =	vld [tilespmem:s11+$0x4A00];
	v18 =	vmul.f32 $1.953125000e-03, v22  }
0x2a: {  	v22 =	vperm.xlane v14, v2;
	v23 =	vmul.f32 v23, v15;
	v20 =	vadd.f32 v19, v20;
	_ =	sdelay $0x1  }
0x2b: {  	v19 =	vmul.f32 $1.953125000e-03, v22;
	v22 =	vmul.f32 v24, v18;
	v20 =	vadd.f32 v23, v20;
	_ =	sdelay $0x1  }
0x2c: {  	v21 =	vmul.f32 v21, v19;
	v20 =	vadd.f32 v22, v20;
	_ =	sdelay $0x1  }
0x2d: {  	v20 =	vadd.f32 v21, v20  }
0x2e: {  	s11 =	simm.s32 $0x5400  }
0x2f: {  	s13 =	simm.s32 $0x10;
	s12 =	simm.s32 $0x4010;
	[tilespmem:s11+$0x0] =	vst v20  }
0x30: {  	s14 =	sand.u32 $0x3F0, s13;
	s13 =	simm.s32 $0x20;
	v20 =	vld [tilespmem:s12+$0x0]  }
.LBB2_4:
0x31: {  	p0 =	sne.s32 s13, $0x270;
	v21 =	vld [tilespmem:s14+$0x4280];
	_ =	sdelay $0x1  }
0x32: {  	v22 =	vld [tilespmem:s14+$0x4500];
	_ =	sdelay $0x1  }
0x33: {  	v23 =	vld [tilespmem:s14+$0x4780]  }
0x34: {  	v20 =	vmul.f32 v20, v16;
	v21 =	vmul.f32 v21, v17  }
0x35: {  	v24 =	vld [tilespmem:s14+$0x4A00]  }
0x36: {  	v20 =	vadd.f32 v21, v20;
	v21 =	vmul.f32 v22, v15;
	_ =	sdelay $0x1  }
0x37: {  	v20 =	vadd.f32 v21, v20;
	v21 =	vmul.f32 v23, v18;
	_ =	sdelay $0x1  }
0x38: {  	v20 =	vadd.f32 v21, v20;
	v21 =	vmul.f32 v24, v19  }
.Ltmp1:
0x39: {  	(pc) =	sbr.rel @p0 .LBB2_4-.Ltmp1, $4  }
0x3a: {  	v20 =	vadd.f32 v21, v20  }
0x3b: {  	s11 =	sadd.s32 $0x10, s11  }
0x3c: {  	s12 =	sadd.s32 $0x10, s12;
	[tilespmem:s11+$0x0] =	vst v20  }
0x3d: {  	s14 =	sand.u32 $0x3F0, s13;
	s13 =	sadd.s32 $0x10, s13;
	v20 =	vld [tilespmem:s12+$0x0]  }
0x3e: {  	v21 =	vld [tilespmem:s14+$0x4280];
	_ =	sdelay $0x1  }
0x3f: {  	v22 =	vld [tilespmem:s14+$0x4500];
	_ =	sdelay $0x1  }
0x40: {  	v23 =	vld [tilespmem:s14+$0x4780]  }
0x41: {  	v16 =	vmul.f32 v20, v16;
	v17 =	vmul.f32 v21, v17  }
0x42: {  	v20 =	vld [tilespmem:s14+$0x4A00]  }
0x43: {  	v15 =	vmul.f32 v22, v15;
	v16 =	vadd.f32 v17, v16;
	_ =	sdelay $0x1  }
0x44: {  	v15 =	vadd.f32 v15, v16;
	v16 =	vmul.f32 v23, v18  }
0x45: {  	v17 =	vperm.xlane v12, v3  }
0x46: {  	v18 =	vmul.f32 v20, v19;
	v16 =	vadd.f32 v16, v15  }
0x47: {  	v15 =	vmul.f32 $1.953125000e-03, v17  }
0x48: {  	v17 =	vperm.xlane v10, v3;
	v16 =	vadd.f32 v18, v16;
	v18 =	vperm.xlane v11, v3  }
0x49: {  	s11 =	sadd.s32 $0x10, s11;
	s12 =	simm.s32 $0x0;
	v21 =	vperm.xlane v14, v3;
	v20 =	vperm.xlane v13, v3  }
0x4a: {  	v19 =	vmul.f32 $1.953125000e-03, v17;
	[tilespmem:s11+$0x0] =	vst v16;
	v17 =	vmul.f32 $1.953125000e-03, v18;
	s11 =	sand.u32 $0x3F0, s12  }
0x4b: {  	s13 =	simm.s32 $0x10;
	v18 =	vmul.f32 $1.953125000e-03, v20;
	v16 =	vmul.f32 $1.953125000e-03, v21;
	s12 =	simm.s32 $0x4000;
	v20 =	vld [tilespmem:s11+$0x4280]  }
.LBB2_6:
0x4c: {  	p0 =	sne.s32 s13, $0x270;
	v21 =	vld [tilespmem:s12+$0x0];
	_ =	sdelay $0x1  }
0x4d: {  	v22 =	vld [tilespmem:s11+$0x4500];
	_ =	sdelay $0x1  }
0x4e: {  	v23 =	vld [tilespmem:s11+$0x4780]  }
0x4f: {  	v20 =	vmul.f32 v20, v19;
	v21 =	vmul.f32 v21, v15  }
0x50: {  	v24 =	vld [tilespmem:s11+$0x4A00]  }
0x51: {  	v20 =	vadd.f32 v20, v21;
	v21 =	vmul.f32 v22, v17;
	_ =	sdelay $0x1  }
0x52: {  	v20 =	vadd.f32 v21, v20;
	v21 =	vmul.f32 v23, v18;
	_ =	sdelay $0x1  }
.Ltmp2:
0x53: {  	v20 =	vadd.f32 v21, v20;
	v21 =	vmul.f32 v24, v16;
	(pc) =	sbr.rel @p0 .LBB2_6-.Ltmp2, $4  }
0x54: {  	_ = 	snop  }
0x55: {  	v21 =	vadd.f32 v21, v20  }
0x56: {  	s14 =	sand.u32 $0x3F0, s13  }
0x57: {  	s13 =	sadd.s32 $0x10, s13;
	s12 =	sadd.s32 $0x10, s12;
	v20 =	vld [tilespmem:s14+$0x4280];
	[tilespmem:s11+$0x5680] =	vst v21;
	s11 =	smov.u32 s14  }
0x58: {  	v21 =	vld [tilespmem:s12+$0x0];
	_ =	sdelay $0x1  }
0x59: {  	v22 =	vld [tilespmem:s11+$0x4500];
	_ =	sdelay $0x1  }
0x5a: {  	v23 =	vld [tilespmem:s11+$0x4780]  }
0x5b: {  	v19 =	vmul.f32 v20, v19;
	v15 =	vmul.f32 v21, v15  }
0x5c: {  	v20 =	vld [tilespmem:s11+$0x4A00]  }
0x5d: {  	v17 =	vmul.f32 v22, v17;
	v15 =	vadd.f32 v19, v15;
	_ =	sdelay $0x1  }
0x5e: {  	v15 =	vadd.f32 v17, v15;
	v17 =	vmul.f32 v23, v18  }
0x5f: {  	v18 =	vperm.xlane v12, v4  }
0x60: {  	v16 =	vmul.f32 v20, v16;
	v17 =	vadd.f32 v17, v15  }
0x61: {  	v15 =	vmul.f32 $1.953125000e-03, v18  }
0x62: {  	v18 =	vperm.xlane v11, v4;
	v16 =	vadd.f32 v16, v17;
	v17 =	vperm.xlane v10, v4  }
0x63: {  	s31 =	simm.s32 $0x0;
	v21 =	vperm.xlane v14, v4;
	v20 =	vperm.xlane v13, v4  }
0x64: {  	[tilespmem:s11+$0x5680] =	vst v16;
	v19 =	vmul.f32 $1.953125000e-03, v17;
	v17 =	vmul.f32 $1.953125000e-03, v18;
	s11 =	sand.u32 $0x3F0, s31  }
0x65: {  	s12 =	simm.s32 $0x4000;
	s13 =	simm.s32 $0x10;
	v18 =	vmul.f32 $1.953125000e-03, v20;
	v16 =	vmul.f32 $1.953125000e-03, v21;
	v20 =	vld [tilespmem:s11+$0x4280]  }
.LBB2_8:
0x66: {  	p0 =	sne.s32 s13, $0x270;
	v21 =	vld [tilespmem:s12+$0x0];
	_ =	sdelay $0x1  }
0x67: {  	v22 =	vld [tilespmem:s11+$0x4500];
	_ =	sdelay $0x1  }
0x68: {  	v23 =	vld [tilespmem:s11+$0x4780]  }
0x69: {  	v20 =	vmul.f32 v20, v19;
	v21 =	vmul.f32 v21, v15  }
0x6a: {  	v24 =	vld [tilespmem:s11+$0x4A00]  }
0x6b: {  	v20 =	vadd.f32 v20, v21;
	v21 =	vmul.f32 v22, v17;
	_ =	sdelay $0x1  }
0x6c: {  	v20 =	vadd.f32 v21, v20;
	v21 =	vmul.f32 v23, v18;
	_ =	sdelay $0x1  }
.Ltmp3:
0x6d: {  	v20 =	vadd.f32 v21, v20;
	v21 =	vmul.f32 v24, v16;
	(pc) =	sbr.rel @p0 .LBB2_8-.Ltmp3, $4  }
0x6e: {  	_ = 	snop  }
0x6f: {  	v21 =	vadd.f32 v21, v20  }
0x70: {  	s14 =	sand.u32 $0x3F0, s13  }
0x71: {  	s13 =	sadd.s32 $0x10, s13;
	s12 =	sadd.s32 $0x10, s12;
	v20 =	vld [tilespmem:s14+$0x4280];
	[tilespmem:s11+$0x5900] =	vst v21;
	s11 =	smov.u32 s14  }
0x72: {  	v21 =	vld [tilespmem:s12+$0x0];
	_ =	sdelay $0x1  }
0x73: {  	v22 =	vld [tilespmem:s11+$0x4500];
	_ =	sdelay $0x1  }
0x74: {  	v23 =	vld [tilespmem:s11+$0x4780]  }
0x75: {  	v19 =	vmul.f32 v20, v19;
	v15 =	vmul.f32 v21, v15  }
0x76: {  	v20 =	vld [tilespmem:s11+$0x4A00]  }
0x77: {  	v17 =	vmul.f32 v22, v17;
	v15 =	vadd.f32 v19, v15;
	_ =	sdelay $0x1  }
0x78: {  	v15 =	vadd.f32 v17, v15;
	v17 =	vmul.f32 v23, v18  }
0x79: {  	v18 =	vperm.xlane v12, v5  }
0x7a: {  	v16 =	vmul.f32 v20, v16;
	v17 =	vadd.f32 v17, v15  }
0x7b: {  	v15 =	vmul.f32 $1.953125000e-03, v18  }
0x7c: {  	v18 =	vperm.xlane v11, v5;
	v16 =	vadd.f32 v16, v17;
	v17 =	vperm.xlane v10, v5  }
0x7d: {  	s31 =	simm.s32 $0x0;
	v21 =	vperm.xlane v14, v5;
	v20 =	vperm.xlane v13, v5  }
0x7e: {  	[tilespmem:s11+$0x5900] =	vst v16;
	v19 =	vmul.f32 $1.953125000e-03, v17;
	v17 =	vmul.f32 $1.953125000e-03, v18;
	s11 =	sand.u32 $0x3F0, s31  }
0x7f: {  	s12 =	simm.s32 $0x4000;
	s13 =	simm.s32 $0x10;
	v18 =	vmul.f32 $1.953125000e-03, v20;
	v16 =	vmul.f32 $1.953125000e-03, v21;
	v20 =	vld [tilespmem:s11+$0x4280]  }
.LBB2_10:
0x80: {  	p0 =	sne.s32 s13, $0x270;
	v21 =	vld [tilespmem:s12+$0x0];
	_ =	sdelay $0x1  }
0x81: {  	v22 =	vld [tilespmem:s11+$0x4500];
	_ =	sdelay $0x1  }
0x82: {  	v23 =	vld [tilespmem:s11+$0x4780]  }
0x83: {  	v20 =	vmul.f32 v20, v19;
	v21 =	vmul.f32 v21, v15  }
0x84: {  	v24 =	vld [tilespmem:s11+$0x4A00]  }
0x85: {  	v20 =	vadd.f32 v20, v21;
	v21 =	vmul.f32 v22, v17;
	_ =	sdelay $0x1  }
0x86: {  	v20 =	vadd.f32 v21, v20;
	v21 =	vmul.f32 v23, v18;
	_ =	sdelay $0x1  }
.Ltmp4:
0x87: {  	v20 =	vadd.f32 v21, v20;
	v21 =	vmul.f32 v24, v16;
	(pc) =	sbr.rel @p0 .LBB2_10-.Ltmp4, $4  }
0x88: {  	_ = 	snop  }
0x89: {  	v21 =	vadd.f32 v21, v20  }
0x8a: {  	s14 =	sand.u32 $0x3F0, s13  }
0x8b: {  	s13 =	sadd.s32 $0x10, s13;
	s12 =	sadd.s32 $0x10, s12;
	v20 =	vld [tilespmem:s14+$0x4280];
	[tilespmem:s11+$0x5B80] =	vst v21;
	s11 =	smov.u32 s14  }
0x8c: {  	v21 =	vld [tilespmem:s12+$0x0];
	_ =	sdelay $0x1  }
0x8d: {  	v22 =	vld [tilespmem:s11+$0x4500];
	_ =	sdelay $0x1  }
0x8e: {  	v23 =	vld [tilespmem:s11+$0x4780]  }
0x8f: {  	v19 =	vmul.f32 v20, v19;
	v15 =	vmul.f32 v21, v15  }
0x90: {  	v20 =	vld [tilespmem:s11+$0x4A00]  }
0x91: {  	v17 =	vmul.f32 v22, v17;
	v15 =	vadd.f32 v19, v15;
	_ =	sdelay $0x1  }
0x92: {  	v15 =	vadd.f32 v17, v15;
	v17 =	vmul.f32 v23, v18  }
0x93: {  	v18 =	vperm.xlane v12, v6  }
0x94: {  	v16 =	vmul.f32 v20, v16;
	v17 =	vadd.f32 v17, v15  }
0x95: {  	v15 =	vmul.f32 $1.953125000e-03, v18  }
0x96: {  	v18 =	vperm.xlane v11, v6;
	v16 =	vadd.f32 v16, v17;
	v17 =	vperm.xlane v10, v6  }
0x97: {  	s31 =	simm.s32 $0x0;
	v21 =	vperm.xlane v14, v6;
	v20 =	vperm.xlane v13, v6  }
0x98: {  	[tilespmem:s11+$0x5B80] =	vst v16;
	v19 =	vmul.f32 $1.953125000e-03, v17;
	v17 =	vmul.f32 $1.953125000e-03, v18;
	s11 =	sand.u32 $0x3F0, s31  }
0x99: {  	s12 =	simm.s32 $0x4000;
	s13 =	simm.s32 $0x10;
	v18 =	vmul.f32 $1.953125000e-03, v20;
	v16 =	vmul.f32 $1.953125000e-03, v21;
	v20 =	vld [tilespmem:s11+$0x4280]  }
.LBB2_12:
0x9a: {  	p0 =	sne.s32 s13, $0x270;
	v21 =	vld [tilespmem:s12+$0x0];
	_ =	sdelay $0x1  }
0x9b: {  	v22 =	vld [tilespmem:s11+$0x4500];
	_ =	sdelay $0x1  }
0x9c: {  	v23 =	vld [tilespmem:s11+$0x4780]  }
0x9d: {  	v20 =	vmul.f32 v20, v19;
	v21 =	vmul.f32 v21, v15  }
0x9e: {  	v24 =	vld [tilespmem:s11+$0x4A00]  }
0x9f: {  	v20 =	vadd.f32 v20, v21;
	v21 =	vmul.f32 v22, v17;
	_ =	sdelay $0x1  }
0xa0: {  	v20 =	vadd.f32 v21, v20;
	v21 =	vmul.f32 v23, v18;
	_ =	sdelay $0x1  }
.Ltmp5:
0xa1: {  	v20 =	vadd.f32 v21, v20;
	v21 =	vmul.f32 v24, v16;
	(pc) =	sbr.rel @p0 .LBB2_12-.Ltmp5, $4  }
0xa2: {  	_ = 	snop  }
0xa3: {  	v21 =	vadd.f32 v21, v20  }
0xa4: {  	s14 =	sand.u32 $0x3F0, s13  }
0xa5: {  	s13 =	sadd.s32 $0x10, s13;
	s12 =	sadd.s32 $0x10, s12;
	v20 =	vld [tilespmem:s14+$0x4280];
	[tilespmem:s11+$0x5E00] =	vst v21;
	s11 =	smov.u32 s14  }
0xa6: {  	v21 =	vld [tilespmem:s12+$0x0];
	_ =	sdelay $0x1  }
0xa7: {  	v22 =	vld [tilespmem:s11+$0x4500];
	_ =	sdelay $0x1  }
0xa8: {  	v23 =	vld [tilespmem:s11+$0x4780]  }
0xa9: {  	v19 =	vmul.f32 v20, v19;
	v15 =	vmul.f32 v21, v15  }
0xaa: {  	v20 =	vld [tilespmem:s11+$0x4A00]  }
0xab: {  	v17 =	vmul.f32 v22, v17;
	v15 =	vadd.f32 v19, v15;
	_ =	sdelay $0x1  }
0xac: {  	v15 =	vadd.f32 v17, v15;
	v17 =	vmul.f32 v23, v18  }
0xad: {  	v18 =	vperm.xlane v12, v7  }
0xae: {  	v16 =	vmul.f32 v20, v16;
	v17 =	vadd.f32 v17, v15  }
0xaf: {  	v15 =	vmul.f32 $1.953125000e-03, v18  }
0xb0: {  	v18 =	vperm.xlane v11, v7;
	v16 =	vadd.f32 v16, v17;
	v17 =	vperm.xlane v10, v7  }
0xb1: {  	s31 =	simm.s32 $0x0;
	v21 =	vperm.xlane v14, v7;
	v20 =	vperm.xlane v13, v7  }
0xb2: {  	[tilespmem:s11+$0x5E00] =	vst v16;
	v19 =	vmul.f32 $1.953125000e-03, v17;
	v17 =	vmul.f32 $1.953125000e-03, v18;
	s11 =	sand.u32 $0x3F0, s31  }
0xb3: {  	s12 =	simm.s32 $0x4000;
	s13 =	simm.s32 $0x10;
	v18 =	vmul.f32 $1.953125000e-03, v20;
	v16 =	vmul.f32 $1.953125000e-03, v21;
	v20 =	vld [tilespmem:s11+$0x4280]  }
.LBB2_14:
0xb4: {  	p0 =	sne.s32 s13, $0x270;
	v21 =	vld [tilespmem:s12+$0x0];
	_ =	sdelay $0x1  }
0xb5: {  	v22 =	vld [tilespmem:s11+$0x4500];
	_ =	sdelay $0x1  }
0xb6: {  	v23 =	vld [tilespmem:s11+$0x4780]  }
0xb7: {  	v20 =	vmul.f32 v20, v19;
	v21 =	vmul.f32 v21, v15  }
0xb8: {  	v24 =	vld [tilespmem:s11+$0x4A00]  }
0xb9: {  	v20 =	vadd.f32 v20, v21;
	v21 =	vmul.f32 v22, v17;
	_ =	sdelay $0x1  }
0xba: {  	v20 =	vadd.f32 v21, v20;
	v21 =	vmul.f32 v23, v18;
	_ =	sdelay $0x1  }
.Ltmp6:
0xbb: {  	v20 =	vadd.f32 v21, v20;
	v21 =	vmul.f32 v24, v16;
	(pc) =	sbr.rel @p0 .LBB2_14-.Ltmp6, $4  }
0xbc: {  	_ = 	snop  }
0xbd: {  	v21 =	vadd.f32 v21, v20  }
0xbe: {  	s14 =	sand.u32 $0x3F0, s13  }
0xbf: {  	s13 =	sadd.s32 $0x10, s13;
	s12 =	sadd.s32 $0x10, s12;
	v20 =	vld [tilespmem:s14+$0x4280];
	[tilespmem:s11+$0x6080] =	vst v21;
	s11 =	smov.u32 s14  }
0xc0: {  	v21 =	vld [tilespmem:s12+$0x0];
	_ =	sdelay $0x1  }
0xc1: {  	v22 =	vld [tilespmem:s11+$0x4500];
	_ =	sdelay $0x1  }
0xc2: {  	v23 =	vld [tilespmem:s11+$0x4780]  }
0xc3: {  	v19 =	vmul.f32 v20, v19;
	v15 =	vmul.f32 v21, v15  }
0xc4: {  	v20 =	vld [tilespmem:s11+$0x4A00]  }
0xc5: {  	v17 =	vmul.f32 v22, v17;
	v15 =	vadd.f32 v19, v15;
	_ =	sdelay $0x1  }
0xc6: {  	v15 =	vadd.f32 v17, v15;
	v17 =	vmul.f32 v23, v18  }
0xc7: {  	v18 =	vperm.xlane v12, v8  }
0xc8: {  	v16 =	vmul.f32 v20, v16;
	v17 =	vadd.f32 v17, v15  }
0xc9: {  	v15 =	vmul.f32 $1.953125000e-03, v18  }
0xca: {  	v18 =	vperm.xlane v11, v8;
	v16 =	vadd.f32 v16, v17;
	v17 =	vperm.xlane v10, v8  }
0xcb: {  	s31 =	simm.s32 $0x0;
	v21 =	vperm.xlane v14, v8;
	v20 =	vperm.xlane v13, v8  }
0xcc: {  	[tilespmem:s11+$0x6080] =	vst v16;
	v19 =	vmul.f32 $1.953125000e-03, v17;
	v17 =	vmul.f32 $1.953125000e-03, v18;
	s11 =	sand.u32 $0x3F0, s31  }
0xcd: {  	s12 =	simm.s32 $0x4000;
	s13 =	simm.s32 $0x10;
	v18 =	vmul.f32 $1.953125000e-03, v20;
	v16 =	vmul.f32 $1.953125000e-03, v21;
	v20 =	vld [tilespmem:s11+$0x4280]  }
.LBB2_16:
0xce: {  	p0 =	sne.s32 s13, $0x270;
	v21 =	vld [tilespmem:s12+$0x0];
	_ =	sdelay $0x1  }
0xcf: {  	v22 =	vld [tilespmem:s11+$0x4500];
	_ =	sdelay $0x1  }
0xd0: {  	v23 =	vld [tilespmem:s11+$0x4780]  }
0xd1: {  	v20 =	vmul.f32 v20, v19;
	v21 =	vmul.f32 v21, v15  }
0xd2: {  	v24 =	vld [tilespmem:s11+$0x4A00]  }
0xd3: {  	v20 =	vadd.f32 v20, v21;
	v21 =	vmul.f32 v22, v17;
	_ =	sdelay $0x1  }
0xd4: {  	v20 =	vadd.f32 v21, v20;
	v21 =	vmul.f32 v23, v18;
	_ =	sdelay $0x1  }
.Ltmp7:
0xd5: {  	v20 =	vadd.f32 v21, v20;
	v21 =	vmul.f32 v24, v16;
	(pc) =	sbr.rel @p0 .LBB2_16-.Ltmp7, $4  }
0xd6: {  	_ = 	snop  }
0xd7: {  	v21 =	vadd.f32 v21, v20  }
0xd8: {  	s14 =	sand.u32 $0x3F0, s13  }
0xd9: {  	s13 =	sadd.s32 $0x10, s13;
	s12 =	sadd.s32 $0x10, s12;
	v20 =	vld [tilespmem:s14+$0x4280];
	[tilespmem:s11+$0x6300] =	vst v21;
	s11 =	smov.u32 s14  }
0xda: {  	v21 =	vld [tilespmem:s12+$0x0];
	_ =	sdelay $0x1  }
0xdb: {  	v22 =	vld [tilespmem:s11+$0x4500];
	_ =	sdelay $0x1  }
0xdc: {  	v23 =	vld [tilespmem:s11+$0x4780]  }
0xdd: {  	v19 =	vmul.f32 v20, v19;
	v15 =	vmul.f32 v21, v15  }
0xde: {  	v63 =	vld [tilespmem:s11+$0x4A00]  }
0xdf: {  	v17 =	vmul.f32 v22, v17;
	v15 =	vadd.f32 v19, v15;
	_ =	sdelay $0x1  }
0xe0: {  	v15 =	vadd.f32 v17, v15;
	v17 =	vmul.f32 v23, v18;
	_ =	sdelay $0x1  }
0xe1: {  	v16 =	vmul.f32 v63, v16;
	v15 =	vadd.f32 v17, v15  }
0xe2: {  	v12 =	vperm.xlane v12, v9;
	v10 =	vperm.xlane v10, v9  }
0xe3: {  	v11 =	vperm.xlane v11, v9;
	v13 =	vperm.xlane v13, v9;
	v15 =	vadd.f32 v16, v15  }
0xe4: {  	s12 =	simm.s32 $0x0;
	v12 =	vmul.f32 $1.953125000e-03, v12;
	v16 =	vperm.xlane v14, v9  }
0xe5: {  	v11 =	vmul.f32 $1.953125000e-03, v11;
	v13 =	vmul.f32 $1.953125000e-03, v13;
	[tilespmem:s11+$0x6300] =	vst v15;
	s11 =	sand.u32 $0x3F0, s12  }
0xe6: {  	s13 =	simm.s32 $0x4000;
	s14 =	simm.s32 $0x10;
	v14 =	vmul.f32 $1.953125000e-03, v10;
	v10 =	vmul.f32 $1.953125000e-03, v16;
	v15 =	vld [tilespmem:s11+$0x4280]  }
.LBB2_18:
0xe7: {  	p0 =	sne.s32 s14, $0x270;
	v16 =	vld [tilespmem:s13+$0x0];
	_ =	sdelay $0x1  }
0xe8: {  	v17 =	vld [tilespmem:s11+$0x4500];
	_ =	sdelay $0x1  }
0xe9: {  	v18 =	vld [tilespmem:s11+$0x4780]  }
0xea: {  	v15 =	vmul.f32 v15, v14;
	v16 =	vmul.f32 v16, v12  }
0xeb: {  	v19 =	vld [tilespmem:s11+$0x4A00]  }
0xec: {  	v15 =	vadd.f32 v15, v16;
	v16 =	vmul.f32 v17, v11;
	_ =	sdelay $0x1  }
0xed: {  	v15 =	vadd.f32 v16, v15;
	v16 =	vmul.f32 v18, v13;
	_ =	sdelay $0x1  }
.Ltmp8:
0xee: {  	v15 =	vadd.f32 v16, v15;
	v16 =	vmul.f32 v19, v10;
	(pc) =	sbr.rel @p0 .LBB2_18-.Ltmp8, $4  }
0xef: {  	_ = 	snop  }
0xf0: {  	v16 =	vadd.f32 v16, v15  }
0xf1: {  	s15 =	sand.u32 $0x3F0, s14  }
0xf2: {  	s14 =	sadd.s32 $0x10, s14;
	s13 =	sadd.s32 $0x10, s13;
	v15 =	vld [tilespmem:s15+$0x4280];
	[tilespmem:s11+$0x6580] =	vst v16;
	s11 =	smov.u32 s15  }
0xf3: {  	v16 =	vld [tilespmem:s13+$0x0];
	_ =	sdelay $0x1  }
0xf4: {  	v17 =	vld [tilespmem:s11+$0x4500];
	_ =	sdelay $0x1  }
0xf5: {  	v18 =	vld [tilespmem:s11+$0x4780]  }
0xf6: {  	v14 =	vmul.f32 v15, v14;
	v12 =	vmul.f32 v16, v12  }
0xf7: {  	v15 =	vld [tilespmem:s11+$0x4A00]  }
0xf8: {  	v11 =	vmul.f32 v17, v11;
	v12 =	vadd.f32 v14, v12;
	_ =	sdelay $0x1  }
0xf9: {  	v11 =	vadd.f32 v11, v12;
	v12 =	vmul.f32 v18, v13;
	_ =	sdelay $0x1  }
0xfa: {  	v10 =	vmul.f32 v15, v10;
	v11 =	vadd.f32 v12, v11;
	_ =	sdelay $0x1  }
0xfb: {  	v10 =	vadd.f32 v10, v11;
	_ =	sdelay $0x1  }
0xfc: {  	s12 =	sand.u32 $0xFF0, s12;
	[tilespmem:s11+$0x6580] =	vst v10  }
0xfd: {  	v15 =	vld [tilespmem:s12+$0x1000];
	_ =	sdelay $0x2  }
0xfe: {  	v14 =	vimm.f32 $0.0e+00;
	v13 =	vimm.f32 $0.0e+00  }
0xff: {  	v12 =	vimm.f32 $0.0e+00;
	v11 =	vimm.f32 $0.0e+00;
	v10 =	vimm.f32 $0.0e+00;
	s11 =	simm.s32 $0x10  }
.LBB2_20:
0x100: {  	s12 =	sand.u32 $0xFF0, s11;
	p0 =	sne.s32 s11, $0xFF0;
	s11 =	sadd.s32 $0x10, s11;
	vm0 =	veq.s32 v15, $0x0;
	vm1 =	veq.s32 v15, $0x1;
	vm2 =	veq.s32 v15, $0x4  }
.Ltmp9:
0x101: {  	vm3 =	veq.s32 v15, $0x2;
	vm4 =	veq.s32 v15, $0x3;
	v15 =	vld [tilespmem:s12+$0x1000];
	v16 =	vsel vm2, $0x3F800000, v0;
	(pc) =	sbr.rel @p0 .LBB2_20-.Ltmp9, $4  }
0x102: {  	v17 =	vsel vm0, $0x3F800000, v0;
	v18 =	vsel vm1, $0x3F800000, v0;
	v10 =	vadd.f32 v16, v10  }
0x103: {  	v14 =	vadd.f32 v17, v14;
	v16 =	vsel vm3, $0x3F800000, v0;
	v17 =	vsel vm4, $0x3F800000, v0  }
0x104: {  	v13 =	vadd.f32 v18, v13;
	v11 =	vadd.f32 v16, v11  }
0x105: {  	v12 =	vadd.f32 v17, v12  }
0x106: {  	vm0 =	veq.s32 v15, $0x0;
	vm1 =	veq.s32 v15, $0x1  }
0x107: {  	vm15 =	veq.s32 v15, $0x4;
	vm2 =	veq.s32 v15, $0x2;
	v16 =	vsel vm0, $0x3F800000, v0  }
0x108: {  	vm3 =	veq.s32 v15, $0x3;
	v15 =	vsel vm1, $0x3F800000, v0;
	v14 =	vadd.f32 v16, v14  }
0x109: {  	v17 =	vsel vm3, $0x3F800000, v0;
	v16 =	vsel vm2, $0x3F800000, v0;
	v13 =	vadd.f32 v15, v13  }
0x10a: {  	v18 =	vsel vm15, $0x3F800000, v0;
	v16 =	vadd.f32 v16, v11;
	v15 =	vperm.xlane v14, v1  }
0x10b: {  	v17 =	vadd.f32 v17, v12;
	v18 =	vadd.f32 v18, v10;
	v11 =	vperm.xlane v13, v1  }
0x10c: {  	v12 =	vperm.xlane v16, v1;
	v10 =	vadd.f32 v15, v14  }
0x10d: {  	v14 =	vperm.xlane v17, v1;
	v15 =	vperm.xlane v18, v1;
	v11 =	vadd.f32 v11, v13  }
0x10e: {  	v12 =	vadd.f32 v12, v16;
	v19 =	vperm.xlane v10, v2  }
0x10f: {  	v13 =	vadd.f32 v14, v17;
	v14 =	vadd.f32 v15, v18;
	v16 =	vperm.xlane v11, v2  }
0x110: {  	v17 =	vperm.xlane v12, v2;
	v15 =	vmul.f32 $1.953125000e-03, v19  }
0x111: {  	s11 =	simm.s32 $0x0;
	v18 =	vperm.xlane v13, v2;
	v20 =	vperm.xlane v14, v2  }
0x112: {  	s11 =	sand.u32 $0x3F0, s11;
	v19 =	vmul.f32 $1.953125000e-03, v16;
	v17 =	vmul.f32 $1.953125000e-03, v17  }
0x113: {  	s12 =	simm.s32 $0x4000;
	s13 =	simm.s32 $0x10;
	v18 =	vmul.f32 $1.953125000e-03, v18;
	v16 =	vmul.f32 $1.953125000e-03, v20;
	v20 =	vld [tilespmem:s11+$0x4280]  }
.LBB2_22:
0x114: {  	p0 =	sne.s32 s13, $0x270;
	v21 =	vld [tilespmem:s12+$0x0];
	_ =	sdelay $0x1  }
0x115: {  	v22 =	vld [tilespmem:s11+$0x4500];
	_ =	sdelay $0x1  }
0x116: {  	v23 =	vld [tilespmem:s11+$0x4780]  }
0x117: {  	v20 =	vmul.f32 v20, v19;
	v21 =	vmul.f32 v21, v15  }
0x118: {  	v24 =	vld [tilespmem:s11+$0x4A00]  }
0x119: {  	v20 =	vadd.f32 v20, v21;
	v21 =	vmul.f32 v22, v17;
	_ =	sdelay $0x1  }
0x11a: {  	v20 =	vadd.f32 v21, v20;
	v21 =	vmul.f32 v23, v18;
	_ =	sdelay $0x1  }
.Ltmp10:
0x11b: {  	v20 =	vadd.f32 v21, v20;
	v21 =	vmul.f32 v24, v16;
	(pc) =	sbr.rel @p0 .LBB2_22-.Ltmp10, $4  }
0x11c: {  	_ = 	snop  }
0x11d: {  	v21 =	vadd.f32 v21, v20  }
0x11e: {  	s14 =	sand.u32 $0x3F0, s13  }
0x11f: {  	s13 =	sadd.s32 $0x10, s13;
	s12 =	sadd.s32 $0x10, s12;
	v20 =	vld [tilespmem:s14+$0x4280];
	[tilespmem:s11+$0x6800] =	vst v21;
	s11 =	smov.u32 s14  }
0x120: {  	v21 =	vld [tilespmem:s12+$0x0];
	_ =	sdelay $0x1  }
0x121: {  	v22 =	vld [tilespmem:s11+$0x4500];
	_ =	sdelay $0x1  }
0x122: {  	v23 =	vld [tilespmem:s11+$0x4780]  }
0x123: {  	v19 =	vmul.f32 v20, v19;
	v15 =	vmul.f32 v21, v15  }
0x124: {  	v20 =	vld [tilespmem:s11+$0x4A00]  }
0x125: {  	v17 =	vmul.f32 v22, v17;
	v15 =	vadd.f32 v19, v15;
	_ =	sdelay $0x1  }
0x126: {  	v15 =	vadd.f32 v17, v15;
	v17 =	vmul.f32 v23, v18  }
0x127: {  	v18 =	vperm.xlane v10, v3  }
0x128: {  	v16 =	vmul.f32 v20, v16;
	v17 =	vadd.f32 v17, v15  }
0x129: {  	v15 =	vmul.f32 $1.953125000e-03, v18  }
0x12a: {  	v18 =	vperm.xlane v12, v3;
	v16 =	vadd.f32 v16, v17;
	v17 =	vperm.xlane v11, v3  }
0x12b: {  	s31 =	simm.s32 $0x0;
	v21 =	vperm.xlane v14, v3;
	v20 =	vperm.xlane v13, v3  }
0x12c: {  	[tilespmem:s11+$0x6800] =	vst v16;
	v19 =	vmul.f32 $1.953125000e-03, v17;
	v17 =	vmul.f32 $1.953125000e-03, v18;
	s11 =	sand.u32 $0x3F0, s31  }
0x12d: {  	s12 =	simm.s32 $0x4000;
	s13 =	simm.s32 $0x10;
	v18 =	vmul.f32 $1.953125000e-03, v20;
	v16 =	vmul.f32 $1.953125000e-03, v21;
	v20 =	vld [tilespmem:s11+$0x4280]  }
.LBB2_24:
0x12e: {  	p0 =	sne.s32 s13, $0x270;
	v21 =	vld [tilespmem:s12+$0x0];
	_ =	sdelay $0x1  }
0x12f: {  	v22 =	vld [tilespmem:s11+$0x4500];
	_ =	sdelay $0x1  }
0x130: {  	v23 =	vld [tilespmem:s11+$0x4780]  }
0x131: {  	v20 =	vmul.f32 v20, v19;
	v21 =	vmul.f32 v21, v15  }
0x132: {  	v24 =	vld [tilespmem:s11+$0x4A00]  }
0x133: {  	v20 =	vadd.f32 v20, v21;
	v21 =	vmul.f32 v22, v17;
	_ =	sdelay $0x1  }
0x134: {  	v20 =	vadd.f32 v21, v20;
	v21 =	vmul.f32 v23, v18;
	_ =	sdelay $0x1  }
.Ltmp11:
0x135: {  	v20 =	vadd.f32 v21, v20;
	v21 =	vmul.f32 v24, v16;
	(pc) =	sbr.rel @p0 .LBB2_24-.Ltmp11, $4  }
0x136: {  	_ = 	snop  }
0x137: {  	v21 =	vadd.f32 v21, v20  }
0x138: {  	s14 =	sand.u32 $0x3F0, s13  }
0x139: {  	s13 =	sadd.s32 $0x10, s13;
	s12 =	sadd.s32 $0x10, s12;
	v20 =	vld [tilespmem:s14+$0x4280];
	[tilespmem:s11+$0x6A80] =	vst v21;
	s11 =	smov.u32 s14  }
0x13a: {  	v21 =	vld [tilespmem:s12+$0x0];
	_ =	sdelay $0x1  }
0x13b: {  	v22 =	vld [tilespmem:s11+$0x4500];
	_ =	sdelay $0x1  }
0x13c: {  	v23 =	vld [tilespmem:s11+$0x4780]  }
0x13d: {  	v19 =	vmul.f32 v20, v19;
	v15 =	vmul.f32 v21, v15  }
0x13e: {  	v20 =	vld [tilespmem:s11+$0x4A00]  }
0x13f: {  	v17 =	vmul.f32 v22, v17;
	v15 =	vadd.f32 v19, v15;
	_ =	sdelay $0x1  }
0x140: {  	v15 =	vadd.f32 v17, v15;
	v17 =	vmul.f32 v23, v18  }
0x141: {  	v18 =	vperm.xlane v10, v4  }
0x142: {  	v16 =	vmul.f32 v20, v16;
	v17 =	vadd.f32 v17, v15  }
0x143: {  	v15 =	vmul.f32 $1.953125000e-03, v18  }
0x144: {  	v18 =	vperm.xlane v12, v4;
	v16 =	vadd.f32 v16, v17;
	v17 =	vperm.xlane v11, v4  }
0x145: {  	s31 =	simm.s32 $0x0;
	v21 =	vperm.xlane v14, v4;
	v20 =	vperm.xlane v13, v4  }
0x146: {  	[tilespmem:s11+$0x6A80] =	vst v16;
	v19 =	vmul.f32 $1.953125000e-03, v17;
	v17 =	vmul.f32 $1.953125000e-03, v18;
	s11 =	sand.u32 $0x3F0, s31  }
0x147: {  	s12 =	simm.s32 $0x4000;
	s13 =	simm.s32 $0x10;
	v18 =	vmul.f32 $1.953125000e-03, v20;
	v16 =	vmul.f32 $1.953125000e-03, v21;
	v20 =	vld [tilespmem:s11+$0x4280]  }
.LBB2_26:
0x148: {  	p0 =	sne.s32 s13, $0x270;
	v21 =	vld [tilespmem:s12+$0x0];
	_ =	sdelay $0x1  }
0x149: {  	v22 =	vld [tilespmem:s11+$0x4500];
	_ =	sdelay $0x1  }
0x14a: {  	v23 =	vld [tilespmem:s11+$0x4780]  }
0x14b: {  	v20 =	vmul.f32 v20, v19;
	v21 =	vmul.f32 v21, v15  }
0x14c: {  	v24 =	vld [tilespmem:s11+$0x4A00]  }
0x14d: {  	v20 =	vadd.f32 v20, v21;
	v21 =	vmul.f32 v22, v17;
	_ =	sdelay $0x1  }
0x14e: {  	v20 =	vadd.f32 v21, v20;
	v21 =	vmul.f32 v23, v18;
	_ =	sdelay $0x1  }
.Ltmp12:
0x14f: {  	v20 =	vadd.f32 v21, v20;
	v21 =	vmul.f32 v24, v16;
	(pc) =	sbr.rel @p0 .LBB2_26-.Ltmp12, $4  }
0x150: {  	_ = 	snop  }
0x151: {  	v21 =	vadd.f32 v21, v20  }
0x152: {  	s14 =	sand.u32 $0x3F0, s13  }
0x153: {  	s13 =	sadd.s32 $0x10, s13;
	s12 =	sadd.s32 $0x10, s12;
	v20 =	vld [tilespmem:s14+$0x4280];
	[tilespmem:s11+$0x6D00] =	vst v21;
	s11 =	smov.u32 s14  }
0x154: {  	v21 =	vld [tilespmem:s12+$0x0];
	_ =	sdelay $0x1  }
0x155: {  	v22 =	vld [tilespmem:s11+$0x4500];
	_ =	sdelay $0x1  }
0x156: {  	v23 =	vld [tilespmem:s11+$0x4780]  }
0x157: {  	v19 =	vmul.f32 v20, v19;
	v15 =	vmul.f32 v21, v15  }
0x158: {  	v20 =	vld [tilespmem:s11+$0x4A00]  }
0x159: {  	v17 =	vmul.f32 v22, v17;
	v15 =	vadd.f32 v19, v15;
	_ =	sdelay $0x1  }
0x15a: {  	v15 =	vadd.f32 v17, v15;
	v17 =	vmul.f32 v23, v18  }
0x15b: {  	v18 =	vperm.xlane v10, v5  }
0x15c: {  	v16 =	vmul.f32 v20, v16;
	v17 =	vadd.f32 v17, v15  }
0x15d: {  	v15 =	vmul.f32 $1.953125000e-03, v18  }
0x15e: {  	v18 =	vperm.xlane v12, v5;
	v16 =	vadd.f32 v16, v17;
	v17 =	vperm.xlane v11, v5  }
0x15f: {  	s31 =	simm.s32 $0x0;
	v21 =	vperm.xlane v14, v5;
	v20 =	vperm.xlane v13, v5  }
0x160: {  	[tilespmem:s11+$0x6D00] =	vst v16;
	v19 =	vmul.f32 $1.953125000e-03, v17;
	v17 =	vmul.f32 $1.953125000e-03, v18;
	s11 =	sand.u32 $0x3F0, s31  }
0x161: {  	s12 =	simm.s32 $0x4000;
	s13 =	simm.s32 $0x10;
	v18 =	vmul.f32 $1.953125000e-03, v20;
	v16 =	vmul.f32 $1.953125000e-03, v21;
	v20 =	vld [tilespmem:s11+$0x4280]  }
.LBB2_28:
0x162: {  	p0 =	sne.s32 s13, $0x270;
	v21 =	vld [tilespmem:s12+$0x0];
	_ =	sdelay $0x1  }
0x163: {  	v22 =	vld [tilespmem:s11+$0x4500];
	_ =	sdelay $0x1  }
0x164: {  	v23 =	vld [tilespmem:s11+$0x4780]  }
0x165: {  	v20 =	vmul.f32 v20, v19;
	v21 =	vmul.f32 v21, v15  }
0x166: {  	v24 =	vld [tilespmem:s11+$0x4A00]  }
0x167: {  	v20 =	vadd.f32 v20, v21;
	v21 =	vmul.f32 v22, v17;
	_ =	sdelay $0x1  }
0x168: {  	v20 =	vadd.f32 v21, v20;
	v21 =	vmul.f32 v23, v18;
	_ =	sdelay $0x1  }
.Ltmp13:
0x169: {  	v20 =	vadd.f32 v21, v20;
	v21 =	vmul.f32 v24, v16;
	(pc) =	sbr.rel @p0 .LBB2_28-.Ltmp13, $4  }
0x16a: {  	_ = 	snop  }
0x16b: {  	v21 =	vadd.f32 v21, v20  }
0x16c: {  	s14 =	sand.u32 $0x3F0, s13  }
0x16d: {  	s13 =	sadd.s32 $0x10, s13;
	s12 =	sadd.s32 $0x10, s12;
	v20 =	vld [tilespmem:s14+$0x4280];
	[tilespmem:s11+$0x6F80] =	vst v21;
	s11 =	smov.u32 s14  }
0x16e: {  	v21 =	vld [tilespmem:s12+$0x0];
	_ =	sdelay $0x1  }
0x16f: {  	v22 =	vld [tilespmem:s11+$0x4500];
	_ =	sdelay $0x1  }
0x170: {  	v23 =	vld [tilespmem:s11+$0x4780]  }
0x171: {  	v19 =	vmul.f32 v20, v19;
	v15 =	vmul.f32 v21, v15  }
0x172: {  	v20 =	vld [tilespmem:s11+$0x4A00]  }
0x173: {  	v17 =	vmul.f32 v22, v17;
	v15 =	vadd.f32 v19, v15;
	_ =	sdelay $0x1  }
0x174: {  	v15 =	vadd.f32 v17, v15;
	v17 =	vmul.f32 v23, v18  }
0x175: {  	v18 =	vperm.xlane v10, v6  }
0x176: {  	v16 =	vmul.f32 v20, v16;
	v17 =	vadd.f32 v17, v15  }
0x177: {  	v15 =	vmul.f32 $1.953125000e-03, v18  }
0x178: {  	v18 =	vperm.xlane v12, v6;
	v16 =	vadd.f32 v16, v17;
	v17 =	vperm.xlane v11, v6  }
0x179: {  	s31 =	simm.s32 $0x0;
	v21 =	vperm.xlane v14, v6;
	v20 =	vperm.xlane v13, v6  }
0x17a: {  	[tilespmem:s11+$0x6F80] =	vst v16;
	v19 =	vmul.f32 $1.953125000e-03, v17;
	v17 =	vmul.f32 $1.953125000e-03, v18;
	s11 =	sand.u32 $0x3F0, s31  }
0x17b: {  	s12 =	simm.s32 $0x4000;
	s13 =	simm.s32 $0x10;
	v18 =	vmul.f32 $1.953125000e-03, v20;
	v16 =	vmul.f32 $1.953125000e-03, v21;
	v20 =	vld [tilespmem:s11+$0x4280]  }
.LBB2_30:
0x17c: {  	p0 =	sne.s32 s13, $0x270;
	v21 =	vld [tilespmem:s12+$0x0];
	_ =	sdelay $0x1  }
0x17d: {  	v22 =	vld [tilespmem:s11+$0x4500];
	_ =	sdelay $0x1  }
0x17e: {  	v23 =	vld [tilespmem:s11+$0x4780]  }
0x17f: {  	v20 =	vmul.f32 v20, v19;
	v21 =	vmul.f32 v21, v15  }
0x180: {  	v24 =	vld [tilespmem:s11+$0x4A00]  }
0x181: {  	v20 =	vadd.f32 v20, v21;
	v21 =	vmul.f32 v22, v17;
	_ =	sdelay $0x1  }
0x182: {  	v20 =	vadd.f32 v21, v20;
	v21 =	vmul.f32 v23, v18;
	_ =	sdelay $0x1  }
.Ltmp14:
0x183: {  	v20 =	vadd.f32 v21, v20;
	v21 =	vmul.f32 v24, v16;
	(pc) =	sbr.rel @p0 .LBB2_30-.Ltmp14, $4  }
0x184: {  	_ = 	snop  }
0x185: {  	v21 =	vadd.f32 v21, v20  }
0x186: {  	s14 =	sand.u32 $0x3F0, s13  }
0x187: {  	s13 =	sadd.s32 $0x10, s13;
	s12 =	sadd.s32 $0x10, s12;
	v20 =	vld [tilespmem:s14+$0x4280];
	[tilespmem:s11+$0x7200] =	vst v21;
	s11 =	smov.u32 s14  }
0x188: {  	v21 =	vld [tilespmem:s12+$0x0];
	_ =	sdelay $0x1  }
0x189: {  	v22 =	vld [tilespmem:s11+$0x4500];
	_ =	sdelay $0x1  }
0x18a: {  	v23 =	vld [tilespmem:s11+$0x4780]  }
0x18b: {  	v19 =	vmul.f32 v20, v19;
	v15 =	vmul.f32 v21, v15  }
0x18c: {  	v20 =	vld [tilespmem:s11+$0x4A00]  }
0x18d: {  	v17 =	vmul.f32 v22, v17;
	v15 =	vadd.f32 v19, v15;
	_ =	sdelay $0x1  }
0x18e: {  	v15 =	vadd.f32 v17, v15;
	v17 =	vmul.f32 v23, v18  }
0x18f: {  	v18 =	vperm.xlane v10, v7  }
0x190: {  	v16 =	vmul.f32 v20, v16;
	v17 =	vadd.f32 v17, v15  }
0x191: {  	v15 =	vmul.f32 $1.953125000e-03, v18  }
0x192: {  	v18 =	vperm.xlane v12, v7;
	v16 =	vadd.f32 v16, v17;
	v17 =	vperm.xlane v11, v7  }
0x193: {  	s31 =	simm.s32 $0x0;
	v21 =	vperm.xlane v14, v7;
	v20 =	vperm.xlane v13, v7  }
0x194: {  	[tilespmem:s11+$0x7200] =	vst v16;
	v19 =	vmul.f32 $1.953125000e-03, v17;
	v17 =	vmul.f32 $1.953125000e-03, v18;
	s11 =	sand.u32 $0x3F0, s31  }
0x195: {  	s12 =	simm.s32 $0x4000;
	s13 =	simm.s32 $0x10;
	v18 =	vmul.f32 $1.953125000e-03, v20;
	v16 =	vmul.f32 $1.953125000e-03, v21;
	v20 =	vld [tilespmem:s11+$0x4280]  }
.LBB2_32:
0x196: {  	p0 =	sne.s32 s13, $0x270;
	v21 =	vld [tilespmem:s12+$0x0];
	_ =	sdelay $0x1  }
0x197: {  	v22 =	vld [tilespmem:s11+$0x4500];
	_ =	sdelay $0x1  }
0x198: {  	v23 =	vld [tilespmem:s11+$0x4780]  }
0x199: {  	v20 =	vmul.f32 v20, v19;
	v21 =	vmul.f32 v21, v15  }
0x19a: {  	v24 =	vld [tilespmem:s11+$0x4A00]  }
0x19b: {  	v20 =	vadd.f32 v20, v21;
	v21 =	vmul.f32 v22, v17;
	_ =	sdelay $0x1  }
0x19c: {  	v20 =	vadd.f32 v21, v20;
	v21 =	vmul.f32 v23, v18;
	_ =	sdelay $0x1  }
.Ltmp15:
0x19d: {  	v20 =	vadd.f32 v21, v20;
	v21 =	vmul.f32 v24, v16;
	(pc) =	sbr.rel @p0 .LBB2_32-.Ltmp15, $4  }
0x19e: {  	_ = 	snop  }
0x19f: {  	v21 =	vadd.f32 v21, v20  }
0x1a0: {  	s14 =	sand.u32 $0x3F0, s13  }
0x1a1: {  	s13 =	sadd.s32 $0x10, s13;
	s12 =	sadd.s32 $0x10, s12;
	v20 =	vld [tilespmem:s14+$0x4280];
	[tilespmem:s11+$0x7480] =	vst v21;
	s11 =	smov.u32 s14  }
0x1a2: {  	v21 =	vld [tilespmem:s12+$0x0];
	_ =	sdelay $0x1  }
0x1a3: {  	v22 =	vld [tilespmem:s11+$0x4500];
	_ =	sdelay $0x1  }
0x1a4: {  	v23 =	vld [tilespmem:s11+$0x4780]  }
0x1a5: {  	v19 =	vmul.f32 v20, v19;
	v15 =	vmul.f32 v21, v15  }
0x1a6: {  	v20 =	vld [tilespmem:s11+$0x4A00]  }
0x1a7: {  	v17 =	vmul.f32 v22, v17;
	v15 =	vadd.f32 v19, v15;
	_ =	sdelay $0x1  }
0x1a8: {  	v15 =	vadd.f32 v17, v15;
	v17 =	vmul.f32 v23, v18  }
0x1a9: {  	v18 =	vperm.xlane v10, v8  }
0x1aa: {  	v16 =	vmul.f32 v20, v16;
	v17 =	vadd.f32 v17, v15  }
0x1ab: {  	v15 =	vmul.f32 $1.953125000e-03, v18  }
0x1ac: {  	v18 =	vperm.xlane v12, v8;
	v16 =	vadd.f32 v16, v17;
	v17 =	vperm.xlane v11, v8  }
0x1ad: {  	s31 =	simm.s32 $0x0;
	v21 =	vperm.xlane v14, v8;
	v20 =	vperm.xlane v13, v8  }
0x1ae: {  	[tilespmem:s11+$0x7480] =	vst v16;
	v19 =	vmul.f32 $1.953125000e-03, v17;
	v17 =	vmul.f32 $1.953125000e-03, v18;
	s11 =	sand.u32 $0x3F0, s31  }
0x1af: {  	s12 =	simm.s32 $0x4000;
	s13 =	simm.s32 $0x10;
	v18 =	vmul.f32 $1.953125000e-03, v20;
	v16 =	vmul.f32 $1.953125000e-03, v21;
	v20 =	vld [tilespmem:s11+$0x4280]  }
.LBB2_34:
0x1b0: {  	p0 =	sne.s32 s13, $0x270;
	v21 =	vld [tilespmem:s12+$0x0];
	_ =	sdelay $0x1  }
0x1b1: {  	v22 =	vld [tilespmem:s11+$0x4500];
	_ =	sdelay $0x1  }
0x1b2: {  	v23 =	vld [tilespmem:s11+$0x4780]  }
0x1b3: {  	v20 =	vmul.f32 v20, v19;
	v21 =	vmul.f32 v21, v15  }
0x1b4: {  	v24 =	vld [tilespmem:s11+$0x4A00]  }
0x1b5: {  	v20 =	vadd.f32 v20, v21;
	v21 =	vmul.f32 v22, v17;
	_ =	sdelay $0x1  }
0x1b6: {  	v20 =	vadd.f32 v21, v20;
	v21 =	vmul.f32 v23, v18;
	_ =	sdelay $0x1  }
.Ltmp16:
0x1b7: {  	v20 =	vadd.f32 v21, v20;
	v21 =	vmul.f32 v24, v16;
	(pc) =	sbr.rel @p0 .LBB2_34-.Ltmp16, $4  }
0x1b8: {  	_ = 	snop  }
0x1b9: {  	v21 =	vadd.f32 v21, v20  }
0x1ba: {  	s14 =	sand.u32 $0x3F0, s13  }
0x1bb: {  	s13 =	sadd.s32 $0x10, s13;
	s12 =	sadd.s32 $0x10, s12;
	v20 =	vld [tilespmem:s14+$0x4280];
	[tilespmem:s11+$0x7700] =	vst v21;
	s11 =	smov.u32 s14  }
0x1bc: {  	v21 =	vld [tilespmem:s12+$0x0];
	_ =	sdelay $0x1  }
0x1bd: {  	v22 =	vld [tilespmem:s11+$0x4500];
	_ =	sdelay $0x1  }
0x1be: {  	v23 =	vld [tilespmem:s11+$0x4780]  }
0x1bf: {  	v19 =	vmul.f32 v20, v19;
	v15 =	vmul.f32 v21, v15  }
0x1c0: {  	v63 =	vld [tilespmem:s11+$0x4A00]  }
0x1c1: {  	v17 =	vmul.f32 v22, v17;
	v15 =	vadd.f32 v19, v15;
	_ =	sdelay $0x1  }
0x1c2: {  	v15 =	vadd.f32 v17, v15;
	v17 =	vmul.f32 v23, v18;
	_ =	sdelay $0x1  }
0x1c3: {  	v16 =	vmul.f32 v63, v16;
	v15 =	vadd.f32 v17, v15  }
0x1c4: {  	v10 =	vperm.xlane v10, v9;
	v11 =	vperm.xlane v11, v9  }
0x1c5: {  	v12 =	vperm.xlane v12, v9;
	v13 =	vperm.xlane v13, v9;
	v15 =	vadd.f32 v16, v15  }
0x1c6: {  	s12 =	simm.s32 $0x0;
	v10 =	vmul.f32 $1.953125000e-03, v10;
	v16 =	vperm.xlane v14, v9  }
0x1c7: {  	v12 =	vmul.f32 $1.953125000e-03, v12;
	v13 =	vmul.f32 $1.953125000e-03, v13;
	[tilespmem:s11+$0x7700] =	vst v15;
	s11 =	sand.u32 $0x3F0, s12  }
0x1c8: {  	s13 =	simm.s32 $0x4000;
	s14 =	simm.s32 $0x10;
	v14 =	vmul.f32 $1.953125000e-03, v11;
	v11 =	vmul.f32 $1.953125000e-03, v16;
	v15 =	vld [tilespmem:s11+$0x4280]  }
.LBB2_36:
0x1c9: {  	p0 =	sne.s32 s14, $0x270;
	v16 =	vld [tilespmem:s13+$0x0];
	_ =	sdelay $0x1  }
0x1ca: {  	v17 =	vld [tilespmem:s11+$0x4500];
	_ =	sdelay $0x1  }
0x1cb: {  	v18 =	vld [tilespmem:s11+$0x4780]  }
0x1cc: {  	v15 =	vmul.f32 v15, v14;
	v16 =	vmul.f32 v16, v10  }
0x1cd: {  	v19 =	vld [tilespmem:s11+$0x4A00]  }
0x1ce: {  	v15 =	vadd.f32 v15, v16;
	v16 =	vmul.f32 v17, v12;
	_ =	sdelay $0x1  }
0x1cf: {  	v15 =	vadd.f32 v16, v15;
	v16 =	vmul.f32 v18, v13;
	_ =	sdelay $0x1  }
.Ltmp17:
0x1d0: {  	v15 =	vadd.f32 v16, v15;
	v16 =	vmul.f32 v19, v11;
	(pc) =	sbr.rel @p0 .LBB2_36-.Ltmp17, $4  }
0x1d1: {  	_ = 	snop  }
0x1d2: {  	v16 =	vadd.f32 v16, v15  }
0x1d3: {  	s15 =	sand.u32 $0x3F0, s14  }
0x1d4: {  	s14 =	sadd.s32 $0x10, s14;
	s13 =	sadd.s32 $0x10, s13;
	v15 =	vld [tilespmem:s15+$0x4280];
	[tilespmem:s11+$0x7980] =	vst v16;
	s11 =	smov.u32 s15  }
0x1d5: {  	v16 =	vld [tilespmem:s13+$0x0];
	_ =	sdelay $0x1  }
0x1d6: {  	v17 =	vld [tilespmem:s11+$0x4500];
	_ =	sdelay $0x1  }
0x1d7: {  	v18 =	vld [tilespmem:s11+$0x4780]  }
0x1d8: {  	v14 =	vmul.f32 v15, v14;
	v10 =	vmul.f32 v16, v10  }
0x1d9: {  	v15 =	vld [tilespmem:s11+$0x4A00]  }
0x1da: {  	v12 =	vmul.f32 v17, v12;
	v10 =	vadd.f32 v14, v10;
	_ =	sdelay $0x1  }
0x1db: {  	v10 =	vadd.f32 v12, v10;
	v12 =	vmul.f32 v18, v13;
	_ =	sdelay $0x1  }
0x1dc: {  	v11 =	vmul.f32 v15, v11;
	v10 =	vadd.f32 v12, v10;
	_ =	sdelay $0x1  }
0x1dd: {  	v10 =	vadd.f32 v11, v10;
	_ =	sdelay $0x1  }
0x1de: {  	s12 =	sand.u32 $0xFF0, s12;
	[tilespmem:s11+$0x7980] =	vst v10  }
0x1df: {  	v15 =	vld [tilespmem:s12+$0x2000];
	_ =	sdelay $0x2  }
0x1e0: {  	v14 =	vimm.f32 $0.0e+00;
	v13 =	vimm.f32 $0.0e+00  }
0x1e1: {  	v12 =	vimm.f32 $0.0e+00;
	v11 =	vimm.f32 $0.0e+00;
	v10 =	vimm.f32 $0.0e+00;
	s11 =	simm.s32 $0x10  }
.LBB2_38:
0x1e2: {  	s12 =	sand.u32 $0xFF0, s11;
	p0 =	sne.s32 s11, $0xFF0;
	s11 =	sadd.s32 $0x10, s11;
	vm0 =	veq.s32 v15, $0x0;
	vm1 =	veq.s32 v15, $0x1;
	vm2 =	veq.s32 v15, $0x4  }
.Ltmp18:
0x1e3: {  	vm3 =	veq.s32 v15, $0x2;
	vm4 =	veq.s32 v15, $0x3;
	v15 =	vld [tilespmem:s12+$0x2000];
	v16 =	vsel vm2, $0x3F800000, v0;
	(pc) =	sbr.rel @p0 .LBB2_38-.Ltmp18, $4  }
0x1e4: {  	v17 =	vsel vm0, $0x3F800000, v0;
	v18 =	vsel vm1, $0x3F800000, v0;
	v10 =	vadd.f32 v16, v10  }
0x1e5: {  	v14 =	vadd.f32 v17, v14;
	v16 =	vsel vm3, $0x3F800000, v0;
	v17 =	vsel vm4, $0x3F800000, v0  }
0x1e6: {  	v13 =	vadd.f32 v18, v13;
	v11 =	vadd.f32 v16, v11  }
0x1e7: {  	v12 =	vadd.f32 v17, v12  }
0x1e8: {  	vm0 =	veq.s32 v15, $0x0;
	vm1 =	veq.s32 v15, $0x1  }
0x1e9: {  	vm15 =	veq.s32 v15, $0x4;
	vm2 =	veq.s32 v15, $0x2;
	v16 =	vsel vm0, $0x3F800000, v0  }
0x1ea: {  	vm3 =	veq.s32 v15, $0x3;
	v15 =	vsel vm1, $0x3F800000, v0;
	v14 =	vadd.f32 v16, v14  }
0x1eb: {  	v17 =	vsel vm3, $0x3F800000, v0;
	v16 =	vsel vm2, $0x3F800000, v0;
	v13 =	vadd.f32 v15, v13  }
0x1ec: {  	v18 =	vsel vm15, $0x3F800000, v0;
	v16 =	vadd.f32 v16, v11;
	v15 =	vperm.xlane v14, v1  }
0x1ed: {  	v17 =	vadd.f32 v17, v12;
	v18 =	vadd.f32 v18, v10;
	v11 =	vperm.xlane v13, v1  }
0x1ee: {  	v12 =	vperm.xlane v16, v1;
	v10 =	vadd.f32 v15, v14  }
0x1ef: {  	v14 =	vperm.xlane v17, v1;
	v15 =	vperm.xlane v18, v1;
	v11 =	vadd.f32 v11, v13  }
0x1f0: {  	v12 =	vadd.f32 v12, v16;
	v19 =	vperm.xlane v10, v2  }
0x1f1: {  	v13 =	vadd.f32 v14, v17;
	v14 =	vadd.f32 v15, v18;
	v16 =	vperm.xlane v11, v2  }
0x1f2: {  	v17 =	vperm.xlane v12, v2;
	v15 =	vmul.f32 $1.953125000e-03, v19  }
0x1f3: {  	s11 =	simm.s32 $0x0;
	v18 =	vperm.xlane v13, v2;
	v20 =	vperm.xlane v14, v2  }
0x1f4: {  	s11 =	sand.u32 $0x3F0, s11;
	v19 =	vmul.f32 $1.953125000e-03, v16;
	v17 =	vmul.f32 $1.953125000e-03, v17  }
0x1f5: {  	s12 =	simm.s32 $0x4000;
	s13 =	simm.s32 $0x10;
	v18 =	vmul.f32 $1.953125000e-03, v18;
	v16 =	vmul.f32 $1.953125000e-03, v20;
	v20 =	vld [tilespmem:s11+$0x4280]  }
.LBB2_40:
0x1f6: {  	p0 =	sne.s32 s13, $0x270;
	v21 =	vld [tilespmem:s12+$0x0];
	_ =	sdelay $0x1  }
0x1f7: {  	v22 =	vld [tilespmem:s11+$0x4500];
	_ =	sdelay $0x1  }
0x1f8: {  	v23 =	vld [tilespmem:s11+$0x4780]  }
0x1f9: {  	v20 =	vmul.f32 v20, v19;
	v21 =	vmul.f32 v21, v15  }
0x1fa: {  	v24 =	vld [tilespmem:s11+$0x4A00]  }
0x1fb: {  	v20 =	vadd.f32 v20, v21;
	v21 =	vmul.f32 v22, v17;
	_ =	sdelay $0x1  }
0x1fc: {  	v20 =	vadd.f32 v21, v20;
	v21 =	vmul.f32 v23, v18;
	_ =	sdelay $0x1  }
.Ltmp19:
0x1fd: {  	v20 =	vadd.f32 v21, v20;
	v21 =	vmul.f32 v24, v16;
	(pc) =	sbr.rel @p0 .LBB2_40-.Ltmp19, $4  }
0x1fe: {  	_ = 	snop  }
0x1ff: {  	v21 =	vadd.f32 v21, v20  }
0x200: {  	s14 =	sand.u32 $0x3F0, s13  }
0x201: {  	s13 =	sadd.s32 $0x10, s13;
	s12 =	sadd.s32 $0x10, s12;
	v20 =	vld [tilespmem:s14+$0x4280];
	[tilespmem:s11+$0x7C00] =	vst v21;
	s11 =	smov.u32 s14  }
0x202: {  	v21 =	vld [tilespmem:s12+$0x0];
	_ =	sdelay $0x1  }
0x203: {  	v22 =	vld [tilespmem:s11+$0x4500];
	_ =	sdelay $0x1  }
0x204: {  	v23 =	vld [tilespmem:s11+$0x4780]  }
0x205: {  	v19 =	vmul.f32 v20, v19;
	v15 =	vmul.f32 v21, v15  }
0x206: {  	v20 =	vld [tilespmem:s11+$0x4A00]  }
0x207: {  	v17 =	vmul.f32 v22, v17;
	v15 =	vadd.f32 v19, v15;
	_ =	sdelay $0x1  }
0x208: {  	v15 =	vadd.f32 v17, v15;
	v17 =	vmul.f32 v23, v18  }
0x209: {  	v18 =	vperm.xlane v10, v3  }
0x20a: {  	v16 =	vmul.f32 v20, v16;
	v17 =	vadd.f32 v17, v15  }
0x20b: {  	v15 =	vmul.f32 $1.953125000e-03, v18  }
0x20c: {  	v18 =	vperm.xlane v12, v3;
	v16 =	vadd.f32 v16, v17;
	v17 =	vperm.xlane v11, v3  }
0x20d: {  	s31 =	simm.s32 $0x0;
	v21 =	vperm.xlane v14, v3;
	v20 =	vperm.xlane v13, v3  }
0x20e: {  	[tilespmem:s11+$0x7C00] =	vst v16;
	v19 =	vmul.f32 $1.953125000e-03, v17;
	v17 =	vmul.f32 $1.953125000e-03, v18;
	s11 =	sand.u32 $0x3F0, s31  }
0x20f: {  	s12 =	simm.s32 $0x4000;
	s13 =	simm.s32 $0x10;
	v18 =	vmul.f32 $1.953125000e-03, v20;
	v16 =	vmul.f32 $1.953125000e-03, v21;
	v20 =	vld [tilespmem:s11+$0x4280]  }
.LBB2_42:
0x210: {  	p0 =	sne.s32 s13, $0x270;
	v21 =	vld [tilespmem:s12+$0x0];
	_ =	sdelay $0x1  }
0x211: {  	v22 =	vld [tilespmem:s11+$0x4500];
	_ =	sdelay $0x1  }
0x212: {  	v23 =	vld [tilespmem:s11+$0x4780]  }
0x213: {  	v20 =	vmul.f32 v20, v19;
	v21 =	vmul.f32 v21, v15  }
0x214: {  	v24 =	vld [tilespmem:s11+$0x4A00]  }
0x215: {  	v20 =	vadd.f32 v20, v21;
	v21 =	vmul.f32 v22, v17;
	_ =	sdelay $0x1  }
0x216: {  	v20 =	vadd.f32 v21, v20;
	v21 =	vmul.f32 v23, v18;
	_ =	sdelay $0x1  }
.Ltmp20:
0x217: {  	v20 =	vadd.f32 v21, v20;
	v21 =	vmul.f32 v24, v16;
	(pc) =	sbr.rel @p0 .LBB2_42-.Ltmp20, $4  }
0x218: {  	_ = 	snop  }
0x219: {  	v21 =	vadd.f32 v21, v20  }
0x21a: {  	s14 =	sand.u32 $0x3F0, s13  }
0x21b: {  	s13 =	sadd.s32 $0x10, s13;
	s12 =	sadd.s32 $0x10, s12;
	v20 =	vld [tilespmem:s14+$0x4280];
	[tilespmem:s11+$0x7E80] =	vst v21;
	s11 =	smov.u32 s14  }
0x21c: {  	v21 =	vld [tilespmem:s12+$0x0];
	_ =	sdelay $0x1  }
0x21d: {  	v22 =	vld [tilespmem:s11+$0x4500];
	_ =	sdelay $0x1  }
0x21e: {  	v23 =	vld [tilespmem:s11+$0x4780]  }
0x21f: {  	v19 =	vmul.f32 v20, v19;
	v15 =	vmul.f32 v21, v15  }
0x220: {  	v20 =	vld [tilespmem:s11+$0x4A00]  }
0x221: {  	v17 =	vmul.f32 v22, v17;
	v15 =	vadd.f32 v19, v15;
	_ =	sdelay $0x1  }
0x222: {  	v15 =	vadd.f32 v17, v15;
	v17 =	vmul.f32 v23, v18  }
0x223: {  	v18 =	vperm.xlane v10, v4  }
0x224: {  	v16 =	vmul.f32 v20, v16;
	v17 =	vadd.f32 v17, v15  }
0x225: {  	v15 =	vmul.f32 $1.953125000e-03, v18  }
0x226: {  	v18 =	vperm.xlane v12, v4;
	v16 =	vadd.f32 v16, v17;
	v17 =	vperm.xlane v11, v4  }
0x227: {  	s31 =	simm.s32 $0x0;
	v21 =	vperm.xlane v14, v4;
	v20 =	vperm.xlane v13, v4  }
0x228: {  	[tilespmem:s11+$0x7E80] =	vst v16;
	v19 =	vmul.f32 $1.953125000e-03, v17;
	v17 =	vmul.f32 $1.953125000e-03, v18;
	s11 =	sand.u32 $0x3F0, s31  }
0x229: {  	s12 =	simm.s32 $0x4000;
	s13 =	simm.s32 $0x10;
	v18 =	vmul.f32 $1.953125000e-03, v20;
	v16 =	vmul.f32 $1.953125000e-03, v21;
	v20 =	vld [tilespmem:s11+$0x4280]  }
.LBB2_44:
0x22a: {  	p0 =	sne.s32 s13, $0x270;
	v21 =	vld [tilespmem:s12+$0x0];
	_ =	sdelay $0x1  }
0x22b: {  	v22 =	vld [tilespmem:s11+$0x4500];
	_ =	sdelay $0x1  }
0x22c: {  	v23 =	vld [tilespmem:s11+$0x4780]  }
0x22d: {  	v20 =	vmul.f32 v20, v19;
	v21 =	vmul.f32 v21, v15  }
0x22e: {  	v24 =	vld [tilespmem:s11+$0x4A00]  }
0x22f: {  	v20 =	vadd.f32 v20, v21;
	v21 =	vmul.f32 v22, v17;
	_ =	sdelay $0x1  }
0x230: {  	v20 =	vadd.f32 v21, v20;
	v21 =	vmul.f32 v23, v18;
	_ =	sdelay $0x1  }
.Ltmp21:
0x231: {  	v20 =	vadd.f32 v21, v20;
	v21 =	vmul.f32 v24, v16;
	(pc) =	sbr.rel @p0 .LBB2_44-.Ltmp21, $4  }
0x232: {  	_ = 	snop  }
0x233: {  	v21 =	vadd.f32 v21, v20  }
0x234: {  	s14 =	sand.u32 $0x3F0, s13  }
0x235: {  	s13 =	sadd.s32 $0x10, s13;
	s12 =	sadd.s32 $0x10, s12;
	v20 =	vld [tilespmem:s14+$0x4280];
	[tilespmem:s11+$0x8100] =	vst v21;
	s11 =	smov.u32 s14  }
0x236: {  	v21 =	vld [tilespmem:s12+$0x0];
	_ =	sdelay $0x1  }
0x237: {  	v22 =	vld [tilespmem:s11+$0x4500];
	_ =	sdelay $0x1  }
0x238: {  	v23 =	vld [tilespmem:s11+$0x4780]  }
0x239: {  	v19 =	vmul.f32 v20, v19;
	v15 =	vmul.f32 v21, v15  }
0x23a: {  	v20 =	vld [tilespmem:s11+$0x4A00]  }
0x23b: {  	v17 =	vmul.f32 v22, v17;
	v15 =	vadd.f32 v19, v15;
	_ =	sdelay $0x1  }
0x23c: {  	v15 =	vadd.f32 v17, v15;
	v17 =	vmul.f32 v23, v18  }
0x23d: {  	v18 =	vperm.xlane v10, v5  }
0x23e: {  	v16 =	vmul.f32 v20, v16;
	v17 =	vadd.f32 v17, v15  }
0x23f: {  	v15 =	vmul.f32 $1.953125000e-03, v18  }
0x240: {  	v18 =	vperm.xlane v12, v5;
	v16 =	vadd.f32 v16, v17;
	v17 =	vperm.xlane v11, v5  }
0x241: {  	s31 =	simm.s32 $0x0;
	v21 =	vperm.xlane v14, v5;
	v20 =	vperm.xlane v13, v5  }
0x242: {  	[tilespmem:s11+$0x8100] =	vst v16;
	v19 =	vmul.f32 $1.953125000e-03, v17;
	v17 =	vmul.f32 $1.953125000e-03, v18;
	s11 =	sand.u32 $0x3F0, s31  }
0x243: {  	s12 =	simm.s32 $0x4000;
	s13 =	simm.s32 $0x10;
	v18 =	vmul.f32 $1.953125000e-03, v20;
	v16 =	vmul.f32 $1.953125000e-03, v21;
	v20 =	vld [tilespmem:s11+$0x4280]  }
.LBB2_46:
0x244: {  	p0 =	sne.s32 s13, $0x270;
	v21 =	vld [tilespmem:s12+$0x0];
	_ =	sdelay $0x1  }
0x245: {  	v22 =	vld [tilespmem:s11+$0x4500];
	_ =	sdelay $0x1  }
0x246: {  	v23 =	vld [tilespmem:s11+$0x4780]  }
0x247: {  	v20 =	vmul.f32 v20, v19;
	v21 =	vmul.f32 v21, v15  }
0x248: {  	v24 =	vld [tilespmem:s11+$0x4A00]  }
0x249: {  	v20 =	vadd.f32 v20, v21;
	v21 =	vmul.f32 v22, v17;
	_ =	sdelay $0x1  }
0x24a: {  	v20 =	vadd.f32 v21, v20;
	v21 =	vmul.f32 v23, v18;
	_ =	sdelay $0x1  }
.Ltmp22:
0x24b: {  	v20 =	vadd.f32 v21, v20;
	v21 =	vmul.f32 v24, v16;
	(pc) =	sbr.rel @p0 .LBB2_46-.Ltmp22, $4  }
0x24c: {  	_ = 	snop  }
0x24d: {  	v21 =	vadd.f32 v21, v20  }
0x24e: {  	s14 =	sand.u32 $0x3F0, s13  }
0x24f: {  	s13 =	sadd.s32 $0x10, s13;
	s12 =	sadd.s32 $0x10, s12;
	v20 =	vld [tilespmem:s14+$0x4280];
	[tilespmem:s11+$0x8380] =	vst v21;
	s11 =	smov.u32 s14  }
0x250: {  	v21 =	vld [tilespmem:s12+$0x0];
	_ =	sdelay $0x1  }
0x251: {  	v22 =	vld [tilespmem:s11+$0x4500];
	_ =	sdelay $0x1  }
0x252: {  	v23 =	vld [tilespmem:s11+$0x4780]  }
0x253: {  	v19 =	vmul.f32 v20, v19;
	v15 =	vmul.f32 v21, v15  }
0x254: {  	v20 =	vld [tilespmem:s11+$0x4A00]  }
0x255: {  	v17 =	vmul.f32 v22, v17;
	v15 =	vadd.f32 v19, v15;
	_ =	sdelay $0x1  }
0x256: {  	v15 =	vadd.f32 v17, v15;
	v17 =	vmul.f32 v23, v18  }
0x257: {  	v18 =	vperm.xlane v10, v6  }
0x258: {  	v16 =	vmul.f32 v20, v16;
	v17 =	vadd.f32 v17, v15  }
0x259: {  	v15 =	vmul.f32 $1.953125000e-03, v18  }
0x25a: {  	v18 =	vperm.xlane v12, v6;
	v16 =	vadd.f32 v16, v17;
	v17 =	vperm.xlane v11, v6  }
0x25b: {  	s31 =	simm.s32 $0x0;
	v21 =	vperm.xlane v14, v6;
	v20 =	vperm.xlane v13, v6  }
0x25c: {  	[tilespmem:s11+$0x8380] =	vst v16;
	v19 =	vmul.f32 $1.953125000e-03, v17;
	v17 =	vmul.f32 $1.953125000e-03, v18;
	s11 =	sand.u32 $0x3F0, s31  }
0x25d: {  	s12 =	simm.s32 $0x4000;
	s13 =	simm.s32 $0x10;
	v18 =	vmul.f32 $1.953125000e-03, v20;
	v16 =	vmul.f32 $1.953125000e-03, v21;
	v20 =	vld [tilespmem:s11+$0x4280]  }
.LBB2_48:
0x25e: {  	p0 =	sne.s32 s13, $0x270;
	v21 =	vld [tilespmem:s12+$0x0];
	_ =	sdelay $0x1  }
0x25f: {  	v22 =	vld [tilespmem:s11+$0x4500];
	_ =	sdelay $0x1  }
0x260: {  	v23 =	vld [tilespmem:s11+$0x4780]  }
0x261: {  	v20 =	vmul.f32 v20, v19;
	v21 =	vmul.f32 v21, v15  }
0x262: {  	v24 =	vld [tilespmem:s11+$0x4A00]  }
0x263: {  	v20 =	vadd.f32 v20, v21;
	v21 =	vmul.f32 v22, v17;
	_ =	sdelay $0x1  }
0x264: {  	v20 =	vadd.f32 v21, v20;
	v21 =	vmul.f32 v23, v18;
	_ =	sdelay $0x1  }
.Ltmp23:
0x265: {  	v20 =	vadd.f32 v21, v20;
	v21 =	vmul.f32 v24, v16;
	(pc) =	sbr.rel @p0 .LBB2_48-.Ltmp23, $4  }
0x266: {  	_ = 	snop  }
0x267: {  	v21 =	vadd.f32 v21, v20  }
0x268: {  	s14 =	sand.u32 $0x3F0, s13  }
0x269: {  	s13 =	sadd.s32 $0x10, s13;
	s12 =	sadd.s32 $0x10, s12;
	v20 =	vld [tilespmem:s14+$0x4280];
	[tilespmem:s11+$0x8600] =	vst v21;
	s11 =	smov.u32 s14  }
0x26a: {  	v21 =	vld [tilespmem:s12+$0x0];
	_ =	sdelay $0x1  }
0x26b: {  	v22 =	vld [tilespmem:s11+$0x4500];
	_ =	sdelay $0x1  }
0x26c: {  	v23 =	vld [tilespmem:s11+$0x4780]  }
0x26d: {  	v19 =	vmul.f32 v20, v19;
	v15 =	vmul.f32 v21, v15  }
0x26e: {  	v20 =	vld [tilespmem:s11+$0x4A00]  }
0x26f: {  	v17 =	vmul.f32 v22, v17;
	v15 =	vadd.f32 v19, v15;
	_ =	sdelay $0x1  }
0x270: {  	v15 =	vadd.f32 v17, v15;
	v17 =	vmul.f32 v23, v18  }
0x271: {  	v18 =	vperm.xlane v10, v7  }
0x272: {  	v16 =	vmul.f32 v20, v16;
	v17 =	vadd.f32 v17, v15  }
0x273: {  	v15 =	vmul.f32 $1.953125000e-03, v18  }
0x274: {  	v18 =	vperm.xlane v12, v7;
	v16 =	vadd.f32 v16, v17;
	v17 =	vperm.xlane v11, v7  }
0x275: {  	s31 =	simm.s32 $0x0;
	v21 =	vperm.xlane v14, v7;
	v20 =	vperm.xlane v13, v7  }
0x276: {  	[tilespmem:s11+$0x8600] =	vst v16;
	v19 =	vmul.f32 $1.953125000e-03, v17;
	v17 =	vmul.f32 $1.953125000e-03, v18;
	s11 =	sand.u32 $0x3F0, s31  }
0x277: {  	s12 =	simm.s32 $0x4000;
	s13 =	simm.s32 $0x10;
	v18 =	vmul.f32 $1.953125000e-03, v20;
	v16 =	vmul.f32 $1.953125000e-03, v21;
	v20 =	vld [tilespmem:s11+$0x4280]  }
.LBB2_50:
0x278: {  	p0 =	sne.s32 s13, $0x270;
	v21 =	vld [tilespmem:s12+$0x0];
	_ =	sdelay $0x1  }
0x279: {  	v22 =	vld [tilespmem:s11+$0x4500];
	_ =	sdelay $0x1  }
0x27a: {  	v23 =	vld [tilespmem:s11+$0x4780]  }
0x27b: {  	v20 =	vmul.f32 v20, v19;
	v21 =	vmul.f32 v21, v15  }
0x27c: {  	v24 =	vld [tilespmem:s11+$0x4A00]  }
0x27d: {  	v20 =	vadd.f32 v20, v21;
	v21 =	vmul.f32 v22, v17;
	_ =	sdelay $0x1  }
0x27e: {  	v20 =	vadd.f32 v21, v20;
	v21 =	vmul.f32 v23, v18;
	_ =	sdelay $0x1  }
.Ltmp24:
0x27f: {  	v20 =	vadd.f32 v21, v20;
	v21 =	vmul.f32 v24, v16;
	(pc) =	sbr.rel @p0 .LBB2_50-.Ltmp24, $4  }
0x280: {  	_ = 	snop  }
0x281: {  	v21 =	vadd.f32 v21, v20  }
0x282: {  	s14 =	sand.u32 $0x3F0, s13  }
0x283: {  	s13 =	sadd.s32 $0x10, s13;
	s12 =	sadd.s32 $0x10, s12;
	v20 =	vld [tilespmem:s14+$0x4280];
	[tilespmem:s11+$0x8880] =	vst v21;
	s11 =	smov.u32 s14  }
0x284: {  	v21 =	vld [tilespmem:s12+$0x0];
	_ =	sdelay $0x1  }
0x285: {  	v22 =	vld [tilespmem:s11+$0x4500];
	_ =	sdelay $0x1  }
0x286: {  	v23 =	vld [tilespmem:s11+$0x4780]  }
0x287: {  	v19 =	vmul.f32 v20, v19;
	v15 =	vmul.f32 v21, v15  }
0x288: {  	v20 =	vld [tilespmem:s11+$0x4A00]  }
0x289: {  	v17 =	vmul.f32 v22, v17;
	v15 =	vadd.f32 v19, v15;
	_ =	sdelay $0x1  }
0x28a: {  	v15 =	vadd.f32 v17, v15;
	v17 =	vmul.f32 v23, v18  }
0x28b: {  	v18 =	vperm.xlane v10, v8  }
0x28c: {  	v16 =	vmul.f32 v20, v16;
	v17 =	vadd.f32 v17, v15  }
0x28d: {  	v15 =	vmul.f32 $1.953125000e-03, v18  }
0x28e: {  	v18 =	vperm.xlane v12, v8;
	v16 =	vadd.f32 v16, v17;
	v17 =	vperm.xlane v11, v8  }
0x28f: {  	s31 =	simm.s32 $0x0;
	v21 =	vperm.xlane v14, v8;
	v20 =	vperm.xlane v13, v8  }
0x290: {  	[tilespmem:s11+$0x8880] =	vst v16;
	v19 =	vmul.f32 $1.953125000e-03, v17;
	v17 =	vmul.f32 $1.953125000e-03, v18;
	s11 =	sand.u32 $0x3F0, s31  }
0x291: {  	s12 =	simm.s32 $0x4000;
	s13 =	simm.s32 $0x10;
	v18 =	vmul.f32 $1.953125000e-03, v20;
	v16 =	vmul.f32 $1.953125000e-03, v21;
	v20 =	vld [tilespmem:s11+$0x4280]  }
.LBB2_52:
0x292: {  	p0 =	sne.s32 s13, $0x270;
	v21 =	vld [tilespmem:s12+$0x0];
	_ =	sdelay $0x1  }
0x293: {  	v22 =	vld [tilespmem:s11+$0x4500];
	_ =	sdelay $0x1  }
0x294: {  	v23 =	vld [tilespmem:s11+$0x4780]  }
0x295: {  	v20 =	vmul.f32 v20, v19;
	v21 =	vmul.f32 v21, v15  }
0x296: {  	v24 =	vld [tilespmem:s11+$0x4A00]  }
0x297: {  	v20 =	vadd.f32 v20, v21;
	v21 =	vmul.f32 v22, v17;
	_ =	sdelay $0x1  }
0x298: {  	v20 =	vadd.f32 v21, v20;
	v21 =	vmul.f32 v23, v18;
	_ =	sdelay $0x1  }
.Ltmp25:
0x299: {  	v20 =	vadd.f32 v21, v20;
	v21 =	vmul.f32 v24, v16;
	(pc) =	sbr.rel @p0 .LBB2_52-.Ltmp25, $4  }
0x29a: {  	_ = 	snop  }
0x29b: {  	v21 =	vadd.f32 v21, v20  }
0x29c: {  	s14 =	sand.u32 $0x3F0, s13  }
0x29d: {  	s13 =	sadd.s32 $0x10, s13;
	s12 =	sadd.s32 $0x10, s12;
	v20 =	vld [tilespmem:s14+$0x4280];
	[tilespmem:s11+$0x8B00] =	vst v21;
	s11 =	smov.u32 s14  }
0x29e: {  	v21 =	vld [tilespmem:s12+$0x0];
	_ =	sdelay $0x1  }
0x29f: {  	v22 =	vld [tilespmem:s11+$0x4500];
	_ =	sdelay $0x1  }
0x2a0: {  	v23 =	vld [tilespmem:s11+$0x4780]  }
0x2a1: {  	v19 =	vmul.f32 v20, v19;
	v15 =	vmul.f32 v21, v15  }
0x2a2: {  	v63 =	vld [tilespmem:s11+$0x4A00]  }
0x2a3: {  	v17 =	vmul.f32 v22, v17;
	v15 =	vadd.f32 v19, v15;
	_ =	sdelay $0x1  }
0x2a4: {  	v15 =	vadd.f32 v17, v15;
	v17 =	vmul.f32 v23, v18;
	_ =	sdelay $0x1  }
0x2a5: {  	v16 =	vmul.f32 v63, v16;
	v15 =	vadd.f32 v17, v15  }
0x2a6: {  	v10 =	vperm.xlane v10, v9;
	v11 =	vperm.xlane v11, v9  }
0x2a7: {  	v12 =	vperm.xlane v12, v9;
	v13 =	vperm.xlane v13, v9;
	v15 =	vadd.f32 v16, v15  }
0x2a8: {  	s12 =	simm.s32 $0x0;
	v10 =	vmul.f32 $1.953125000e-03, v10;
	v16 =	vperm.xlane v14, v9  }
0x2a9: {  	v12 =	vmul.f32 $1.953125000e-03, v12;
	v13 =	vmul.f32 $1.953125000e-03, v13;
	[tilespmem:s11+$0x8B00] =	vst v15;
	s11 =	sand.u32 $0x3F0, s12  }
0x2aa: {  	s13 =	simm.s32 $0x4000;
	s14 =	simm.s32 $0x10;
	v14 =	vmul.f32 $1.953125000e-03, v11;
	v11 =	vmul.f32 $1.953125000e-03, v16;
	v15 =	vld [tilespmem:s11+$0x4280]  }
.LBB2_54:
0x2ab: {  	p0 =	sne.s32 s14, $0x270;
	v16 =	vld [tilespmem:s13+$0x0];
	_ =	sdelay $0x1  }
0x2ac: {  	v17 =	vld [tilespmem:s11+$0x4500];
	_ =	sdelay $0x1  }
0x2ad: {  	v18 =	vld [tilespmem:s11+$0x4780]  }
0x2ae: {  	v15 =	vmul.f32 v15, v14;
	v16 =	vmul.f32 v16, v10  }
0x2af: {  	v19 =	vld [tilespmem:s11+$0x4A00]  }
0x2b0: {  	v15 =	vadd.f32 v15, v16;
	v16 =	vmul.f32 v17, v12;
	_ =	sdelay $0x1  }
0x2b1: {  	v15 =	vadd.f32 v16, v15;
	v16 =	vmul.f32 v18, v13;
	_ =	sdelay $0x1  }
.Ltmp26:
0x2b2: {  	v15 =	vadd.f32 v16, v15;
	v16 =	vmul.f32 v19, v11;
	(pc) =	sbr.rel @p0 .LBB2_54-.Ltmp26, $4  }
0x2b3: {  	_ = 	snop  }
0x2b4: {  	v16 =	vadd.f32 v16, v15  }
0x2b5: {  	s15 =	sand.u32 $0x3F0, s14  }
0x2b6: {  	s14 =	sadd.s32 $0x10, s14;
	s13 =	sadd.s32 $0x10, s13;
	v15 =	vld [tilespmem:s15+$0x4280];
	[tilespmem:s11+$0x8D80] =	vst v16;
	s11 =	smov.u32 s15  }
0x2b7: {  	v16 =	vld [tilespmem:s13+$0x0];
	_ =	sdelay $0x1  }
0x2b8: {  	v17 =	vld [tilespmem:s11+$0x4500];
	_ =	sdelay $0x1  }
0x2b9: {  	v18 =	vld [tilespmem:s11+$0x4780]  }
0x2ba: {  	v14 =	vmul.f32 v15, v14;
	v10 =	vmul.f32 v16, v10  }
0x2bb: {  	v15 =	vld [tilespmem:s11+$0x4A00]  }
0x2bc: {  	v12 =	vmul.f32 v17, v12;
	v10 =	vadd.f32 v14, v10;
	_ =	sdelay $0x1  }
0x2bd: {  	v10 =	vadd.f32 v12, v10;
	v12 =	vmul.f32 v18, v13;
	_ =	sdelay $0x1  }
0x2be: {  	v11 =	vmul.f32 v15, v11;
	v10 =	vadd.f32 v12, v10;
	_ =	sdelay $0x1  }
0x2bf: {  	v10 =	vadd.f32 v11, v10;
	_ =	sdelay $0x1  }
0x2c0: {  	s12 =	sand.u32 $0xFF0, s12;
	[tilespmem:s11+$0x8D80] =	vst v10  }
0x2c1: {  	v15 =	vld [tilespmem:s12+$0x3000];
	_ =	sdelay $0x2  }
0x2c2: {  	v14 =	vimm.f32 $0.0e+00;
	v13 =	vimm.f32 $0.0e+00  }
0x2c3: {  	v12 =	vimm.f32 $0.0e+00;
	v11 =	vimm.f32 $0.0e+00;
	v10 =	vimm.f32 $0.0e+00;
	s11 =	simm.s32 $0x10  }
.LBB2_56:
0x2c4: {  	s12 =	sand.u32 $0xFF0, s11;
	p0 =	sne.s32 s11, $0xFF0;
	s11 =	sadd.s32 $0x10, s11;
	vm0 =	veq.s32 v15, $0x0;
	vm1 =	veq.s32 v15, $0x1;
	vm2 =	veq.s32 v15, $0x4  }
.Ltmp27:
0x2c5: {  	vm3 =	veq.s32 v15, $0x2;
	vm4 =	veq.s32 v15, $0x3;
	v15 =	vld [tilespmem:s12+$0x3000];
	v16 =	vsel vm2, $0x3F800000, v0;
	(pc) =	sbr.rel @p0 .LBB2_56-.Ltmp27, $4  }
0x2c6: {  	v17 =	vsel vm0, $0x3F800000, v0;
	v18 =	vsel vm1, $0x3F800000, v0;
	v10 =	vadd.f32 v16, v10  }
0x2c7: {  	v14 =	vadd.f32 v17, v14;
	v16 =	vsel vm3, $0x3F800000, v0;
	v17 =	vsel vm4, $0x3F800000, v0  }
0x2c8: {  	v13 =	vadd.f32 v18, v13;
	v11 =	vadd.f32 v16, v11  }
0x2c9: {  	v12 =	vadd.f32 v17, v12  }
0x2ca: {  	vm0 =	veq.s32 v15, $0x0;
	vm1 =	veq.s32 v15, $0x1  }
0x2cb: {  	vm15 =	veq.s32 v15, $0x4;
	vm2 =	veq.s32 v15, $0x2;
	v16 =	vsel vm0, $0x3F800000, v0  }
0x2cc: {  	vm3 =	veq.s32 v15, $0x3;
	v15 =	vsel vm1, $0x3F800000, v0;
	v14 =	vadd.f32 v16, v14  }
0x2cd: {  	v17 =	vsel vm3, $0x3F800000, v0;
	v16 =	vsel vm2, $0x3F800000, v0;
	v13 =	vadd.f32 v15, v13  }
0x2ce: {  	v18 =	vsel vm15, $0x3F800000, v0;
	v16 =	vadd.f32 v16, v11;
	v15 =	vperm.xlane v14, v1  }
0x2cf: {  	v17 =	vadd.f32 v17, v12;
	v18 =	vadd.f32 v18, v10;
	v11 =	vperm.xlane v13, v1  }
0x2d0: {  	v12 =	vperm.xlane v16, v1;
	v10 =	vadd.f32 v15, v14  }
0x2d1: {  	v14 =	vperm.xlane v17, v1;
	v15 =	vperm.xlane v18, v1;
	v11 =	vadd.f32 v11, v13  }
0x2d2: {  	v12 =	vadd.f32 v12, v16;
	v19 =	vperm.xlane v10, v2  }
0x2d3: {  	v13 =	vadd.f32 v14, v17;
	v14 =	vadd.f32 v15, v18;
	v16 =	vperm.xlane v11, v2  }
0x2d4: {  	v17 =	vperm.xlane v12, v2;
	v15 =	vmul.f32 $1.953125000e-03, v19  }
0x2d5: {  	s11 =	simm.s32 $0x0;
	v18 =	vperm.xlane v13, v2;
	v20 =	vperm.xlane v14, v2  }
0x2d6: {  	s11 =	sand.u32 $0x3F0, s11;
	v19 =	vmul.f32 $1.953125000e-03, v16;
	v17 =	vmul.f32 $1.953125000e-03, v17  }
0x2d7: {  	s12 =	simm.s32 $0x4000;
	s13 =	simm.s32 $0x10;
	v18 =	vmul.f32 $1.953125000e-03, v18;
	v16 =	vmul.f32 $1.953125000e-03, v20;
	v20 =	vld [tilespmem:s11+$0x4280]  }
.LBB2_58:
0x2d8: {  	p0 =	sne.s32 s13, $0x270;
	v21 =	vld [tilespmem:s12+$0x0];
	_ =	sdelay $0x1  }
0x2d9: {  	v22 =	vld [tilespmem:s11+$0x4500];
	_ =	sdelay $0x1  }
0x2da: {  	v23 =	vld [tilespmem:s11+$0x4780]  }
0x2db: {  	v20 =	vmul.f32 v20, v19;
	v21 =	vmul.f32 v21, v15  }
0x2dc: {  	v24 =	vld [tilespmem:s11+$0x4A00]  }
0x2dd: {  	v20 =	vadd.f32 v20, v21;
	v21 =	vmul.f32 v22, v17;
	_ =	sdelay $0x1  }
0x2de: {  	v20 =	vadd.f32 v21, v20;
	v21 =	vmul.f32 v23, v18;
	_ =	sdelay $0x1  }
.Ltmp28:
0x2df: {  	v20 =	vadd.f32 v21, v20;
	v21 =	vmul.f32 v24, v16;
	(pc) =	sbr.rel @p0 .LBB2_58-.Ltmp28, $4  }
0x2e0: {  	_ = 	snop  }
0x2e1: {  	v21 =	vadd.f32 v21, v20  }
0x2e2: {  	s14 =	sand.u32 $0x3F0, s13  }
0x2e3: {  	s13 =	sadd.s32 $0x10, s13;
	s12 =	sadd.s32 $0x10, s12;
	v20 =	vld [tilespmem:s14+$0x4280];
	[tilespmem:s11+$0x9000] =	vst v21;
	s11 =	smov.u32 s14  }
0x2e4: {  	v21 =	vld [tilespmem:s12+$0x0];
	_ =	sdelay $0x1  }
0x2e5: {  	v22 =	vld [tilespmem:s11+$0x4500];
	_ =	sdelay $0x1  }
0x2e6: {  	v23 =	vld [tilespmem:s11+$0x4780]  }
0x2e7: {  	v19 =	vmul.f32 v20, v19;
	v15 =	vmul.f32 v21, v15  }
0x2e8: {  	v20 =	vld [tilespmem:s11+$0x4A00]  }
0x2e9: {  	v17 =	vmul.f32 v22, v17;
	v15 =	vadd.f32 v19, v15;
	_ =	sdelay $0x1  }
0x2ea: {  	v15 =	vadd.f32 v17, v15;
	v17 =	vmul.f32 v23, v18  }
0x2eb: {  	v18 =	vperm.xlane v10, v3  }
0x2ec: {  	v16 =	vmul.f32 v20, v16;
	v17 =	vadd.f32 v17, v15  }
0x2ed: {  	v15 =	vmul.f32 $1.953125000e-03, v18  }
0x2ee: {  	v18 =	vperm.xlane v12, v3;
	v16 =	vadd.f32 v16, v17;
	v17 =	vperm.xlane v11, v3  }
0x2ef: {  	s31 =	simm.s32 $0x0;
	v21 =	vperm.xlane v14, v3;
	v20 =	vperm.xlane v13, v3  }
0x2f0: {  	[tilespmem:s11+$0x9000] =	vst v16;
	v19 =	vmul.f32 $1.953125000e-03, v17;
	v17 =	vmul.f32 $1.953125000e-03, v18;
	s11 =	sand.u32 $0x3F0, s31  }
0x2f1: {  	s12 =	simm.s32 $0x4000;
	s13 =	simm.s32 $0x10;
	v18 =	vmul.f32 $1.953125000e-03, v20;
	v16 =	vmul.f32 $1.953125000e-03, v21;
	v20 =	vld [tilespmem:s11+$0x4280]  }
.LBB2_60:
0x2f2: {  	p0 =	sne.s32 s13, $0x270;
	v21 =	vld [tilespmem:s12+$0x0];
	_ =	sdelay $0x1  }
0x2f3: {  	v22 =	vld [tilespmem:s11+$0x4500];
	_ =	sdelay $0x1  }
0x2f4: {  	v23 =	vld [tilespmem:s11+$0x4780]  }
0x2f5: {  	v20 =	vmul.f32 v20, v19;
	v21 =	vmul.f32 v21, v15  }
0x2f6: {  	v24 =	vld [tilespmem:s11+$0x4A00]  }
0x2f7: {  	v20 =	vadd.f32 v20, v21;
	v21 =	vmul.f32 v22, v17;
	_ =	sdelay $0x1  }
0x2f8: {  	v20 =	vadd.f32 v21, v20;
	v21 =	vmul.f32 v23, v18;
	_ =	sdelay $0x1  }
.Ltmp29:
0x2f9: {  	v20 =	vadd.f32 v21, v20;
	v21 =	vmul.f32 v24, v16;
	(pc) =	sbr.rel @p0 .LBB2_60-.Ltmp29, $4  }
0x2fa: {  	_ = 	snop  }
0x2fb: {  	v21 =	vadd.f32 v21, v20  }
0x2fc: {  	s14 =	sand.u32 $0x3F0, s13  }
0x2fd: {  	s13 =	sadd.s32 $0x10, s13;
	s12 =	sadd.s32 $0x10, s12;
	v20 =	vld [tilespmem:s14+$0x4280];
	[tilespmem:s11+$0x9280] =	vst v21;
	s11 =	smov.u32 s14  }
0x2fe: {  	v21 =	vld [tilespmem:s12+$0x0];
	_ =	sdelay $0x1  }
0x2ff: {  	v22 =	vld [tilespmem:s11+$0x4500];
	_ =	sdelay $0x1  }
0x300: {  	v23 =	vld [tilespmem:s11+$0x4780]  }
0x301: {  	v19 =	vmul.f32 v20, v19;
	v15 =	vmul.f32 v21, v15  }
0x302: {  	v20 =	vld [tilespmem:s11+$0x4A00]  }
0x303: {  	v17 =	vmul.f32 v22, v17;
	v15 =	vadd.f32 v19, v15;
	_ =	sdelay $0x1  }
0x304: {  	v15 =	vadd.f32 v17, v15;
	v17 =	vmul.f32 v23, v18  }
0x305: {  	v18 =	vperm.xlane v10, v4  }
0x306: {  	v16 =	vmul.f32 v20, v16;
	v17 =	vadd.f32 v17, v15  }
0x307: {  	v15 =	vmul.f32 $1.953125000e-03, v18  }
0x308: {  	v18 =	vperm.xlane v12, v4;
	v16 =	vadd.f32 v16, v17;
	v17 =	vperm.xlane v11, v4  }
0x309: {  	s31 =	simm.s32 $0x0;
	v21 =	vperm.xlane v14, v4;
	v20 =	vperm.xlane v13, v4  }
0x30a: {  	[tilespmem:s11+$0x9280] =	vst v16;
	v19 =	vmul.f32 $1.953125000e-03, v17;
	v17 =	vmul.f32 $1.953125000e-03, v18;
	s11 =	sand.u32 $0x3F0, s31  }
0x30b: {  	s12 =	simm.s32 $0x4000;
	s13 =	simm.s32 $0x10;
	v18 =	vmul.f32 $1.953125000e-03, v20;
	v16 =	vmul.f32 $1.953125000e-03, v21;
	v20 =	vld [tilespmem:s11+$0x4280]  }
.LBB2_62:
0x30c: {  	p0 =	sne.s32 s13, $0x270;
	v21 =	vld [tilespmem:s12+$0x0];
	_ =	sdelay $0x1  }
0x30d: {  	v22 =	vld [tilespmem:s11+$0x4500];
	_ =	sdelay $0x1  }
0x30e: {  	v23 =	vld [tilespmem:s11+$0x4780]  }
0x30f: {  	v20 =	vmul.f32 v20, v19;
	v21 =	vmul.f32 v21, v15  }
0x310: {  	v24 =	vld [tilespmem:s11+$0x4A00]  }
0x311: {  	v20 =	vadd.f32 v20, v21;
	v21 =	vmul.f32 v22, v17;
	_ =	sdelay $0x1  }
0x312: {  	v20 =	vadd.f32 v21, v20;
	v21 =	vmul.f32 v23, v18;
	_ =	sdelay $0x1  }
.Ltmp30:
0x313: {  	v20 =	vadd.f32 v21, v20;
	v21 =	vmul.f32 v24, v16;
	(pc) =	sbr.rel @p0 .LBB2_62-.Ltmp30, $4  }
0x314: {  	_ = 	snop  }
0x315: {  	v21 =	vadd.f32 v21, v20  }
0x316: {  	s14 =	sand.u32 $0x3F0, s13  }
0x317: {  	s13 =	sadd.s32 $0x10, s13;
	s12 =	sadd.s32 $0x10, s12;
	v20 =	vld [tilespmem:s14+$0x4280];
	[tilespmem:s11+$0x9500] =	vst v21;
	s11 =	smov.u32 s14  }
0x318: {  	v21 =	vld [tilespmem:s12+$0x0];
	_ =	sdelay $0x1  }
0x319: {  	v22 =	vld [tilespmem:s11+$0x4500];
	_ =	sdelay $0x1  }
0x31a: {  	v23 =	vld [tilespmem:s11+$0x4780]  }
0x31b: {  	v19 =	vmul.f32 v20, v19;
	v15 =	vmul.f32 v21, v15  }
0x31c: {  	v20 =	vld [tilespmem:s11+$0x4A00]  }
0x31d: {  	v17 =	vmul.f32 v22, v17;
	v15 =	vadd.f32 v19, v15;
	_ =	sdelay $0x1  }
0x31e: {  	v15 =	vadd.f32 v17, v15;
	v17 =	vmul.f32 v23, v18  }
0x31f: {  	v18 =	vperm.xlane v10, v5  }
0x320: {  	v16 =	vmul.f32 v20, v16;
	v17 =	vadd.f32 v17, v15  }
0x321: {  	v15 =	vmul.f32 $1.953125000e-03, v18  }
0x322: {  	v18 =	vperm.xlane v12, v5;
	v16 =	vadd.f32 v16, v17;
	v17 =	vperm.xlane v11, v5  }
0x323: {  	s31 =	simm.s32 $0x0;
	v21 =	vperm.xlane v14, v5;
	v20 =	vperm.xlane v13, v5  }
0x324: {  	[tilespmem:s11+$0x9500] =	vst v16;
	v19 =	vmul.f32 $1.953125000e-03, v17;
	v17 =	vmul.f32 $1.953125000e-03, v18;
	s11 =	sand.u32 $0x3F0, s31  }
0x325: {  	s12 =	simm.s32 $0x4000;
	s13 =	simm.s32 $0x10;
	v18 =	vmul.f32 $1.953125000e-03, v20;
	v16 =	vmul.f32 $1.953125000e-03, v21;
	v20 =	vld [tilespmem:s11+$0x4280]  }
.LBB2_64:
0x326: {  	p0 =	sne.s32 s13, $0x270;
	v21 =	vld [tilespmem:s12+$0x0];
	_ =	sdelay $0x1  }
0x327: {  	v22 =	vld [tilespmem:s11+$0x4500];
	_ =	sdelay $0x1  }
0x328: {  	v23 =	vld [tilespmem:s11+$0x4780]  }
0x329: {  	v20 =	vmul.f32 v20, v19;
	v21 =	vmul.f32 v21, v15  }
0x32a: {  	v24 =	vld [tilespmem:s11+$0x4A00]  }
0x32b: {  	v20 =	vadd.f32 v20, v21;
	v21 =	vmul.f32 v22, v17;
	_ =	sdelay $0x1  }
0x32c: {  	v20 =	vadd.f32 v21, v20;
	v21 =	vmul.f32 v23, v18;
	_ =	sdelay $0x1  }
.Ltmp31:
0x32d: {  	v20 =	vadd.f32 v21, v20;
	v21 =	vmul.f32 v24, v16;
	(pc) =	sbr.rel @p0 .LBB2_64-.Ltmp31, $4  }
0x32e: {  	_ = 	snop  }
0x32f: {  	v21 =	vadd.f32 v21, v20  }
0x330: {  	s14 =	sand.u32 $0x3F0, s13  }
0x331: {  	s13 =	sadd.s32 $0x10, s13;
	s12 =	sadd.s32 $0x10, s12;
	v20 =	vld [tilespmem:s14+$0x4280];
	[tilespmem:s11+$0x9780] =	vst v21;
	s11 =	smov.u32 s14  }
0x332: {  	v21 =	vld [tilespmem:s12+$0x0];
	_ =	sdelay $0x1  }
0x333: {  	v22 =	vld [tilespmem:s11+$0x4500];
	_ =	sdelay $0x1  }
0x334: {  	v23 =	vld [tilespmem:s11+$0x4780]  }
0x335: {  	v19 =	vmul.f32 v20, v19;
	v15 =	vmul.f32 v21, v15  }
0x336: {  	v20 =	vld [tilespmem:s11+$0x4A00]  }
0x337: {  	v17 =	vmul.f32 v22, v17;
	v15 =	vadd.f32 v19, v15;
	_ =	sdelay $0x1  }
0x338: {  	v15 =	vadd.f32 v17, v15;
	v17 =	vmul.f32 v23, v18  }
0x339: {  	v18 =	vperm.xlane v10, v6  }
0x33a: {  	v16 =	vmul.f32 v20, v16;
	v17 =	vadd.f32 v17, v15  }
0x33b: {  	v15 =	vmul.f32 $1.953125000e-03, v18  }
0x33c: {  	v18 =	vperm.xlane v12, v6;
	v16 =	vadd.f32 v16, v17;
	v17 =	vperm.xlane v11, v6  }
0x33d: {  	s31 =	simm.s32 $0x0;
	v21 =	vperm.xlane v14, v6;
	v20 =	vperm.xlane v13, v6  }
0x33e: {  	[tilespmem:s11+$0x9780] =	vst v16;
	v19 =	vmul.f32 $1.953125000e-03, v17;
	v17 =	vmul.f32 $1.953125000e-03, v18;
	s11 =	sand.u32 $0x3F0, s31  }
0x33f: {  	s12 =	simm.s32 $0x4000;
	s13 =	simm.s32 $0x10;
	v18 =	vmul.f32 $1.953125000e-03, v20;
	v16 =	vmul.f32 $1.953125000e-03, v21;
	v20 =	vld [tilespmem:s11+$0x4280]  }
.LBB2_66:
0x340: {  	p0 =	sne.s32 s13, $0x270;
	v21 =	vld [tilespmem:s12+$0x0];
	_ =	sdelay $0x1  }
0x341: {  	v22 =	vld [tilespmem:s11+$0x4500];
	_ =	sdelay $0x1  }
0x342: {  	v23 =	vld [tilespmem:s11+$0x4780]  }
0x343: {  	v20 =	vmul.f32 v20, v19;
	v21 =	vmul.f32 v21, v15  }
0x344: {  	v24 =	vld [tilespmem:s11+$0x4A00]  }
0x345: {  	v20 =	vadd.f32 v20, v21;
	v21 =	vmul.f32 v22, v17;
	_ =	sdelay $0x1  }
0x346: {  	v20 =	vadd.f32 v21, v20;
	v21 =	vmul.f32 v23, v18;
	_ =	sdelay $0x1  }
.Ltmp32:
0x347: {  	v20 =	vadd.f32 v21, v20;
	v21 =	vmul.f32 v24, v16;
	(pc) =	sbr.rel @p0 .LBB2_66-.Ltmp32, $4  }
0x348: {  	_ = 	snop  }
0x349: {  	v21 =	vadd.f32 v21, v20  }
0x34a: {  	s14 =	sand.u32 $0x3F0, s13  }
0x34b: {  	s13 =	sadd.s32 $0x10, s13;
	s12 =	sadd.s32 $0x10, s12;
	v20 =	vld [tilespmem:s14+$0x4280];
	[tilespmem:s11+$0x9A00] =	vst v21;
	s11 =	smov.u32 s14  }
0x34c: {  	v21 =	vld [tilespmem:s12+$0x0];
	_ =	sdelay $0x1  }
0x34d: {  	v22 =	vld [tilespmem:s11+$0x4500];
	_ =	sdelay $0x1  }
0x34e: {  	v23 =	vld [tilespmem:s11+$0x4780]  }
0x34f: {  	v19 =	vmul.f32 v20, v19;
	v15 =	vmul.f32 v21, v15  }
0x350: {  	v20 =	vld [tilespmem:s11+$0x4A00]  }
0x351: {  	v17 =	vmul.f32 v22, v17;
	v15 =	vadd.f32 v19, v15;
	_ =	sdelay $0x1  }
0x352: {  	v15 =	vadd.f32 v17, v15;
	v17 =	vmul.f32 v23, v18  }
0x353: {  	v18 =	vperm.xlane v10, v7  }
0x354: {  	v16 =	vmul.f32 v20, v16;
	v17 =	vadd.f32 v17, v15  }
0x355: {  	v15 =	vmul.f32 $1.953125000e-03, v18  }
0x356: {  	v18 =	vperm.xlane v12, v7;
	v16 =	vadd.f32 v16, v17;
	v17 =	vperm.xlane v11, v7  }
0x357: {  	s31 =	simm.s32 $0x0;
	v21 =	vperm.xlane v14, v7;
	v20 =	vperm.xlane v13, v7  }
0x358: {  	[tilespmem:s11+$0x9A00] =	vst v16;
	v19 =	vmul.f32 $1.953125000e-03, v17;
	v17 =	vmul.f32 $1.953125000e-03, v18;
	s11 =	sand.u32 $0x3F0, s31  }
0x359: {  	s12 =	simm.s32 $0x4000;
	s13 =	simm.s32 $0x10;
	v18 =	vmul.f32 $1.953125000e-03, v20;
	v16 =	vmul.f32 $1.953125000e-03, v21;
	v20 =	vld [tilespmem:s11+$0x4280]  }
.LBB2_68:
0x35a: {  	p0 =	sne.s32 s13, $0x270;
	v21 =	vld [tilespmem:s12+$0x0];
	_ =	sdelay $0x1  }
0x35b: {  	v22 =	vld [tilespmem:s11+$0x4500];
	_ =	sdelay $0x1  }
0x35c: {  	v23 =	vld [tilespmem:s11+$0x4780]  }
0x35d: {  	v20 =	vmul.f32 v20, v19;
	v21 =	vmul.f32 v21, v15  }
0x35e: {  	v24 =	vld [tilespmem:s11+$0x4A00]  }
0x35f: {  	v20 =	vadd.f32 v20, v21;
	v21 =	vmul.f32 v22, v17;
	_ =	sdelay $0x1  }
0x360: {  	v20 =	vadd.f32 v21, v20;
	v21 =	vmul.f32 v23, v18;
	_ =	sdelay $0x1  }
.Ltmp33:
0x361: {  	v20 =	vadd.f32 v21, v20;
	v21 =	vmul.f32 v24, v16;
	(pc) =	sbr.rel @p0 .LBB2_68-.Ltmp33, $4  }
0x362: {  	_ = 	snop  }
0x363: {  	v21 =	vadd.f32 v21, v20  }
0x364: {  	s14 =	sand.u32 $0x3F0, s13  }
0x365: {  	s13 =	sadd.s32 $0x10, s13;
	s12 =	sadd.s32 $0x10, s12;
	v20 =	vld [tilespmem:s14+$0x4280];
	[tilespmem:s11+$0x9C80] =	vst v21;
	s11 =	smov.u32 s14  }
0x366: {  	v21 =	vld [tilespmem:s12+$0x0];
	_ =	sdelay $0x1  }
0x367: {  	v22 =	vld [tilespmem:s11+$0x4500];
	_ =	sdelay $0x1  }
0x368: {  	v23 =	vld [tilespmem:s11+$0x4780]  }
0x369: {  	v19 =	vmul.f32 v20, v19;
	v15 =	vmul.f32 v21, v15  }
0x36a: {  	v20 =	vld [tilespmem:s11+$0x4A00]  }
0x36b: {  	v17 =	vmul.f32 v22, v17;
	v15 =	vadd.f32 v19, v15;
	_ =	sdelay $0x1  }
0x36c: {  	v15 =	vadd.f32 v17, v15;
	v17 =	vmul.f32 v23, v18  }
0x36d: {  	v18 =	vperm.xlane v10, v8  }
0x36e: {  	v16 =	vmul.f32 v20, v16;
	v17 =	vadd.f32 v17, v15  }
0x36f: {  	v15 =	vmul.f32 $1.953125000e-03, v18  }
0x370: {  	v18 =	vperm.xlane v12, v8;
	v16 =	vadd.f32 v16, v17;
	v17 =	vperm.xlane v11, v8  }
0x371: {  	s31 =	simm.s32 $0x0;
	v21 =	vperm.xlane v14, v8;
	v20 =	vperm.xlane v13, v8  }
0x372: {  	[tilespmem:s11+$0x9C80] =	vst v16;
	v19 =	vmul.f32 $1.953125000e-03, v17;
	v17 =	vmul.f32 $1.953125000e-03, v18;
	s11 =	sand.u32 $0x3F0, s31  }
0x373: {  	s12 =	simm.s32 $0x4000;
	s13 =	simm.s32 $0x10;
	v18 =	vmul.f32 $1.953125000e-03, v20;
	v16 =	vmul.f32 $1.953125000e-03, v21;
	v20 =	vld [tilespmem:s11+$0x4280]  }
.LBB2_70:
0x374: {  	p0 =	sne.s32 s13, $0x270;
	v21 =	vld [tilespmem:s12+$0x0];
	_ =	sdelay $0x1  }
0x375: {  	v22 =	vld [tilespmem:s11+$0x4500];
	_ =	sdelay $0x1  }
0x376: {  	v23 =	vld [tilespmem:s11+$0x4780]  }
0x377: {  	v20 =	vmul.f32 v20, v19;
	v21 =	vmul.f32 v21, v15  }
0x378: {  	v24 =	vld [tilespmem:s11+$0x4A00]  }
0x379: {  	v20 =	vadd.f32 v20, v21;
	v21 =	vmul.f32 v22, v17;
	_ =	sdelay $0x1  }
0x37a: {  	v20 =	vadd.f32 v21, v20;
	v21 =	vmul.f32 v23, v18;
	_ =	sdelay $0x1  }
.Ltmp34:
0x37b: {  	v20 =	vadd.f32 v21, v20;
	v21 =	vmul.f32 v24, v16;
	(pc) =	sbr.rel @p0 .LBB2_70-.Ltmp34, $4  }
0x37c: {  	_ = 	snop  }
0x37d: {  	v21 =	vadd.f32 v21, v20  }
0x37e: {  	s14 =	sand.u32 $0x3F0, s13  }
0x37f: {  	s13 =	sadd.s32 $0x10, s13;
	s12 =	sadd.s32 $0x10, s12;
	v20 =	vld [tilespmem:s14+$0x4280];
	[tilespmem:s11+$0x9F00] =	vst v21;
	s11 =	smov.u32 s14  }
0x380: {  	v21 =	vld [tilespmem:s12+$0x0];
	_ =	sdelay $0x1  }
0x381: {  	v22 =	vld [tilespmem:s11+$0x4500];
	_ =	sdelay $0x1  }
0x382: {  	v23 =	vld [tilespmem:s11+$0x4780]  }
0x383: {  	v19 =	vmul.f32 v20, v19;
	v15 =	vmul.f32 v21, v15  }
0x384: {  	v63 =	vld [tilespmem:s11+$0x4A00]  }
0x385: {  	v17 =	vmul.f32 v22, v17;
	v15 =	vadd.f32 v19, v15;
	_ =	sdelay $0x1  }
0x386: {  	v15 =	vadd.f32 v17, v15;
	v17 =	vmul.f32 v23, v18;
	_ =	sdelay $0x1  }
0x387: {  	v16 =	vmul.f32 v63, v16;
	v15 =	vadd.f32 v17, v15  }
0x388: {  	v10 =	vperm.xlane v10, v9;
	v11 =	vperm.xlane v11, v9  }
0x389: {  	v12 =	vperm.xlane v12, v9;
	v13 =	vperm.xlane v13, v9;
	v15 =	vadd.f32 v16, v15  }
0x38a: {  	s31 =	simm.s32 $0x0;
	v10 =	vmul.f32 $1.953125000e-03, v10;
	v16 =	vperm.xlane v14, v9  }
0x38b: {  	v12 =	vmul.f32 $1.953125000e-03, v12;
	v13 =	vmul.f32 $1.953125000e-03, v13;
	[tilespmem:s11+$0x9F00] =	vst v15;
	s11 =	sand.u32 $0x3F0, s31  }
0x38c: {  	s12 =	simm.s32 $0x4000;
	s13 =	simm.s32 $0x10;
	v14 =	vmul.f32 $1.953125000e-03, v11;
	v11 =	vmul.f32 $1.953125000e-03, v16;
	v15 =	vld [tilespmem:s11+$0x4280]  }
.LBB2_72:
0x38d: {  	p0 =	sne.s32 s13, $0x270;
	v16 =	vld [tilespmem:s12+$0x0];
	_ =	sdelay $0x1  }
0x38e: {  	v17 =	vld [tilespmem:s11+$0x4500];
	_ =	sdelay $0x1  }
0x38f: {  	v18 =	vld [tilespmem:s11+$0x4780]  }
0x390: {  	v15 =	vmul.f32 v15, v14;
	v16 =	vmul.f32 v16, v10  }
0x391: {  	v19 =	vld [tilespmem:s11+$0x4A00]  }
0x392: {  	v15 =	vadd.f32 v15, v16;
	v16 =	vmul.f32 v17, v12;
	_ =	sdelay $0x1  }
0x393: {  	v15 =	vadd.f32 v16, v15;
	v16 =	vmul.f32 v18, v13;
	_ =	sdelay $0x1  }
.Ltmp35:
0x394: {  	v15 =	vadd.f32 v16, v15;
	v16 =	vmul.f32 v19, v11;
	(pc) =	sbr.rel @p0 .LBB2_72-.Ltmp35, $4  }
0x395: {  	_ = 	snop  }
0x396: {  	v16 =	vadd.f32 v16, v15  }
0x397: {  	s14 =	sand.u32 $0x3F0, s13  }
0x398: {  	s13 =	sadd.s32 $0x10, s13;
	s12 =	sadd.s32 $0x10, s12;
	v15 =	vld [tilespmem:s14+$0x4280];
	[tilespmem:s11+$0xA180] =	vst v16;
	s11 =	smov.u32 s14  }
0x399: {  	v16 =	vld [tilespmem:s12+$0x0];
	_ =	sdelay $0x1  }
0x39a: {  	v17 =	vld [tilespmem:s11+$0x4500];
	_ =	sdelay $0x1  }
0x39b: {  	v18 =	vld [tilespmem:s11+$0x4780]  }
0x39c: {  	v14 =	vmul.f32 v15, v14;
	v10 =	vmul.f32 v16, v10  }
0x39d: {  	v62 =	vld [tilespmem:s11+$0x4A00]  }
0x39e: {  	v12 =	vmul.f32 v17, v12;
	v10 =	vadd.f32 v14, v10;
	_ =	sdelay $0x1  }
0x39f: {  	v63 =	vmul.f32 v18, v13;
	v10 =	vadd.f32 v12, v10;
	_ =	sdelay $0x1  }
0x3a0: {  	v11 =	vmul.f32 v62, v11;
	v10 =	vadd.f32 v63, v10;
	_ =	sdelay $0x1  }
0x3a1: {  	s10 =	sadd.s32 $0x1, s10;
	v10 =	vadd.f32 v11, v10  }
0x3a2: {  	p0 =	sne.s32 s10, s6  }
.Ltmp36:
0x3a3: {  	[tilespmem:s11+$0xA180] =	vst v10;
	(pc) =	sbr.rel @p0 .LBB2_1-.Ltmp36, $4  }
0x3a4: {  	[hbm4b:s5+s3] =	stream.linear.scatter [tilespmem:s9], [sflag:$0x1], $0x5000, $0x38;
	[tilespmem:$0xA400] =	vst v63  }
0x3a5: {  	_ =	swait.ge [sflag:s7], $0x5000  }
0x3a6: {  	[sflag:s7] =	ssyncset.done $0x0  }
0x3a7: {  	[sflag:s7] =	ssyncadd.s32 $0xFFFFB000  }
0x3a8: {  	_ =	sfence.sel $0x180000  }
0x3a9: {  	[bflag:$0x0] =	sbarrier.arrive $0xFFFF  }
0x3aa: {  	p0 =	sne.s32 s0, $0x0;
	_ =	strace $0x90000047  }
0x3ab: {  	s0 =	sadd.s32 @!p0 $0x100000, s2;
	[bflag:$0x2] =	sbarrier.arrive $0xFFFF  }
0x3ac: {  	[sflag:s0] =	ssyncadd.tile.s32 @!p0 $0x1;
	_ =	shalt  }
.Lfunc_end2:
_tile_overlayer_lowered:
.L_overlay_start_2:
0x3ad: {  	(tag) =	ssettag $0x2  }
0x3ae: {  	s0 =	rddreg [dreg:$0x0];
	s2 =	stileid.u32  }
0x3af: {  	s1 =	rddreg [dreg:$0x1];
	p0 =	sne.s32 s2, $0x0  }
0x3b0: {  	s3 =	rddreg [dreg:$0x2];
	[bflag:$0x3] =	sbarrier.arrive $0xFFFF;
	s2 =	simm.s32 @!p0 $0x1C01  }
0x3b1: {  	[timem:s3], [sflag:s2] =	dma.local @!p0 [hbm:s0], s1  }
0x3b2: {  	s0 =	simm.s32 @!p0 $0x1  }
0x3b3: {  	_ =	swait.ge @!p0 [sflag:s0], s1  }
0x3b4: {  	s1 =	ssub.s32 @!p0 $0x0, s1;
	[sflag:s0] =	ssyncset.done @!p0 $0x0  }
0x3b5: {  	[sflag:s0] =	ssyncadd.s32 @!p0 s1  }
0x3b6: {  	[bflag:$0x3] =	sbarrier.arrive $0xFFFF  }
0x3b7: {  	_ =	shalt  }

</sc_bundles>
